<compile_context>
chip_gen: v7x
topology: tpu7x:2x2x1
jax: 0.10.2.dev20260603
libtpu: 0.0.44.dev20260713+nightly
codegen_flags: <defaults>
</compile_context>

<pallas_src>
import jax
import jax.numpy as jnp
from jax import lax
from jax.experimental import pallas as pl
from jax.experimental.pallas import tpu as pltpu
from jax.experimental.pallas import tpu_sc as plsc

N = 10000
E = 320000
D = 128
DH = D // 2

NC = 2
NS = 16
K = 80
NCHUNK = E // (NS * K)
KC = 125
NCHUNKC = E // (NS * KC)
NBUF = 4
NPAD = 10240
RPT = NPAD // NS
HSLICE = NPAD // NS

_mesh = plsc.VectorSubcoreMesh(core_axis_name="c", subcore_axis_name="s")


def _degrees_body(e0_hbm, e1_hbm, out0_hbm, out1_hbm,
                  hist_s, hist_d, idx_s, idx_d, tmp, acc_s, acc_d, sh_s, sh_d):
    c = lax.axis_index("c")
    s = lax.axis_index("s")
    zero16 = jnp.zeros((16,), jnp.float32)

    def zero_body(i, _):
        hist_s[pl.ds(i * 16, 16)] = zero16
        hist_d[pl.ds(i * 16, 16)] = zero16
        return 0

    lax.fori_loop(0, NPAD // 16, zero_body, 0)

    @pl.when(c == 0)
    def _():
        pltpu.sync_copy(e0_hbm.at[0, s], idx_s)
        pltpu.sync_copy(e0_hbm.at[1, s], idx_d)

    @pl.when(c == 1)
    def _():
        pltpu.sync_copy(e1_hbm.at[0, s], idx_s)
        pltpu.sync_copy(e1_hbm.at[1, s], idx_d)

    one16 = jnp.full((16,), 1.0, jnp.float32)

    def acc_body(r, _):
        for j in range(K // 16):
            plsc.addupdate_scatter(hist_s, [idx_s[r, pl.ds(j * 16, 16)]], one16)
            plsc.addupdate_scatter(hist_d, [idx_d[r, pl.ds(j * 16, 16)]], one16)
        return 0

    lax.fori_loop(0, NCHUNK, acc_body, 0)

    pltpu.sync_copy(hist_s, sh_s.at[s])
    pltpu.sync_copy(hist_d, sh_d.at[s])
    plsc.subcore_barrier()

    col = pl.ds(s * HSLICE, HSLICE)

    def reduce(sh, acc):
        for t in range(NS):
            pltpu.sync_copy(sh.at[t, col], tmp.at[t])

        def red_body(j, _):
            v = tmp[0, pl.ds(j * 16, 16)]
            for t in range(1, NS):
                v = v + tmp[t, pl.ds(j * 16, 16)]
            acc[pl.ds(j * 16, 16)] = v
            return 0

        lax.fori_loop(0, HSLICE // 16, red_body, 0)

    reduce(sh_s, acc_s)
    reduce(sh_d, acc_d)

    @pl.when(c == 0)
    def _():
        pltpu.sync_copy(acc_s, out0_hbm.at[0, col])
        pltpu.sync_copy(acc_d, out0_hbm.at[1, col])

    @pl.when(c == 1)
    def _():
        pltpu.sync_copy(acc_s, out1_hbm.at[0, col])
        pltpu.sync_copy(acc_d, out1_hbm.at[1, col])


_sc_degrees = pl.kernel(
    _degrees_body,
    out_type=(jax.ShapeDtypeStruct((2, NPAD), jnp.float32),
              jax.ShapeDtypeStruct((2, NPAD), jnp.float32)),
    mesh=_mesh,
    scratch_types=[
        pltpu.VMEM((NPAD,), jnp.float32),
        pltpu.VMEM((NPAD,), jnp.float32),
        pltpu.VMEM((NCHUNK, K), jnp.int32),
        pltpu.VMEM((NCHUNK, K), jnp.int32),
        pltpu.VMEM((NS, HSLICE), jnp.float32),
        pltpu.VMEM((HSLICE,), jnp.float32),
        pltpu.VMEM((HSLICE,), jnp.float32),
        pltpu.VMEM_SHARED((NS, NPAD), jnp.float32),
        pltpu.VMEM_SHARED((NS, NPAD), jnp.float32),
    ],
    compiler_params=pltpu.CompilerParams(needs_layout_passes=False),
)


def _matmul_body(x_ref, w0_ref, w1_ref, d0_ref, d1_ref,
                 t0a_ref, t0b_ref, t1a_ref, t1b_ref):
    x = x_ref[...]
    s0 = lax.rsqrt(jnp.maximum(d0_ref[...], 1.0))
    s1 = lax.rsqrt(jnp.maximum(d1_ref[...], 1.0))
    t0 = jnp.dot(x * s0, w0_ref[...], preferred_element_type=jnp.float32)
    t1 = jnp.dot(x * s1, w1_ref[...], preferred_element_type=jnp.float32)
    t0a_ref[...] = t0[:, :DH]
    t0b_ref[...] = t0[:, DH:]
    t1a_ref[...] = t1[:, :DH]
    t1b_ref[...] = t1[:, DH:]


def _tc_matmul(x, w0, w1, d0, d1):
    blk = 1000
    grid = (N // blk,)
    half = pl.BlockSpec((blk, DH), lambda i: (i, 0))
    return pl.pallas_call(
        _matmul_body,
        grid=grid,
        in_specs=[
            pl.BlockSpec((blk, D), lambda i: (i, 0)),
            pl.BlockSpec((D, D), lambda i: (0, 0)),
            pl.BlockSpec((D, D), lambda i: (0, 0)),
            pl.BlockSpec((blk, 1), lambda i: (i, 0)),
            pl.BlockSpec((blk, 1), lambda i: (i, 0)),
        ],
        out_specs=[half, half, half, half],
        out_shape=[jax.ShapeDtypeStruct((N, DH), jnp.float32)] * 4,
    )(x, w0, w1, d0, d1)


def _scatter_body(t0_hbm, t1_hbm, e0_hbm, e1_hbm, z_hbm, agg0_hbm, agg1_hbm,
                  idx_s, idx_d, rows, agg_sh, sem0, sem1, sem2, sem3):
    c = lax.axis_index("c")
    s = lax.axis_index("s")
    sems = (sem0, sem1, sem2, sem3)

    pltpu.sync_copy(z_hbm, agg_sh.at[pl.ds(s * RPT, RPT)])

    @pl.when(c == 0)
    def _():
        pltpu.sync_copy(e0_hbm.at[0, s], idx_s)
        pltpu.sync_copy(e0_hbm.at[1, s], idx_d)

    @pl.when(c == 1)
    def _():
        pltpu.sync_copy(e1_hbm.at[0, s], idx_s)
        pltpu.sync_copy(e1_hbm.at[1, s], idx_d)

    plsc.subcore_barrier()

    def run(t_hbm):
        def gather(k, b):
            return pltpu.make_async_copy(t_hbm.at[idx_s.at[k]], rows.at[b],
                                         sems[b])

        for b in range(NBUF):
            gather(b, b).start()

        def body(i, _):
            for b in range(NBUF):
                k = i * NBUF + b
                gather(k, b).wait()
                pltpu.sync_copy(rows.at[b], agg_sh.at[idx_d.at[k]], add=True)

                @pl.when(k + NBUF < NCHUNKC)
                def _():
                    gather(k + NBUF, b).start()
            return 0

        lax.fori_loop(0, NCHUNKC // NBUF, body, 0)

    @pl.when(c == 0)
    def _():
        run(t0_hbm)

    @pl.when(c == 1)
    def _():
        run(t1_hbm)

    plsc.subcore_barrier()

    row_slice = pl.ds(s * RPT, RPT)

    @pl.when(c == 0)
    def _():
        pltpu.sync_copy(agg_sh.at[row_slice], agg0_hbm.at[row_slice])

    @pl.when(c == 1)
    def _():
        pltpu.sync_copy(agg_sh.at[row_slice], agg1_hbm.at[row_slice])


_sc_scatter = pl.kernel(
    _scatter_body,
    out_type=(jax.ShapeDtypeStruct((NPAD, DH), jnp.float32),
              jax.ShapeDtypeStruct((NPAD, DH), jnp.float32)),
    mesh=_mesh,
    scratch_types=[
        pltpu.VMEM((NCHUNKC, KC), jnp.int32),
        pltpu.VMEM((NCHUNKC, KC), jnp.int32),
        pltpu.VMEM((NBUF, KC, DH), jnp.float32),
        pltpu.VMEM_SHARED((NPAD, DH), jnp.float32),
        pltpu.SemaphoreType.DMA,
        pltpu.SemaphoreType.DMA,
        pltpu.SemaphoreType.DMA,
        pltpu.SemaphoreType.DMA,
    ],
    compiler_params=pltpu.CompilerParams(use_tc_tiling_on_sc=False),
)


def _combine_body(a0a_ref, a0b_ref, a1a_ref, a1b_ref, d0_ref, d1_ref,
                  b0_ref, b1_ref, out_ref):
    s0 = lax.rsqrt(jnp.maximum(d0_ref[...], 1.0))
    s1 = lax.rsqrt(jnp.maximum(d1_ref[...], 1.0))
    b = b0_ref[...] + b1_ref[...]
    ha = a0a_ref[...] * s0 + a1a_ref[...] * s1 + b[:, :DH]
    hb = a0b_ref[...] * s0 + a1b_ref[...] * s1 + b[:, DH:]
    ss = (jnp.sum(ha * ha, axis=1, keepdims=True)
          + jnp.sum(hb * hb, axis=1, keepdims=True))
    inv = lax.rsqrt(jnp.maximum(ss, 1e-24))
    out_ref[:, :DH] = ha * inv
    out_ref[:, DH:] = hb * inv


def _tc_combine(a0a, a0b, a1a, a1b, d0, d1, b0, b1):
    blk = 1000
    grid = (N // blk,)
    half = pl.BlockSpec((blk, DH), lambda i: (i, 0))
    return pl.pallas_call(
        _combine_body,
        grid=grid,
        in_specs=[
            half, half, half, half,
            pl.BlockSpec((blk, 1), lambda i: (i, 0)),
            pl.BlockSpec((blk, 1), lambda i: (i, 0)),
            pl.BlockSpec((1, D), lambda i: (0, 0)),
            pl.BlockSpec((1, D), lambda i: (0, 0)),
        ],
        out_specs=pl.BlockSpec((blk, D), lambda i: (i, 0)),
        out_shape=jax.ShapeDtypeStruct((N, D), jnp.float32),
    )(a0a, a0b, a1a, a1b, d0, d1, b0, b1)


@jax.jit
def kernel(x, edge_index_r0, edge_index_r1, W_r0, b_r0, W_r1, b_r1):
    e0 = edge_index_r0.reshape(2, NS, NCHUNK, K)
    e1 = edge_index_r1.reshape(2, NS, NCHUNK, K)
    e0c = edge_index_r0.reshape(2, NS, NCHUNKC, KC)
    e1c = edge_index_r1.reshape(2, NS, NCHUNKC, KC)

    deg0, deg1 = _sc_degrees(e0, e1)
    dout0 = deg0[0, :N, None]
    din0 = deg0[1, :N, None]
    dout1 = deg1[0, :N, None]
    din1 = deg1[1, :N, None]

    t0a, t0b, t1a, t1b = _tc_matmul(x, W_r0, W_r1, dout0, dout1)

    zeros = jnp.zeros((RPT, DH), jnp.float32)
    a0a, a1a = _sc_scatter(t0a, t1a, e0c, e1c, zeros)
    a0b, a1b = _sc_scatter(t0b, t1b, e0c, e1c, zeros)

    return _tc_combine(a0a, a0b, a1a, a1b, din0, din1,
                       b_r0[None, :], b_r1[None, :])

# --- scband reference (transcript-rebuilt; emitter-appended) ---
"""Pipeline reference for scband-hetero-general-layer-12232066859020 (READ-ONLY COPY).

The authoritative reference and input builder live on the scoring server;
editing this copy changes nothing except your own understanding.
"""

import jax, jax.numpy as jnp
import numpy as np

N = 10000
E = 320000
D = 128


def setup_inputs(seed: int = 0) -> dict:
    key = jax.random.key(seed)
    ks = jax.random.split(key, 8)
    x = jax.random.normal(ks[0], (N, D), dtype=jnp.float32)
    edge_index_r0 = jax.random.randint(ks[1], (2, E), 0, N, dtype=jnp.int32)
    edge_index_r1 = jax.random.randint(ks[2], (2, E), 0, N, dtype=jnp.int32)
    # Learned params: one GraphConv (GCN, norm='both', bias=True since has_bn=False) per relation
    scale = 1.0 / np.sqrt(D)
    W_r0 = jax.random.normal(ks[3], (D, D), dtype=jnp.float32) * scale
    b_r0 = jnp.zeros((D,), dtype=jnp.float32)
    W_r1 = jax.random.normal(ks[4], (D, D), dtype=jnp.float32) * scale
    b_r1 = jnp.zeros((D,), dtype=jnp.float32)
    return {"x": x, "edge_index_r0": edge_index_r0, "edge_index_r1": edge_index_r1,
            "W_r0": W_r0, "b_r0": b_r0, "W_r1": W_r1, "b_r1": b_r1}


def _gcn_conv(x, src, dst, W, b):
    # DGL GraphConv, norm='both', in_feats == out_feats -> aggregate first, then weight
    deg_out = jnp.zeros((N,), jnp.float32).at[src].add(1.0)
    deg_out = jnp.clip(deg_out, 1.0, None)
    h = x * (deg_out ** -0.5)[:, None]
    agg = jnp.zeros((N, D), jnp.float32).at[dst].add(jnp.take(h, src, axis=0))
    deg_in = jnp.zeros((N,), jnp.float32).at[dst].add(1.0)
    deg_in = jnp.clip(deg_in, 1.0, None)
    agg = agg * (deg_in ** -0.5)[:, None]
    return agg @ W + b


def reference(x, edge_index_r0, edge_index_r1, W_r0, b_r0, W_r1, b_r1):
    # HeteroGraphConv over 2 relations, aggregate='sum' (macro_func)
    h0 = _gcn_conv(x, edge_index_r0[0], edge_index_r0[1], W_r0, b_r0)
    h1 = _gcn_conv(x, edge_index_r1[0], edge_index_r1[1], W_r1, b_r1)
    h = h0 + h1
    # has_l2norm=True: post_layer is empty (no BN/dropout/act), then F.normalize(p=2, dim=-1)
    norm = jnp.clip(jnp.linalg.norm(h, axis=-1, keepdims=True), 1e-12, None)
    return h / norm

if __name__ == "__main__":
    import jax
    _d = setup_inputs()
    print(jax.jit(kernel)(*tuple(_d.values())))

</pallas_src>

<mosaic_0001>
#map = affine_map<(d0, d1) -> (0, 0)>
#map1 = affine_map<(d0, d1) -> (0, 0, 0, 0)>
module attributes {stable_mosaic.version = 14 : i64} {
  func.func @_scatter_body(%arg0: i32, %arg1: i32, %arg2: memref<10000x64xf32, #tpu.memory_space<hbm>>, %arg3: memref<10000x64xf32, #tpu.memory_space<hbm>>, %arg4: memref<2x16x160x125xi32, #tpu.memory_space<hbm>>, %arg5: memref<2x16x160x125xi32, #tpu.memory_space<hbm>>, %arg6: memref<640x64xf32, #tpu.memory_space<hbm>>, %arg7: memref<10240x64xf32, #tpu.memory_space<hbm>>, %arg8: memref<10240x64xf32, #tpu.memory_space<hbm>>, %arg9: memref<160x125xi32, #tpu.memory_space<vmem>>, %arg10: memref<160x125xi32, #tpu.memory_space<vmem>>, %arg11: memref<4x125x64xf32, #tpu.memory_space<vmem>>, %arg12: memref<10240x64xf32, #tpu.memory_space<vmem_shared>>, %arg13: memref<!tpu.dma_semaphore, #tpu.memory_space<semaphore_mem>>, %arg14: memref<!tpu.dma_semaphore, #tpu.memory_space<semaphore_mem>>, %arg15: memref<!tpu.dma_semaphore, #tpu.memory_space<semaphore_mem>>, %arg16: memref<!tpu.dma_semaphore, #tpu.memory_space<semaphore_mem>>) attributes {dimension_semantics = [#tpu.dimension_semantics<core_parallel>, #tpu.dimension_semantics<subcore_parallel>], iteration_bounds = array<i64: 2, 16>, scalar_prefetch = 0 : i64, scratch_operands = 8 : i64, tpu.core_type = #tpu.core_type<sc_vector_subcore>, window_params = [{transform_indices = #map}, {transform_indices = #map}, {transform_indices = #map1}, {transform_indices = #map1}, {transform_indices = #map}, {transform_indices = #map}, {transform_indices = #map}]} {
    %mul3A = arith.constant 640 : i32
    %mul3A_0 = arith.muli %arg1, %mul3A : i32
    "tpu.region"() ({
      %run_scoped3A = tpu.sem_alloc : memref<!tpu.dma_semaphore, #tpu.memory_space<semaphore_mem>>
      %dma_start3A = arith.constant 0 : i32
      %dma_start3A_31 = tpu.memref_slice %arg12[%mul3A_0, %dma_start3A] : memref<10240x64xf32, #tpu.memory_space<vmem_shared>> -> memref<640x64xf32, #tpu.memory_space<vmem_shared>>
      tpu.enqueue_dma source(%arg6 : memref<640x64xf32, #tpu.memory_space<hbm>>) target(%dma_start3A_31 : memref<640x64xf32, #tpu.memory_space<vmem_shared>>) target_semaphore(%run_scoped3A : memref<!tpu.dma_semaphore, #tpu.memory_space<semaphore_mem>>)
      %dma_wait3A = arith.constant 0 : i32
      %dma_wait3A_32 = tpu.memref_slice %arg12[%mul3A_0, %dma_wait3A] : memref<10240x64xf32, #tpu.memory_space<vmem_shared>> -> memref<640x64xf32, #tpu.memory_space<vmem_shared>>
      tpu.wait_dma2 semaphore(%run_scoped3A : memref<!tpu.dma_semaphore, #tpu.memory_space<semaphore_mem>>) src(%arg6 : memref<640x64xf32, #tpu.memory_space<hbm>>) dst(%dma_wait3A_32 : memref<640x64xf32, #tpu.memory_space<vmem_shared>>)
      tpu.yield
    }) : () -> ()
    %eq3A = arith.constant 0 : i32
    %eq3A_1 = arith.cmpi eq, %arg0, %eq3A : i32
    %convert_element_type3A = arith.extui %eq3A_1 : i1 to i32
    %cond3A = arith.constant 0 : i32
    %cond3A_2 = arith.cmpi ne, %convert_element_type3A, %cond3A : i32
    scf.if %cond3A_2 {
      %run_scoped3A = arith.constant 0 : i32
      "tpu.region"() ({
        %run_scoped3A_32 = tpu.sem_alloc : memref<!tpu.dma_semaphore, #tpu.memory_space<semaphore_mem>>
        %dma_start3A = arith.constant 0 : i32
        %dma_start3A_33 = arith.constant 0 : i32
        %dma_start3A_34 = tpu.memref_slice %arg4[%run_scoped3A, %arg1, %dma_start3A, %dma_start3A_33] : memref<2x16x160x125xi32, #tpu.memory_space<hbm>> -> memref<1x1x160x125xi32, #tpu.memory_space<hbm>>
        %dma_start3A_35 = tpu.memref_squeeze %dma_start3A_34 : memref<1x1x160x125xi32, #tpu.memory_space<hbm>> -> memref<160x125xi32, #tpu.memory_space<hbm>>
        %dma_start3A_36 = arith.constant 0 : i32
        %dma_start3A_37 = arith.constant 0 : i32
        %dma_start3A_38 = tpu.memref_slice %arg4[%run_scoped3A, %arg1, %dma_start3A_36, %dma_start3A_37] : memref<2x16x160x125xi32, #tpu.memory_space<hbm>> -> memref<1x1x160x125xi32, #tpu.memory_space<hbm>>
        %dma_start3A_39 = tpu.memref_squeeze %dma_start3A_38 : memref<1x1x160x125xi32, #tpu.memory_space<hbm>> -> memref<160x125xi32, #tpu.memory_space<hbm>>
        tpu.enqueue_dma source(%dma_start3A_39 : memref<160x125xi32, #tpu.memory_space<hbm>>) target(%arg9 : memref<160x125xi32, #tpu.memory_space<vmem>>) target_semaphore(%run_scoped3A_32 : memref<!tpu.dma_semaphore, #tpu.memory_space<semaphore_mem>>)
        %dma_wait3A = arith.constant 0 : i32
        %dma_wait3A_40 = arith.constant 0 : i32
        %dma_wait3A_41 = tpu.memref_slice %arg4[%run_scoped3A, %arg1, %dma_wait3A, %dma_wait3A_40] : memref<2x16x160x125xi32, #tpu.memory_space<hbm>> -> memref<1x1x160x125xi32, #tpu.memory_space<hbm>>
        %dma_wait3A_42 = tpu.memref_squeeze %dma_wait3A_41 : memref<1x1x160x125xi32, #tpu.memory_space<hbm>> -> memref<160x125xi32, #tpu.memory_space<hbm>>
        %dma_wait3A_43 = arith.constant 0 : i32
        %dma_wait3A_44 = arith.constant 0 : i32
        %dma_wait3A_45 = tpu.memref_slice %arg4[%run_scoped3A, %arg1, %dma_wait3A_43, %dma_wait3A_44] : memref<2x16x160x125xi32, #tpu.memory_space<hbm>> -> memref<1x1x160x125xi32, #tpu.memory_space<hbm>>
        %dma_wait3A_46 = tpu.memref_squeeze %dma_wait3A_45 : memref<1x1x160x125xi32, #tpu.memory_space<hbm>> -> memref<160x125xi32, #tpu.memory_space<hbm>>
        tpu.wait_dma2 semaphore(%run_scoped3A_32 : memref<!tpu.dma_semaphore, #tpu.memory_space<semaphore_mem>>) src(%dma_wait3A_46 : memref<160x125xi32, #tpu.memory_space<hbm>>) dst(%arg9 : memref<160x125xi32, #tpu.memory_space<vmem>>)
        tpu.yield
      }) : () -> ()
      %run_scoped3A_31 = arith.constant 1 : i32
      "tpu.region"() ({
        %run_scoped3A_32 = tpu.sem_alloc : memref<!tpu.dma_semaphore, #tpu.memory_space<semaphore_mem>>
        %dma_start3A = arith.constant 0 : i32
        %dma_start3A_33 = arith.constant 0 : i32
        %dma_start3A_34 = tpu.memref_slice %arg4[%run_scoped3A_31, %arg1, %dma_start3A, %dma_start3A_33] : memref<2x16x160x125xi32, #tpu.memory_space<hbm>> -> memref<1x1x160x125xi32, #tpu.memory_space<hbm>>
        %dma_start3A_35 = tpu.memref_squeeze %dma_start3A_34 : memref<1x1x160x125xi32, #tpu.memory_space<hbm>> -> memref<160x125xi32, #tpu.memory_space<hbm>>
        %dma_start3A_36 = arith.constant 0 : i32
        %dma_start3A_37 = arith.constant 0 : i32
        %dma_start3A_38 = tpu.memref_slice %arg4[%run_scoped3A_31, %arg1, %dma_start3A_36, %dma_start3A_37] : memref<2x16x160x125xi32, #tpu.memory_space<hbm>> -> memref<1x1x160x125xi32, #tpu.memory_space<hbm>>
        %dma_start3A_39 = tpu.memref_squeeze %dma_start3A_38 : memref<1x1x160x125xi32, #tpu.memory_space<hbm>> -> memref<160x125xi32, #tpu.memory_space<hbm>>
        tpu.enqueue_dma source(%dma_start3A_39 : memref<160x125xi32, #tpu.memory_space<hbm>>) target(%arg10 : memref<160x125xi32, #tpu.memory_space<vmem>>) target_semaphore(%run_scoped3A_32 : memref<!tpu.dma_semaphore, #tpu.memory_space<semaphore_mem>>)
        %dma_wait3A = arith.constant 0 : i32
        %dma_wait3A_40 = arith.constant 0 : i32
        %dma_wait3A_41 = tpu.memref_slice %arg4[%run_scoped3A_31, %arg1, %dma_wait3A, %dma_wait3A_40] : memref<2x16x160x125xi32, #tpu.memory_space<hbm>> -> memref<1x1x160x125xi32, #tpu.memory_space<hbm>>
        %dma_wait3A_42 = tpu.memref_squeeze %dma_wait3A_41 : memref<1x1x160x125xi32, #tpu.memory_space<hbm>> -> memref<160x125xi32, #tpu.memory_space<hbm>>
        %dma_wait3A_43 = arith.constant 0 : i32
        %dma_wait3A_44 = arith.constant 0 : i32
        %dma_wait3A_45 = tpu.memref_slice %arg4[%run_scoped3A_31, %arg1, %dma_wait3A_43, %dma_wait3A_44] : memref<2x16x160x125xi32, #tpu.memory_space<hbm>> -> memref<1x1x160x125xi32, #tpu.memory_space<hbm>>
        %dma_wait3A_46 = tpu.memref_squeeze %dma_wait3A_45 : memref<1x1x160x125xi32, #tpu.memory_space<hbm>> -> memref<160x125xi32, #tpu.memory_space<hbm>>
        tpu.wait_dma2 semaphore(%run_scoped3A_32 : memref<!tpu.dma_semaphore, #tpu.memory_space<semaphore_mem>>) src(%dma_wait3A_46 : memref<160x125xi32, #tpu.memory_space<hbm>>) dst(%arg10 : memref<160x125xi32, #tpu.memory_space<vmem>>)
        tpu.yield
      }) : () -> ()
    } else {
    }
    %eq3A_3 = arith.constant 1 : i32
    %eq3A_4 = arith.cmpi eq, %arg0, %eq3A_3 : i32
    %convert_element_type3A_5 = arith.extui %eq3A_4 : i1 to i32
    %cond3A_6 = arith.constant 0 : i32
    %cond3A_7 = arith.cmpi ne, %convert_element_type3A_5, %cond3A_6 : i32
    scf.if %cond3A_7 {
      %run_scoped3A = arith.constant 0 : i32
      "tpu.region"() ({
        %run_scoped3A_32 = tpu.sem_alloc : memref<!tpu.dma_semaphore, #tpu.memory_space<semaphore_mem>>
        %dma_start3A = arith.constant 0 : i32
        %dma_start3A_33 = arith.constant 0 : i32
        %dma_start3A_34 = tpu.memref_slice %arg5[%run_scoped3A, %arg1, %dma_start3A, %dma_start3A_33] : memref<2x16x160x125xi32, #tpu.memory_space<hbm>> -> memref<1x1x160x125xi32, #tpu.memory_space<hbm>>
        %dma_start3A_35 = tpu.memref_squeeze %dma_start3A_34 : memref<1x1x160x125xi32, #tpu.memory_space<hbm>> -> memref<160x125xi32, #tpu.memory_space<hbm>>
        %dma_start3A_36 = arith.constant 0 : i32
        %dma_start3A_37 = arith.constant 0 : i32
        %dma_start3A_38 = tpu.memref_slice %arg5[%run_scoped3A, %arg1, %dma_start3A_36, %dma_start3A_37] : memref<2x16x160x125xi32, #tpu.memory_space<hbm>> -> memref<1x1x160x125xi32, #tpu.memory_space<hbm>>
        %dma_start3A_39 = tpu.memref_squeeze %dma_start3A_38 : memref<1x1x160x125xi32, #tpu.memory_space<hbm>> -> memref<160x125xi32, #tpu.memory_space<hbm>>
        tpu.enqueue_dma source(%dma_start3A_39 : memref<160x125xi32, #tpu.memory_space<hbm>>) target(%arg9 : memref<160x125xi32, #tpu.memory_space<vmem>>) target_semaphore(%run_scoped3A_32 : memref<!tpu.dma_semaphore, #tpu.memory_space<semaphore_mem>>)
        %dma_wait3A = arith.constant 0 : i32
        %dma_wait3A_40 = arith.constant 0 : i32
        %dma_wait3A_41 = tpu.memref_slice %arg5[%run_scoped3A, %arg1, %dma_wait3A, %dma_wait3A_40] : memref<2x16x160x125xi32, #tpu.memory_space<hbm>> -> memref<1x1x160x125xi32, #tpu.memory_space<hbm>>
        %dma_wait3A_42 = tpu.memref_squeeze %dma_wait3A_41 : memref<1x1x160x125xi32, #tpu.memory_space<hbm>> -> memref<160x125xi32, #tpu.memory_space<hbm>>
        %dma_wait3A_43 = arith.constant 0 : i32
        %dma_wait3A_44 = arith.constant 0 : i32
        %dma_wait3A_45 = tpu.memref_slice %arg5[%run_scoped3A, %arg1, %dma_wait3A_43, %dma_wait3A_44] : memref<2x16x160x125xi32, #tpu.memory_space<hbm>> -> memref<1x1x160x125xi32, #tpu.memory_space<hbm>>
        %dma_wait3A_46 = tpu.memref_squeeze %dma_wait3A_45 : memref<1x1x160x125xi32, #tpu.memory_space<hbm>> -> memref<160x125xi32, #tpu.memory_space<hbm>>
        tpu.wait_dma2 semaphore(%run_scoped3A_32 : memref<!tpu.dma_semaphore, #tpu.memory_space<semaphore_mem>>) src(%dma_wait3A_46 : memref<160x125xi32, #tpu.memory_space<hbm>>) dst(%arg9 : memref<160x125xi32, #tpu.memory_space<vmem>>)
        tpu.yield
      }) : () -> ()
      %run_scoped3A_31 = arith.constant 1 : i32
      "tpu.region"() ({
        %run_scoped3A_32 = tpu.sem_alloc : memref<!tpu.dma_semaphore, #tpu.memory_space<semaphore_mem>>
        %dma_start3A = arith.constant 0 : i32
        %dma_start3A_33 = arith.constant 0 : i32
        %dma_start3A_34 = tpu.memref_slice %arg5[%run_scoped3A_31, %arg1, %dma_start3A, %dma_start3A_33] : memref<2x16x160x125xi32, #tpu.memory_space<hbm>> -> memref<1x1x160x125xi32, #tpu.memory_space<hbm>>
        %dma_start3A_35 = tpu.memref_squeeze %dma_start3A_34 : memref<1x1x160x125xi32, #tpu.memory_space<hbm>> -> memref<160x125xi32, #tpu.memory_space<hbm>>
        %dma_start3A_36 = arith.constant 0 : i32
        %dma_start3A_37 = arith.constant 0 : i32
        %dma_start3A_38 = tpu.memref_slice %arg5[%run_scoped3A_31, %arg1, %dma_start3A_36, %dma_start3A_37] : memref<2x16x160x125xi32, #tpu.memory_space<hbm>> -> memref<1x1x160x125xi32, #tpu.memory_space<hbm>>
        %dma_start3A_39 = tpu.memref_squeeze %dma_start3A_38 : memref<1x1x160x125xi32, #tpu.memory_space<hbm>> -> memref<160x125xi32, #tpu.memory_space<hbm>>
        tpu.enqueue_dma source(%dma_start3A_39 : memref<160x125xi32, #tpu.memory_space<hbm>>) target(%arg10 : memref<160x125xi32, #tpu.memory_space<vmem>>) target_semaphore(%run_scoped3A_32 : memref<!tpu.dma_semaphore, #tpu.memory_space<semaphore_mem>>)
        %dma_wait3A = arith.constant 0 : i32
        %dma_wait3A_40 = arith.constant 0 : i32
        %dma_wait3A_41 = tpu.memref_slice %arg5[%run_scoped3A_31, %arg1, %dma_wait3A, %dma_wait3A_40] : memref<2x16x160x125xi32, #tpu.memory_space<hbm>> -> memref<1x1x160x125xi32, #tpu.memory_space<hbm>>
        %dma_wait3A_42 = tpu.memref_squeeze %dma_wait3A_41 : memref<1x1x160x125xi32, #tpu.memory_space<hbm>> -> memref<160x125xi32, #tpu.memory_space<hbm>>
        %dma_wait3A_43 = arith.constant 0 : i32
        %dma_wait3A_44 = arith.constant 0 : i32
        %dma_wait3A_45 = tpu.memref_slice %arg5[%run_scoped3A_31, %arg1, %dma_wait3A_43, %dma_wait3A_44] : memref<2x16x160x125xi32, #tpu.memory_space<hbm>> -> memref<1x1x160x125xi32, #tpu.memory_space<hbm>>
        %dma_wait3A_46 = tpu.memref_squeeze %dma_wait3A_45 : memref<1x1x160x125xi32, #tpu.memory_space<hbm>> -> memref<160x125xi32, #tpu.memory_space<hbm>>
        tpu.wait_dma2 semaphore(%run_scoped3A_32 : memref<!tpu.dma_semaphore, #tpu.memory_space<semaphore_mem>>) src(%dma_wait3A_46 : memref<160x125xi32, #tpu.memory_space<hbm>>) dst(%arg10 : memref<160x125xi32, #tpu.memory_space<vmem>>)
        tpu.yield
      }) : () -> ()
    } else {
    }
    %barrier3A = arith.constant 0 : index
    tpu.barrier barrier_id(%barrier3A)
    %eq3A_8 = arith.constant 0 : i32
    %eq3A_9 = arith.cmpi eq, %arg0, %eq3A_8 : i32
    %convert_element_type3A_10 = arith.extui %eq3A_9 : i1 to i32
    %cond3A_11 = arith.constant 0 : i32
    %cond3A_12 = arith.cmpi ne, %convert_element_type3A_10, %cond3A_11 : i32
    scf.if %cond3A_12 {
      %dma_start3A = arith.constant 0 : i32
      %dma_start3A_31 = arith.constant 0 : i32
      %dma_start3A_32 = arith.constant 0 : i32
      %dma_start3A_33 = arith.constant 0 : i32
      %dma_start3A_34 = tpu.memref_slice %arg11[%dma_start3A_31, %dma_start3A_32, %dma_start3A_33] : memref<4x125x64xf32, #tpu.memory_space<vmem>> -> memref<1x125x64xf32, #tpu.memory_space<vmem>>
      %dma_start3A_35 = tpu.memref_squeeze %dma_start3A_34 : memref<1x125x64xf32, #tpu.memory_space<vmem>> -> memref<125x64xf32, #tpu.memory_space<vmem>>
      %dma_start3A_36 = arith.constant 0 : i32
      %dma_start3A_37 = tpu.memref_slice %arg9[%dma_start3A, %dma_start3A_36] : memref<160x125xi32, #tpu.memory_space<vmem>> -> memref<1x125xi32, #tpu.memory_space<vmem>>
      %dma_start3A_38 = tpu.memref_squeeze %dma_start3A_37 : memref<1x125xi32, #tpu.memory_space<vmem>> -> memref<125xi32, #tpu.memory_space<vmem>>
      %dma_start3A_39 = arith.constant 0 : i32
      %dma_start3A_40 = arith.constant 0 : i32
      %dma_start3A_41 = tpu.memref_slice %arg2[%dma_start3A_39, %dma_start3A_40] : memref<10000x64xf32, #tpu.memory_space<hbm>> -> memref<10000x64xf32, #tpu.memory_space<hbm>>
      tpu.enqueue_indirect_dma source(%dma_start3A_41 : memref<10000x64xf32, #tpu.memory_space<hbm>>) target(%dma_start3A_35 : memref<125x64xf32, #tpu.memory_space<vmem>>) offsets(%dma_start3A_38 : memref<125xi32, #tpu.memory_space<vmem>>) semaphore(%arg13 : memref<!tpu.dma_semaphore, #tpu.memory_space<semaphore_mem>>)
      %dma_start3A_42 = arith.constant 1 : i32
      %dma_start3A_43 = arith.constant 1 : i32
      %dma_start3A_44 = arith.constant 0 : i32
      %dma_start3A_45 = arith.constant 0 : i32
      %dma_start3A_46 = tpu.memref_slice %arg11[%dma_start3A_43, %dma_start3A_44, %dma_start3A_45] : memref<4x125x64xf32, #tpu.memory_space<vmem>> -> memref<1x125x64xf32, #tpu.memory_space<vmem>>
      %dma_start3A_47 = tpu.memref_squeeze %dma_start3A_46 : memref<1x125x64xf32, #tpu.memory_space<vmem>> -> memref<125x64xf32, #tpu.memory_space<vmem>>
      %dma_start3A_48 = arith.constant 0 : i32
      %dma_start3A_49 = tpu.memref_slice %arg9[%dma_start3A_42, %dma_start3A_48] : memref<160x125xi32, #tpu.memory_space<vmem>> -> memref<1x125xi32, #tpu.memory_space<vmem>>
      %dma_start3A_50 = tpu.memref_squeeze %dma_start3A_49 : memref<1x125xi32, #tpu.memory_space<vmem>> -> memref<125xi32, #tpu.memory_space<vmem>>
      %dma_start3A_51 = arith.constant 0 : i32
      %dma_start3A_52 = arith.constant 0 : i32
      %dma_start3A_53 = tpu.memref_slice %arg2[%dma_start3A_51, %dma_start3A_52] : memref<10000x64xf32, #tpu.memory_space<hbm>> -> memref<10000x64xf32, #tpu.memory_space<hbm>>
      tpu.enqueue_indirect_dma source(%dma_start3A_53 : memref<10000x64xf32, #tpu.memory_space<hbm>>) target(%dma_start3A_47 : memref<125x64xf32, #tpu.memory_space<vmem>>) offsets(%dma_start3A_50 : memref<125xi32, #tpu.memory_space<vmem>>) semaphore(%arg14 : memref<!tpu.dma_semaphore, #tpu.memory_space<semaphore_mem>>)
      %dma_start3A_54 = arith.constant 2 : i32
      %dma_start3A_55 = arith.constant 2 : i32
      %dma_start3A_56 = arith.constant 0 : i32
      %dma_start3A_57 = arith.constant 0 : i32
      %dma_start3A_58 = tpu.memref_slice %arg11[%dma_start3A_55, %dma_start3A_56, %dma_start3A_57] : memref<4x125x64xf32, #tpu.memory_space<vmem>> -> memref<1x125x64xf32, #tpu.memory_space<vmem>>
      %dma_start3A_59 = tpu.memref_squeeze %dma_start3A_58 : memref<1x125x64xf32, #tpu.memory_space<vmem>> -> memref<125x64xf32, #tpu.memory_space<vmem>>
      %dma_start3A_60 = arith.constant 0 : i32
      %dma_start3A_61 = tpu.memref_slice %arg9[%dma_start3A_54, %dma_start3A_60] : memref<160x125xi32, #tpu.memory_space<vmem>> -> memref<1x125xi32, #tpu.memory_space<vmem>>
      %dma_start3A_62 = tpu.memref_squeeze %dma_start3A_61 : memref<1x125xi32, #tpu.memory_space<vmem>> -> memref<125xi32, #tpu.memory_space<vmem>>
      %dma_start3A_63 = arith.constant 0 : i32
      %dma_start3A_64 = arith.constant 0 : i32
      %dma_start3A_65 = tpu.memref_slice %arg2[%dma_start3A_63, %dma_start3A_64] : memref<10000x64xf32, #tpu.memory_space<hbm>> -> memref<10000x64xf32, #tpu.memory_space<hbm>>
      tpu.enqueue_indirect_dma source(%dma_start3A_65 : memref<10000x64xf32, #tpu.memory_space<hbm>>) target(%dma_start3A_59 : memref<125x64xf32, #tpu.memory_space<vmem>>) offsets(%dma_start3A_62 : memref<125xi32, #tpu.memory_space<vmem>>) semaphore(%arg15 : memref<!tpu.dma_semaphore, #tpu.memory_space<semaphore_mem>>)
      %dma_start3A_66 = arith.constant 3 : i32
      %dma_start3A_67 = arith.constant 3 : i32
      %dma_start3A_68 = arith.constant 0 : i32
      %dma_start3A_69 = arith.constant 0 : i32
      %dma_start3A_70 = tpu.memref_slice %arg11[%dma_start3A_67, %dma_start3A_68, %dma_start3A_69] : memref<4x125x64xf32, #tpu.memory_space<vmem>> -> memref<1x125x64xf32, #tpu.memory_space<vmem>>
      %dma_start3A_71 = tpu.memref_squeeze %dma_start3A_70 : memref<1x125x64xf32, #tpu.memory_space<vmem>> -> memref<125x64xf32, #tpu.memory_space<vmem>>
      %dma_start3A_72 = arith.constant 0 : i32
      %dma_start3A_73 = tpu.memref_slice %arg9[%dma_start3A_66, %dma_start3A_72] : memref<160x125xi32, #tpu.memory_space<vmem>> -> memref<1x125xi32, #tpu.memory_space<vmem>>
      %dma_start3A_74 = tpu.memref_squeeze %dma_start3A_73 : memref<1x125xi32, #tpu.memory_space<vmem>> -> memref<125xi32, #tpu.memory_space<vmem>>
      %dma_start3A_75 = arith.constant 0 : i32
      %dma_start3A_76 = arith.constant 0 : i32
      %dma_start3A_77 = tpu.memref_slice %arg2[%dma_start3A_75, %dma_start3A_76] : memref<10000x64xf32, #tpu.memory_space<hbm>> -> memref<10000x64xf32, #tpu.memory_space<hbm>>
      tpu.enqueue_indirect_dma source(%dma_start3A_77 : memref<10000x64xf32, #tpu.memory_space<hbm>>) target(%dma_start3A_71 : memref<125x64xf32, #tpu.memory_space<vmem>>) offsets(%dma_start3A_74 : memref<125xi32, #tpu.memory_space<vmem>>) semaphore(%arg16 : memref<!tpu.dma_semaphore, #tpu.memory_space<semaphore_mem>>)
      %scan3A = arith.constant 0 : i32
      %scan3A_78 = arith.constant 0 : i32
      %scan3A_79 = arith.constant 40 : i32
      %scan3A_80 = arith.addi %scan3A_78, %scan3A_79 : i32
      %scan3A_81 = arith.constant 1 : i32
      %scan3A_82 = scf.for %scan3A_84 = %scan3A_78 to %scan3A_80 step %scan3A_81 iter_args(%scan3A_85 = %scan3A) -> (i32)  : i32 {
        %mul3A_86 = arith.constant 4 : i32
        %mul3A_87 = arith.muli %scan3A_84, %mul3A_86 : i32
        %add3A = arith.constant 0 : i32
        %add3A_88 = arith.addi %mul3A_87, %add3A : i32
        %dma_wait3A = arith.constant 0 : i32
        %dma_wait3A_89 = arith.constant 0 : i32
        %dma_wait3A_90 = arith.constant 0 : i32
        %dma_wait3A_91 = tpu.memref_slice %arg11[%dma_wait3A, %dma_wait3A_89, %dma_wait3A_90] : memref<4x125x64xf32, #tpu.memory_space<vmem>> -> memref<1x125x64xf32, #tpu.memory_space<vmem>>
        %dma_wait3A_92 = tpu.memref_squeeze %dma_wait3A_91 : memref<1x125x64xf32, #tpu.memory_space<vmem>> -> memref<125x64xf32, #tpu.memory_space<vmem>>
        %dma_wait3A_93 = arith.constant 0 : i32
        %dma_wait3A_94 = tpu.memref_slice %arg9[%add3A_88, %dma_wait3A_93] : memref<160x125xi32, #tpu.memory_space<vmem>> -> memref<1x125xi32, #tpu.memory_space<vmem>>
        %dma_wait3A_95 = tpu.memref_squeeze %dma_wait3A_94 : memref<1x125xi32, #tpu.memory_space<vmem>> -> memref<125xi32, #tpu.memory_space<vmem>>
        %dma_wait3A_96 = arith.constant 0 : i32
        %dma_wait3A_97 = arith.constant 0 : i32
        %dma_wait3A_98 = tpu.memref_slice %arg2[%dma_wait3A_96, %dma_wait3A_97] : memref<10000x64xf32, #tpu.memory_space<hbm>> -> memref<10000x64xf32, #tpu.memory_space<hbm>>
        tpu.wait_indirect_dma semaphore(%arg13 : memref<!tpu.dma_semaphore, #tpu.memory_space<semaphore_mem>>) src(%dma_wait3A_98 : memref<10000x64xf32, #tpu.memory_space<hbm>>) dst(%dma_wait3A_92 : memref<125x64xf32, #tpu.memory_space<vmem>>)
        %run_scoped3A = arith.constant 0 : i32
        "tpu.region"() ({
          %run_scoped3A_175 = tpu.sem_alloc : memref<!tpu.dma_semaphore, #tpu.memory_space<semaphore_mem>>
          %dma_start3A_176 = arith.constant 0 : i32
          %dma_start3A_177 = arith.constant 0 : i32
          %dma_start3A_178 = tpu.memref_slice %arg11[%run_scoped3A, %dma_start3A_176, %dma_start3A_177] : memref<4x125x64xf32, #tpu.memory_space<vmem>> -> memref<1x125x64xf32, #tpu.memory_space<vmem>>
          %dma_start3A_179 = tpu.memref_squeeze %dma_start3A_178 : memref<1x125x64xf32, #tpu.memory_space<vmem>> -> memref<125x64xf32, #tpu.memory_space<vmem>>
          %dma_start3A_180 = arith.constant 0 : i32
          %dma_start3A_181 = tpu.memref_slice %arg10[%add3A_88, %dma_start3A_180] : memref<160x125xi32, #tpu.memory_space<vmem>> -> memref<1x125xi32, #tpu.memory_space<vmem>>
          %dma_start3A_182 = tpu.memref_squeeze %dma_start3A_181 : memref<1x125xi32, #tpu.memory_space<vmem>> -> memref<125xi32, #tpu.memory_space<vmem>>
          %dma_start3A_183 = arith.constant 0 : i32
          %dma_start3A_184 = arith.constant 0 : i32
          %dma_start3A_185 = tpu.memref_slice %arg12[%dma_start3A_183, %dma_start3A_184] : memref<10240x64xf32, #tpu.memory_space<vmem_shared>> -> memref<10240x64xf32, #tpu.memory_space<vmem_shared>>
          tpu.enqueue_indirect_dma source(%dma_start3A_179 : memref<125x64xf32, #tpu.memory_space<vmem>>) target(%dma_start3A_185 : memref<10240x64xf32, #tpu.memory_space<vmem_shared>>) offsets(%dma_start3A_182 : memref<125xi32, #tpu.memory_space<vmem>>) semaphore(%run_scoped3A_175 : memref<!tpu.dma_semaphore, #tpu.memory_space<semaphore_mem>>) {add = true}
          %dma_wait3A_186 = arith.constant 0 : i32
          %dma_wait3A_187 = arith.constant 0 : i32
          %dma_wait3A_188 = tpu.memref_slice %arg11[%run_scoped3A, %dma_wait3A_186, %dma_wait3A_187] : memref<4x125x64xf32, #tpu.memory_space<vmem>> -> memref<1x125x64xf32, #tpu.memory_space<vmem>>
          %dma_wait3A_189 = tpu.memref_squeeze %dma_wait3A_188 : memref<1x125x64xf32, #tpu.memory_space<vmem>> -> memref<125x64xf32, #tpu.memory_space<vmem>>
          %dma_wait3A_190 = arith.constant 0 : i32
          %dma_wait3A_191 = tpu.memref_slice %arg10[%add3A_88, %dma_wait3A_190] : memref<160x125xi32, #tpu.memory_space<vmem>> -> memref<1x125xi32, #tpu.memory_space<vmem>>
          %dma_wait3A_192 = tpu.memref_squeeze %dma_wait3A_191 : memref<1x125xi32, #tpu.memory_space<vmem>> -> memref<125xi32, #tpu.memory_space<vmem>>
          %dma_wait3A_193 = arith.constant 0 : i32
          %dma_wait3A_194 = arith.constant 0 : i32
          %dma_wait3A_195 = tpu.memref_slice %arg12[%dma_wait3A_193, %dma_wait3A_194] : memref<10240x64xf32, #tpu.memory_space<vmem_shared>> -> memref<10240x64xf32, #tpu.memory_space<vmem_shared>>
          tpu.wait_indirect_dma semaphore(%run_scoped3A_175 : memref<!tpu.dma_semaphore, #tpu.memory_space<semaphore_mem>>) src(%dma_wait3A_189 : memref<125x64xf32, #tpu.memory_space<vmem>>) dst(%dma_wait3A_195 : memref<10240x64xf32, #tpu.memory_space<vmem_shared>>)
          tpu.yield
        }) : () -> ()
        %add3A_99 = arith.constant 4 : i32
        %add3A_100 = arith.addi %add3A_88, %add3A_99 : i32
        %lt3A = arith.constant 160 : i32
        %lt3A_101 = arith.cmpi slt, %add3A_100, %lt3A : i32
        %convert_element_type3A_102 = arith.extui %lt3A_101 : i1 to i32
        %cond3A_103 = arith.constant 0 : i32
        %cond3A_104 = arith.cmpi ne, %convert_element_type3A_102, %cond3A_103 : i32
        scf.if %cond3A_104 {
          %add3A_175 = arith.constant 4 : i32
          %add3A_176 = arith.addi %add3A_88, %add3A_175 : i32
          %dma_start3A_177 = arith.constant 0 : i32
          %dma_start3A_178 = arith.constant 0 : i32
          %dma_start3A_179 = arith.constant 0 : i32
          %dma_start3A_180 = tpu.memref_slice %arg11[%dma_start3A_177, %dma_start3A_178, %dma_start3A_179] : memref<4x125x64xf32, #tpu.memory_space<vmem>> -> memref<1x125x64xf32, #tpu.memory_space<vmem>>
          %dma_start3A_181 = tpu.memref_squeeze %dma_start3A_180 : memref<1x125x64xf32, #tpu.memory_space<vmem>> -> memref<125x64xf32, #tpu.memory_space<vmem>>
          %dma_start3A_182 = arith.constant 0 : i32
          %dma_start3A_183 = tpu.memref_slice %arg9[%add3A_176, %dma_start3A_182] : memref<160x125xi32, #tpu.memory_space<vmem>> -> memref<1x125xi32, #tpu.memory_space<vmem>>
          %dma_start3A_184 = tpu.memref_squeeze %dma_start3A_183 : memref<1x125xi32, #tpu.memory_space<vmem>> -> memref<125xi32, #tpu.memory_space<vmem>>
          %dma_start3A_185 = arith.constant 0 : i32
          %dma_start3A_186 = arith.constant 0 : i32
          %dma_start3A_187 = tpu.memref_slice %arg2[%dma_start3A_185, %dma_start3A_186] : memref<10000x64xf32, #tpu.memory_space<hbm>> -> memref<10000x64xf32, #tpu.memory_space<hbm>>
          tpu.enqueue_indirect_dma source(%dma_start3A_187 : memref<10000x64xf32, #tpu.memory_space<hbm>>) target(%dma_start3A_181 : memref<125x64xf32, #tpu.memory_space<vmem>>) offsets(%dma_start3A_184 : memref<125xi32, #tpu.memory_space<vmem>>) semaphore(%arg13 : memref<!tpu.dma_semaphore, #tpu.memory_space<semaphore_mem>>)
        } else {
        }
        %mul3A_105 = arith.constant 4 : i32
        %mul3A_106 = arith.muli %scan3A_84, %mul3A_105 : i32
        %add3A_107 = arith.constant 1 : i32
        %add3A_108 = arith.addi %mul3A_106, %add3A_107 : i32
        %dma_wait3A_109 = arith.constant 1 : i32
        %dma_wait3A_110 = arith.constant 0 : i32
        %dma_wait3A_111 = arith.constant 0 : i32
        %dma_wait3A_112 = tpu.memref_slice %arg11[%dma_wait3A_109, %dma_wait3A_110, %dma_wait3A_111] : memref<4x125x64xf32, #tpu.memory_space<vmem>> -> memref<1x125x64xf32, #tpu.memory_space<vmem>>
        %dma_wait3A_113 = tpu.memref_squeeze %dma_wait3A_112 : memref<1x125x64xf32, #tpu.memory_space<vmem>> -> memref<125x64xf32, #tpu.memory_space<vmem>>
        %dma_wait3A_114 = arith.constant 0 : i32
        %dma_wait3A_115 = tpu.memref_slice %arg9[%add3A_108, %dma_wait3A_114] : memref<160x125xi32, #tpu.memory_space<vmem>> -> memref<1x125xi32, #tpu.memory_space<vmem>>
        %dma_wait3A_116 = tpu.memref_squeeze %dma_wait3A_115 : memref<1x125xi32, #tpu.memory_space<vmem>> -> memref<125xi32, #tpu.memory_space<vmem>>
        %dma_wait3A_117 = arith.constant 0 : i32
        %dma_wait3A_118 = arith.constant 0 : i32
        %dma_wait3A_119 = tpu.memref_slice %arg2[%dma_wait3A_117, %dma_wait3A_118] : memref<10000x64xf32, #tpu.memory_space<hbm>> -> memref<10000x64xf32, #tpu.memory_space<hbm>>
        tpu.wait_indirect_dma semaphore(%arg14 : memref<!tpu.dma_semaphore, #tpu.memory_space<semaphore_mem>>) src(%dma_wait3A_119 : memref<10000x64xf32, #tpu.memory_space<hbm>>) dst(%dma_wait3A_113 : memref<125x64xf32, #tpu.memory_space<vmem>>)
        %run_scoped3A_120 = arith.constant 1 : i32
        "tpu.region"() ({
          %run_scoped3A_175 = tpu.sem_alloc : memref<!tpu.dma_semaphore, #tpu.memory_space<semaphore_mem>>
          %dma_start3A_176 = arith.constant 0 : i32
          %dma_start3A_177 = arith.constant 0 : i32
          %dma_start3A_178 = tpu.memref_slice %arg11[%run_scoped3A_120, %dma_start3A_176, %dma_start3A_177] : memref<4x125x64xf32, #tpu.memory_space<vmem>> -> memref<1x125x64xf32, #tpu.memory_space<vmem>>
          %dma_start3A_179 = tpu.memref_squeeze %dma_start3A_178 : memref<1x125x64xf32, #tpu.memory_space<vmem>> -> memref<125x64xf32, #tpu.memory_space<vmem>>
          %dma_start3A_180 = arith.constant 0 : i32
          %dma_start3A_181 = tpu.memref_slice %arg10[%add3A_108, %dma_start3A_180] : memref<160x125xi32, #tpu.memory_space<vmem>> -> memref<1x125xi32, #tpu.memory_space<vmem>>
          %dma_start3A_182 = tpu.memref_squeeze %dma_start3A_181 : memref<1x125xi32, #tpu.memory_space<vmem>> -> memref<125xi32, #tpu.memory_space<vmem>>
          %dma_start3A_183 = arith.constant 0 : i32
          %dma_start3A_184 = arith.constant 0 : i32
          %dma_start3A_185 = tpu.memref_slice %arg12[%dma_start3A_183, %dma_start3A_184] : memref<10240x64xf32, #tpu.memory_space<vmem_shared>> -> memref<10240x64xf32, #tpu.memory_space<vmem_shared>>
          tpu.enqueue_indirect_dma source(%dma_start3A_179 : memref<125x64xf32, #tpu.memory_space<vmem>>) target(%dma_start3A_185 : memref<10240x64xf32, #tpu.memory_space<vmem_shared>>) offsets(%dma_start3A_182 : memref<125xi32, #tpu.memory_space<vmem>>) semaphore(%run_scoped3A_175 : memref<!tpu.dma_semaphore, #tpu.memory_space<semaphore_mem>>) {add = true}
          %dma_wait3A_186 = arith.constant 0 : i32
          %dma_wait3A_187 = arith.constant 0 : i32
          %dma_wait3A_188 = tpu.memref_slice %arg11[%run_scoped3A_120, %dma_wait3A_186, %dma_wait3A_187] : memref<4x125x64xf32, #tpu.memory_space<vmem>> -> memref<1x125x64xf32, #tpu.memory_space<vmem>>
          %dma_wait3A_189 = tpu.memref_squeeze %dma_wait3A_188 : memref<1x125x64xf32, #tpu.memory_space<vmem>> -> memref<125x64xf32, #tpu.memory_space<vmem>>
          %dma_wait3A_190 = arith.constant 0 : i32
          %dma_wait3A_191 = tpu.memref_slice %arg10[%add3A_108, %dma_wait3A_190] : memref<160x125xi32, #tpu.memory_space<vmem>> -> memref<1x125xi32, #tpu.memory_space<vmem>>
          %dma_wait3A_192 = tpu.memref_squeeze %dma_wait3A_191 : memref<1x125xi32, #tpu.memory_space<vmem>> -> memref<125xi32, #tpu.memory_space<vmem>>
          %dma_wait3A_193 = arith.constant 0 : i32
          %dma_wait3A_194 = arith.constant 0 : i32
          %dma_wait3A_195 = tpu.memref_slice %arg12[%dma_wait3A_193, %dma_wait3A_194] : memref<10240x64xf32, #tpu.memory_space<vmem_shared>> -> memref<10240x64xf32, #tpu.memory_space<vmem_shared>>
          tpu.wait_indirect_dma semaphore(%run_scoped3A_175 : memref<!tpu.dma_semaphore, #tpu.memory_space<semaphore_mem>>) src(%dma_wait3A_189 : memref<125x64xf32, #tpu.memory_space<vmem>>) dst(%dma_wait3A_195 : memref<10240x64xf32, #tpu.memory_space<vmem_shared>>)
          tpu.yield
        }) : () -> ()
        %add3A_121 = arith.constant 4 : i32
        %add3A_122 = arith.addi %add3A_108, %add3A_121 : i32
        %lt3A_123 = arith.constant 160 : i32
        %lt3A_124 = arith.cmpi slt, %add3A_122, %lt3A_123 : i32
        %convert_element_type3A_125 = arith.extui %lt3A_124 : i1 to i32
        %cond3A_126 = arith.constant 0 : i32
        %cond3A_127 = arith.cmpi ne, %convert_element_type3A_125, %cond3A_126 : i32
        scf.if %cond3A_127 {
          %add3A_175 = arith.constant 4 : i32
          %add3A_176 = arith.addi %add3A_108, %add3A_175 : i32
          %dma_start3A_177 = arith.constant 1 : i32
          %dma_start3A_178 = arith.constant 0 : i32
          %dma_start3A_179 = arith.constant 0 : i32
          %dma_start3A_180 = tpu.memref_slice %arg11[%dma_start3A_177, %dma_start3A_178, %dma_start3A_179] : memref<4x125x64xf32, #tpu.memory_space<vmem>> -> memref<1x125x64xf32, #tpu.memory_space<vmem>>
          %dma_start3A_181 = tpu.memref_squeeze %dma_start3A_180 : memref<1x125x64xf32, #tpu.memory_space<vmem>> -> memref<125x64xf32, #tpu.memory_space<vmem>>
          %dma_start3A_182 = arith.constant 0 : i32
          %dma_start3A_183 = tpu.memref_slice %arg9[%add3A_176, %dma_start3A_182] : memref<160x125xi32, #tpu.memory_space<vmem>> -> memref<1x125xi32, #tpu.memory_space<vmem>>
          %dma_start3A_184 = tpu.memref_squeeze %dma_start3A_183 : memref<1x125xi32, #tpu.memory_space<vmem>> -> memref<125xi32, #tpu.memory_space<vmem>>
          %dma_start3A_185 = arith.constant 0 : i32
          %dma_start3A_186 = arith.constant 0 : i32
          %dma_start3A_187 = tpu.memref_slice %arg2[%dma_start3A_185, %dma_start3A_186] : memref<10000x64xf32, #tpu.memory_space<hbm>> -> memref<10000x64xf32, #tpu.memory_space<hbm>>
          tpu.enqueue_indirect_dma source(%dma_start3A_187 : memref<10000x64xf32, #tpu.memory_space<hbm>>) target(%dma_start3A_181 : memref<125x64xf32, #tpu.memory_space<vmem>>) offsets(%dma_start3A_184 : memref<125xi32, #tpu.memory_space<vmem>>) semaphore(%arg14 : memref<!tpu.dma_semaphore, #tpu.memory_space<semaphore_mem>>)
        } else {
        }
        %mul3A_128 = arith.constant 4 : i32
        %mul3A_129 = arith.muli %scan3A_84, %mul3A_128 : i32
        %add3A_130 = arith.constant 2 : i32
        %add3A_131 = arith.addi %mul3A_129, %add3A_130 : i32
        %dma_wait3A_132 = arith.constant 2 : i32
        %dma_wait3A_133 = arith.constant 0 : i32
        %dma_wait3A_134 = arith.constant 0 : i32
        %dma_wait3A_135 = tpu.memref_slice %arg11[%dma_wait3A_132, %dma_wait3A_133, %dma_wait3A_134] : memref<4x125x64xf32, #tpu.memory_space<vmem>> -> memref<1x125x64xf32, #tpu.memory_space<vmem>>
        %dma_wait3A_136 = tpu.memref_squeeze %dma_wait3A_135 : memref<1x125x64xf32, #tpu.memory_space<vmem>> -> memref<125x64xf32, #tpu.memory_space<vmem>>
        %dma_wait3A_137 = arith.constant 0 : i32
        %dma_wait3A_138 = tpu.memref_slice %arg9[%add3A_131, %dma_wait3A_137] : memref<160x125xi32, #tpu.memory_space<vmem>> -> memref<1x125xi32, #tpu.memory_space<vmem>>
        %dma_wait3A_139 = tpu.memref_squeeze %dma_wait3A_138 : memref<1x125xi32, #tpu.memory_space<vmem>> -> memref<125xi32, #tpu.memory_space<vmem>>
        %dma_wait3A_140 = arith.constant 0 : i32
        %dma_wait3A_141 = arith.constant 0 : i32
        %dma_wait3A_142 = tpu.memref_slice %arg2[%dma_wait3A_140, %dma_wait3A_141] : memref<10000x64xf32, #tpu.memory_space<hbm>> -> memref<10000x64xf32, #tpu.memory_space<hbm>>
        tpu.wait_indirect_dma semaphore(%arg15 : memref<!tpu.dma_semaphore, #tpu.memory_space<semaphore_mem>>) src(%dma_wait3A_142 : memref<10000x64xf32, #tpu.memory_space<hbm>>) dst(%dma_wait3A_136 : memref<125x64xf32, #tpu.memory_space<vmem>>)
        %run_scoped3A_143 = arith.constant 2 : i32
        "tpu.region"() ({
          %run_scoped3A_175 = tpu.sem_alloc : memref<!tpu.dma_semaphore, #tpu.memory_space<semaphore_mem>>
          %dma_start3A_176 = arith.constant 0 : i32
          %dma_start3A_177 = arith.constant 0 : i32
          %dma_start3A_178 = tpu.memref_slice %arg11[%run_scoped3A_143, %dma_start3A_176, %dma_start3A_177] : memref<4x125x64xf32, #tpu.memory_space<vmem>> -> memref<1x125x64xf32, #tpu.memory_space<vmem>>
          %dma_start3A_179 = tpu.memref_squeeze %dma_start3A_178 : memref<1x125x64xf32, #tpu.memory_space<vmem>> -> memref<125x64xf32, #tpu.memory_space<vmem>>
          %dma_start3A_180 = arith.constant 0 : i32
          %dma_start3A_181 = tpu.memref_slice %arg10[%add3A_131, %dma_start3A_180] : memref<160x125xi32, #tpu.memory_space<vmem>> -> memref<1x125xi32, #tpu.memory_space<vmem>>
          %dma_start3A_182 = tpu.memref_squeeze %dma_start3A_181 : memref<1x125xi32, #tpu.memory_space<vmem>> -> memref<125xi32, #tpu.memory_space<vmem>>
          %dma_start3A_183 = arith.constant 0 : i32
          %dma_start3A_184 = arith.constant 0 : i32
          %dma_start3A_185 = tpu.memref_slice %arg12[%dma_start3A_183, %dma_start3A_184] : memref<10240x64xf32, #tpu.memory_space<vmem_shared>> -> memref<10240x64xf32, #tpu.memory_space<vmem_shared>>
          tpu.enqueue_indirect_dma source(%dma_start3A_179 : memref<125x64xf32, #tpu.memory_space<vmem>>) target(%dma_start3A_185 : memref<10240x64xf32, #tpu.memory_space<vmem_shared>>) offsets(%dma_start3A_182 : memref<125xi32, #tpu.memory_space<vmem>>) semaphore(%run_scoped3A_175 : memref<!tpu.dma_semaphore, #tpu.memory_space<semaphore_mem>>) {add = true}
          %dma_wait3A_186 = arith.constant 0 : i32
          %dma_wait3A_187 = arith.constant 0 : i32
          %dma_wait3A_188 = tpu.memref_slice %arg11[%run_scoped3A_143, %dma_wait3A_186, %dma_wait3A_187] : memref<4x125x64xf32, #tpu.memory_space<vmem>> -> memref<1x125x64xf32, #tpu.memory_space<vmem>>
          %dma_wait3A_189 = tpu.memref_squeeze %dma_wait3A_188 : memref<1x125x64xf32, #tpu.memory_space<vmem>> -> memref<125x64xf32, #tpu.memory_space<vmem>>
          %dma_wait3A_190 = arith.constant 0 : i32
          %dma_wait3A_191 = tpu.memref_slice %arg10[%add3A_131, %dma_wait3A_190] : memref<160x125xi32, #tpu.memory_space<vmem>> -> memref<1x125xi32, #tpu.memory_space<vmem>>
          %dma_wait3A_192 = tpu.memref_squeeze %dma_wait3A_191 : memref<1x125xi32, #tpu.memory_space<vmem>> -> memref<125xi32, #tpu.memory_space<vmem>>
          %dma_wait3A_193 = arith.constant 0 : i32
          %dma_wait3A_194 = arith.constant 0 : i32
          %dma_wait3A_195 = tpu.memref_slice %arg12[%dma_wait3A_193, %dma_wait3A_194] : memref<10240x64xf32, #tpu.memory_space<vmem_shared>> -> memref<10240x64xf32, #tpu.memory_space<vmem_shared>>
          tpu.wait_indirect_dma semaphore(%run_scoped3A_175 : memref<!tpu.dma_semaphore, #tpu.memory_space<semaphore_mem>>) src(%dma_wait3A_189 : memref<125x64xf32, #tpu.memory_space<vmem>>) dst(%dma_wait3A_195 : memref<10240x64xf32, #tpu.memory_space<vmem_shared>>)
          tpu.yield
        }) : () -> ()
        %add3A_144 = arith.constant 4 : i32
        %add3A_145 = arith.addi %add3A_131, %add3A_144 : i32
        %lt3A_146 = arith.constant 160 : i32
        %lt3A_147 = arith.cmpi slt, %add3A_145, %lt3A_146 : i32
        %convert_element_type3A_148 = arith.extui %lt3A_147 : i1 to i32
        %cond3A_149 = arith.constant 0 : i32
        %cond3A_150 = arith.cmpi ne, %convert_element_type3A_148, %cond3A_149 : i32
        scf.if %cond3A_150 {
          %add3A_175 = arith.constant 4 : i32
          %add3A_176 = arith.addi %add3A_131, %add3A_175 : i32
          %dma_start3A_177 = arith.constant 2 : i32
          %dma_start3A_178 = arith.constant 0 : i32
          %dma_start3A_179 = arith.constant 0 : i32
          %dma_start3A_180 = tpu.memref_slice %arg11[%dma_start3A_177, %dma_start3A_178, %dma_start3A_179] : memref<4x125x64xf32, #tpu.memory_space<vmem>> -> memref<1x125x64xf32, #tpu.memory_space<vmem>>
          %dma_start3A_181 = tpu.memref_squeeze %dma_start3A_180 : memref<1x125x64xf32, #tpu.memory_space<vmem>> -> memref<125x64xf32, #tpu.memory_space<vmem>>
          %dma_start3A_182 = arith.constant 0 : i32
          %dma_start3A_183 = tpu.memref_slice %arg9[%add3A_176, %dma_start3A_182] : memref<160x125xi32, #tpu.memory_space<vmem>> -> memref<1x125xi32, #tpu.memory_space<vmem>>
          %dma_start3A_184 = tpu.memref_squeeze %dma_start3A_183 : memref<1x125xi32, #tpu.memory_space<vmem>> -> memref<125xi32, #tpu.memory_space<vmem>>
          %dma_start3A_185 = arith.constant 0 : i32
          %dma_start3A_186 = arith.constant 0 : i32
          %dma_start3A_187 = tpu.memref_slice %arg2[%dma_start3A_185, %dma_start3A_186] : memref<10000x64xf32, #tpu.memory_space<hbm>> -> memref<10000x64xf32, #tpu.memory_space<hbm>>
          tpu.enqueue_indirect_dma source(%dma_start3A_187 : memref<10000x64xf32, #tpu.memory_space<hbm>>) target(%dma_start3A_181 : memref<125x64xf32, #tpu.memory_space<vmem>>) offsets(%dma_start3A_184 : memref<125xi32, #tpu.memory_space<vmem>>) semaphore(%arg15 : memref<!tpu.dma_semaphore, #tpu.memory_space<semaphore_mem>>)
        } else {
        }
        %mul3A_151 = arith.constant 4 : i32
        %mul3A_152 = arith.muli %scan3A_84, %mul3A_151 : i32
        %add3A_153 = arith.constant 3 : i32
        %add3A_154 = arith.addi %mul3A_152, %add3A_153 : i32
        %dma_wait3A_155 = arith.constant 3 : i32
        %dma_wait3A_156 = arith.constant 0 : i32
        %dma_wait3A_157 = arith.constant 0 : i32
        %dma_wait3A_158 = tpu.memref_slice %arg11[%dma_wait3A_155, %dma_wait3A_156, %dma_wait3A_157] : memref<4x125x64xf32, #tpu.memory_space<vmem>> -> memref<1x125x64xf32, #tpu.memory_space<vmem>>
        %dma_wait3A_159 = tpu.memref_squeeze %dma_wait3A_158 : memref<1x125x64xf32, #tpu.memory_space<vmem>> -> memref<125x64xf32, #tpu.memory_space<vmem>>
        %dma_wait3A_160 = arith.constant 0 : i32
        %dma_wait3A_161 = tpu.memref_slice %arg9[%add3A_154, %dma_wait3A_160] : memref<160x125xi32, #tpu.memory_space<vmem>> -> memref<1x125xi32, #tpu.memory_space<vmem>>
        %dma_wait3A_162 = tpu.memref_squeeze %dma_wait3A_161 : memref<1x125xi32, #tpu.memory_space<vmem>> -> memref<125xi32, #tpu.memory_space<vmem>>
        %dma_wait3A_163 = arith.constant 0 : i32
        %dma_wait3A_164 = arith.constant 0 : i32
        %dma_wait3A_165 = tpu.memref_slice %arg2[%dma_wait3A_163, %dma_wait3A_164] : memref<10000x64xf32, #tpu.memory_space<hbm>> -> memref<10000x64xf32, #tpu.memory_space<hbm>>
        tpu.wait_indirect_dma semaphore(%arg16 : memref<!tpu.dma_semaphore, #tpu.memory_space<semaphore_mem>>) src(%dma_wait3A_165 : memref<10000x64xf32, #tpu.memory_space<hbm>>) dst(%dma_wait3A_159 : memref<125x64xf32, #tpu.memory_space<vmem>>)
        %run_scoped3A_166 = arith.constant 3 : i32
        "tpu.region"() ({
          %run_scoped3A_175 = tpu.sem_alloc : memref<!tpu.dma_semaphore, #tpu.memory_space<semaphore_mem>>
          %dma_start3A_176 = arith.constant 0 : i32
          %dma_start3A_177 = arith.constant 0 : i32
          %dma_start3A_178 = tpu.memref_slice %arg11[%run_scoped3A_166, %dma_start3A_176, %dma_start3A_177] : memref<4x125x64xf32, #tpu.memory_space<vmem>> -> memref<1x125x64xf32, #tpu.memory_space<vmem>>
          %dma_start3A_179 = tpu.memref_squeeze %dma_start3A_178 : memref<1x125x64xf32, #tpu.memory_space<vmem>> -> memref<125x64xf32, #tpu.memory_space<vmem>>
          %dma_start3A_180 = arith.constant 0 : i32
          %dma_start3A_181 = tpu.memref_slice %arg10[%add3A_154, %dma_start3A_180] : memref<160x125xi32, #tpu.memory_space<vmem>> -> memref<1x125xi32, #tpu.memory_space<vmem>>
          %dma_start3A_182 = tpu.memref_squeeze %dma_start3A_181 : memref<1x125xi32, #tpu.memory_space<vmem>> -> memref<125xi32, #tpu.memory_space<vmem>>
          %dma_start3A_183 = arith.constant 0 : i32
          %dma_start3A_184 = arith.constant 0 : i32
          %dma_start3A_185 = tpu.memref_slice %arg12[%dma_start3A_183, %dma_start3A_184] : memref<10240x64xf32, #tpu.memory_space<vmem_shared>> -> memref<10240x64xf32, #tpu.memory_space<vmem_shared>>
          tpu.enqueue_indirect_dma source(%dma_start3A_179 : memref<125x64xf32, #tpu.memory_space<vmem>>) target(%dma_start3A_185 : memref<10240x64xf32, #tpu.memory_space<vmem_shared>>) offsets(%dma_start3A_182 : memref<125xi32, #tpu.memory_space<vmem>>) semaphore(%run_scoped3A_175 : memref<!tpu.dma_semaphore, #tpu.memory_space<semaphore_mem>>) {add = true}
          %dma_wait3A_186 = arith.constant 0 : i32
          %dma_wait3A_187 = arith.constant 0 : i32
          %dma_wait3A_188 = tpu.memref_slice %arg11[%run_scoped3A_166, %dma_wait3A_186, %dma_wait3A_187] : memref<4x125x64xf32, #tpu.memory_space<vmem>> -> memref<1x125x64xf32, #tpu.memory_space<vmem>>
          %dma_wait3A_189 = tpu.memref_squeeze %dma_wait3A_188 : memref<1x125x64xf32, #tpu.memory_space<vmem>> -> memref<125x64xf32, #tpu.memory_space<vmem>>
          %dma_wait3A_190 = arith.constant 0 : i32
          %dma_wait3A_191 = tpu.memref_slice %arg10[%add3A_154, %dma_wait3A_190] : memref<160x125xi32, #tpu.memory_space<vmem>> -> memref<1x125xi32, #tpu.memory_space<vmem>>
          %dma_wait3A_192 = tpu.memref_squeeze %dma_wait3A_191 : memref<1x125xi32, #tpu.memory_space<vmem>> -> memref<125xi32, #tpu.memory_space<vmem>>
          %dma_wait3A_193 = arith.constant 0 : i32
          %dma_wait3A_194 = arith.constant 0 : i32
          %dma_wait3A_195 = tpu.memref_slice %arg12[%dma_wait3A_193, %dma_wait3A_194] : memref<10240x64xf32, #tpu.memory_space<vmem_shared>> -> memref<10240x64xf32, #tpu.memory_space<vmem_shared>>
          tpu.wait_indirect_dma semaphore(%run_scoped3A_175 : memref<!tpu.dma_semaphore, #tpu.memory_space<semaphore_mem>>) src(%dma_wait3A_189 : memref<125x64xf32, #tpu.memory_space<vmem>>) dst(%dma_wait3A_195 : memref<10240x64xf32, #tpu.memory_space<vmem_shared>>)
          tpu.yield
        }) : () -> ()
        %add3A_167 = arith.constant 4 : i32
        %add3A_168 = arith.addi %add3A_154, %add3A_167 : i32
        %lt3A_169 = arith.constant 160 : i32
        %lt3A_170 = arith.cmpi slt, %add3A_168, %lt3A_169 : i32
        %convert_element_type3A_171 = arith.extui %lt3A_170 : i1 to i32
        %cond3A_172 = arith.constant 0 : i32
        %cond3A_173 = arith.cmpi ne, %convert_element_type3A_171, %cond3A_172 : i32
        scf.if %cond3A_173 {
          %add3A_175 = arith.constant 4 : i32
          %add3A_176 = arith.addi %add3A_154, %add3A_175 : i32
          %dma_start3A_177 = arith.constant 3 : i32
          %dma_start3A_178 = arith.constant 0 : i32
          %dma_start3A_179 = arith.constant 0 : i32
          %dma_start3A_180 = tpu.memref_slice %arg11[%dma_start3A_177, %dma_start3A_178, %dma_start3A_179] : memref<4x125x64xf32, #tpu.memory_space<vmem>> -> memref<1x125x64xf32, #tpu.memory_space<vmem>>
          %dma_start3A_181 = tpu.memref_squeeze %dma_start3A_180 : memref<1x125x64xf32, #tpu.memory_space<vmem>> -> memref<125x64xf32, #tpu.memory_space<vmem>>
          %dma_start3A_182 = arith.constant 0 : i32
          %dma_start3A_183 = tpu.memref_slice %arg9[%add3A_176, %dma_start3A_182] : memref<160x125xi32, #tpu.memory_space<vmem>> -> memref<1x125xi32, #tpu.memory_space<vmem>>
          %dma_start3A_184 = tpu.memref_squeeze %dma_start3A_183 : memref<1x125xi32, #tpu.memory_space<vmem>> -> memref<125xi32, #tpu.memory_space<vmem>>
          %dma_start3A_185 = arith.constant 0 : i32
          %dma_start3A_186 = arith.constant 0 : i32
          %dma_start3A_187 = tpu.memref_slice %arg2[%dma_start3A_185, %dma_start3A_186] : memref<10000x64xf32, #tpu.memory_space<hbm>> -> memref<10000x64xf32, #tpu.memory_space<hbm>>
          tpu.enqueue_indirect_dma source(%dma_start3A_187 : memref<10000x64xf32, #tpu.memory_space<hbm>>) target(%dma_start3A_181 : memref<125x64xf32, #tpu.memory_space<vmem>>) offsets(%dma_start3A_184 : memref<125xi32, #tpu.memory_space<vmem>>) semaphore(%arg16 : memref<!tpu.dma_semaphore, #tpu.memory_space<semaphore_mem>>)
        } else {
        }
        %scan3A_174 = arith.constant 0 : i32
        scf.yield %scan3A_174 : i32
      }
      %scan3A_83 = arith.constant 40 : i32
    } else {
    }
    %eq3A_13 = arith.constant 1 : i32
    %eq3A_14 = arith.cmpi eq, %arg0, %eq3A_13 : i32
    %convert_element_type3A_15 = arith.extui %eq3A_14 : i1 to i32
    %cond3A_16 = arith.constant 0 : i32
    %cond3A_17 = arith.cmpi ne, %convert_element_type3A_15, %cond3A_16 : i32
    scf.if %cond3A_17 {
      %dma_start3A = arith.constant 0 : i32
      %dma_start3A_31 = arith.constant 0 : i32
      %dma_start3A_32 = arith.constant 0 : i32
      %dma_start3A_33 = arith.constant 0 : i32
      %dma_start3A_34 = tpu.memref_slice %arg11[%dma_start3A_31, %dma_start3A_32, %dma_start3A_33] : memref<4x125x64xf32, #tpu.memory_space<vmem>> -> memref<1x125x64xf32, #tpu.memory_space<vmem>>
      %dma_start3A_35 = tpu.memref_squeeze %dma_start3A_34 : memref<1x125x64xf32, #tpu.memory_space<vmem>> -> memref<125x64xf32, #tpu.memory_space<vmem>>
      %dma_start3A_36 = arith.constant 0 : i32
      %dma_start3A_37 = tpu.memref_slice %arg9[%dma_start3A, %dma_start3A_36] : memref<160x125xi32, #tpu.memory_space<vmem>> -> memref<1x125xi32, #tpu.memory_space<vmem>>
      %dma_start3A_38 = tpu.memref_squeeze %dma_start3A_37 : memref<1x125xi32, #tpu.memory_space<vmem>> -> memref<125xi32, #tpu.memory_space<vmem>>
      %dma_start3A_39 = arith.constant 0 : i32
      %dma_start3A_40 = arith.constant 0 : i32
      %dma_start3A_41 = tpu.memref_slice %arg3[%dma_start3A_39, %dma_start3A_40] : memref<10000x64xf32, #tpu.memory_space<hbm>> -> memref<10000x64xf32, #tpu.memory_space<hbm>>
      tpu.enqueue_indirect_dma source(%dma_start3A_41 : memref<10000x64xf32, #tpu.memory_space<hbm>>) target(%dma_start3A_35 : memref<125x64xf32, #tpu.memory_space<vmem>>) offsets(%dma_start3A_38 : memref<125xi32, #tpu.memory_space<vmem>>) semaphore(%arg13 : memref<!tpu.dma_semaphore, #tpu.memory_space<semaphore_mem>>)
      %dma_start3A_42 = arith.constant 1 : i32
      %dma_start3A_43 = arith.constant 1 : i32
      %dma_start3A_44 = arith.constant 0 : i32
      %dma_start3A_45 = arith.constant 0 : i32
      %dma_start3A_46 = tpu.memref_slice %arg11[%dma_start3A_43, %dma_start3A_44, %dma_start3A_45] : memref<4x125x64xf32, #tpu.memory_space<vmem>> -> memref<1x125x64xf32, #tpu.memory_space<vmem>>
      %dma_start3A_47 = tpu.memref_squeeze %dma_start3A_46 : memref<1x125x64xf32, #tpu.memory_space<vmem>> -> memref<125x64xf32, #tpu.memory_space<vmem>>
      %dma_start3A_48 = arith.constant 0 : i32
      %dma_start3A_49 = tpu.memref_slice %arg9[%dma_start3A_42, %dma_start3A_48] : memref<160x125xi32, #tpu.memory_space<vmem>> -> memref<1x125xi32, #tpu.memory_space<vmem>>
      %dma_start3A_50 = tpu.memref_squeeze %dma_start3A_49 : memref<1x125xi32, #tpu.memory_space<vmem>> -> memref<125xi32, #tpu.memory_space<vmem>>
      %dma_start3A_51 = arith.constant 0 : i32
      %dma_start3A_52 = arith.constant 0 : i32
      %dma_start3A_53 = tpu.memref_slice %arg3[%dma_start3A_51, %dma_start3A_52] : memref<10000x64xf32, #tpu.memory_space<hbm>> -> memref<10000x64xf32, #tpu.memory_space<hbm>>
      tpu.enqueue_indirect_dma source(%dma_start3A_53 : memref<10000x64xf32, #tpu.memory_space<hbm>>) target(%dma_start3A_47 : memref<125x64xf32, #tpu.memory_space<vmem>>) offsets(%dma_start3A_50 : memref<125xi32, #tpu.memory_space<vmem>>) semaphore(%arg14 : memref<!tpu.dma_semaphore, #tpu.memory_space<semaphore_mem>>)
      %dma_start3A_54 = arith.constant 2 : i32
      %dma_start3A_55 = arith.constant 2 : i32
      %dma_start3A_56 = arith.constant 0 : i32
      %dma_start3A_57 = arith.constant 0 : i32
      %dma_start3A_58 = tpu.memref_slice %arg11[%dma_start3A_55, %dma_start3A_56, %dma_start3A_57] : memref<4x125x64xf32, #tpu.memory_space<vmem>> -> memref<1x125x64xf32, #tpu.memory_space<vmem>>
      %dma_start3A_59 = tpu.memref_squeeze %dma_start3A_58 : memref<1x125x64xf32, #tpu.memory_space<vmem>> -> memref<125x64xf32, #tpu.memory_space<vmem>>
      %dma_start3A_60 = arith.constant 0 : i32
      %dma_start3A_61 = tpu.memref_slice %arg9[%dma_start3A_54, %dma_start3A_60] : memref<160x125xi32, #tpu.memory_space<vmem>> -> memref<1x125xi32, #tpu.memory_space<vmem>>
      %dma_start3A_62 = tpu.memref_squeeze %dma_start3A_61 : memref<1x125xi32, #tpu.memory_space<vmem>> -> memref<125xi32, #tpu.memory_space<vmem>>
      %dma_start3A_63 = arith.constant 0 : i32
      %dma_start3A_64 = arith.constant 0 : i32
      %dma_start3A_65 = tpu.memref_slice %arg3[%dma_start3A_63, %dma_start3A_64] : memref<10000x64xf32, #tpu.memory_space<hbm>> -> memref<10000x64xf32, #tpu.memory_space<hbm>>
      tpu.enqueue_indirect_dma source(%dma_start3A_65 : memref<10000x64xf32, #tpu.memory_space<hbm>>) target(%dma_start3A_59 : memref<125x64xf32, #tpu.memory_space<vmem>>) offsets(%dma_start3A_62 : memref<125xi32, #tpu.memory_space<vmem>>) semaphore(%arg15 : memref<!tpu.dma_semaphore, #tpu.memory_space<semaphore_mem>>)
      %dma_start3A_66 = arith.constant 3 : i32
      %dma_start3A_67 = arith.constant 3 : i32
      %dma_start3A_68 = arith.constant 0 : i32
      %dma_start3A_69 = arith.constant 0 : i32
      %dma_start3A_70 = tpu.memref_slice %arg11[%dma_start3A_67, %dma_start3A_68, %dma_start3A_69] : memref<4x125x64xf32, #tpu.memory_space<vmem>> -> memref<1x125x64xf32, #tpu.memory_space<vmem>>
      %dma_start3A_71 = tpu.memref_squeeze %dma_start3A_70 : memref<1x125x64xf32, #tpu.memory_space<vmem>> -> memref<125x64xf32, #tpu.memory_space<vmem>>
      %dma_start3A_72 = arith.constant 0 : i32
      %dma_start3A_73 = tpu.memref_slice %arg9[%dma_start3A_66, %dma_start3A_72] : memref<160x125xi32, #tpu.memory_space<vmem>> -> memref<1x125xi32, #tpu.memory_space<vmem>>
      %dma_start3A_74 = tpu.memref_squeeze %dma_start3A_73 : memref<1x125xi32, #tpu.memory_space<vmem>> -> memref<125xi32, #tpu.memory_space<vmem>>
      %dma_start3A_75 = arith.constant 0 : i32
      %dma_start3A_76 = arith.constant 0 : i32
      %dma_start3A_77 = tpu.memref_slice %arg3[%dma_start3A_75, %dma_start3A_76] : memref<10000x64xf32, #tpu.memory_space<hbm>> -> memref<10000x64xf32, #tpu.memory_space<hbm>>
      tpu.enqueue_indirect_dma source(%dma_start3A_77 : memref<10000x64xf32, #tpu.memory_space<hbm>>) target(%dma_start3A_71 : memref<125x64xf32, #tpu.memory_space<vmem>>) offsets(%dma_start3A_74 : memref<125xi32, #tpu.memory_space<vmem>>) semaphore(%arg16 : memref<!tpu.dma_semaphore, #tpu.memory_space<semaphore_mem>>)
      %scan3A = arith.constant 0 : i32
      %scan3A_78 = arith.constant 0 : i32
      %scan3A_79 = arith.constant 40 : i32
      %scan3A_80 = arith.addi %scan3A_78, %scan3A_79 : i32
      %scan3A_81 = arith.constant 1 : i32
      %scan3A_82 = scf.for %scan3A_84 = %scan3A_78 to %scan3A_80 step %scan3A_81 iter_args(%scan3A_85 = %scan3A) -> (i32)  : i32 {
        %mul3A_86 = arith.constant 4 : i32
        %mul3A_87 = arith.muli %scan3A_84, %mul3A_86 : i32
        %add3A = arith.constant 0 : i32
        %add3A_88 = arith.addi %mul3A_87, %add3A : i32
        %dma_wait3A = arith.constant 0 : i32
        %dma_wait3A_89 = arith.constant 0 : i32
        %dma_wait3A_90 = arith.constant 0 : i32
        %dma_wait3A_91 = tpu.memref_slice %arg11[%dma_wait3A, %dma_wait3A_89, %dma_wait3A_90] : memref<4x125x64xf32, #tpu.memory_space<vmem>> -> memref<1x125x64xf32, #tpu.memory_space<vmem>>
        %dma_wait3A_92 = tpu.memref_squeeze %dma_wait3A_91 : memref<1x125x64xf32, #tpu.memory_space<vmem>> -> memref<125x64xf32, #tpu.memory_space<vmem>>
        %dma_wait3A_93 = arith.constant 0 : i32
        %dma_wait3A_94 = tpu.memref_slice %arg9[%add3A_88, %dma_wait3A_93] : memref<160x125xi32, #tpu.memory_space<vmem>> -> memref<1x125xi32, #tpu.memory_space<vmem>>
        %dma_wait3A_95 = tpu.memref_squeeze %dma_wait3A_94 : memref<1x125xi32, #tpu.memory_space<vmem>> -> memref<125xi32, #tpu.memory_space<vmem>>
        %dma_wait3A_96 = arith.constant 0 : i32
        %dma_wait3A_97 = arith.constant 0 : i32
        %dma_wait3A_98 = tpu.memref_slice %arg3[%dma_wait3A_96, %dma_wait3A_97] : memref<10000x64xf32, #tpu.memory_space<hbm>> -> memref<10000x64xf32, #tpu.memory_space<hbm>>
        tpu.wait_indirect_dma semaphore(%arg13 : memref<!tpu.dma_semaphore, #tpu.memory_space<semaphore_mem>>) src(%dma_wait3A_98 : memref<10000x64xf32, #tpu.memory_space<hbm>>) dst(%dma_wait3A_92 : memref<125x64xf32, #tpu.memory_space<vmem>>)
        %run_scoped3A = arith.constant 0 : i32
        "tpu.region"() ({
          %run_scoped3A_175 = tpu.sem_alloc : memref<!tpu.dma_semaphore, #tpu.memory_space<semaphore_mem>>
          %dma_start3A_176 = arith.constant 0 : i32
          %dma_start3A_177 = arith.constant 0 : i32
          %dma_start3A_178 = tpu.memref_slice %arg11[%run_scoped3A, %dma_start3A_176, %dma_start3A_177] : memref<4x125x64xf32, #tpu.memory_space<vmem>> -> memref<1x125x64xf32, #tpu.memory_space<vmem>>
          %dma_start3A_179 = tpu.memref_squeeze %dma_start3A_178 : memref<1x125x64xf32, #tpu.memory_space<vmem>> -> memref<125x64xf32, #tpu.memory_space<vmem>>
          %dma_start3A_180 = arith.constant 0 : i32
          %dma_start3A_181 = tpu.memref_slice %arg10[%add3A_88, %dma_start3A_180] : memref<160x125xi32, #tpu.memory_space<vmem>> -> memref<1x125xi32, #tpu.memory_space<vmem>>
          %dma_start3A_182 = tpu.memref_squeeze %dma_start3A_181 : memref<1x125xi32, #tpu.memory_space<vmem>> -> memref<125xi32, #tpu.memory_space<vmem>>
          %dma_start3A_183 = arith.constant 0 : i32
          %dma_start3A_184 = arith.constant 0 : i32
          %dma_start3A_185 = tpu.memref_slice %arg12[%dma_start3A_183, %dma_start3A_184] : memref<10240x64xf32, #tpu.memory_space<vmem_shared>> -> memref<10240x64xf32, #tpu.memory_space<vmem_shared>>
          tpu.enqueue_indirect_dma source(%dma_start3A_179 : memref<125x64xf32, #tpu.memory_space<vmem>>) target(%dma_start3A_185 : memref<10240x64xf32, #tpu.memory_space<vmem_shared>>) offsets(%dma_start3A_182 : memref<125xi32, #tpu.memory_space<vmem>>) semaphore(%run_scoped3A_175 : memref<!tpu.dma_semaphore, #tpu.memory_space<semaphore_mem>>) {add = true}
          %dma_wait3A_186 = arith.constant 0 : i32
          %dma_wait3A_187 = arith.constant 0 : i32
          %dma_wait3A_188 = tpu.memref_slice %arg11[%run_scoped3A, %dma_wait3A_186, %dma_wait3A_187] : memref<4x125x64xf32, #tpu.memory_space<vmem>> -> memref<1x125x64xf32, #tpu.memory_space<vmem>>
          %dma_wait3A_189 = tpu.memref_squeeze %dma_wait3A_188 : memref<1x125x64xf32, #tpu.memory_space<vmem>> -> memref<125x64xf32, #tpu.memory_space<vmem>>
          %dma_wait3A_190 = arith.constant 0 : i32
          %dma_wait3A_191 = tpu.memref_slice %arg10[%add3A_88, %dma_wait3A_190] : memref<160x125xi32, #tpu.memory_space<vmem>> -> memref<1x125xi32, #tpu.memory_space<vmem>>
          %dma_wait3A_192 = tpu.memref_squeeze %dma_wait3A_191 : memref<1x125xi32, #tpu.memory_space<vmem>> -> memref<125xi32, #tpu.memory_space<vmem>>
          %dma_wait3A_193 = arith.constant 0 : i32
          %dma_wait3A_194 = arith.constant 0 : i32
          %dma_wait3A_195 = tpu.memref_slice %arg12[%dma_wait3A_193, %dma_wait3A_194] : memref<10240x64xf32, #tpu.memory_space<vmem_shared>> -> memref<10240x64xf32, #tpu.memory_space<vmem_shared>>
          tpu.wait_indirect_dma semaphore(%run_scoped3A_175 : memref<!tpu.dma_semaphore, #tpu.memory_space<semaphore_mem>>) src(%dma_wait3A_189 : memref<125x64xf32, #tpu.memory_space<vmem>>) dst(%dma_wait3A_195 : memref<10240x64xf32, #tpu.memory_space<vmem_shared>>)
          tpu.yield
        }) : () -> ()
        %add3A_99 = arith.constant 4 : i32
        %add3A_100 = arith.addi %add3A_88, %add3A_99 : i32
        %lt3A = arith.constant 160 : i32
        %lt3A_101 = arith.cmpi slt, %add3A_100, %lt3A : i32
        %convert_element_type3A_102 = arith.extui %lt3A_101 : i1 to i32
        %cond3A_103 = arith.constant 0 : i32
        %cond3A_104 = arith.cmpi ne, %convert_element_type3A_102, %cond3A_103 : i32
        scf.if %cond3A_104 {
          %add3A_175 = arith.constant 4 : i32
          %add3A_176 = arith.addi %add3A_88, %add3A_175 : i32
          %dma_start3A_177 = arith.constant 0 : i32
          %dma_start3A_178 = arith.constant 0 : i32
          %dma_start3A_179 = arith.constant 0 : i32
          %dma_start3A_180 = tpu.memref_slice %arg11[%dma_start3A_177, %dma_start3A_178, %dma_start3A_179] : memref<4x125x64xf32, #tpu.memory_space<vmem>> -> memref<1x125x64xf32, #tpu.memory_space<vmem>>
          %dma_start3A_181 = tpu.memref_squeeze %dma_start3A_180 : memref<1x125x64xf32, #tpu.memory_space<vmem>> -> memref<125x64xf32, #tpu.memory_space<vmem>>
          %dma_start3A_182 = arith.constant 0 : i32
          %dma_start3A_183 = tpu.memref_slice %arg9[%add3A_176, %dma_start3A_182] : memref<160x125xi32, #tpu.memory_space<vmem>> -> memref<1x125xi32, #tpu.memory_space<vmem>>
          %dma_start3A_184 = tpu.memref_squeeze %dma_start3A_183 : memref<1x125xi32, #tpu.memory_space<vmem>> -> memref<125xi32, #tpu.memory_space<vmem>>
          %dma_start3A_185 = arith.constant 0 : i32
          %dma_start3A_186 = arith.constant 0 : i32
          %dma_start3A_187 = tpu.memref_slice %arg3[%dma_start3A_185, %dma_start3A_186] : memref<10000x64xf32, #tpu.memory_space<hbm>> -> memref<10000x64xf32, #tpu.memory_space<hbm>>
          tpu.enqueue_indirect_dma source(%dma_start3A_187 : memref<10000x64xf32, #tpu.memory_space<hbm>>) target(%dma_start3A_181 : memref<125x64xf32, #tpu.memory_space<vmem>>) offsets(%dma_start3A_184 : memref<125xi32, #tpu.memory_space<vmem>>) semaphore(%arg13 : memref<!tpu.dma_semaphore, #tpu.memory_space<semaphore_mem>>)
        } else {
        }
        %mul3A_105 = arith.constant 4 : i32
        %mul3A_106 = arith.muli %scan3A_84, %mul3A_105 : i32
        %add3A_107 = arith.constant 1 : i32
        %add3A_108 = arith.addi %mul3A_106, %add3A_107 : i32
        %dma_wait3A_109 = arith.constant 1 : i32
        %dma_wait3A_110 = arith.constant 0 : i32
        %dma_wait3A_111 = arith.constant 0 : i32
        %dma_wait3A_112 = tpu.memref_slice %arg11[%dma_wait3A_109, %dma_wait3A_110, %dma_wait3A_111] : memref<4x125x64xf32, #tpu.memory_space<vmem>> -> memref<1x125x64xf32, #tpu.memory_space<vmem>>
        %dma_wait3A_113 = tpu.memref_squeeze %dma_wait3A_112 : memref<1x125x64xf32, #tpu.memory_space<vmem>> -> memref<125x64xf32, #tpu.memory_space<vmem>>
        %dma_wait3A_114 = arith.constant 0 : i32
        %dma_wait3A_115 = tpu.memref_slice %arg9[%add3A_108, %dma_wait3A_114] : memref<160x125xi32, #tpu.memory_space<vmem>> -> memref<1x125xi32, #tpu.memory_space<vmem>>
        %dma_wait3A_116 = tpu.memref_squeeze %dma_wait3A_115 : memref<1x125xi32, #tpu.memory_space<vmem>> -> memref<125xi32, #tpu.memory_space<vmem>>
        %dma_wait3A_117 = arith.constant 0 : i32
        %dma_wait3A_118 = arith.constant 0 : i32
        %dma_wait3A_119 = tpu.memref_slice %arg3[%dma_wait3A_117, %dma_wait3A_118] : memref<10000x64xf32, #tpu.memory_space<hbm>> -> memref<10000x64xf32, #tpu.memory_space<hbm>>
        tpu.wait_indirect_dma semaphore(%arg14 : memref<!tpu.dma_semaphore, #tpu.memory_space<semaphore_mem>>) src(%dma_wait3A_119 : memref<10000x64xf32, #tpu.memory_space<hbm>>) dst(%dma_wait3A_113 : memref<125x64xf32, #tpu.memory_space<vmem>>)
        %run_scoped3A_120 = arith.constant 1 : i32
        "tpu.region"() ({
          %run_scoped3A_175 = tpu.sem_alloc : memref<!tpu.dma_semaphore, #tpu.memory_space<semaphore_mem>>
          %dma_start3A_176 = arith.constant 0 : i32
          %dma_start3A_177 = arith.constant 0 : i32
          %dma_start3A_178 = tpu.memref_slice %arg11[%run_scoped3A_120, %dma_start3A_176, %dma_start3A_177] : memref<4x125x64xf32, #tpu.memory_space<vmem>> -> memref<1x125x64xf32, #tpu.memory_space<vmem>>
          %dma_start3A_179 = tpu.memref_squeeze %dma_start3A_178 : memref<1x125x64xf32, #tpu.memory_space<vmem>> -> memref<125x64xf32, #tpu.memory_space<vmem>>
          %dma_start3A_180 = arith.constant 0 : i32
          %dma_start3A_181 = tpu.memref_slice %arg10[%add3A_108, %dma_start3A_180] : memref<160x125xi32, #tpu.memory_space<vmem>> -> memref<1x125xi32, #tpu.memory_space<vmem>>
          %dma_start3A_182 = tpu.memref_squeeze %dma_start3A_181 : memref<1x125xi32, #tpu.memory_space<vmem>> -> memref<125xi32, #tpu.memory_space<vmem>>
          %dma_start3A_183 = arith.constant 0 : i32
          %dma_start3A_184 = arith.constant 0 : i32
          %dma_start3A_185 = tpu.memref_slice %arg12[%dma_start3A_183, %dma_start3A_184] : memref<10240x64xf32, #tpu.memory_space<vmem_shared>> -> memref<10240x64xf32, #tpu.memory_space<vmem_shared>>
          tpu.enqueue_indirect_dma source(%dma_start3A_179 : memref<125x64xf32, #tpu.memory_space<vmem>>) target(%dma_start3A_185 : memref<10240x64xf32, #tpu.memory_space<vmem_shared>>) offsets(%dma_start3A_182 : memref<125xi32, #tpu.memory_space<vmem>>) semaphore(%run_scoped3A_175 : memref<!tpu.dma_semaphore, #tpu.memory_space<semaphore_mem>>) {add = true}
          %dma_wait3A_186 = arith.constant 0 : i32
          %dma_wait3A_187 = arith.constant 0 : i32
          %dma_wait3A_188 = tpu.memref_slice %arg11[%run_scoped3A_120, %dma_wait3A_186, %dma_wait3A_187] : memref<4x125x64xf32, #tpu.memory_space<vmem>> -> memref<1x125x64xf32, #tpu.memory_space<vmem>>
          %dma_wait3A_189 = tpu.memref_squeeze %dma_wait3A_188 : memref<1x125x64xf32, #tpu.memory_space<vmem>> -> memref<125x64xf32, #tpu.memory_space<vmem>>
          %dma_wait3A_190 = arith.constant 0 : i32
          %dma_wait3A_191 = tpu.memref_slice %arg10[%add3A_108, %dma_wait3A_190] : memref<160x125xi32, #tpu.memory_space<vmem>> -> memref<1x125xi32, #tpu.memory_space<vmem>>
          %dma_wait3A_192 = tpu.memref_squeeze %dma_wait3A_191 : memref<1x125xi32, #tpu.memory_space<vmem>> -> memref<125xi32, #tpu.memory_space<vmem>>
          %dma_wait3A_193 = arith.constant 0 : i32
          %dma_wait3A_194 = arith.constant 0 : i32
          %dma_wait3A_195 = tpu.memref_slice %arg12[%dma_wait3A_193, %dma_wait3A_194] : memref<10240x64xf32, #tpu.memory_space<vmem_shared>> -> memref<10240x64xf32, #tpu.memory_space<vmem_shared>>
          tpu.wait_indirect_dma semaphore(%run_scoped3A_175 : memref<!tpu.dma_semaphore, #tpu.memory_space<semaphore_mem>>) src(%dma_wait3A_189 : memref<125x64xf32, #tpu.memory_space<vmem>>) dst(%dma_wait3A_195 : memref<10240x64xf32, #tpu.memory_space<vmem_shared>>)
          tpu.yield
        }) : () -> ()
        %add3A_121 = arith.constant 4 : i32
        %add3A_122 = arith.addi %add3A_108, %add3A_121 : i32
        %lt3A_123 = arith.constant 160 : i32
        %lt3A_124 = arith.cmpi slt, %add3A_122, %lt3A_123 : i32
        %convert_element_type3A_125 = arith.extui %lt3A_124 : i1 to i32
        %cond3A_126 = arith.constant 0 : i32
        %cond3A_127 = arith.cmpi ne, %convert_element_type3A_125, %cond3A_126 : i32
        scf.if %cond3A_127 {
          %add3A_175 = arith.constant 4 : i32
          %add3A_176 = arith.addi %add3A_108, %add3A_175 : i32
          %dma_start3A_177 = arith.constant 1 : i32
          %dma_start3A_178 = arith.constant 0 : i32
          %dma_start3A_179 = arith.constant 0 : i32
          %dma_start3A_180 = tpu.memref_slice %arg11[%dma_start3A_177, %dma_start3A_178, %dma_start3A_179] : memref<4x125x64xf32, #tpu.memory_space<vmem>> -> memref<1x125x64xf32, #tpu.memory_space<vmem>>
          %dma_start3A_181 = tpu.memref_squeeze %dma_start3A_180 : memref<1x125x64xf32, #tpu.memory_space<vmem>> -> memref<125x64xf32, #tpu.memory_space<vmem>>
          %dma_start3A_182 = arith.constant 0 : i32
          %dma_start3A_183 = tpu.memref_slice %arg9[%add3A_176, %dma_start3A_182] : memref<160x125xi32, #tpu.memory_space<vmem>> -> memref<1x125xi32, #tpu.memory_space<vmem>>
          %dma_start3A_184 = tpu.memref_squeeze %dma_start3A_183 : memref<1x125xi32, #tpu.memory_space<vmem>> -> memref<125xi32, #tpu.memory_space<vmem>>
          %dma_start3A_185 = arith.constant 0 : i32
          %dma_start3A_186 = arith.constant 0 : i32
          %dma_start3A_187 = tpu.memref_slice %arg3[%dma_start3A_185, %dma_start3A_186] : memref<10000x64xf32, #tpu.memory_space<hbm>> -> memref<10000x64xf32, #tpu.memory_space<hbm>>
          tpu.enqueue_indirect_dma source(%dma_start3A_187 : memref<10000x64xf32, #tpu.memory_space<hbm>>) target(%dma_start3A_181 : memref<125x64xf32, #tpu.memory_space<vmem>>) offsets(%dma_start3A_184 : memref<125xi32, #tpu.memory_space<vmem>>) semaphore(%arg14 : memref<!tpu.dma_semaphore, #tpu.memory_space<semaphore_mem>>)
        } else {
        }
        %mul3A_128 = arith.constant 4 : i32
        %mul3A_129 = arith.muli %scan3A_84, %mul3A_128 : i32
        %add3A_130 = arith.constant 2 : i32
        %add3A_131 = arith.addi %mul3A_129, %add3A_130 : i32
        %dma_wait3A_132 = arith.constant 2 : i32
        %dma_wait3A_133 = arith.constant 0 : i32
        %dma_wait3A_134 = arith.constant 0 : i32
        %dma_wait3A_135 = tpu.memref_slice %arg11[%dma_wait3A_132, %dma_wait3A_133, %dma_wait3A_134] : memref<4x125x64xf32, #tpu.memory_space<vmem>> -> memref<1x125x64xf32, #tpu.memory_space<vmem>>
        %dma_wait3A_136 = tpu.memref_squeeze %dma_wait3A_135 : memref<1x125x64xf32, #tpu.memory_space<vmem>> -> memref<125x64xf32, #tpu.memory_space<vmem>>
        %dma_wait3A_137 = arith.constant 0 : i32
        %dma_wait3A_138 = tpu.memref_slice %arg9[%add3A_131, %dma_wait3A_137] : memref<160x125xi32, #tpu.memory_space<vmem>> -> memref<1x125xi32, #tpu.memory_space<vmem>>
        %dma_wait3A_139 = tpu.memref_squeeze %dma_wait3A_138 : memref<1x125xi32, #tpu.memory_space<vmem>> -> memref<125xi32, #tpu.memory_space<vmem>>
        %dma_wait3A_140 = arith.constant 0 : i32
        %dma_wait3A_141 = arith.constant 0 : i32
        %dma_wait3A_142 = tpu.memref_slice %arg3[%dma_wait3A_140, %dma_wait3A_141] : memref<10000x64xf32, #tpu.memory_space<hbm>> -> memref<10000x64xf32, #tpu.memory_space<hbm>>
        tpu.wait_indirect_dma semaphore(%arg15 : memref<!tpu.dma_semaphore, #tpu.memory_space<semaphore_mem>>) src(%dma_wait3A_142 : memref<10000x64xf32, #tpu.memory_space<hbm>>) dst(%dma_wait3A_136 : memref<125x64xf32, #tpu.memory_space<vmem>>)
        %run_scoped3A_143 = arith.constant 2 : i32
        "tpu.region"() ({
          %run_scoped3A_175 = tpu.sem_alloc : memref<!tpu.dma_semaphore, #tpu.memory_space<semaphore_mem>>
          %dma_start3A_176 = arith.constant 0 : i32
          %dma_start3A_177 = arith.constant 0 : i32
          %dma_start3A_178 = tpu.memref_slice %arg11[%run_scoped3A_143, %dma_start3A_176, %dma_start3A_177] : memref<4x125x64xf32, #tpu.memory_space<vmem>> -> memref<1x125x64xf32, #tpu.memory_space<vmem>>
          %dma_start3A_179 = tpu.memref_squeeze %dma_start3A_178 : memref<1x125x64xf32, #tpu.memory_space<vmem>> -> memref<125x64xf32, #tpu.memory_space<vmem>>
          %dma_start3A_180 = arith.constant 0 : i32
          %dma_start3A_181 = tpu.memref_slice %arg10[%add3A_131, %dma_start3A_180] : memref<160x125xi32, #tpu.memory_space<vmem>> -> memref<1x125xi32, #tpu.memory_space<vmem>>
          %dma_start3A_182 = tpu.memref_squeeze %dma_start3A_181 : memref<1x125xi32, #tpu.memory_space<vmem>> -> memref<125xi32, #tpu.memory_space<vmem>>
          %dma_start3A_183 = arith.constant 0 : i32
          %dma_start3A_184 = arith.constant 0 : i32
          %dma_start3A_185 = tpu.memref_slice %arg12[%dma_start3A_183, %dma_start3A_184] : memref<10240x64xf32, #tpu.memory_space<vmem_shared>> -> memref<10240x64xf32, #tpu.memory_space<vmem_shared>>
          tpu.enqueue_indirect_dma source(%dma_start3A_179 : memref<125x64xf32, #tpu.memory_space<vmem>>) target(%dma_start3A_185 : memref<10240x64xf32, #tpu.memory_space<vmem_shared>>) offsets(%dma_start3A_182 : memref<125xi32, #tpu.memory_space<vmem>>) semaphore(%run_scoped3A_175 : memref<!tpu.dma_semaphore, #tpu.memory_space<semaphore_mem>>) {add = true}
          %dma_wait3A_186 = arith.constant 0 : i32
          %dma_wait3A_187 = arith.constant 0 : i32
          %dma_wait3A_188 = tpu.memref_slice %arg11[%run_scoped3A_143, %dma_wait3A_186, %dma_wait3A_187] : memref<4x125x64xf32, #tpu.memory_space<vmem>> -> memref<1x125x64xf32, #tpu.memory_space<vmem>>
          %dma_wait3A_189 = tpu.memref_squeeze %dma_wait3A_188 : memref<1x125x64xf32, #tpu.memory_space<vmem>> -> memref<125x64xf32, #tpu.memory_space<vmem>>
          %dma_wait3A_190 = arith.constant 0 : i32
          %dma_wait3A_191 = tpu.memref_slice %arg10[%add3A_131, %dma_wait3A_190] : memref<160x125xi32, #tpu.memory_space<vmem>> -> memref<1x125xi32, #tpu.memory_space<vmem>>
          %dma_wait3A_192 = tpu.memref_squeeze %dma_wait3A_191 : memref<1x125xi32, #tpu.memory_space<vmem>> -> memref<125xi32, #tpu.memory_space<vmem>>
          %dma_wait3A_193 = arith.constant 0 : i32
          %dma_wait3A_194 = arith.constant 0 : i32
          %dma_wait3A_195 = tpu.memref_slice %arg12[%dma_wait3A_193, %dma_wait3A_194] : memref<10240x64xf32, #tpu.memory_space<vmem_shared>> -> memref<10240x64xf32, #tpu.memory_space<vmem_shared>>
          tpu.wait_indirect_dma semaphore(%run_scoped3A_175 : memref<!tpu.dma_semaphore, #tpu.memory_space<semaphore_mem>>) src(%dma_wait3A_189 : memref<125x64xf32, #tpu.memory_space<vmem>>) dst(%dma_wait3A_195 : memref<10240x64xf32, #tpu.memory_space<vmem_shared>>)
          tpu.yield
        }) : () -> ()
        %add3A_144 = arith.constant 4 : i32
        %add3A_145 = arith.addi %add3A_131, %add3A_144 : i32
        %lt3A_146 = arith.constant 160 : i32
        %lt3A_147 = arith.cmpi slt, %add3A_145, %lt3A_146 : i32
        %convert_element_type3A_148 = arith.extui %lt3A_147 : i1 to i32
        %cond3A_149 = arith.constant 0 : i32
        %cond3A_150 = arith.cmpi ne, %convert_element_type3A_148, %cond3A_149 : i32
        scf.if %cond3A_150 {
          %add3A_175 = arith.constant 4 : i32
          %add3A_176 = arith.addi %add3A_131, %add3A_175 : i32
          %dma_start3A_177 = arith.constant 2 : i32
          %dma_start3A_178 = arith.constant 0 : i32
          %dma_start3A_179 = arith.constant 0 : i32
          %dma_start3A_180 = tpu.memref_slice %arg11[%dma_start3A_177, %dma_start3A_178, %dma_start3A_179] : memref<4x125x64xf32, #tpu.memory_space<vmem>> -> memref<1x125x64xf32, #tpu.memory_space<vmem>>
          %dma_start3A_181 = tpu.memref_squeeze %dma_start3A_180 : memref<1x125x64xf32, #tpu.memory_space<vmem>> -> memref<125x64xf32, #tpu.memory_space<vmem>>
          %dma_start3A_182 = arith.constant 0 : i32
          %dma_start3A_183 = tpu.memref_slice %arg9[%add3A_176, %dma_start3A_182] : memref<160x125xi32, #tpu.memory_space<vmem>> -> memref<1x125xi32, #tpu.memory_space<vmem>>
          %dma_start3A_184 = tpu.memref_squeeze %dma_start3A_183 : memref<1x125xi32, #tpu.memory_space<vmem>> -> memref<125xi32, #tpu.memory_space<vmem>>
          %dma_start3A_185 = arith.constant 0 : i32
          %dma_start3A_186 = arith.constant 0 : i32
          %dma_start3A_187 = tpu.memref_slice %arg3[%dma_start3A_185, %dma_start3A_186] : memref<10000x64xf32, #tpu.memory_space<hbm>> -> memref<10000x64xf32, #tpu.memory_space<hbm>>
          tpu.enqueue_indirect_dma source(%dma_start3A_187 : memref<10000x64xf32, #tpu.memory_space<hbm>>) target(%dma_start3A_181 : memref<125x64xf32, #tpu.memory_space<vmem>>) offsets(%dma_start3A_184 : memref<125xi32, #tpu.memory_space<vmem>>) semaphore(%arg15 : memref<!tpu.dma_semaphore, #tpu.memory_space<semaphore_mem>>)
        } else {
        }
        %mul3A_151 = arith.constant 4 : i32
        %mul3A_152 = arith.muli %scan3A_84, %mul3A_151 : i32
        %add3A_153 = arith.constant 3 : i32
        %add3A_154 = arith.addi %mul3A_152, %add3A_153 : i32
        %dma_wait3A_155 = arith.constant 3 : i32
        %dma_wait3A_156 = arith.constant 0 : i32
        %dma_wait3A_157 = arith.constant 0 : i32
        %dma_wait3A_158 = tpu.memref_slice %arg11[%dma_wait3A_155, %dma_wait3A_156, %dma_wait3A_157] : memref<4x125x64xf32, #tpu.memory_space<vmem>> -> memref<1x125x64xf32, #tpu.memory_space<vmem>>
        %dma_wait3A_159 = tpu.memref_squeeze %dma_wait3A_158 : memref<1x125x64xf32, #tpu.memory_space<vmem>> -> memref<125x64xf32, #tpu.memory_space<vmem>>
        %dma_wait3A_160 = arith.constant 0 : i32
        %dma_wait3A_161 = tpu.memref_slice %arg9[%add3A_154, %dma_wait3A_160] : memref<160x125xi32, #tpu.memory_space<vmem>> -> memref<1x125xi32, #tpu.memory_space<vmem>>
        %dma_wait3A_162 = tpu.memref_squeeze %dma_wait3A_161 : memref<1x125xi32, #tpu.memory_space<vmem>> -> memref<125xi32, #tpu.memory_space<vmem>>
        %dma_wait3A_163 = arith.constant 0 : i32
        %dma_wait3A_164 = arith.constant 0 : i32
        %dma_wait3A_165 = tpu.memref_slice %arg3[%dma_wait3A_163, %dma_wait3A_164] : memref<10000x64xf32, #tpu.memory_space<hbm>> -> memref<10000x64xf32, #tpu.memory_space<hbm>>
        tpu.wait_indirect_dma semaphore(%arg16 : memref<!tpu.dma_semaphore, #tpu.memory_space<semaphore_mem>>) src(%dma_wait3A_165 : memref<10000x64xf32, #tpu.memory_space<hbm>>) dst(%dma_wait3A_159 : memref<125x64xf32, #tpu.memory_space<vmem>>)
        %run_scoped3A_166 = arith.constant 3 : i32
        "tpu.region"() ({
          %run_scoped3A_175 = tpu.sem_alloc : memref<!tpu.dma_semaphore, #tpu.memory_space<semaphore_mem>>
          %dma_start3A_176 = arith.constant 0 : i32
          %dma_start3A_177 = arith.constant 0 : i32
          %dma_start3A_178 = tpu.memref_slice %arg11[%run_scoped3A_166, %dma_start3A_176, %dma_start3A_177] : memref<4x125x64xf32, #tpu.memory_space<vmem>> -> memref<1x125x64xf32, #tpu.memory_space<vmem>>
          %dma_start3A_179 = tpu.memref_squeeze %dma_start3A_178 : memref<1x125x64xf32, #tpu.memory_space<vmem>> -> memref<125x64xf32, #tpu.memory_space<vmem>>
          %dma_start3A_180 = arith.constant 0 : i32
          %dma_start3A_181 = tpu.memref_slice %arg10[%add3A_154, %dma_start3A_180] : memref<160x125xi32, #tpu.memory_space<vmem>> -> memref<1x125xi32, #tpu.memory_space<vmem>>
          %dma_start3A_182 = tpu.memref_squeeze %dma_start3A_181 : memref<1x125xi32, #tpu.memory_space<vmem>> -> memref<125xi32, #tpu.memory_space<vmem>>
          %dma_start3A_183 = arith.constant 0 : i32
          %dma_start3A_184 = arith.constant 0 : i32
          %dma_start3A_185 = tpu.memref_slice %arg12[%dma_start3A_183, %dma_start3A_184] : memref<10240x64xf32, #tpu.memory_space<vmem_shared>> -> memref<10240x64xf32, #tpu.memory_space<vmem_shared>>
          tpu.enqueue_indirect_dma source(%dma_start3A_179 : memref<125x64xf32, #tpu.memory_space<vmem>>) target(%dma_start3A_185 : memref<10240x64xf32, #tpu.memory_space<vmem_shared>>) offsets(%dma_start3A_182 : memref<125xi32, #tpu.memory_space<vmem>>) semaphore(%run_scoped3A_175 : memref<!tpu.dma_semaphore, #tpu.memory_space<semaphore_mem>>) {add = true}
          %dma_wait3A_186 = arith.constant 0 : i32
          %dma_wait3A_187 = arith.constant 0 : i32
          %dma_wait3A_188 = tpu.memref_slice %arg11[%run_scoped3A_166, %dma_wait3A_186, %dma_wait3A_187] : memref<4x125x64xf32, #tpu.memory_space<vmem>> -> memref<1x125x64xf32, #tpu.memory_space<vmem>>
          %dma_wait3A_189 = tpu.memref_squeeze %dma_wait3A_188 : memref<1x125x64xf32, #tpu.memory_space<vmem>> -> memref<125x64xf32, #tpu.memory_space<vmem>>
          %dma_wait3A_190 = arith.constant 0 : i32
          %dma_wait3A_191 = tpu.memref_slice %arg10[%add3A_154, %dma_wait3A_190] : memref<160x125xi32, #tpu.memory_space<vmem>> -> memref<1x125xi32, #tpu.memory_space<vmem>>
          %dma_wait3A_192 = tpu.memref_squeeze %dma_wait3A_191 : memref<1x125xi32, #tpu.memory_space<vmem>> -> memref<125xi32, #tpu.memory_space<vmem>>
          %dma_wait3A_193 = arith.constant 0 : i32
          %dma_wait3A_194 = arith.constant 0 : i32
          %dma_wait3A_195 = tpu.memref_slice %arg12[%dma_wait3A_193, %dma_wait3A_194] : memref<10240x64xf32, #tpu.memory_space<vmem_shared>> -> memref<10240x64xf32, #tpu.memory_space<vmem_shared>>
          tpu.wait_indirect_dma semaphore(%run_scoped3A_175 : memref<!tpu.dma_semaphore, #tpu.memory_space<semaphore_mem>>) src(%dma_wait3A_189 : memref<125x64xf32, #tpu.memory_space<vmem>>) dst(%dma_wait3A_195 : memref<10240x64xf32, #tpu.memory_space<vmem_shared>>)
          tpu.yield
        }) : () -> ()
        %add3A_167 = arith.constant 4 : i32
        %add3A_168 = arith.addi %add3A_154, %add3A_167 : i32
        %lt3A_169 = arith.constant 160 : i32
        %lt3A_170 = arith.cmpi slt, %add3A_168, %lt3A_169 : i32
        %convert_element_type3A_171 = arith.extui %lt3A_170 : i1 to i32
        %cond3A_172 = arith.constant 0 : i32
        %cond3A_173 = arith.cmpi ne, %convert_element_type3A_171, %cond3A_172 : i32
        scf.if %cond3A_173 {
          %add3A_175 = arith.constant 4 : i32
          %add3A_176 = arith.addi %add3A_154, %add3A_175 : i32
          %dma_start3A_177 = arith.constant 3 : i32
          %dma_start3A_178 = arith.constant 0 : i32
          %dma_start3A_179 = arith.constant 0 : i32
          %dma_start3A_180 = tpu.memref_slice %arg11[%dma_start3A_177, %dma_start3A_178, %dma_start3A_179] : memref<4x125x64xf32, #tpu.memory_space<vmem>> -> memref<1x125x64xf32, #tpu.memory_space<vmem>>
          %dma_start3A_181 = tpu.memref_squeeze %dma_start3A_180 : memref<1x125x64xf32, #tpu.memory_space<vmem>> -> memref<125x64xf32, #tpu.memory_space<vmem>>
          %dma_start3A_182 = arith.constant 0 : i32
          %dma_start3A_183 = tpu.memref_slice %arg9[%add3A_176, %dma_start3A_182] : memref<160x125xi32, #tpu.memory_space<vmem>> -> memref<1x125xi32, #tpu.memory_space<vmem>>
          %dma_start3A_184 = tpu.memref_squeeze %dma_start3A_183 : memref<1x125xi32, #tpu.memory_space<vmem>> -> memref<125xi32, #tpu.memory_space<vmem>>
          %dma_start3A_185 = arith.constant 0 : i32
          %dma_start3A_186 = arith.constant 0 : i32
          %dma_start3A_187 = tpu.memref_slice %arg3[%dma_start3A_185, %dma_start3A_186] : memref<10000x64xf32, #tpu.memory_space<hbm>> -> memref<10000x64xf32, #tpu.memory_space<hbm>>
          tpu.enqueue_indirect_dma source(%dma_start3A_187 : memref<10000x64xf32, #tpu.memory_space<hbm>>) target(%dma_start3A_181 : memref<125x64xf32, #tpu.memory_space<vmem>>) offsets(%dma_start3A_184 : memref<125xi32, #tpu.memory_space<vmem>>) semaphore(%arg16 : memref<!tpu.dma_semaphore, #tpu.memory_space<semaphore_mem>>)
        } else {
        }
        %scan3A_174 = arith.constant 0 : i32
        scf.yield %scan3A_174 : i32
      }
      %scan3A_83 = arith.constant 40 : i32
    } else {
    }
    %barrier3A_18 = arith.constant 0 : index
    tpu.barrier barrier_id(%barrier3A_18)
    %mul3A_19 = arith.constant 640 : i32
    %mul3A_20 = arith.muli %arg1, %mul3A_19 : i32
    %eq3A_21 = arith.constant 0 : i32
    %eq3A_22 = arith.cmpi eq, %arg0, %eq3A_21 : i32
    %convert_element_type3A_23 = arith.extui %eq3A_22 : i1 to i32
    %cond3A_24 = arith.constant 0 : i32
    %cond3A_25 = arith.cmpi ne, %convert_element_type3A_23, %cond3A_24 : i32
    scf.if %cond3A_25 {
      "tpu.region"() ({
        %run_scoped3A = tpu.sem_alloc : memref<!tpu.dma_semaphore, #tpu.memory_space<semaphore_mem>>
        %dma_start3A = arith.constant 0 : i32
        %dma_start3A_31 = tpu.memref_slice %arg7[%mul3A_20, %dma_start3A] : memref<10240x64xf32, #tpu.memory_space<hbm>> -> memref<640x64xf32, #tpu.memory_space<hbm>>
        %dma_start3A_32 = arith.constant 0 : i32
        %dma_start3A_33 = tpu.memref_slice %arg12[%mul3A_20, %dma_start3A_32] : memref<10240x64xf32, #tpu.memory_space<vmem_shared>> -> memref<640x64xf32, #tpu.memory_space<vmem_shared>>
        tpu.enqueue_dma source(%dma_start3A_33 : memref<640x64xf32, #tpu.memory_space<vmem_shared>>) target(%dma_start3A_31 : memref<640x64xf32, #tpu.memory_space<hbm>>) target_semaphore(%run_scoped3A : memref<!tpu.dma_semaphore, #tpu.memory_space<semaphore_mem>>)
        %dma_wait3A = arith.constant 0 : i32
        %dma_wait3A_34 = tpu.memref_slice %arg7[%mul3A_20, %dma_wait3A] : memref<10240x64xf32, #tpu.memory_space<hbm>> -> memref<640x64xf32, #tpu.memory_space<hbm>>
        %dma_wait3A_35 = arith.constant 0 : i32
        %dma_wait3A_36 = tpu.memref_slice %arg12[%mul3A_20, %dma_wait3A_35] : memref<10240x64xf32, #tpu.memory_space<vmem_shared>> -> memref<640x64xf32, #tpu.memory_space<vmem_shared>>
        tpu.wait_dma2 semaphore(%run_scoped3A : memref<!tpu.dma_semaphore, #tpu.memory_space<semaphore_mem>>) src(%dma_wait3A_36 : memref<640x64xf32, #tpu.memory_space<vmem_shared>>) dst(%dma_wait3A_34 : memref<640x64xf32, #tpu.memory_space<hbm>>)
        tpu.yield
      }) : () -> ()
    } else {
    }
    %eq3A_26 = arith.constant 1 : i32
    %eq3A_27 = arith.cmpi eq, %arg0, %eq3A_26 : i32
    %convert_element_type3A_28 = arith.extui %eq3A_27 : i1 to i32
    %cond3A_29 = arith.constant 0 : i32
    %cond3A_30 = arith.cmpi ne, %convert_element_type3A_28, %cond3A_29 : i32
    scf.if %cond3A_30 {
      "tpu.region"() ({
        %run_scoped3A = tpu.sem_alloc : memref<!tpu.dma_semaphore, #tpu.memory_space<semaphore_mem>>
        %dma_start3A = arith.constant 0 : i32
        %dma_start3A_31 = tpu.memref_slice %arg8[%mul3A_20, %dma_start3A] : memref<10240x64xf32, #tpu.memory_space<hbm>> -> memref<640x64xf32, #tpu.memory_space<hbm>>
        %dma_start3A_32 = arith.constant 0 : i32
        %dma_start3A_33 = tpu.memref_slice %arg12[%mul3A_20, %dma_start3A_32] : memref<10240x64xf32, #tpu.memory_space<vmem_shared>> -> memref<640x64xf32, #tpu.memory_space<vmem_shared>>
        tpu.enqueue_dma source(%dma_start3A_33 : memref<640x64xf32, #tpu.memory_space<vmem_shared>>) target(%dma_start3A_31 : memref<640x64xf32, #tpu.memory_space<hbm>>) target_semaphore(%run_scoped3A : memref<!tpu.dma_semaphore, #tpu.memory_space<semaphore_mem>>)
        %dma_wait3A = arith.constant 0 : i32
        %dma_wait3A_34 = tpu.memref_slice %arg8[%mul3A_20, %dma_wait3A] : memref<10240x64xf32, #tpu.memory_space<hbm>> -> memref<640x64xf32, #tpu.memory_space<hbm>>
        %dma_wait3A_35 = arith.constant 0 : i32
        %dma_wait3A_36 = tpu.memref_slice %arg12[%mul3A_20, %dma_wait3A_35] : memref<10240x64xf32, #tpu.memory_space<vmem_shared>> -> memref<640x64xf32, #tpu.memory_space<vmem_shared>>
        tpu.wait_dma2 semaphore(%run_scoped3A : memref<!tpu.dma_semaphore, #tpu.memory_space<semaphore_mem>>) src(%dma_wait3A_36 : memref<640x64xf32, #tpu.memory_space<vmem_shared>>) dst(%dma_wait3A_34 : memref<640x64xf32, #tpu.memory_space<hbm>>)
        tpu.yield
      }) : () -> ()
    } else {
    }
    return
  }
}

#map = affine_map<(d0, d1) -> (0, 0, 0, 0)>
#map1 = affine_map<(d0, d1) -> (0, 0)>
module attributes {stable_mosaic.version = 14 : i64} {
  func.func @_degrees_body(%arg0: i32, %arg1: i32, %arg2: memref<2x16x250x80xi32, #tpu.memory_space<hbm>>, %arg3: memref<2x16x250x80xi32, #tpu.memory_space<hbm>>, %arg4: memref<2x10240xf32, #tpu.memory_space<hbm>>, %arg5: memref<2x10240xf32, #tpu.memory_space<hbm>>, %arg6: memref<10240xf32, #tpu.memory_space<vmem>>, %arg7: memref<10240xf32, #tpu.memory_space<vmem>>, %arg8: memref<250x80xi32, #tpu.memory_space<vmem>>, %arg9: memref<250x80xi32, #tpu.memory_space<vmem>>, %arg10: memref<16x640xf32, #tpu.memory_space<vmem>>, %arg11: memref<640xf32, #tpu.memory_space<vmem>>, %arg12: memref<640xf32, #tpu.memory_space<vmem>>, %arg13: memref<16x10240xf32, #tpu.memory_space<vmem_shared>>, %arg14: memref<16x10240xf32, #tpu.memory_space<vmem_shared>>) attributes {dimension_semantics = [#tpu.dimension_semantics<core_parallel>, #tpu.dimension_semantics<subcore_parallel>], iteration_bounds = array<i64: 2, 16>, scalar_prefetch = 0 : i64, scratch_operands = 9 : i64, tpu.core_type = #tpu.core_type<sc_vector_subcore>, window_params = [{transform_indices = #map}, {transform_indices = #map}, {transform_indices = #map1}, {transform_indices = #map1}]} {
    %broadcast_in_dim3A = arith.constant 0.000000e+00 : f32
    %broadcast_in_dim3A_0 = vector.broadcast %broadcast_in_dim3A : f32 to vector<16xf32>
    %scan3A = arith.constant 0 : i32
    %scan3A_1 = arith.constant 0 : i32
    %scan3A_2 = arith.constant 640 : i32
    %scan3A_3 = arith.addi %scan3A_1, %scan3A_2 : i32
    %scan3A_4 = arith.constant 1 : i32
    %scan3A_5 = scf.for %scan3A_111 = %scan3A_1 to %scan3A_3 step %scan3A_4 iter_args(%scan3A_112 = %scan3A) -> (i32)  : i32 {
      %mul3A_113 = arith.constant 16 : i32
      %mul3A_114 = arith.muli %scan3A_111, %mul3A_113 : i32
      %swap3A = arith.index_cast %mul3A_114 : i32 to index
      %swap3A_115 = tpu.vector_load %arg6[%swap3A] {strides = array<i32>} : memref<10240xf32, #tpu.memory_space<vmem>>, vector<16xf32>,
      tpu.vector_store %arg6[%swap3A], %broadcast_in_dim3A_0 {strides = array<i32>} : memref<10240xf32, #tpu.memory_space<vmem>>, vector<16xf32>,
      %mul3A_116 = arith.constant 16 : i32
      %mul3A_117 = arith.muli %scan3A_111, %mul3A_116 : i32
      %swap3A_118 = arith.index_cast %mul3A_117 : i32 to index
      %swap3A_119 = tpu.vector_load %arg7[%swap3A_118] {strides = array<i32>} : memref<10240xf32, #tpu.memory_space<vmem>>, vector<16xf32>,
      tpu.vector_store %arg7[%swap3A_118], %broadcast_in_dim3A_0 {strides = array<i32>} : memref<10240xf32, #tpu.memory_space<vmem>>, vector<16xf32>,
      %scan3A_120 = arith.constant 0 : i32
      scf.yield %scan3A_120 : i32
    }
    %scan3A_6 = arith.constant 640 : i32
    %eq3A = arith.constant 0 : i32
    %eq3A_7 = arith.cmpi eq, %arg0, %eq3A : i32
    %convert_element_type3A = arith.extui %eq3A_7 : i1 to i32
    %cond3A = arith.constant 0 : i32
    %cond3A_8 = arith.cmpi ne, %convert_element_type3A, %cond3A : i32
    scf.if %cond3A_8 {
      %run_scoped3A_111 = arith.constant 0 : i32
      "tpu.region"() ({
        %run_scoped3A_113 = tpu.sem_alloc : memref<!tpu.dma_semaphore, #tpu.memory_space<semaphore_mem>>
        %dma_start3A = arith.constant 0 : i32
        %dma_start3A_114 = arith.constant 0 : i32
        %dma_start3A_115 = tpu.memref_slice %arg2[%run_scoped3A_111, %arg1, %dma_start3A, %dma_start3A_114] : memref<2x16x250x80xi32, #tpu.memory_space<hbm>> -> memref<1x1x250x80xi32, #tpu.memory_space<hbm>>
        %dma_start3A_116 = tpu.memref_squeeze %dma_start3A_115 : memref<1x1x250x80xi32, #tpu.memory_space<hbm>> -> memref<250x80xi32, #tpu.memory_space<hbm>>
        %dma_start3A_117 = arith.constant 0 : i32
        %dma_start3A_118 = arith.constant 0 : i32
        %dma_start3A_119 = tpu.memref_slice %arg2[%run_scoped3A_111, %arg1, %dma_start3A_117, %dma_start3A_118] : memref<2x16x250x80xi32, #tpu.memory_space<hbm>> -> memref<1x1x250x80xi32, #tpu.memory_space<hbm>>
        %dma_start3A_120 = tpu.memref_squeeze %dma_start3A_119 : memref<1x1x250x80xi32, #tpu.memory_space<hbm>> -> memref<250x80xi32, #tpu.memory_space<hbm>>
        tpu.enqueue_dma source(%dma_start3A_120 : memref<250x80xi32, #tpu.memory_space<hbm>>) target(%arg8 : memref<250x80xi32, #tpu.memory_space<vmem>>) target_semaphore(%run_scoped3A_113 : memref<!tpu.dma_semaphore, #tpu.memory_space<semaphore_mem>>)
        %dma_wait3A = arith.constant 0 : i32
        %dma_wait3A_121 = arith.constant 0 : i32
        %dma_wait3A_122 = tpu.memref_slice %arg2[%run_scoped3A_111, %arg1, %dma_wait3A, %dma_wait3A_121] : memref<2x16x250x80xi32, #tpu.memory_space<hbm>> -> memref<1x1x250x80xi32, #tpu.memory_space<hbm>>
        %dma_wait3A_123 = tpu.memref_squeeze %dma_wait3A_122 : memref<1x1x250x80xi32, #tpu.memory_space<hbm>> -> memref<250x80xi32, #tpu.memory_space<hbm>>
        %dma_wait3A_124 = arith.constant 0 : i32
        %dma_wait3A_125 = arith.constant 0 : i32
        %dma_wait3A_126 = tpu.memref_slice %arg2[%run_scoped3A_111, %arg1, %dma_wait3A_124, %dma_wait3A_125] : memref<2x16x250x80xi32, #tpu.memory_space<hbm>> -> memref<1x1x250x80xi32, #tpu.memory_space<hbm>>
        %dma_wait3A_127 = tpu.memref_squeeze %dma_wait3A_126 : memref<1x1x250x80xi32, #tpu.memory_space<hbm>> -> memref<250x80xi32, #tpu.memory_space<hbm>>
        tpu.wait_dma2 semaphore(%run_scoped3A_113 : memref<!tpu.dma_semaphore, #tpu.memory_space<semaphore_mem>>) src(%dma_wait3A_127 : memref<250x80xi32, #tpu.memory_space<hbm>>) dst(%arg8 : memref<250x80xi32, #tpu.memory_space<vmem>>)
        tpu.yield
      }) : () -> ()
      %run_scoped3A_112 = arith.constant 1 : i32
      "tpu.region"() ({
        %run_scoped3A_113 = tpu.sem_alloc : memref<!tpu.dma_semaphore, #tpu.memory_space<semaphore_mem>>
        %dma_start3A = arith.constant 0 : i32
        %dma_start3A_114 = arith.constant 0 : i32
        %dma_start3A_115 = tpu.memref_slice %arg2[%run_scoped3A_112, %arg1, %dma_start3A, %dma_start3A_114] : memref<2x16x250x80xi32, #tpu.memory_space<hbm>> -> memref<1x1x250x80xi32, #tpu.memory_space<hbm>>
        %dma_start3A_116 = tpu.memref_squeeze %dma_start3A_115 : memref<1x1x250x80xi32, #tpu.memory_space<hbm>> -> memref<250x80xi32, #tpu.memory_space<hbm>>
        %dma_start3A_117 = arith.constant 0 : i32
        %dma_start3A_118 = arith.constant 0 : i32
        %dma_start3A_119 = tpu.memref_slice %arg2[%run_scoped3A_112, %arg1, %dma_start3A_117, %dma_start3A_118] : memref<2x16x250x80xi32, #tpu.memory_space<hbm>> -> memref<1x1x250x80xi32, #tpu.memory_space<hbm>>
        %dma_start3A_120 = tpu.memref_squeeze %dma_start3A_119 : memref<1x1x250x80xi32, #tpu.memory_space<hbm>> -> memref<250x80xi32, #tpu.memory_space<hbm>>
        tpu.enqueue_dma source(%dma_start3A_120 : memref<250x80xi32, #tpu.memory_space<hbm>>) target(%arg9 : memref<250x80xi32, #tpu.memory_space<vmem>>) target_semaphore(%run_scoped3A_113 : memref<!tpu.dma_semaphore, #tpu.memory_space<semaphore_mem>>)
        %dma_wait3A = arith.constant 0 : i32
        %dma_wait3A_121 = arith.constant 0 : i32
        %dma_wait3A_122 = tpu.memref_slice %arg2[%run_scoped3A_112, %arg1, %dma_wait3A, %dma_wait3A_121] : memref<2x16x250x80xi32, #tpu.memory_space<hbm>> -> memref<1x1x250x80xi32, #tpu.memory_space<hbm>>
        %dma_wait3A_123 = tpu.memref_squeeze %dma_wait3A_122 : memref<1x1x250x80xi32, #tpu.memory_space<hbm>> -> memref<250x80xi32, #tpu.memory_space<hbm>>
        %dma_wait3A_124 = arith.constant 0 : i32
        %dma_wait3A_125 = arith.constant 0 : i32
        %dma_wait3A_126 = tpu.memref_slice %arg2[%run_scoped3A_112, %arg1, %dma_wait3A_124, %dma_wait3A_125] : memref<2x16x250x80xi32, #tpu.memory_space<hbm>> -> memref<1x1x250x80xi32, #tpu.memory_space<hbm>>
        %dma_wait3A_127 = tpu.memref_squeeze %dma_wait3A_126 : memref<1x1x250x80xi32, #tpu.memory_space<hbm>> -> memref<250x80xi32, #tpu.memory_space<hbm>>
        tpu.wait_dma2 semaphore(%run_scoped3A_113 : memref<!tpu.dma_semaphore, #tpu.memory_space<semaphore_mem>>) src(%dma_wait3A_127 : memref<250x80xi32, #tpu.memory_space<hbm>>) dst(%arg9 : memref<250x80xi32, #tpu.memory_space<vmem>>)
        tpu.yield
      }) : () -> ()
    } else {
    }
    %eq3A_9 = arith.constant 1 : i32
    %eq3A_10 = arith.cmpi eq, %arg0, %eq3A_9 : i32
    %convert_element_type3A_11 = arith.extui %eq3A_10 : i1 to i32
    %cond3A_12 = arith.constant 0 : i32
    %cond3A_13 = arith.cmpi ne, %convert_element_type3A_11, %cond3A_12 : i32
    scf.if %cond3A_13 {
      %run_scoped3A_111 = arith.constant 0 : i32
      "tpu.region"() ({
        %run_scoped3A_113 = tpu.sem_alloc : memref<!tpu.dma_semaphore, #tpu.memory_space<semaphore_mem>>
        %dma_start3A = arith.constant 0 : i32
        %dma_start3A_114 = arith.constant 0 : i32
        %dma_start3A_115 = tpu.memref_slice %arg3[%run_scoped3A_111, %arg1, %dma_start3A, %dma_start3A_114] : memref<2x16x250x80xi32, #tpu.memory_space<hbm>> -> memref<1x1x250x80xi32, #tpu.memory_space<hbm>>
        %dma_start3A_116 = tpu.memref_squeeze %dma_start3A_115 : memref<1x1x250x80xi32, #tpu.memory_space<hbm>> -> memref<250x80xi32, #tpu.memory_space<hbm>>
        %dma_start3A_117 = arith.constant 0 : i32
        %dma_start3A_118 = arith.constant 0 : i32
        %dma_start3A_119 = tpu.memref_slice %arg3[%run_scoped3A_111, %arg1, %dma_start3A_117, %dma_start3A_118] : memref<2x16x250x80xi32, #tpu.memory_space<hbm>> -> memref<1x1x250x80xi32, #tpu.memory_space<hbm>>
        %dma_start3A_120 = tpu.memref_squeeze %dma_start3A_119 : memref<1x1x250x80xi32, #tpu.memory_space<hbm>> -> memref<250x80xi32, #tpu.memory_space<hbm>>
        tpu.enqueue_dma source(%dma_start3A_120 : memref<250x80xi32, #tpu.memory_space<hbm>>) target(%arg8 : memref<250x80xi32, #tpu.memory_space<vmem>>) target_semaphore(%run_scoped3A_113 : memref<!tpu.dma_semaphore, #tpu.memory_space<semaphore_mem>>)
        %dma_wait3A = arith.constant 0 : i32
        %dma_wait3A_121 = arith.constant 0 : i32
        %dma_wait3A_122 = tpu.memref_slice %arg3[%run_scoped3A_111, %arg1, %dma_wait3A, %dma_wait3A_121] : memref<2x16x250x80xi32, #tpu.memory_space<hbm>> -> memref<1x1x250x80xi32, #tpu.memory_space<hbm>>
        %dma_wait3A_123 = tpu.memref_squeeze %dma_wait3A_122 : memref<1x1x250x80xi32, #tpu.memory_space<hbm>> -> memref<250x80xi32, #tpu.memory_space<hbm>>
        %dma_wait3A_124 = arith.constant 0 : i32
        %dma_wait3A_125 = arith.constant 0 : i32
        %dma_wait3A_126 = tpu.memref_slice %arg3[%run_scoped3A_111, %arg1, %dma_wait3A_124, %dma_wait3A_125] : memref<2x16x250x80xi32, #tpu.memory_space<hbm>> -> memref<1x1x250x80xi32, #tpu.memory_space<hbm>>
        %dma_wait3A_127 = tpu.memref_squeeze %dma_wait3A_126 : memref<1x1x250x80xi32, #tpu.memory_space<hbm>> -> memref<250x80xi32, #tpu.memory_space<hbm>>
        tpu.wait_dma2 semaphore(%run_scoped3A_113 : memref<!tpu.dma_semaphore, #tpu.memory_space<semaphore_mem>>) src(%dma_wait3A_127 : memref<250x80xi32, #tpu.memory_space<hbm>>) dst(%arg8 : memref<250x80xi32, #tpu.memory_space<vmem>>)
        tpu.yield
      }) : () -> ()
      %run_scoped3A_112 = arith.constant 1 : i32
      "tpu.region"() ({
        %run_scoped3A_113 = tpu.sem_alloc : memref<!tpu.dma_semaphore, #tpu.memory_space<semaphore_mem>>
        %dma_start3A = arith.constant 0 : i32
        %dma_start3A_114 = arith.constant 0 : i32
        %dma_start3A_115 = tpu.memref_slice %arg3[%run_scoped3A_112, %arg1, %dma_start3A, %dma_start3A_114] : memref<2x16x250x80xi32, #tpu.memory_space<hbm>> -> memref<1x1x250x80xi32, #tpu.memory_space<hbm>>
        %dma_start3A_116 = tpu.memref_squeeze %dma_start3A_115 : memref<1x1x250x80xi32, #tpu.memory_space<hbm>> -> memref<250x80xi32, #tpu.memory_space<hbm>>
        %dma_start3A_117 = arith.constant 0 : i32
        %dma_start3A_118 = arith.constant 0 : i32
        %dma_start3A_119 = tpu.memref_slice %arg3[%run_scoped3A_112, %arg1, %dma_start3A_117, %dma_start3A_118] : memref<2x16x250x80xi32, #tpu.memory_space<hbm>> -> memref<1x1x250x80xi32, #tpu.memory_space<hbm>>
        %dma_start3A_120 = tpu.memref_squeeze %dma_start3A_119 : memref<1x1x250x80xi32, #tpu.memory_space<hbm>> -> memref<250x80xi32, #tpu.memory_space<hbm>>
        tpu.enqueue_dma source(%dma_start3A_120 : memref<250x80xi32, #tpu.memory_space<hbm>>) target(%arg9 : memref<250x80xi32, #tpu.memory_space<vmem>>) target_semaphore(%run_scoped3A_113 : memref<!tpu.dma_semaphore, #tpu.memory_space<semaphore_mem>>)
        %dma_wait3A = arith.constant 0 : i32
        %dma_wait3A_121 = arith.constant 0 : i32
        %dma_wait3A_122 = tpu.memref_slice %arg3[%run_scoped3A_112, %arg1, %dma_wait3A, %dma_wait3A_121] : memref<2x16x250x80xi32, #tpu.memory_space<hbm>> -> memref<1x1x250x80xi32, #tpu.memory_space<hbm>>
        %dma_wait3A_123 = tpu.memref_squeeze %dma_wait3A_122 : memref<1x1x250x80xi32, #tpu.memory_space<hbm>> -> memref<250x80xi32, #tpu.memory_space<hbm>>
        %dma_wait3A_124 = arith.constant 0 : i32
        %dma_wait3A_125 = arith.constant 0 : i32
        %dma_wait3A_126 = tpu.memref_slice %arg3[%run_scoped3A_112, %arg1, %dma_wait3A_124, %dma_wait3A_125] : memref<2x16x250x80xi32, #tpu.memory_space<hbm>> -> memref<1x1x250x80xi32, #tpu.memory_space<hbm>>
        %dma_wait3A_127 = tpu.memref_squeeze %dma_wait3A_126 : memref<1x1x250x80xi32, #tpu.memory_space<hbm>> -> memref<250x80xi32, #tpu.memory_space<hbm>>
        tpu.wait_dma2 semaphore(%run_scoped3A_113 : memref<!tpu.dma_semaphore, #tpu.memory_space<semaphore_mem>>) src(%dma_wait3A_127 : memref<250x80xi32, #tpu.memory_space<hbm>>) dst(%arg9 : memref<250x80xi32, #tpu.memory_space<vmem>>)
        tpu.yield
      }) : () -> ()
    } else {
    }
    %broadcast_in_dim3A_14 = arith.constant 1.000000e+00 : f32
    %broadcast_in_dim3A_15 = vector.broadcast %broadcast_in_dim3A_14 : f32 to vector<16xf32>
    %scan3A_16 = arith.constant 0 : i32
    %scan3A_17 = arith.constant 0 : i32
    %scan3A_18 = arith.constant 250 : i32
    %scan3A_19 = arith.addi %scan3A_17, %scan3A_18 : i32
    %scan3A_20 = arith.constant 1 : i32
    %scan3A_21 = scf.for %scan3A_111 = %scan3A_17 to %scan3A_19 step %scan3A_20 iter_args(%scan3A_112 = %scan3A_16) -> (i32)  : i32 {
      %get3A = arith.index_cast %scan3A_111 : i32 to index
      %get3A_113 = arith.constant 0 : index
      %get3A_114 = tpu.vector_load %arg8[%get3A, %get3A_113] {strides = array<i32>} : memref<250x80xi32, #tpu.memory_space<vmem>>, vector<16xi32>,
      tpu.vector_store_idx %arg6[%get3A_114], %broadcast_in_dim3A_15 {add = true} : memref<10240xf32, #tpu.memory_space<vmem>>[vector<16xi32>], vector<16xf32>,
      %get3A_115 = arith.index_cast %scan3A_111 : i32 to index
      %get3A_116 = arith.constant 0 : index
      %get3A_117 = tpu.vector_load %arg9[%get3A_115, %get3A_116] {strides = array<i32>} : memref<250x80xi32, #tpu.memory_space<vmem>>, vector<16xi32>,
      tpu.vector_store_idx %arg7[%get3A_117], %broadcast_in_dim3A_15 {add = true} : memref<10240xf32, #tpu.memory_space<vmem>>[vector<16xi32>], vector<16xf32>,
      %get3A_118 = arith.index_cast %scan3A_111 : i32 to index
      %get3A_119 = arith.constant 16 : index
      %get3A_120 = tpu.vector_load %arg8[%get3A_118, %get3A_119] {strides = array<i32>} : memref<250x80xi32, #tpu.memory_space<vmem>>, vector<16xi32>,
      tpu.vector_store_idx %arg6[%get3A_120], %broadcast_in_dim3A_15 {add = true} : memref<10240xf32, #tpu.memory_space<vmem>>[vector<16xi32>], vector<16xf32>,
      %get3A_121 = arith.index_cast %scan3A_111 : i32 to index
      %get3A_122 = arith.constant 16 : index
      %get3A_123 = tpu.vector_load %arg9[%get3A_121, %get3A_122] {strides = array<i32>} : memref<250x80xi32, #tpu.memory_space<vmem>>, vector<16xi32>,
      tpu.vector_store_idx %arg7[%get3A_123], %broadcast_in_dim3A_15 {add = true} : memref<10240xf32, #tpu.memory_space<vmem>>[vector<16xi32>], vector<16xf32>,
      %get3A_124 = arith.index_cast %scan3A_111 : i32 to index
      %get3A_125 = arith.constant 32 : index
      %get3A_126 = tpu.vector_load %arg8[%get3A_124, %get3A_125] {strides = array<i32>} : memref<250x80xi32, #tpu.memory_space<vmem>>, vector<16xi32>,
      tpu.vector_store_idx %arg6[%get3A_126], %broadcast_in_dim3A_15 {add = true} : memref<10240xf32, #tpu.memory_space<vmem>>[vector<16xi32>], vector<16xf32>,
      %get3A_127 = arith.index_cast %scan3A_111 : i32 to index
      %get3A_128 = arith.constant 32 : index
      %get3A_129 = tpu.vector_load %arg9[%get3A_127, %get3A_128] {strides = array<i32>} : memref<250x80xi32, #tpu.memory_space<vmem>>, vector<16xi32>,
      tpu.vector_store_idx %arg7[%get3A_129], %broadcast_in_dim3A_15 {add = true} : memref<10240xf32, #tpu.memory_space<vmem>>[vector<16xi32>], vector<16xf32>,
      %get3A_130 = arith.index_cast %scan3A_111 : i32 to index
      %get3A_131 = arith.constant 48 : index
      %get3A_132 = tpu.vector_load %arg8[%get3A_130, %get3A_131] {strides = array<i32>} : memref<250x80xi32, #tpu.memory_space<vmem>>, vector<16xi32>,
      tpu.vector_store_idx %arg6[%get3A_132], %broadcast_in_dim3A_15 {add = true} : memref<10240xf32, #tpu.memory_space<vmem>>[vector<16xi32>], vector<16xf32>,
      %get3A_133 = arith.index_cast %scan3A_111 : i32 to index
      %get3A_134 = arith.constant 48 : index
      %get3A_135 = tpu.vector_load %arg9[%get3A_133, %get3A_134] {strides = array<i32>} : memref<250x80xi32, #tpu.memory_space<vmem>>, vector<16xi32>,
      tpu.vector_store_idx %arg7[%get3A_135], %broadcast_in_dim3A_15 {add = true} : memref<10240xf32, #tpu.memory_space<vmem>>[vector<16xi32>], vector<16xf32>,
      %get3A_136 = arith.index_cast %scan3A_111 : i32 to index
      %get3A_137 = arith.constant 64 : index
      %get3A_138 = tpu.vector_load %arg8[%get3A_136, %get3A_137] {strides = array<i32>} : memref<250x80xi32, #tpu.memory_space<vmem>>, vector<16xi32>,
      tpu.vector_store_idx %arg6[%get3A_138], %broadcast_in_dim3A_15 {add = true} : memref<10240xf32, #tpu.memory_space<vmem>>[vector<16xi32>], vector<16xf32>,
      %get3A_139 = arith.index_cast %scan3A_111 : i32 to index
      %get3A_140 = arith.constant 64 : index
      %get3A_141 = tpu.vector_load %arg9[%get3A_139, %get3A_140] {strides = array<i32>} : memref<250x80xi32, #tpu.memory_space<vmem>>, vector<16xi32>,
      tpu.vector_store_idx %arg7[%get3A_141], %broadcast_in_dim3A_15 {add = true} : memref<10240xf32, #tpu.memory_space<vmem>>[vector<16xi32>], vector<16xf32>,
      %scan3A_142 = arith.constant 0 : i32
      scf.yield %scan3A_142 : i32
    }
    %scan3A_22 = arith.constant 250 : i32
    "tpu.region"() ({
      %run_scoped3A_111 = tpu.sem_alloc : memref<!tpu.dma_semaphore, #tpu.memory_space<semaphore_mem>>
      %dma_start3A = arith.constant 0 : i32
      %dma_start3A_112 = tpu.memref_slice %arg13[%arg1, %dma_start3A] : memref<16x10240xf32, #tpu.memory_space<vmem_shared>> -> memref<1x10240xf32, #tpu.memory_space<vmem_shared>>
      %dma_start3A_113 = tpu.memref_squeeze %dma_start3A_112 : memref<1x10240xf32, #tpu.memory_space<vmem_shared>> -> memref<10240xf32, #tpu.memory_space<vmem_shared>>
      %dma_start3A_114 = arith.constant 0 : i32
      %dma_start3A_115 = tpu.memref_slice %arg13[%arg1, %dma_start3A_114] : memref<16x10240xf32, #tpu.memory_space<vmem_shared>> -> memref<1x10240xf32, #tpu.memory_space<vmem_shared>>
      %dma_start3A_116 = tpu.memref_squeeze %dma_start3A_115 : memref<1x10240xf32, #tpu.memory_space<vmem_shared>> -> memref<10240xf32, #tpu.memory_space<vmem_shared>>
      tpu.enqueue_dma source(%arg6 : memref<10240xf32, #tpu.memory_space<vmem>>) target(%dma_start3A_116 : memref<10240xf32, #tpu.memory_space<vmem_shared>>) target_semaphore(%run_scoped3A_111 : memref<!tpu.dma_semaphore, #tpu.memory_space<semaphore_mem>>)
      %dma_wait3A = arith.constant 0 : i32
      %dma_wait3A_117 = tpu.memref_slice %arg13[%arg1, %dma_wait3A] : memref<16x10240xf32, #tpu.memory_space<vmem_shared>> -> memref<1x10240xf32, #tpu.memory_space<vmem_shared>>
      %dma_wait3A_118 = tpu.memref_squeeze %dma_wait3A_117 : memref<1x10240xf32, #tpu.memory_space<vmem_shared>> -> memref<10240xf32, #tpu.memory_space<vmem_shared>>
      %dma_wait3A_119 = arith.constant 0 : i32
      %dma_wait3A_120 = tpu.memref_slice %arg13[%arg1, %dma_wait3A_119] : memref<16x10240xf32, #tpu.memory_space<vmem_shared>> -> memref<1x10240xf32, #tpu.memory_space<vmem_shared>>
      %dma_wait3A_121 = tpu.memref_squeeze %dma_wait3A_120 : memref<1x10240xf32, #tpu.memory_space<vmem_shared>> -> memref<10240xf32, #tpu.memory_space<vmem_shared>>
      tpu.wait_dma2 semaphore(%run_scoped3A_111 : memref<!tpu.dma_semaphore, #tpu.memory_space<semaphore_mem>>) src(%arg6 : memref<10240xf32, #tpu.memory_space<vmem>>) dst(%dma_wait3A_121 : memref<10240xf32, #tpu.memory_space<vmem_shared>>)
      tpu.yield
    }) : () -> ()
    "tpu.region"() ({
      %run_scoped3A_111 = tpu.sem_alloc : memref<!tpu.dma_semaphore, #tpu.memory_space<semaphore_mem>>
      %dma_start3A = arith.constant 0 : i32
      %dma_start3A_112 = tpu.memref_slice %arg14[%arg1, %dma_start3A] : memref<16x10240xf32, #tpu.memory_space<vmem_shared>> -> memref<1x10240xf32, #tpu.memory_space<vmem_shared>>
      %dma_start3A_113 = tpu.memref_squeeze %dma_start3A_112 : memref<1x10240xf32, #tpu.memory_space<vmem_shared>> -> memref<10240xf32, #tpu.memory_space<vmem_shared>>
      %dma_start3A_114 = arith.constant 0 : i32
      %dma_start3A_115 = tpu.memref_slice %arg14[%arg1, %dma_start3A_114] : memref<16x10240xf32, #tpu.memory_space<vmem_shared>> -> memref<1x10240xf32, #tpu.memory_space<vmem_shared>>
      %dma_start3A_116 = tpu.memref_squeeze %dma_start3A_115 : memref<1x10240xf32, #tpu.memory_space<vmem_shared>> -> memref<10240xf32, #tpu.memory_space<vmem_shared>>
      tpu.enqueue_dma source(%arg7 : memref<10240xf32, #tpu.memory_space<vmem>>) target(%dma_start3A_116 : memref<10240xf32, #tpu.memory_space<vmem_shared>>) target_semaphore(%run_scoped3A_111 : memref<!tpu.dma_semaphore, #tpu.memory_space<semaphore_mem>>)
      %dma_wait3A = arith.constant 0 : i32
      %dma_wait3A_117 = tpu.memref_slice %arg14[%arg1, %dma_wait3A] : memref<16x10240xf32, #tpu.memory_space<vmem_shared>> -> memref<1x10240xf32, #tpu.memory_space<vmem_shared>>
      %dma_wait3A_118 = tpu.memref_squeeze %dma_wait3A_117 : memref<1x10240xf32, #tpu.memory_space<vmem_shared>> -> memref<10240xf32, #tpu.memory_space<vmem_shared>>
      %dma_wait3A_119 = arith.constant 0 : i32
      %dma_wait3A_120 = tpu.memref_slice %arg14[%arg1, %dma_wait3A_119] : memref<16x10240xf32, #tpu.memory_space<vmem_shared>> -> memref<1x10240xf32, #tpu.memory_space<vmem_shared>>
      %dma_wait3A_121 = tpu.memref_squeeze %dma_wait3A_120 : memref<1x10240xf32, #tpu.memory_space<vmem_shared>> -> memref<10240xf32, #tpu.memory_space<vmem_shared>>
      tpu.wait_dma2 semaphore(%run_scoped3A_111 : memref<!tpu.dma_semaphore, #tpu.memory_space<semaphore_mem>>) src(%arg7 : memref<10240xf32, #tpu.memory_space<vmem>>) dst(%dma_wait3A_121 : memref<10240xf32, #tpu.memory_space<vmem_shared>>)
      tpu.yield
    }) : () -> ()
    %barrier3A = arith.constant 0 : index
    tpu.barrier barrier_id(%barrier3A)
    %mul3A = arith.constant 640 : i32
    %mul3A_23 = arith.muli %arg1, %mul3A : i32
    %run_scoped3A = arith.constant 0 : i32
    %run_scoped3A_24 = arith.constant 0 : i32
    "tpu.region"() ({
      %run_scoped3A_111 = tpu.sem_alloc : memref<!tpu.dma_semaphore, #tpu.memory_space<semaphore_mem>>
      %dma_start3A = arith.constant 0 : i32
      %dma_start3A_112 = tpu.memref_slice %arg10[%run_scoped3A_24, %dma_start3A] : memref<16x640xf32, #tpu.memory_space<vmem>> -> memref<1x640xf32, #tpu.memory_space<vmem>>
      %dma_start3A_113 = tpu.memref_squeeze %dma_start3A_112 : memref<1x640xf32, #tpu.memory_space<vmem>> -> memref<640xf32, #tpu.memory_space<vmem>>
      %dma_start3A_114 = tpu.memref_slice %arg13[%run_scoped3A, %mul3A_23] : memref<16x10240xf32, #tpu.memory_space<vmem_shared>> -> memref<1x640xf32, #tpu.memory_space<vmem_shared>>
      %dma_start3A_115 = tpu.memref_squeeze %dma_start3A_114 : memref<1x640xf32, #tpu.memory_space<vmem_shared>> -> memref<640xf32, #tpu.memory_space<vmem_shared>>
      %dma_start3A_116 = arith.constant 0 : i32
      %dma_start3A_117 = tpu.memref_slice %arg10[%run_scoped3A_24, %dma_start3A_116] : memref<16x640xf32, #tpu.memory_space<vmem>> -> memref<1x640xf32, #tpu.memory_space<vmem>>
      %dma_start3A_118 = tpu.memref_squeeze %dma_start3A_117 : memref<1x640xf32, #tpu.memory_space<vmem>> -> memref<640xf32, #tpu.memory_space<vmem>>
      %dma_start3A_119 = tpu.memref_slice %arg13[%run_scoped3A, %mul3A_23] : memref<16x10240xf32, #tpu.memory_space<vmem_shared>> -> memref<1x640xf32, #tpu.memory_space<vmem_shared>>
      %dma_start3A_120 = tpu.memref_squeeze %dma_start3A_119 : memref<1x640xf32, #tpu.memory_space<vmem_shared>> -> memref<640xf32, #tpu.memory_space<vmem_shared>>
      tpu.enqueue_dma source(%dma_start3A_120 : memref<640xf32, #tpu.memory_space<vmem_shared>>) target(%dma_start3A_118 : memref<640xf32, #tpu.memory_space<vmem>>) target_semaphore(%run_scoped3A_111 : memref<!tpu.dma_semaphore, #tpu.memory_space<semaphore_mem>>)
      %dma_wait3A = arith.constant 0 : i32
      %dma_wait3A_121 = tpu.memref_slice %arg10[%run_scoped3A_24, %dma_wait3A] : memref<16x640xf32, #tpu.memory_space<vmem>> -> memref<1x640xf32, #tpu.memory_space<vmem>>
      %dma_wait3A_122 = tpu.memref_squeeze %dma_wait3A_121 : memref<1x640xf32, #tpu.memory_space<vmem>> -> memref<640xf32, #tpu.memory_space<vmem>>
      %dma_wait3A_123 = tpu.memref_slice %arg13[%run_scoped3A, %mul3A_23] : memref<16x10240xf32, #tpu.memory_space<vmem_shared>> -> memref<1x640xf32, #tpu.memory_space<vmem_shared>>
      %dma_wait3A_124 = tpu.memref_squeeze %dma_wait3A_123 : memref<1x640xf32, #tpu.memory_space<vmem_shared>> -> memref<640xf32, #tpu.memory_space<vmem_shared>>
      %dma_wait3A_125 = arith.constant 0 : i32
      %dma_wait3A_126 = tpu.memref_slice %arg10[%run_scoped3A_24, %dma_wait3A_125] : memref<16x640xf32, #tpu.memory_space<vmem>> -> memref<1x640xf32, #tpu.memory_space<vmem>>
      %dma_wait3A_127 = tpu.memref_squeeze %dma_wait3A_126 : memref<1x640xf32, #tpu.memory_space<vmem>> -> memref<640xf32, #tpu.memory_space<vmem>>
      %dma_wait3A_128 = tpu.memref_slice %arg13[%run_scoped3A, %mul3A_23] : memref<16x10240xf32, #tpu.memory_space<vmem_shared>> -> memref<1x640xf32, #tpu.memory_space<vmem_shared>>
      %dma_wait3A_129 = tpu.memref_squeeze %dma_wait3A_128 : memref<1x640xf32, #tpu.memory_space<vmem_shared>> -> memref<640xf32, #tpu.memory_space<vmem_shared>>
      tpu.wait_dma2 semaphore(%run_scoped3A_111 : memref<!tpu.dma_semaphore, #tpu.memory_space<semaphore_mem>>) src(%dma_wait3A_129 : memref<640xf32, #tpu.memory_space<vmem_shared>>) dst(%dma_wait3A_127 : memref<640xf32, #tpu.memory_space<vmem>>)
      tpu.yield
    }) : () -> ()
    %run_scoped3A_25 = arith.constant 1 : i32
    %run_scoped3A_26 = arith.constant 1 : i32
    "tpu.region"() ({
      %run_scoped3A_111 = tpu.sem_alloc : memref<!tpu.dma_semaphore, #tpu.memory_space<semaphore_mem>>
      %dma_start3A = arith.constant 0 : i32
      %dma_start3A_112 = tpu.memref_slice %arg10[%run_scoped3A_26, %dma_start3A] : memref<16x640xf32, #tpu.memory_space<vmem>> -> memref<1x640xf32, #tpu.memory_space<vmem>>
      %dma_start3A_113 = tpu.memref_squeeze %dma_start3A_112 : memref<1x640xf32, #tpu.memory_space<vmem>> -> memref<640xf32, #tpu.memory_space<vmem>>
      %dma_start3A_114 = tpu.memref_slice %arg13[%run_scoped3A_25, %mul3A_23] : memref<16x10240xf32, #tpu.memory_space<vmem_shared>> -> memref<1x640xf32, #tpu.memory_space<vmem_shared>>
      %dma_start3A_115 = tpu.memref_squeeze %dma_start3A_114 : memref<1x640xf32, #tpu.memory_space<vmem_shared>> -> memref<640xf32, #tpu.memory_space<vmem_shared>>
      %dma_start3A_116 = arith.constant 0 : i32
      %dma_start3A_117 = tpu.memref_slice %arg10[%run_scoped3A_26, %dma_start3A_116] : memref<16x640xf32, #tpu.memory_space<vmem>> -> memref<1x640xf32, #tpu.memory_space<vmem>>
      %dma_start3A_118 = tpu.memref_squeeze %dma_start3A_117 : memref<1x640xf32, #tpu.memory_space<vmem>> -> memref<640xf32, #tpu.memory_space<vmem>>
      %dma_start3A_119 = tpu.memref_slice %arg13[%run_scoped3A_25, %mul3A_23] : memref<16x10240xf32, #tpu.memory_space<vmem_shared>> -> memref<1x640xf32, #tpu.memory_space<vmem_shared>>
      %dma_start3A_120 = tpu.memref_squeeze %dma_start3A_119 : memref<1x640xf32, #tpu.memory_space<vmem_shared>> -> memref<640xf32, #tpu.memory_space<vmem_shared>>
      tpu.enqueue_dma source(%dma_start3A_120 : memref<640xf32, #tpu.memory_space<vmem_shared>>) target(%dma_start3A_118 : memref<640xf32, #tpu.memory_space<vmem>>) target_semaphore(%run_scoped3A_111 : memref<!tpu.dma_semaphore, #tpu.memory_space<semaphore_mem>>)
      %dma_wait3A = arith.constant 0 : i32
      %dma_wait3A_121 = tpu.memref_slice %arg10[%run_scoped3A_26, %dma_wait3A] : memref<16x640xf32, #tpu.memory_space<vmem>> -> memref<1x640xf32, #tpu.memory_space<vmem>>
      %dma_wait3A_122 = tpu.memref_squeeze %dma_wait3A_121 : memref<1x640xf32, #tpu.memory_space<vmem>> -> memref<640xf32, #tpu.memory_space<vmem>>
      %dma_wait3A_123 = tpu.memref_slice %arg13[%run_scoped3A_25, %mul3A_23] : memref<16x10240xf32, #tpu.memory_space<vmem_shared>> -> memref<1x640xf32, #tpu.memory_space<vmem_shared>>
      %dma_wait3A_124 = tpu.memref_squeeze %dma_wait3A_123 : memref<1x640xf32, #tpu.memory_space<vmem_shared>> -> memref<640xf32, #tpu.memory_space<vmem_shared>>
      %dma_wait3A_125 = arith.constant 0 : i32
      %dma_wait3A_126 = tpu.memref_slice %arg10[%run_scoped3A_26, %dma_wait3A_125] : memref<16x640xf32, #tpu.memory_space<vmem>> -> memref<1x640xf32, #tpu.memory_space<vmem>>
      %dma_wait3A_127 = tpu.memref_squeeze %dma_wait3A_126 : memref<1x640xf32, #tpu.memory_space<vmem>> -> memref<640xf32, #tpu.memory_space<vmem>>
      %dma_wait3A_128 = tpu.memref_slice %arg13[%run_scoped3A_25, %mul3A_23] : memref<16x10240xf32, #tpu.memory_space<vmem_shared>> -> memref<1x640xf32, #tpu.memory_space<vmem_shared>>
      %dma_wait3A_129 = tpu.memref_squeeze %dma_wait3A_128 : memref<1x640xf32, #tpu.memory_space<vmem_shared>> -> memref<640xf32, #tpu.memory_space<vmem_shared>>
      tpu.wait_dma2 semaphore(%run_scoped3A_111 : memref<!tpu.dma_semaphore, #tpu.memory_space<semaphore_mem>>) src(%dma_wait3A_129 : memref<640xf32, #tpu.memory_space<vmem_shared>>) dst(%dma_wait3A_127 : memref<640xf32, #tpu.memory_space<vmem>>)
      tpu.yield
    }) : () -> ()
    %run_scoped3A_27 = arith.constant 2 : i32
    %run_scoped3A_28 = arith.constant 2 : i32
    "tpu.region"() ({
      %run_scoped3A_111 = tpu.sem_alloc : memref<!tpu.dma_semaphore, #tpu.memory_space<semaphore_mem>>
      %dma_start3A = arith.constant 0 : i32
      %dma_start3A_112 = tpu.memref_slice %arg10[%run_scoped3A_28, %dma_start3A] : memref<16x640xf32, #tpu.memory_space<vmem>> -> memref<1x640xf32, #tpu.memory_space<vmem>>
      %dma_start3A_113 = tpu.memref_squeeze %dma_start3A_112 : memref<1x640xf32, #tpu.memory_space<vmem>> -> memref<640xf32, #tpu.memory_space<vmem>>
      %dma_start3A_114 = tpu.memref_slice %arg13[%run_scoped3A_27, %mul3A_23] : memref<16x10240xf32, #tpu.memory_space<vmem_shared>> -> memref<1x640xf32, #tpu.memory_space<vmem_shared>>
      %dma_start3A_115 = tpu.memref_squeeze %dma_start3A_114 : memref<1x640xf32, #tpu.memory_space<vmem_shared>> -> memref<640xf32, #tpu.memory_space<vmem_shared>>
      %dma_start3A_116 = arith.constant 0 : i32
      %dma_start3A_117 = tpu.memref_slice %arg10[%run_scoped3A_28, %dma_start3A_116] : memref<16x640xf32, #tpu.memory_space<vmem>> -> memref<1x640xf32, #tpu.memory_space<vmem>>
      %dma_start3A_118 = tpu.memref_squeeze %dma_start3A_117 : memref<1x640xf32, #tpu.memory_space<vmem>> -> memref<640xf32, #tpu.memory_space<vmem>>
      %dma_start3A_119 = tpu.memref_slice %arg13[%run_scoped3A_27, %mul3A_23] : memref<16x10240xf32, #tpu.memory_space<vmem_shared>> -> memref<1x640xf32, #tpu.memory_space<vmem_shared>>
      %dma_start3A_120 = tpu.memref_squeeze %dma_start3A_119 : memref<1x640xf32, #tpu.memory_space<vmem_shared>> -> memref<640xf32, #tpu.memory_space<vmem_shared>>
      tpu.enqueue_dma source(%dma_start3A_120 : memref<640xf32, #tpu.memory_space<vmem_shared>>) target(%dma_start3A_118 : memref<640xf32, #tpu.memory_space<vmem>>) target_semaphore(%run_scoped3A_111 : memref<!tpu.dma_semaphore, #tpu.memory_space<semaphore_mem>>)
      %dma_wait3A = arith.constant 0 : i32
      %dma_wait3A_121 = tpu.memref_slice %arg10[%run_scoped3A_28, %dma_wait3A] : memref<16x640xf32, #tpu.memory_space<vmem>> -> memref<1x640xf32, #tpu.memory_space<vmem>>
      %dma_wait3A_122 = tpu.memref_squeeze %dma_wait3A_121 : memref<1x640xf32, #tpu.memory_space<vmem>> -> memref<640xf32, #tpu.memory_space<vmem>>
      %dma_wait3A_123 = tpu.memref_slice %arg13[%run_scoped3A_27, %mul3A_23] : memref<16x10240xf32, #tpu.memory_space<vmem_shared>> -> memref<1x640xf32, #tpu.memory_space<vmem_shared>>
      %dma_wait3A_124 = tpu.memref_squeeze %dma_wait3A_123 : memref<1x640xf32, #tpu.memory_space<vmem_shared>> -> memref<640xf32, #tpu.memory_space<vmem_shared>>
      %dma_wait3A_125 = arith.constant 0 : i32
      %dma_wait3A_126 = tpu.memref_slice %arg10[%run_scoped3A_28, %dma_wait3A_125] : memref<16x640xf32, #tpu.memory_space<vmem>> -> memref<1x640xf32, #tpu.memory_space<vmem>>
      %dma_wait3A_127 = tpu.memref_squeeze %dma_wait3A_126 : memref<1x640xf32, #tpu.memory_space<vmem>> -> memref<640xf32, #tpu.memory_space<vmem>>
      %dma_wait3A_128 = tpu.memref_slice %arg13[%run_scoped3A_27, %mul3A_23] : memref<16x10240xf32, #tpu.memory_space<vmem_shared>> -> memref<1x640xf32, #tpu.memory_space<vmem_shared>>
      %dma_wait3A_129 = tpu.memref_squeeze %dma_wait3A_128 : memref<1x640xf32, #tpu.memory_space<vmem_shared>> -> memref<640xf32, #tpu.memory_space<vmem_shared>>
      tpu.wait_dma2 semaphore(%run_scoped3A_111 : memref<!tpu.dma_semaphore, #tpu.memory_space<semaphore_mem>>) src(%dma_wait3A_129 : memref<640xf32, #tpu.memory_space<vmem_shared>>) dst(%dma_wait3A_127 : memref<640xf32, #tpu.memory_space<vmem>>)
      tpu.yield
    }) : () -> ()
    %run_scoped3A_29 = arith.constant 3 : i32
    %run_scoped3A_30 = arith.constant 3 : i32
    "tpu.region"() ({
      %run_scoped3A_111 = tpu.sem_alloc : memref<!tpu.dma_semaphore, #tpu.memory_space<semaphore_mem>>
      %dma_start3A = arith.constant 0 : i32
      %dma_start3A_112 = tpu.memref_slice %arg10[%run_scoped3A_30, %dma_start3A] : memref<16x640xf32, #tpu.memory_space<vmem>> -> memref<1x640xf32, #tpu.memory_space<vmem>>
      %dma_start3A_113 = tpu.memref_squeeze %dma_start3A_112 : memref<1x640xf32, #tpu.memory_space<vmem>> -> memref<640xf32, #tpu.memory_space<vmem>>
      %dma_start3A_114 = tpu.memref_slice %arg13[%run_scoped3A_29, %mul3A_23] : memref<16x10240xf32, #tpu.memory_space<vmem_shared>> -> memref<1x640xf32, #tpu.memory_space<vmem_shared>>
      %dma_start3A_115 = tpu.memref_squeeze %dma_start3A_114 : memref<1x640xf32, #tpu.memory_space<vmem_shared>> -> memref<640xf32, #tpu.memory_space<vmem_shared>>
      %dma_start3A_116 = arith.constant 0 : i32
      %dma_start3A_117 = tpu.memref_slice %arg10[%run_scoped3A_30, %dma_start3A_116] : memref<16x640xf32, #tpu.memory_space<vmem>> -> memref<1x640xf32, #tpu.memory_space<vmem>>
      %dma_start3A_118 = tpu.memref_squeeze %dma_start3A_117 : memref<1x640xf32, #tpu.memory_space<vmem>> -> memref<640xf32, #tpu.memory_space<vmem>>
      %dma_start3A_119 = tpu.memref_slice %arg13[%run_scoped3A_29, %mul3A_23] : memref<16x10240xf32, #tpu.memory_space<vmem_shared>> -> memref<1x640xf32, #tpu.memory_space<vmem_shared>>
      %dma_start3A_120 = tpu.memref_squeeze %dma_start3A_119 : memref<1x640xf32, #tpu.memory_space<vmem_shared>> -> memref<640xf32, #tpu.memory_space<vmem_shared>>
      tpu.enqueue_dma source(%dma_start3A_120 : memref<640xf32, #tpu.memory_space<vmem_shared>>) target(%dma_start3A_118 : memref<640xf32, #tpu.memory_space<vmem>>) target_semaphore(%run_scoped3A_111 : memref<!tpu.dma_semaphore, #tpu.memory_space<semaphore_mem>>)
      %dma_wait3A = arith.constant 0 : i32
      %dma_wait3A_121 = tpu.memref_slice %arg10[%run_scoped3A_30, %dma_wait3A] : memref<16x640xf32, #tpu.memory_space<vmem>> -> memref<1x640xf32, #tpu.memory_space<vmem>>
      %dma_wait3A_122 = tpu.memref_squeeze %dma_wait3A_121 : memref<1x640xf32, #tpu.memory_space<vmem>> -> memref<640xf32, #tpu.memory_space<vmem>>
      %dma_wait3A_123 = tpu.memref_slice %arg13[%run_scoped3A_29, %mul3A_23] : memref<16x10240xf32, #tpu.memory_space<vmem_shared>> -> memref<1x640xf32, #tpu.memory_space<vmem_shared>>
      %dma_wait3A_124 = tpu.memref_squeeze %dma_wait3A_123 : memref<1x640xf32, #tpu.memory_space<vmem_shared>> -> memref<640xf32, #tpu.memory_space<vmem_shared>>
      %dma_wait3A_125 = arith.constant 0 : i32
      %dma_wait3A_126 = tpu.memref_slice %arg10[%run_scoped3A_30, %dma_wait3A_125] : memref<16x640xf32, #tpu.memory_space<vmem>> -> memref<1x640xf32, #tpu.memory_space<vmem>>
      %dma_wait3A_127 = tpu.memref_squeeze %dma_wait3A_126 : memref<1x640xf32, #tpu.memory_space<vmem>> -> memref<640xf32, #tpu.memory_space<vmem>>
      %dma_wait3A_128 = tpu.memref_slice %arg13[%run_scoped3A_29, %mul3A_23] : memref<16x10240xf32, #tpu.memory_space<vmem_shared>> -> memref<1x640xf32, #tpu.memory_space<vmem_shared>>
      %dma_wait3A_129 = tpu.memref_squeeze %dma_wait3A_128 : memref<1x640xf32, #tpu.memory_space<vmem_shared>> -> memref<640xf32, #tpu.memory_space<vmem_shared>>
      tpu.wait_dma2 semaphore(%run_scoped3A_111 : memref<!tpu.dma_semaphore, #tpu.memory_space<semaphore_mem>>) src(%dma_wait3A_129 : memref<640xf32, #tpu.memory_space<vmem_shared>>) dst(%dma_wait3A_127 : memref<640xf32, #tpu.memory_space<vmem>>)
      tpu.yield
    }) : () -> ()
    %run_scoped3A_31 = arith.constant 4 : i32
    %run_scoped3A_32 = arith.constant 4 : i32
    "tpu.region"() ({
      %run_scoped3A_111 = tpu.sem_alloc : memref<!tpu.dma_semaphore, #tpu.memory_space<semaphore_mem>>
      %dma_start3A = arith.constant 0 : i32
      %dma_start3A_112 = tpu.memref_slice %arg10[%run_scoped3A_32, %dma_start3A] : memref<16x640xf32, #tpu.memory_space<vmem>> -> memref<1x640xf32, #tpu.memory_space<vmem>>
      %dma_start3A_113 = tpu.memref_squeeze %dma_start3A_112 : memref<1x640xf32, #tpu.memory_space<vmem>> -> memref<640xf32, #tpu.memory_space<vmem>>
      %dma_start3A_114 = tpu.memref_slice %arg13[%run_scoped3A_31, %mul3A_23] : memref<16x10240xf32, #tpu.memory_space<vmem_shared>> -> memref<1x640xf32, #tpu.memory_space<vmem_shared>>
      %dma_start3A_115 = tpu.memref_squeeze %dma_start3A_114 : memref<1x640xf32, #tpu.memory_space<vmem_shared>> -> memref<640xf32, #tpu.memory_space<vmem_shared>>
      %dma_start3A_116 = arith.constant 0 : i32
      %dma_start3A_117 = tpu.memref_slice %arg10[%run_scoped3A_32, %dma_start3A_116] : memref<16x640xf32, #tpu.memory_space<vmem>> -> memref<1x640xf32, #tpu.memory_space<vmem>>
      %dma_start3A_118 = tpu.memref_squeeze %dma_start3A_117 : memref<1x640xf32, #tpu.memory_space<vmem>> -> memref<640xf32, #tpu.memory_space<vmem>>
      %dma_start3A_119 = tpu.memref_slice %arg13[%run_scoped3A_31, %mul3A_23] : memref<16x10240xf32, #tpu.memory_space<vmem_shared>> -> memref<1x640xf32, #tpu.memory_space<vmem_shared>>
      %dma_start3A_120 = tpu.memref_squeeze %dma_start3A_119 : memref<1x640xf32, #tpu.memory_space<vmem_shared>> -> memref<640xf32, #tpu.memory_space<vmem_shared>>
      tpu.enqueue_dma source(%dma_start3A_120 : memref<640xf32, #tpu.memory_space<vmem_shared>>) target(%dma_start3A_118 : memref<640xf32, #tpu.memory_space<vmem>>) target_semaphore(%run_scoped3A_111 : memref<!tpu.dma_semaphore, #tpu.memory_space<semaphore_mem>>)
      %dma_wait3A = arith.constant 0 : i32
      %dma_wait3A_121 = tpu.memref_slice %arg10[%run_scoped3A_32, %dma_wait3A] : memref<16x640xf32, #tpu.memory_space<vmem>> -> memref<1x640xf32, #tpu.memory_space<vmem>>
      %dma_wait3A_122 = tpu.memref_squeeze %dma_wait3A_121 : memref<1x640xf32, #tpu.memory_space<vmem>> -> memref<640xf32, #tpu.memory_space<vmem>>
      %dma_wait3A_123 = tpu.memref_slice %arg13[%run_scoped3A_31, %mul3A_23] : memref<16x10240xf32, #tpu.memory_space<vmem_shared>> -> memref<1x640xf32, #tpu.memory_space<vmem_shared>>
      %dma_wait3A_124 = tpu.memref_squeeze %dma_wait3A_123 : memref<1x640xf32, #tpu.memory_space<vmem_shared>> -> memref<640xf32, #tpu.memory_space<vmem_shared>>
      %dma_wait3A_125 = arith.constant 0 : i32
      %dma_wait3A_126 = tpu.memref_slice %arg10[%run_scoped3A_32, %dma_wait3A_125] : memref<16x640xf32, #tpu.memory_space<vmem>> -> memref<1x640xf32, #tpu.memory_space<vmem>>
      %dma_wait3A_127 = tpu.memref_squeeze %dma_wait3A_126 : memref<1x640xf32, #tpu.memory_space<vmem>> -> memref<640xf32, #tpu.memory_space<vmem>>
      %dma_wait3A_128 = tpu.memref_slice %arg13[%run_scoped3A_31, %mul3A_23] : memref<16x10240xf32, #tpu.memory_space<vmem_shared>> -> memref<1x640xf32, #tpu.memory_space<vmem_shared>>
      %dma_wait3A_129 = tpu.memref_squeeze %dma_wait3A_128 : memref<1x640xf32, #tpu.memory_space<vmem_shared>> -> memref<640xf32, #tpu.memory_space<vmem_shared>>
      tpu.wait_dma2 semaphore(%run_scoped3A_111 : memref<!tpu.dma_semaphore, #tpu.memory_space<semaphore_mem>>) src(%dma_wait3A_129 : memref<640xf32, #tpu.memory_space<vmem_shared>>) dst(%dma_wait3A_127 : memref<640xf32, #tpu.memory_space<vmem>>)
      tpu.yield
    }) : () -> ()
    %run_scoped3A_33 = arith.constant 5 : i32
    %run_scoped3A_34 = arith.constant 5 : i32
    "tpu.region"() ({
      %run_scoped3A_111 = tpu.sem_alloc : memref<!tpu.dma_semaphore, #tpu.memory_space<semaphore_mem>>
      %dma_start3A = arith.constant 0 : i32
      %dma_start3A_112 = tpu.memref_slice %arg10[%run_scoped3A_34, %dma_start3A] : memref<16x640xf32, #tpu.memory_space<vmem>> -> memref<1x640xf32, #tpu.memory_space<vmem>>
      %dma_start3A_113 = tpu.memref_squeeze %dma_start3A_112 : memref<1x640xf32, #tpu.memory_space<vmem>> -> memref<640xf32, #tpu.memory_space<vmem>>
      %dma_start3A_114 = tpu.memref_slice %arg13[%run_scoped3A_33, %mul3A_23] : memref<16x10240xf32, #tpu.memory_space<vmem_shared>> -> memref<1x640xf32, #tpu.memory_space<vmem_shared>>
      %dma_start3A_115 = tpu.memref_squeeze %dma_start3A_114 : memref<1x640xf32, #tpu.memory_space<vmem_shared>> -> memref<640xf32, #tpu.memory_space<vmem_shared>>
      %dma_start3A_116 = arith.constant 0 : i32
      %dma_start3A_117 = tpu.memref_slice %arg10[%run_scoped3A_34, %dma_start3A_116] : memref<16x640xf32, #tpu.memory_space<vmem>> -> memref<1x640xf32, #tpu.memory_space<vmem>>
      %dma_start3A_118 = tpu.memref_squeeze %dma_start3A_117 : memref<1x640xf32, #tpu.memory_space<vmem>> -> memref<640xf32, #tpu.memory_space<vmem>>
      %dma_start3A_119 = tpu.memref_slice %arg13[%run_scoped3A_33, %mul3A_23] : memref<16x10240xf32, #tpu.memory_space<vmem_shared>> -> memref<1x640xf32, #tpu.memory_space<vmem_shared>>
      %dma_start3A_120 = tpu.memref_squeeze %dma_start3A_119 : memref<1x640xf32, #tpu.memory_space<vmem_shared>> -> memref<640xf32, #tpu.memory_space<vmem_shared>>
      tpu.enqueue_dma source(%dma_start3A_120 : memref<640xf32, #tpu.memory_space<vmem_shared>>) target(%dma_start3A_118 : memref<640xf32, #tpu.memory_space<vmem>>) target_semaphore(%run_scoped3A_111 : memref<!tpu.dma_semaphore, #tpu.memory_space<semaphore_mem>>)
      %dma_wait3A = arith.constant 0 : i32
      %dma_wait3A_121 = tpu.memref_slice %arg10[%run_scoped3A_34, %dma_wait3A] : memref<16x640xf32, #tpu.memory_space<vmem>> -> memref<1x640xf32, #tpu.memory_space<vmem>>
      %dma_wait3A_122 = tpu.memref_squeeze %dma_wait3A_121 : memref<1x640xf32, #tpu.memory_space<vmem>> -> memref<640xf32, #tpu.memory_space<vmem>>
      %dma_wait3A_123 = tpu.memref_slice %arg13[%run_scoped3A_33, %mul3A_23] : memref<16x10240xf32, #tpu.memory_space<vmem_shared>> -> memref<1x640xf32, #tpu.memory_space<vmem_shared>>
      %dma_wait3A_124 = tpu.memref_squeeze %dma_wait3A_123 : memref<1x640xf32, #tpu.memory_space<vmem_shared>> -> memref<640xf32, #tpu.memory_space<vmem_shared>>
      %dma_wait3A_125 = arith.constant 0 : i32
      %dma_wait3A_126 = tpu.memref_slice %arg10[%run_scoped3A_34, %dma_wait3A_125] : memref<16x640xf32, #tpu.memory_space<vmem>> -> memref<1x640xf32, #tpu.memory_space<vmem>>
      %dma_wait3A_127 = tpu.memref_squeeze %dma_wait3A_126 : memref<1x640xf32, #tpu.memory_space<vmem>> -> memref<640xf32, #tpu.memory_space<vmem>>
      %dma_wait3A_128 = tpu.memref_slice %arg13[%run_scoped3A_33, %mul3A_23] : memref<16x10240xf32, #tpu.memory_space<vmem_shared>> -> memref<1x640xf32, #tpu.memory_space<vmem_shared>>
      %dma_wait3A_129 = tpu.memref_squeeze %dma_wait3A_128 : memref<1x640xf32, #tpu.memory_space<vmem_shared>> -> memref<640xf32, #tpu.memory_space<vmem_shared>>
      tpu.wait_dma2 semaphore(%run_scoped3A_111 : memref<!tpu.dma_semaphore, #tpu.memory_space<semaphore_mem>>) src(%dma_wait3A_129 : memref<640xf32, #tpu.memory_space<vmem_shared>>) dst(%dma_wait3A_127 : memref<640xf32, #tpu.memory_space<vmem>>)
      tpu.yield
    }) : () -> ()
    %run_scoped3A_35 = arith.constant 6 : i32
    %run_scoped3A_36 = arith.constant 6 : i32
    "tpu.region"() ({
      %run_scoped3A_111 = tpu.sem_alloc : memref<!tpu.dma_semaphore, #tpu.memory_space<semaphore_mem>>
      %dma_start3A = arith.constant 0 : i32
      %dma_start3A_112 = tpu.memref_slice %arg10[%run_scoped3A_36, %dma_start3A] : memref<16x640xf32, #tpu.memory_space<vmem>> -> memref<1x640xf32, #tpu.memory_space<vmem>>
      %dma_start3A_113 = tpu.memref_squeeze %dma_start3A_112 : memref<1x640xf32, #tpu.memory_space<vmem>> -> memref<640xf32, #tpu.memory_space<vmem>>
      %dma_start3A_114 = tpu.memref_slice %arg13[%run_scoped3A_35, %mul3A_23] : memref<16x10240xf32, #tpu.memory_space<vmem_shared>> -> memref<1x640xf32, #tpu.memory_space<vmem_shared>>
      %dma_start3A_115 = tpu.memref_squeeze %dma_start3A_114 : memref<1x640xf32, #tpu.memory_space<vmem_shared>> -> memref<640xf32, #tpu.memory_space<vmem_shared>>
      %dma_start3A_116 = arith.constant 0 : i32
      %dma_start3A_117 = tpu.memref_slice %arg10[%run_scoped3A_36, %dma_start3A_116] : memref<16x640xf32, #tpu.memory_space<vmem>> -> memref<1x640xf32, #tpu.memory_space<vmem>>
      %dma_start3A_118 = tpu.memref_squeeze %dma_start3A_117 : memref<1x640xf32, #tpu.memory_space<vmem>> -> memref<640xf32, #tpu.memory_space<vmem>>
      %dma_start3A_119 = tpu.memref_slice %arg13[%run_scoped3A_35, %mul3A_23] : memref<16x10240xf32, #tpu.memory_space<vmem_shared>> -> memref<1x640xf32, #tpu.memory_space<vmem_shared>>
      %dma_start3A_120 = tpu.memref_squeeze %dma_start3A_119 : memref<1x640xf32, #tpu.memory_space<vmem_shared>> -> memref<640xf32, #tpu.memory_space<vmem_shared>>
      tpu.enqueue_dma source(%dma_start3A_120 : memref<640xf32, #tpu.memory_space<vmem_shared>>) target(%dma_start3A_118 : memref<640xf32, #tpu.memory_space<vmem>>) target_semaphore(%run_scoped3A_111 : memref<!tpu.dma_semaphore, #tpu.memory_space<semaphore_mem>>)
      %dma_wait3A = arith.constant 0 : i32
      %dma_wait3A_121 = tpu.memref_slice %arg10[%run_scoped3A_36, %dma_wait3A] : memref<16x640xf32, #tpu.memory_space<vmem>> -> memref<1x640xf32, #tpu.memory_space<vmem>>
      %dma_wait3A_122 = tpu.memref_squeeze %dma_wait3A_121 : memref<1x640xf32, #tpu.memory_space<vmem>> -> memref<640xf32, #tpu.memory_space<vmem>>
      %dma_wait3A_123 = tpu.memref_slice %arg13[%run_scoped3A_35, %mul3A_23] : memref<16x10240xf32, #tpu.memory_space<vmem_shared>> -> memref<1x640xf32, #tpu.memory_space<vmem_shared>>
      %dma_wait3A_124 = tpu.memref_squeeze %dma_wait3A_123 : memref<1x640xf32, #tpu.memory_space<vmem_shared>> -> memref<640xf32, #tpu.memory_space<vmem_shared>>
      %dma_wait3A_125 = arith.constant 0 : i32
      %dma_wait3A_126 = tpu.memref_slice %arg10[%run_scoped3A_36, %dma_wait3A_125] : memref<16x640xf32, #tpu.memory_space<vmem>> -> memref<1x640xf32, #tpu.memory_space<vmem>>
      %dma_wait3A_127 = tpu.memref_squeeze %dma_wait3A_126 : memref<1x640xf32, #tpu.memory_space<vmem>> -> memref<640xf32, #tpu.memory_space<vmem>>
      %dma_wait3A_128 = tpu.memref_slice %arg13[%run_scoped3A_35, %mul3A_23] : memref<16x10240xf32, #tpu.memory_space<vmem_shared>> -> memref<1x640xf32, #tpu.memory_space<vmem_shared>>
      %dma_wait3A_129 = tpu.memref_squeeze %dma_wait3A_128 : memref<1x640xf32, #tpu.memory_space<vmem_shared>> -> memref<640xf32, #tpu.memory_space<vmem_shared>>
      tpu.wait_dma2 semaphore(%run_scoped3A_111 : memref<!tpu.dma_semaphore, #tpu.memory_space<semaphore_mem>>) src(%dma_wait3A_129 : memref<640xf32, #tpu.memory_space<vmem_shared>>) dst(%dma_wait3A_127 : memref<640xf32, #tpu.memory_space<vmem>>)
      tpu.yield
    }) : () -> ()
    %run_scoped3A_37 = arith.constant 7 : i32
    %run_scoped3A_38 = arith.constant 7 : i32
    "tpu.region"() ({
      %run_scoped3A_111 = tpu.sem_alloc : memref<!tpu.dma_semaphore, #tpu.memory_space<semaphore_mem>>
      %dma_start3A = arith.constant 0 : i32
      %dma_start3A_112 = tpu.memref_slice %arg10[%run_scoped3A_38, %dma_start3A] : memref<16x640xf32, #tpu.memory_space<vmem>> -> memref<1x640xf32, #tpu.memory_space<vmem>>
      %dma_start3A_113 = tpu.memref_squeeze %dma_start3A_112 : memref<1x640xf32, #tpu.memory_space<vmem>> -> memref<640xf32, #tpu.memory_space<vmem>>
      %dma_start3A_114 = tpu.memref_slice %arg13[%run_scoped3A_37, %mul3A_23] : memref<16x10240xf32, #tpu.memory_space<vmem_shared>> -> memref<1x640xf32, #tpu.memory_space<vmem_shared>>
      %dma_start3A_115 = tpu.memref_squeeze %dma_start3A_114 : memref<1x640xf32, #tpu.memory_space<vmem_shared>> -> memref<640xf32, #tpu.memory_space<vmem_shared>>
      %dma_start3A_116 = arith.constant 0 : i32
      %dma_start3A_117 = tpu.memref_slice %arg10[%run_scoped3A_38, %dma_start3A_116] : memref<16x640xf32, #tpu.memory_space<vmem>> -> memref<1x640xf32, #tpu.memory_space<vmem>>
      %dma_start3A_118 = tpu.memref_squeeze %dma_start3A_117 : memref<1x640xf32, #tpu.memory_space<vmem>> -> memref<640xf32, #tpu.memory_space<vmem>>
      %dma_start3A_119 = tpu.memref_slice %arg13[%run_scoped3A_37, %mul3A_23] : memref<16x10240xf32, #tpu.memory_space<vmem_shared>> -> memref<1x640xf32, #tpu.memory_space<vmem_shared>>
      %dma_start3A_120 = tpu.memref_squeeze %dma_start3A_119 : memref<1x640xf32, #tpu.memory_space<vmem_shared>> -> memref<640xf32, #tpu.memory_space<vmem_shared>>
      tpu.enqueue_dma source(%dma_start3A_120 : memref<640xf32, #tpu.memory_space<vmem_shared>>) target(%dma_start3A_118 : memref<640xf32, #tpu.memory_space<vmem>>) target_semaphore(%run_scoped3A_111 : memref<!tpu.dma_semaphore, #tpu.memory_space<semaphore_mem>>)
      %dma_wait3A = arith.constant 0 : i32
      %dma_wait3A_121 = tpu.memref_slice %arg10[%run_scoped3A_38, %dma_wait3A] : memref<16x640xf32, #tpu.memory_space<vmem>> -> memref<1x640xf32, #tpu.memory_space<vmem>>
      %dma_wait3A_122 = tpu.memref_squeeze %dma_wait3A_121 : memref<1x640xf32, #tpu.memory_space<vmem>> -> memref<640xf32, #tpu.memory_space<vmem>>
      %dma_wait3A_123 = tpu.memref_slice %arg13[%run_scoped3A_37, %mul3A_23] : memref<16x10240xf32, #tpu.memory_space<vmem_shared>> -> memref<1x640xf32, #tpu.memory_space<vmem_shared>>
      %dma_wait3A_124 = tpu.memref_squeeze %dma_wait3A_123 : memref<1x640xf32, #tpu.memory_space<vmem_shared>> -> memref<640xf32, #tpu.memory_space<vmem_shared>>
      %dma_wait3A_125 = arith.constant 0 : i32
      %dma_wait3A_126 = tpu.memref_slice %arg10[%run_scoped3A_38, %dma_wait3A_125] : memref<16x640xf32, #tpu.memory_space<vmem>> -> memref<1x640xf32, #tpu.memory_space<vmem>>
      %dma_wait3A_127 = tpu.memref_squeeze %dma_wait3A_126 : memref<1x640xf32, #tpu.memory_space<vmem>> -> memref<640xf32, #tpu.memory_space<vmem>>
      %dma_wait3A_128 = tpu.memref_slice %arg13[%run_scoped3A_37, %mul3A_23] : memref<16x10240xf32, #tpu.memory_space<vmem_shared>> -> memref<1x640xf32, #tpu.memory_space<vmem_shared>>
      %dma_wait3A_129 = tpu.memref_squeeze %dma_wait3A_128 : memref<1x640xf32, #tpu.memory_space<vmem_shared>> -> memref<640xf32, #tpu.memory_space<vmem_shared>>
      tpu.wait_dma2 semaphore(%run_scoped3A_111 : memref<!tpu.dma_semaphore, #tpu.memory_space<semaphore_mem>>) src(%dma_wait3A_129 : memref<640xf32, #tpu.memory_space<vmem_shared>>) dst(%dma_wait3A_127 : memref<640xf32, #tpu.memory_space<vmem>>)
      tpu.yield
    }) : () -> ()
    %run_scoped3A_39 = arith.constant 8 : i32
    %run_scoped3A_40 = arith.constant 8 : i32
    "tpu.region"() ({
      %run_scoped3A_111 = tpu.sem_alloc : memref<!tpu.dma_semaphore, #tpu.memory_space<semaphore_mem>>
      %dma_start3A = arith.constant 0 : i32
      %dma_start3A_112 = tpu.memref_slice %arg10[%run_scoped3A_40, %dma_start3A] : memref<16x640xf32, #tpu.memory_space<vmem>> -> memref<1x640xf32, #tpu.memory_space<vmem>>
      %dma_start3A_113 = tpu.memref_squeeze %dma_start3A_112 : memref<1x640xf32, #tpu.memory_space<vmem>> -> memref<640xf32, #tpu.memory_space<vmem>>
      %dma_start3A_114 = tpu.memref_slice %arg13[%run_scoped3A_39, %mul3A_23] : memref<16x10240xf32, #tpu.memory_space<vmem_shared>> -> memref<1x640xf32, #tpu.memory_space<vmem_shared>>
      %dma_start3A_115 = tpu.memref_squeeze %dma_start3A_114 : memref<1x640xf32, #tpu.memory_space<vmem_shared>> -> memref<640xf32, #tpu.memory_space<vmem_shared>>
      %dma_start3A_116 = arith.constant 0 : i32
      %dma_start3A_117 = tpu.memref_slice %arg10[%run_scoped3A_40, %dma_start3A_116] : memref<16x640xf32, #tpu.memory_space<vmem>> -> memref<1x640xf32, #tpu.memory_space<vmem>>
      %dma_start3A_118 = tpu.memref_squeeze %dma_start3A_117 : memref<1x640xf32, #tpu.memory_space<vmem>> -> memref<640xf32, #tpu.memory_space<vmem>>
      %dma_start3A_119 = tpu.memref_slice %arg13[%run_scoped3A_39, %mul3A_23] : memref<16x10240xf32, #tpu.memory_space<vmem_shared>> -> memref<1x640xf32, #tpu.memory_space<vmem_shared>>
      %dma_start3A_120 = tpu.memref_squeeze %dma_start3A_119 : memref<1x640xf32, #tpu.memory_space<vmem_shared>> -> memref<640xf32, #tpu.memory_space<vmem_shared>>
      tpu.enqueue_dma source(%dma_start3A_120 : memref<640xf32, #tpu.memory_space<vmem_shared>>) target(%dma_start3A_118 : memref<640xf32, #tpu.memory_space<vmem>>) target_semaphore(%run_scoped3A_111 : memref<!tpu.dma_semaphore, #tpu.memory_space<semaphore_mem>>)
      %dma_wait3A = arith.constant 0 : i32
      %dma_wait3A_121 = tpu.memref_slice %arg10[%run_scoped3A_40, %dma_wait3A] : memref<16x640xf32, #tpu.memory_space<vmem>> -> memref<1x640xf32, #tpu.memory_space<vmem>>
      %dma_wait3A_122 = tpu.memref_squeeze %dma_wait3A_121 : memref<1x640xf32, #tpu.memory_space<vmem>> -> memref<640xf32, #tpu.memory_space<vmem>>
      %dma_wait3A_123 = tpu.memref_slice %arg13[%run_scoped3A_39, %mul3A_23] : memref<16x10240xf32, #tpu.memory_space<vmem_shared>> -> memref<1x640xf32, #tpu.memory_space<vmem_shared>>
      %dma_wait3A_124 = tpu.memref_squeeze %dma_wait3A_123 : memref<1x640xf32, #tpu.memory_space<vmem_shared>> -> memref<640xf32, #tpu.memory_space<vmem_shared>>
      %dma_wait3A_125 = arith.constant 0 : i32
      %dma_wait3A_126 = tpu.memref_slice %arg10[%run_scoped3A_40, %dma_wait3A_125] : memref<16x640xf32, #tpu.memory_space<vmem>> -> memref<1x640xf32, #tpu.memory_space<vmem>>
      %dma_wait3A_127 = tpu.memref_squeeze %dma_wait3A_126 : memref<1x640xf32, #tpu.memory_space<vmem>> -> memref<640xf32, #tpu.memory_space<vmem>>
      %dma_wait3A_128 = tpu.memref_slice %arg13[%run_scoped3A_39, %mul3A_23] : memref<16x10240xf32, #tpu.memory_space<vmem_shared>> -> memref<1x640xf32, #tpu.memory_space<vmem_shared>>
      %dma_wait3A_129 = tpu.memref_squeeze %dma_wait3A_128 : memref<1x640xf32, #tpu.memory_space<vmem_shared>> -> memref<640xf32, #tpu.memory_space<vmem_shared>>
      tpu.wait_dma2 semaphore(%run_scoped3A_111 : memref<!tpu.dma_semaphore, #tpu.memory_space<semaphore_mem>>) src(%dma_wait3A_129 : memref<640xf32, #tpu.memory_space<vmem_shared>>) dst(%dma_wait3A_127 : memref<640xf32, #tpu.memory_space<vmem>>)
      tpu.yield
    }) : () -> ()
    %run_scoped3A_41 = arith.constant 9 : i32
    %run_scoped3A_42 = arith.constant 9 : i32
    "tpu.region"() ({
      %run_scoped3A_111 = tpu.sem_alloc : memref<!tpu.dma_semaphore, #tpu.memory_space<semaphore_mem>>
      %dma_start3A = arith.constant 0 : i32
      %dma_start3A_112 = tpu.memref_slice %arg10[%run_scoped3A_42, %dma_start3A] : memref<16x640xf32, #tpu.memory_space<vmem>> -> memref<1x640xf32, #tpu.memory_space<vmem>>
      %dma_start3A_113 = tpu.memref_squeeze %dma_start3A_112 : memref<1x640xf32, #tpu.memory_space<vmem>> -> memref<640xf32, #tpu.memory_space<vmem>>
      %dma_start3A_114 = tpu.memref_slice %arg13[%run_scoped3A_41, %mul3A_23] : memref<16x10240xf32, #tpu.memory_space<vmem_shared>> -> memref<1x640xf32, #tpu.memory_space<vmem_shared>>
      %dma_start3A_115 = tpu.memref_squeeze %dma_start3A_114 : memref<1x640xf32, #tpu.memory_space<vmem_shared>> -> memref<640xf32, #tpu.memory_space<vmem_shared>>
      %dma_start3A_116 = arith.constant 0 : i32
      %dma_start3A_117 = tpu.memref_slice %arg10[%run_scoped3A_42, %dma_start3A_116] : memref<16x640xf32, #tpu.memory_space<vmem>> -> memref<1x640xf32, #tpu.memory_space<vmem>>
      %dma_start3A_118 = tpu.memref_squeeze %dma_start3A_117 : memref<1x640xf32, #tpu.memory_space<vmem>> -> memref<640xf32, #tpu.memory_space<vmem>>
      %dma_start3A_119 = tpu.memref_slice %arg13[%run_scoped3A_41, %mul3A_23] : memref<16x10240xf32, #tpu.memory_space<vmem_shared>> -> memref<1x640xf32, #tpu.memory_space<vmem_shared>>
      %dma_start3A_120 = tpu.memref_squeeze %dma_start3A_119 : memref<1x640xf32, #tpu.memory_space<vmem_shared>> -> memref<640xf32, #tpu.memory_space<vmem_shared>>
      tpu.enqueue_dma source(%dma_start3A_120 : memref<640xf32, #tpu.memory_space<vmem_shared>>) target(%dma_start3A_118 : memref<640xf32, #tpu.memory_space<vmem>>) target_semaphore(%run_scoped3A_111 : memref<!tpu.dma_semaphore, #tpu.memory_space<semaphore_mem>>)
      %dma_wait3A = arith.constant 0 : i32
      %dma_wait3A_121 = tpu.memref_slice %arg10[%run_scoped3A_42, %dma_wait3A] : memref<16x640xf32, #tpu.memory_space<vmem>> -> memref<1x640xf32, #tpu.memory_space<vmem>>
      %dma_wait3A_122 = tpu.memref_squeeze %dma_wait3A_121 : memref<1x640xf32, #tpu.memory_space<vmem>> -> memref<640xf32, #tpu.memory_space<vmem>>
      %dma_wait3A_123 = tpu.memref_slice %arg13[%run_scoped3A_41, %mul3A_23] : memref<16x10240xf32, #tpu.memory_space<vmem_shared>> -> memref<1x640xf32, #tpu.memory_space<vmem_shared>>
      %dma_wait3A_124 = tpu.memref_squeeze %dma_wait3A_123 : memref<1x640xf32, #tpu.memory_space<vmem_shared>> -> memref<640xf32, #tpu.memory_space<vmem_shared>>
      %dma_wait3A_125 = arith.constant 0 : i32
      %dma_wait3A_126 = tpu.memref_slice %arg10[%run_scoped3A_42, %dma_wait3A_125] : memref<16x640xf32, #tpu.memory_space<vmem>> -> memref<1x640xf32, #tpu.memory_space<vmem>>
      %dma_wait3A_127 = tpu.memref_squeeze %dma_wait3A_126 : memref<1x640xf32, #tpu.memory_space<vmem>> -> memref<640xf32, #tpu.memory_space<vmem>>
      %dma_wait3A_128 = tpu.memref_slice %arg13[%run_scoped3A_41, %mul3A_23] : memref<16x10240xf32, #tpu.memory_space<vmem_shared>> -> memref<1x640xf32, #tpu.memory_space<vmem_shared>>
      %dma_wait3A_129 = tpu.memref_squeeze %dma_wait3A_128 : memref<1x640xf32, #tpu.memory_space<vmem_shared>> -> memref<640xf32, #tpu.memory_space<vmem_shared>>
      tpu.wait_dma2 semaphore(%run_scoped3A_111 : memref<!tpu.dma_semaphore, #tpu.memory_space<semaphore_mem>>) src(%dma_wait3A_129 : memref<640xf32, #tpu.memory_space<vmem_shared>>) dst(%dma_wait3A_127 : memref<640xf32, #tpu.memory_space<vmem>>)
      tpu.yield
    }) : () -> ()
    %run_scoped3A_43 = arith.constant 10 : i32
    %run_scoped3A_44 = arith.constant 10 : i32
    "tpu.region"() ({
      %run_scoped3A_111 = tpu.sem_alloc : memref<!tpu.dma_semaphore, #tpu.memory_space<semaphore_mem>>
      %dma_start3A = arith.constant 0 : i32
      %dma_start3A_112 = tpu.memref_slice %arg10[%run_scoped3A_44, %dma_start3A] : memref<16x640xf32, #tpu.memory_space<vmem>> -> memref<1x640xf32, #tpu.memory_space<vmem>>
      %dma_start3A_113 = tpu.memref_squeeze %dma_start3A_112 : memref<1x640xf32, #tpu.memory_space<vmem>> -> memref<640xf32, #tpu.memory_space<vmem>>
      %dma_start3A_114 = tpu.memref_slice %arg13[%run_scoped3A_43, %mul3A_23] : memref<16x10240xf32, #tpu.memory_space<vmem_shared>> -> memref<1x640xf32, #tpu.memory_space<vmem_shared>>
      %dma_start3A_115 = tpu.memref_squeeze %dma_start3A_114 : memref<1x640xf32, #tpu.memory_space<vmem_shared>> -> memref<640xf32, #tpu.memory_space<vmem_shared>>
      %dma_start3A_116 = arith.constant 0 : i32
      %dma_start3A_117 = tpu.memref_slice %arg10[%run_scoped3A_44, %dma_start3A_116] : memref<16x640xf32, #tpu.memory_space<vmem>> -> memref<1x640xf32, #tpu.memory_space<vmem>>
      %dma_start3A_118 = tpu.memref_squeeze %dma_start3A_117 : memref<1x640xf32, #tpu.memory_space<vmem>> -> memref<640xf32, #tpu.memory_space<vmem>>
      %dma_start3A_119 = tpu.memref_slice %arg13[%run_scoped3A_43, %mul3A_23] : memref<16x10240xf32, #tpu.memory_space<vmem_shared>> -> memref<1x640xf32, #tpu.memory_space<vmem_shared>>
      %dma_start3A_120 = tpu.memref_squeeze %dma_start3A_119 : memref<1x640xf32, #tpu.memory_space<vmem_shared>> -> memref<640xf32, #tpu.memory_space<vmem_shared>>
      tpu.enqueue_dma source(%dma_start3A_120 : memref<640xf32, #tpu.memory_space<vmem_shared>>) target(%dma_start3A_118 : memref<640xf32, #tpu.memory_space<vmem>>) target_semaphore(%run_scoped3A_111 : memref<!tpu.dma_semaphore, #tpu.memory_space<semaphore_mem>>)
      %dma_wait3A = arith.constant 0 : i32
      %dma_wait3A_121 = tpu.memref_slice %arg10[%run_scoped3A_44, %dma_wait3A] : memref<16x640xf32, #tpu.memory_space<vmem>> -> memref<1x640xf32, #tpu.memory_space<vmem>>
      %dma_wait3A_122 = tpu.memref_squeeze %dma_wait3A_121 : memref<1x640xf32, #tpu.memory_space<vmem>> -> memref<640xf32, #tpu.memory_space<vmem>>
      %dma_wait3A_123 = tpu.memref_slice %arg13[%run_scoped3A_43, %mul3A_23] : memref<16x10240xf32, #tpu.memory_space<vmem_shared>> -> memref<1x640xf32, #tpu.memory_space<vmem_shared>>
      %dma_wait3A_124 = tpu.memref_squeeze %dma_wait3A_123 : memref<1x640xf32, #tpu.memory_space<vmem_shared>> -> memref<640xf32, #tpu.memory_space<vmem_shared>>
      %dma_wait3A_125 = arith.constant 0 : i32
      %dma_wait3A_126 = tpu.memref_slice %arg10[%run_scoped3A_44, %dma_wait3A_125] : memref<16x640xf32, #tpu.memory_space<vmem>> -> memref<1x640xf32, #tpu.memory_space<vmem>>
      %dma_wait3A_127 = tpu.memref_squeeze %dma_wait3A_126 : memref<1x640xf32, #tpu.memory_space<vmem>> -> memref<640xf32, #tpu.memory_space<vmem>>
      %dma_wait3A_128 = tpu.memref_slice %arg13[%run_scoped3A_43, %mul3A_23] : memref<16x10240xf32, #tpu.memory_space<vmem_shared>> -> memref<1x640xf32, #tpu.memory_space<vmem_shared>>
      %dma_wait3A_129 = tpu.memref_squeeze %dma_wait3A_128 : memref<1x640xf32, #tpu.memory_space<vmem_shared>> -> memref<640xf32, #tpu.memory_space<vmem_shared>>
      tpu.wait_dma2 semaphore(%run_scoped3A_111 : memref<!tpu.dma_semaphore, #tpu.memory_space<semaphore_mem>>) src(%dma_wait3A_129 : memref<640xf32, #tpu.memory_space<vmem_shared>>) dst(%dma_wait3A_127 : memref<640xf32, #tpu.memory_space<vmem>>)
      tpu.yield
    }) : () -> ()
    %run_scoped3A_45 = arith.constant 11 : i32
    %run_scoped3A_46 = arith.constant 11 : i32
    "tpu.region"() ({
      %run_scoped3A_111 = tpu.sem_alloc : memref<!tpu.dma_semaphore, #tpu.memory_space<semaphore_mem>>
      %dma_start3A = arith.constant 0 : i32
      %dma_start3A_112 = tpu.memref_slice %arg10[%run_scoped3A_46, %dma_start3A] : memref<16x640xf32, #tpu.memory_space<vmem>> -> memref<1x640xf32, #tpu.memory_space<vmem>>
      %dma_start3A_113 = tpu.memref_squeeze %dma_start3A_112 : memref<1x640xf32, #tpu.memory_space<vmem>> -> memref<640xf32, #tpu.memory_space<vmem>>
      %dma_start3A_114 = tpu.memref_slice %arg13[%run_scoped3A_45, %mul3A_23] : memref<16x10240xf32, #tpu.memory_space<vmem_shared>> -> memref<1x640xf32, #tpu.memory_space<vmem_shared>>
      %dma_start3A_115 = tpu.memref_squeeze %dma_start3A_114 : memref<1x640xf32, #tpu.memory_space<vmem_shared>> -> memref<640xf32, #tpu.memory_space<vmem_shared>>
      %dma_start3A_116 = arith.constant 0 : i32
      %dma_start3A_117 = tpu.memref_slice %arg10[%run_scoped3A_46, %dma_start3A_116] : memref<16x640xf32, #tpu.memory_space<vmem>> -> memref<1x640xf32, #tpu.memory_space<vmem>>
      %dma_start3A_118 = tpu.memref_squeeze %dma_start3A_117 : memref<1x640xf32, #tpu.memory_space<vmem>> -> memref<640xf32, #tpu.memory_space<vmem>>
      %dma_start3A_119 = tpu.memref_slice %arg13[%run_scoped3A_45, %mul3A_23] : memref<16x10240xf32, #tpu.memory_space<vmem_shared>> -> memref<1x640xf32, #tpu.memory_space<vmem_shared>>
      %dma_start3A_120 = tpu.memref_squeeze %dma_start3A_119 : memref<1x640xf32, #tpu.memory_space<vmem_shared>> -> memref<640xf32, #tpu.memory_space<vmem_shared>>
      tpu.enqueue_dma source(%dma_start3A_120 : memref<640xf32, #tpu.memory_space<vmem_shared>>) target(%dma_start3A_118 : memref<640xf32, #tpu.memory_space<vmem>>) target_semaphore(%run_scoped3A_111 : memref<!tpu.dma_semaphore, #tpu.memory_space<semaphore_mem>>)
      %dma_wait3A = arith.constant 0 : i32
      %dma_wait3A_121 = tpu.memref_slice %arg10[%run_scoped3A_46, %dma_wait3A] : memref<16x640xf32, #tpu.memory_space<vmem>> -> memref<1x640xf32, #tpu.memory_space<vmem>>
      %dma_wait3A_122 = tpu.memref_squeeze %dma_wait3A_121 : memref<1x640xf32, #tpu.memory_space<vmem>> -> memref<640xf32, #tpu.memory_space<vmem>>
      %dma_wait3A_123 = tpu.memref_slice %arg13[%run_scoped3A_45, %mul3A_23] : memref<16x10240xf32, #tpu.memory_space<vmem_shared>> -> memref<1x640xf32, #tpu.memory_space<vmem_shared>>
      %dma_wait3A_124 = tpu.memref_squeeze %dma_wait3A_123 : memref<1x640xf32, #tpu.memory_space<vmem_shared>> -> memref<640xf32, #tpu.memory_space<vmem_shared>>
      %dma_wait3A_125 = arith.constant 0 : i32
      %dma_wait3A_126 = tpu.memref_slice %arg10[%run_scoped3A_46, %dma_wait3A_125] : memref<16x640xf32, #tpu.memory_space<vmem>> -> memref<1x640xf32, #tpu.memory_space<vmem>>
      %dma_wait3A_127 = tpu.memref_squeeze %dma_wait3A_126 : memref<1x640xf32, #tpu.memory_space<vmem>> -> memref<640xf32, #tpu.memory_space<vmem>>
      %dma_wait3A_128 = tpu.memref_slice %arg13[%run_scoped3A_45, %mul3A_23] : memref<16x10240xf32, #tpu.memory_space<vmem_shared>> -> memref<1x640xf32, #tpu.memory_space<vmem_shared>>
      %dma_wait3A_129 = tpu.memref_squeeze %dma_wait3A_128 : memref<1x640xf32, #tpu.memory_space<vmem_shared>> -> memref<640xf32, #tpu.memory_space<vmem_shared>>
      tpu.wait_dma2 semaphore(%run_scoped3A_111 : memref<!tpu.dma_semaphore, #tpu.memory_space<semaphore_mem>>) src(%dma_wait3A_129 : memref<640xf32, #tpu.memory_space<vmem_shared>>) dst(%dma_wait3A_127 : memref<640xf32, #tpu.memory_space<vmem>>)
      tpu.yield
    }) : () -> ()
    %run_scoped3A_47 = arith.constant 12 : i32
    %run_scoped3A_48 = arith.constant 12 : i32
    "tpu.region"() ({
      %run_scoped3A_111 = tpu.sem_alloc : memref<!tpu.dma_semaphore, #tpu.memory_space<semaphore_mem>>
      %dma_start3A = arith.constant 0 : i32
      %dma_start3A_112 = tpu.memref_slice %arg10[%run_scoped3A_48, %dma_start3A] : memref<16x640xf32, #tpu.memory_space<vmem>> -> memref<1x640xf32, #tpu.memory_space<vmem>>
      %dma_start3A_113 = tpu.memref_squeeze %dma_start3A_112 : memref<1x640xf32, #tpu.memory_space<vmem>> -> memref<640xf32, #tpu.memory_space<vmem>>
      %dma_start3A_114 = tpu.memref_slice %arg13[%run_scoped3A_47, %mul3A_23] : memref<16x10240xf32, #tpu.memory_space<vmem_shared>> -> memref<1x640xf32, #tpu.memory_space<vmem_shared>>
      %dma_start3A_115 = tpu.memref_squeeze %dma_start3A_114 : memref<1x640xf32, #tpu.memory_space<vmem_shared>> -> memref<640xf32, #tpu.memory_space<vmem_shared>>
      %dma_start3A_116 = arith.constant 0 : i32
      %dma_start3A_117 = tpu.memref_slice %arg10[%run_scoped3A_48, %dma_start3A_116] : memref<16x640xf32, #tpu.memory_space<vmem>> -> memref<1x640xf32, #tpu.memory_space<vmem>>
      %dma_start3A_118 = tpu.memref_squeeze %dma_start3A_117 : memref<1x640xf32, #tpu.memory_space<vmem>> -> memref<640xf32, #tpu.memory_space<vmem>>
      %dma_start3A_119 = tpu.memref_slice %arg13[%run_scoped3A_47, %mul3A_23] : memref<16x10240xf32, #tpu.memory_space<vmem_shared>> -> memref<1x640xf32, #tpu.memory_space<vmem_shared>>
      %dma_start3A_120 = tpu.memref_squeeze %dma_start3A_119 : memref<1x640xf32, #tpu.memory_space<vmem_shared>> -> memref<640xf32, #tpu.memory_space<vmem_shared>>
      tpu.enqueue_dma source(%dma_start3A_120 : memref<640xf32, #tpu.memory_space<vmem_shared>>) target(%dma_start3A_118 : memref<640xf32, #tpu.memory_space<vmem>>) target_semaphore(%run_scoped3A_111 : memref<!tpu.dma_semaphore, #tpu.memory_space<semaphore_mem>>)
      %dma_wait3A = arith.constant 0 : i32
      %dma_wait3A_121 = tpu.memref_slice %arg10[%run_scoped3A_48, %dma_wait3A] : memref<16x640xf32, #tpu.memory_space<vmem>> -> memref<1x640xf32, #tpu.memory_space<vmem>>
      %dma_wait3A_122 = tpu.memref_squeeze %dma_wait3A_121 : memref<1x640xf32, #tpu.memory_space<vmem>> -> memref<640xf32, #tpu.memory_space<vmem>>
      %dma_wait3A_123 = tpu.memref_slice %arg13[%run_scoped3A_47, %mul3A_23] : memref<16x10240xf32, #tpu.memory_space<vmem_shared>> -> memref<1x640xf32, #tpu.memory_space<vmem_shared>>
      %dma_wait3A_124 = tpu.memref_squeeze %dma_wait3A_123 : memref<1x640xf32, #tpu.memory_space<vmem_shared>> -> memref<640xf32, #tpu.memory_space<vmem_shared>>
      %dma_wait3A_125 = arith.constant 0 : i32
      %dma_wait3A_126 = tpu.memref_slice %arg10[%run_scoped3A_48, %dma_wait3A_125] : memref<16x640xf32, #tpu.memory_space<vmem>> -> memref<1x640xf32, #tpu.memory_space<vmem>>
      %dma_wait3A_127 = tpu.memref_squeeze %dma_wait3A_126 : memref<1x640xf32, #tpu.memory_space<vmem>> -> memref<640xf32, #tpu.memory_space<vmem>>
      %dma_wait3A_128 = tpu.memref_slice %arg13[%run_scoped3A_47, %mul3A_23] : memref<16x10240xf32, #tpu.memory_space<vmem_shared>> -> memref<1x640xf32, #tpu.memory_space<vmem_shared>>
      %dma_wait3A_129 = tpu.memref_squeeze %dma_wait3A_128 : memref<1x640xf32, #tpu.memory_space<vmem_shared>> -> memref<640xf32, #tpu.memory_space<vmem_shared>>
      tpu.wait_dma2 semaphore(%run_scoped3A_111 : memref<!tpu.dma_semaphore, #tpu.memory_space<semaphore_mem>>) src(%dma_wait3A_129 : memref<640xf32, #tpu.memory_space<vmem_shared>>) dst(%dma_wait3A_127 : memref<640xf32, #tpu.memory_space<vmem>>)
      tpu.yield
    }) : () -> ()
    %run_scoped3A_49 = arith.constant 13 : i32
    %run_scoped3A_50 = arith.constant 13 : i32
    "tpu.region"() ({
      %run_scoped3A_111 = tpu.sem_alloc : memref<!tpu.dma_semaphore, #tpu.memory_space<semaphore_mem>>
      %dma_start3A = arith.constant 0 : i32
      %dma_start3A_112 = tpu.memref_slice %arg10[%run_scoped3A_50, %dma_start3A] : memref<16x640xf32, #tpu.memory_space<vmem>> -> memref<1x640xf32, #tpu.memory_space<vmem>>
      %dma_start3A_113 = tpu.memref_squeeze %dma_start3A_112 : memref<1x640xf32, #tpu.memory_space<vmem>> -> memref<640xf32, #tpu.memory_space<vmem>>
      %dma_start3A_114 = tpu.memref_slice %arg13[%run_scoped3A_49, %mul3A_23] : memref<16x10240xf32, #tpu.memory_space<vmem_shared>> -> memref<1x640xf32, #tpu.memory_space<vmem_shared>>
      %dma_start3A_115 = tpu.memref_squeeze %dma_start3A_114 : memref<1x640xf32, #tpu.memory_space<vmem_shared>> -> memref<640xf32, #tpu.memory_space<vmem_shared>>
      %dma_start3A_116 = arith.constant 0 : i32
      %dma_start3A_117 = tpu.memref_slice %arg10[%run_scoped3A_50, %dma_start3A_116] : memref<16x640xf32, #tpu.memory_space<vmem>> -> memref<1x640xf32, #tpu.memory_space<vmem>>
      %dma_start3A_118 = tpu.memref_squeeze %dma_start3A_117 : memref<1x640xf32, #tpu.memory_space<vmem>> -> memref<640xf32, #tpu.memory_space<vmem>>
      %dma_start3A_119 = tpu.memref_slice %arg13[%run_scoped3A_49, %mul3A_23] : memref<16x10240xf32, #tpu.memory_space<vmem_shared>> -> memref<1x640xf32, #tpu.memory_space<vmem_shared>>
      %dma_start3A_120 = tpu.memref_squeeze %dma_start3A_119 : memref<1x640xf32, #tpu.memory_space<vmem_shared>> -> memref<640xf32, #tpu.memory_space<vmem_shared>>
      tpu.enqueue_dma source(%dma_start3A_120 : memref<640xf32, #tpu.memory_space<vmem_shared>>) target(%dma_start3A_118 : memref<640xf32, #tpu.memory_space<vmem>>) target_semaphore(%run_scoped3A_111 : memref<!tpu.dma_semaphore, #tpu.memory_space<semaphore_mem>>)
      %dma_wait3A = arith.constant 0 : i32
      %dma_wait3A_121 = tpu.memref_slice %arg10[%run_scoped3A_50, %dma_wait3A] : memref<16x640xf32, #tpu.memory_space<vmem>> -> memref<1x640xf32, #tpu.memory_space<vmem>>
      %dma_wait3A_122 = tpu.memref_squeeze %dma_wait3A_121 : memref<1x640xf32, #tpu.memory_space<vmem>> -> memref<640xf32, #tpu.memory_space<vmem>>
      %dma_wait3A_123 = tpu.memref_slice %arg13[%run_scoped3A_49, %mul3A_23] : memref<16x10240xf32, #tpu.memory_space<vmem_shared>> -> memref<1x640xf32, #tpu.memory_space<vmem_shared>>
      %dma_wait3A_124 = tpu.memref_squeeze %dma_wait3A_123 : memref<1x640xf32, #tpu.memory_space<vmem_shared>> -> memref<640xf32, #tpu.memory_space<vmem_shared>>
      %dma_wait3A_125 = arith.constant 0 : i32
      %dma_wait3A_126 = tpu.memref_slice %arg10[%run_scoped3A_50, %dma_wait3A_125] : memref<16x640xf32, #tpu.memory_space<vmem>> -> memref<1x640xf32, #tpu.memory_space<vmem>>
      %dma_wait3A_127 = tpu.memref_squeeze %dma_wait3A_126 : memref<1x640xf32, #tpu.memory_space<vmem>> -> memref<640xf32, #tpu.memory_space<vmem>>
      %dma_wait3A_128 = tpu.memref_slice %arg13[%run_scoped3A_49, %mul3A_23] : memref<16x10240xf32, #tpu.memory_space<vmem_shared>> -> memref<1x640xf32, #tpu.memory_space<vmem_shared>>
      %dma_wait3A_129 = tpu.memref_squeeze %dma_wait3A_128 : memref<1x640xf32, #tpu.memory_space<vmem_shared>> -> memref<640xf32, #tpu.memory_space<vmem_shared>>
      tpu.wait_dma2 semaphore(%run_scoped3A_111 : memref<!tpu.dma_semaphore, #tpu.memory_space<semaphore_mem>>) src(%dma_wait3A_129 : memref<640xf32, #tpu.memory_space<vmem_shared>>) dst(%dma_wait3A_127 : memref<640xf32, #tpu.memory_space<vmem>>)
      tpu.yield
    }) : () -> ()
    %run_scoped3A_51 = arith.constant 14 : i32
    %run_scoped3A_52 = arith.constant 14 : i32
    "tpu.region"() ({
      %run_scoped3A_111 = tpu.sem_alloc : memref<!tpu.dma_semaphore, #tpu.memory_space<semaphore_mem>>
      %dma_start3A = arith.constant 0 : i32
      %dma_start3A_112 = tpu.memref_slice %arg10[%run_scoped3A_52, %dma_start3A] : memref<16x640xf32, #tpu.memory_space<vmem>> -> memref<1x640xf32, #tpu.memory_space<vmem>>
      %dma_start3A_113 = tpu.memref_squeeze %dma_start3A_112 : memref<1x640xf32, #tpu.memory_space<vmem>> -> memref<640xf32, #tpu.memory_space<vmem>>
      %dma_start3A_114 = tpu.memref_slice %arg13[%run_scoped3A_51, %mul3A_23] : memref<16x10240xf32, #tpu.memory_space<vmem_shared>> -> memref<1x640xf32, #tpu.memory_space<vmem_shared>>
      %dma_start3A_115 = tpu.memref_squeeze %dma_start3A_114 : memref<1x640xf32, #tpu.memory_space<vmem_shared>> -> memref<640xf32, #tpu.memory_space<vmem_shared>>
      %dma_start3A_116 = arith.constant 0 : i32
      %dma_start3A_117 = tpu.memref_slice %arg10[%run_scoped3A_52, %dma_start3A_116] : memref<16x640xf32, #tpu.memory_space<vmem>> -> memref<1x640xf32, #tpu.memory_space<vmem>>
      %dma_start3A_118 = tpu.memref_squeeze %dma_start3A_117 : memref<1x640xf32, #tpu.memory_space<vmem>> -> memref<640xf32, #tpu.memory_space<vmem>>
      %dma_start3A_119 = tpu.memref_slice %arg13[%run_scoped3A_51, %mul3A_23] : memref<16x10240xf32, #tpu.memory_space<vmem_shared>> -> memref<1x640xf32, #tpu.memory_space<vmem_shared>>
      %dma_start3A_120 = tpu.memref_squeeze %dma_start3A_119 : memref<1x640xf32, #tpu.memory_space<vmem_shared>> -> memref<640xf32, #tpu.memory_space<vmem_shared>>
      tpu.enqueue_dma source(%dma_start3A_120 : memref<640xf32, #tpu.memory_space<vmem_shared>>) target(%dma_start3A_118 : memref<640xf32, #tpu.memory_space<vmem>>) target_semaphore(%run_scoped3A_111 : memref<!tpu.dma_semaphore, #tpu.memory_space<semaphore_mem>>)
      %dma_wait3A = arith.constant 0 : i32
      %dma_wait3A_121 = tpu.memref_slice %arg10[%run_scoped3A_52, %dma_wait3A] : memref<16x640xf32, #tpu.memory_space<vmem>> -> memref<1x640xf32, #tpu.memory_space<vmem>>
      %dma_wait3A_122 = tpu.memref_squeeze %dma_wait3A_121 : memref<1x640xf32, #tpu.memory_space<vmem>> -> memref<640xf32, #tpu.memory_space<vmem>>
      %dma_wait3A_123 = tpu.memref_slice %arg13[%run_scoped3A_51, %mul3A_23] : memref<16x10240xf32, #tpu.memory_space<vmem_shared>> -> memref<1x640xf32, #tpu.memory_space<vmem_shared>>
      %dma_wait3A_124 = tpu.memref_squeeze %dma_wait3A_123 : memref<1x640xf32, #tpu.memory_space<vmem_shared>> -> memref<640xf32, #tpu.memory_space<vmem_shared>>
      %dma_wait3A_125 = arith.constant 0 : i32
      %dma_wait3A_126 = tpu.memref_slice %arg10[%run_scoped3A_52, %dma_wait3A_125] : memref<16x640xf32, #tpu.memory_space<vmem>> -> memref<1x640xf32, #tpu.memory_space<vmem>>
      %dma_wait3A_127 = tpu.memref_squeeze %dma_wait3A_126 : memref<1x640xf32, #tpu.memory_space<vmem>> -> memref<640xf32, #tpu.memory_space<vmem>>
      %dma_wait3A_128 = tpu.memref_slice %arg13[%run_scoped3A_51, %mul3A_23] : memref<16x10240xf32, #tpu.memory_space<vmem_shared>> -> memref<1x640xf32, #tpu.memory_space<vmem_shared>>
      %dma_wait3A_129 = tpu.memref_squeeze %dma_wait3A_128 : memref<1x640xf32, #tpu.memory_space<vmem_shared>> -> memref<640xf32, #tpu.memory_space<vmem_shared>>
      tpu.wait_dma2 semaphore(%run_scoped3A_111 : memref<!tpu.dma_semaphore, #tpu.memory_space<semaphore_mem>>) src(%dma_wait3A_129 : memref<640xf32, #tpu.memory_space<vmem_shared>>) dst(%dma_wait3A_127 : memref<640xf32, #tpu.memory_space<vmem>>)
      tpu.yield
    }) : () -> ()
    %run_scoped3A_53 = arith.constant 15 : i32
    %run_scoped3A_54 = arith.constant 15 : i32
    "tpu.region"() ({
      %run_scoped3A_111 = tpu.sem_alloc : memref<!tpu.dma_semaphore, #tpu.memory_space<semaphore_mem>>
      %dma_start3A = arith.constant 0 : i32
      %dma_start3A_112 = tpu.memref_slice %arg10[%run_scoped3A_54, %dma_start3A] : memref<16x640xf32, #tpu.memory_space<vmem>> -> memref<1x640xf32, #tpu.memory_space<vmem>>
      %dma_start3A_113 = tpu.memref_squeeze %dma_start3A_112 : memref<1x640xf32, #tpu.memory_space<vmem>> -> memref<640xf32, #tpu.memory_space<vmem>>
      %dma_start3A_114 = tpu.memref_slice %arg13[%run_scoped3A_53, %mul3A_23] : memref<16x10240xf32, #tpu.memory_space<vmem_shared>> -> memref<1x640xf32, #tpu.memory_space<vmem_shared>>
      %dma_start3A_115 = tpu.memref_squeeze %dma_start3A_114 : memref<1x640xf32, #tpu.memory_space<vmem_shared>> -> memref<640xf32, #tpu.memory_space<vmem_shared>>
      %dma_start3A_116 = arith.constant 0 : i32
      %dma_start3A_117 = tpu.memref_slice %arg10[%run_scoped3A_54, %dma_start3A_116] : memref<16x640xf32, #tpu.memory_space<vmem>> -> memref<1x640xf32, #tpu.memory_space<vmem>>
      %dma_start3A_118 = tpu.memref_squeeze %dma_start3A_117 : memref<1x640xf32, #tpu.memory_space<vmem>> -> memref<640xf32, #tpu.memory_space<vmem>>
      %dma_start3A_119 = tpu.memref_slice %arg13[%run_scoped3A_53, %mul3A_23] : memref<16x10240xf32, #tpu.memory_space<vmem_shared>> -> memref<1x640xf32, #tpu.memory_space<vmem_shared>>
      %dma_start3A_120 = tpu.memref_squeeze %dma_start3A_119 : memref<1x640xf32, #tpu.memory_space<vmem_shared>> -> memref<640xf32, #tpu.memory_space<vmem_shared>>
      tpu.enqueue_dma source(%dma_start3A_120 : memref<640xf32, #tpu.memory_space<vmem_shared>>) target(%dma_start3A_118 : memref<640xf32, #tpu.memory_space<vmem>>) target_semaphore(%run_scoped3A_111 : memref<!tpu.dma_semaphore, #tpu.memory_space<semaphore_mem>>)
      %dma_wait3A = arith.constant 0 : i32
      %dma_wait3A_121 = tpu.memref_slice %arg10[%run_scoped3A_54, %dma_wait3A] : memref<16x640xf32, #tpu.memory_space<vmem>> -> memref<1x640xf32, #tpu.memory_space<vmem>>
      %dma_wait3A_122 = tpu.memref_squeeze %dma_wait3A_121 : memref<1x640xf32, #tpu.memory_space<vmem>> -> memref<640xf32, #tpu.memory_space<vmem>>
      %dma_wait3A_123 = tpu.memref_slice %arg13[%run_scoped3A_53, %mul3A_23] : memref<16x10240xf32, #tpu.memory_space<vmem_shared>> -> memref<1x640xf32, #tpu.memory_space<vmem_shared>>
      %dma_wait3A_124 = tpu.memref_squeeze %dma_wait3A_123 : memref<1x640xf32, #tpu.memory_space<vmem_shared>> -> memref<640xf32, #tpu.memory_space<vmem_shared>>
      %dma_wait3A_125 = arith.constant 0 : i32
      %dma_wait3A_126 = tpu.memref_slice %arg10[%run_scoped3A_54, %dma_wait3A_125] : memref<16x640xf32, #tpu.memory_space<vmem>> -> memref<1x640xf32, #tpu.memory_space<vmem>>
      %dma_wait3A_127 = tpu.memref_squeeze %dma_wait3A_126 : memref<1x640xf32, #tpu.memory_space<vmem>> -> memref<640xf32, #tpu.memory_space<vmem>>
      %dma_wait3A_128 = tpu.memref_slice %arg13[%run_scoped3A_53, %mul3A_23] : memref<16x10240xf32, #tpu.memory_space<vmem_shared>> -> memref<1x640xf32, #tpu.memory_space<vmem_shared>>
      %dma_wait3A_129 = tpu.memref_squeeze %dma_wait3A_128 : memref<1x640xf32, #tpu.memory_space<vmem_shared>> -> memref<640xf32, #tpu.memory_space<vmem_shared>>
      tpu.wait_dma2 semaphore(%run_scoped3A_111 : memref<!tpu.dma_semaphore, #tpu.memory_space<semaphore_mem>>) src(%dma_wait3A_129 : memref<640xf32, #tpu.memory_space<vmem_shared>>) dst(%dma_wait3A_127 : memref<640xf32, #tpu.memory_space<vmem>>)
      tpu.yield
    }) : () -> ()
    %scan3A_55 = arith.constant 0 : i32
    %scan3A_56 = arith.constant 0 : i32
    %scan3A_57 = arith.constant 40 : i32
    %scan3A_58 = arith.addi %scan3A_56, %scan3A_57 : i32
    %scan3A_59 = arith.constant 1 : i32
    %scan3A_60 = scf.for %scan3A_111 = %scan3A_56 to %scan3A_58 step %scan3A_59 iter_args(%scan3A_112 = %scan3A_55) -> (i32)  : i32 {
      %mul3A_113 = arith.constant 16 : i32
      %mul3A_114 = arith.muli %scan3A_111, %mul3A_113 : i32
      %get3A = arith.constant 0 : i32
      %get3A_115 = arith.index_cast %get3A : i32 to index
      %get3A_116 = arith.index_cast %mul3A_114 : i32 to index
      %get3A_117 = tpu.vector_load %arg10[%get3A_115, %get3A_116] {strides = array<i32>} : memref<16x640xf32, #tpu.memory_space<vmem>>, vector<16xf32>,
      %mul3A_118 = arith.constant 16 : i32
      %mul3A_119 = arith.muli %scan3A_111, %mul3A_118 : i32
      %get3A_120 = arith.constant 1 : i32
      %get3A_121 = arith.index_cast %get3A_120 : i32 to index
      %get3A_122 = arith.index_cast %mul3A_119 : i32 to index
      %get3A_123 = tpu.vector_load %arg10[%get3A_121, %get3A_122] {strides = array<i32>} : memref<16x640xf32, #tpu.memory_space<vmem>>, vector<16xf32>,
      %add3A = arith.addf %get3A_117, %get3A_123 : vector<16xf32>
      %mul3A_124 = arith.constant 16 : i32
      %mul3A_125 = arith.muli %scan3A_111, %mul3A_124 : i32
      %get3A_126 = arith.constant 2 : i32
      %get3A_127 = arith.index_cast %get3A_126 : i32 to index
      %get3A_128 = arith.index_cast %mul3A_125 : i32 to index
      %get3A_129 = tpu.vector_load %arg10[%get3A_127, %get3A_128] {strides = array<i32>} : memref<16x640xf32, #tpu.memory_space<vmem>>, vector<16xf32>,
      %add3A_130 = arith.addf %add3A, %get3A_129 : vector<16xf32>
      %mul3A_131 = arith.constant 16 : i32
      %mul3A_132 = arith.muli %scan3A_111, %mul3A_131 : i32
      %get3A_133 = arith.constant 3 : i32
      %get3A_134 = arith.index_cast %get3A_133 : i32 to index
      %get3A_135 = arith.index_cast %mul3A_132 : i32 to index
      %get3A_136 = tpu.vector_load %arg10[%get3A_134, %get3A_135] {strides = array<i32>} : memref<16x640xf32, #tpu.memory_space<vmem>>, vector<16xf32>,
      %add3A_137 = arith.addf %add3A_130, %get3A_136 : vector<16xf32>
      %mul3A_138 = arith.constant 16 : i32
      %mul3A_139 = arith.muli %scan3A_111, %mul3A_138 : i32
      %get3A_140 = arith.constant 4 : i32
      %get3A_141 = arith.index_cast %get3A_140 : i32 to index
      %get3A_142 = arith.index_cast %mul3A_139 : i32 to index
      %get3A_143 = tpu.vector_load %arg10[%get3A_141, %get3A_142] {strides = array<i32>} : memref<16x640xf32, #tpu.memory_space<vmem>>, vector<16xf32>,
      %add3A_144 = arith.addf %add3A_137, %get3A_143 : vector<16xf32>
      %mul3A_145 = arith.constant 16 : i32
      %mul3A_146 = arith.muli %scan3A_111, %mul3A_145 : i32
      %get3A_147 = arith.constant 5 : i32
      %get3A_148 = arith.index_cast %get3A_147 : i32 to index
      %get3A_149 = arith.index_cast %mul3A_146 : i32 to index
      %get3A_150 = tpu.vector_load %arg10[%get3A_148, %get3A_149] {strides = array<i32>} : memref<16x640xf32, #tpu.memory_space<vmem>>, vector<16xf32>,
      %add3A_151 = arith.addf %add3A_144, %get3A_150 : vector<16xf32>
      %mul3A_152 = arith.constant 16 : i32
      %mul3A_153 = arith.muli %scan3A_111, %mul3A_152 : i32
      %get3A_154 = arith.constant 6 : i32
      %get3A_155 = arith.index_cast %get3A_154 : i32 to index
      %get3A_156 = arith.index_cast %mul3A_153 : i32 to index
      %get3A_157 = tpu.vector_load %arg10[%get3A_155, %get3A_156] {strides = array<i32>} : memref<16x640xf32, #tpu.memory_space<vmem>>, vector<16xf32>,
      %add3A_158 = arith.addf %add3A_151, %get3A_157 : vector<16xf32>
      %mul3A_159 = arith.constant 16 : i32
      %mul3A_160 = arith.muli %scan3A_111, %mul3A_159 : i32
      %get3A_161 = arith.constant 7 : i32
      %get3A_162 = arith.index_cast %get3A_161 : i32 to index
      %get3A_163 = arith.index_cast %mul3A_160 : i32 to index
      %get3A_164 = tpu.vector_load %arg10[%get3A_162, %get3A_163] {strides = array<i32>} : memref<16x640xf32, #tpu.memory_space<vmem>>, vector<16xf32>,
      %add3A_165 = arith.addf %add3A_158, %get3A_164 : vector<16xf32>
      %mul3A_166 = arith.constant 16 : i32
      %mul3A_167 = arith.muli %scan3A_111, %mul3A_166 : i32
      %get3A_168 = arith.constant 8 : i32
      %get3A_169 = arith.index_cast %get3A_168 : i32 to index
      %get3A_170 = arith.index_cast %mul3A_167 : i32 to index
      %get3A_171 = tpu.vector_load %arg10[%get3A_169, %get3A_170] {strides = array<i32>} : memref<16x640xf32, #tpu.memory_space<vmem>>, vector<16xf32>,
      %add3A_172 = arith.addf %add3A_165, %get3A_171 : vector<16xf32>
      %mul3A_173 = arith.constant 16 : i32
      %mul3A_174 = arith.muli %scan3A_111, %mul3A_173 : i32
      %get3A_175 = arith.constant 9 : i32
      %get3A_176 = arith.index_cast %get3A_175 : i32 to index
      %get3A_177 = arith.index_cast %mul3A_174 : i32 to index
      %get3A_178 = tpu.vector_load %arg10[%get3A_176, %get3A_177] {strides = array<i32>} : memref<16x640xf32, #tpu.memory_space<vmem>>, vector<16xf32>,
      %add3A_179 = arith.addf %add3A_172, %get3A_178 : vector<16xf32>
      %mul3A_180 = arith.constant 16 : i32
      %mul3A_181 = arith.muli %scan3A_111, %mul3A_180 : i32
      %get3A_182 = arith.constant 10 : i32
      %get3A_183 = arith.index_cast %get3A_182 : i32 to index
      %get3A_184 = arith.index_cast %mul3A_181 : i32 to index
      %get3A_185 = tpu.vector_load %arg10[%get3A_183, %get3A_184] {strides = array<i32>} : memref<16x640xf32, #tpu.memory_space<vmem>>, vector<16xf32>,
      %add3A_186 = arith.addf %add3A_179, %get3A_185 : vector<16xf32>
      %mul3A_187 = arith.constant 16 : i32
      %mul3A_188 = arith.muli %scan3A_111, %mul3A_187 : i32
      %get3A_189 = arith.constant 11 : i32
      %get3A_190 = arith.index_cast %get3A_189 : i32 to index
      %get3A_191 = arith.index_cast %mul3A_188 : i32 to index
      %get3A_192 = tpu.vector_load %arg10[%get3A_190, %get3A_191] {strides = array<i32>} : memref<16x640xf32, #tpu.memory_space<vmem>>, vector<16xf32>,
      %add3A_193 = arith.addf %add3A_186, %get3A_192 : vector<16xf32>
      %mul3A_194 = arith.constant 16 : i32
      %mul3A_195 = arith.muli %scan3A_111, %mul3A_194 : i32
      %get3A_196 = arith.constant 12 : i32
      %get3A_197 = arith.index_cast %get3A_196 : i32 to index
      %get3A_198 = arith.index_cast %mul3A_195 : i32 to index
      %get3A_199 = tpu.vector_load %arg10[%get3A_197, %get3A_198] {strides = array<i32>} : memref<16x640xf32, #tpu.memory_space<vmem>>, vector<16xf32>,
      %add3A_200 = arith.addf %add3A_193, %get3A_199 : vector<16xf32>
      %mul3A_201 = arith.constant 16 : i32
      %mul3A_202 = arith.muli %scan3A_111, %mul3A_201 : i32
      %get3A_203 = arith.constant 13 : i32
      %get3A_204 = arith.index_cast %get3A_203 : i32 to index
      %get3A_205 = arith.index_cast %mul3A_202 : i32 to index
      %get3A_206 = tpu.vector_load %arg10[%get3A_204, %get3A_205] {strides = array<i32>} : memref<16x640xf32, #tpu.memory_space<vmem>>, vector<16xf32>,
      %add3A_207 = arith.addf %add3A_200, %get3A_206 : vector<16xf32>
      %mul3A_208 = arith.constant 16 : i32
      %mul3A_209 = arith.muli %scan3A_111, %mul3A_208 : i32
      %get3A_210 = arith.constant 14 : i32
      %get3A_211 = arith.index_cast %get3A_210 : i32 to index
      %get3A_212 = arith.index_cast %mul3A_209 : i32 to index
      %get3A_213 = tpu.vector_load %arg10[%get3A_211, %get3A_212] {strides = array<i32>} : memref<16x640xf32, #tpu.memory_space<vmem>>, vector<16xf32>,
      %add3A_214 = arith.addf %add3A_207, %get3A_213 : vector<16xf32>
      %mul3A_215 = arith.constant 16 : i32
      %mul3A_216 = arith.muli %scan3A_111, %mul3A_215 : i32
      %get3A_217 = arith.constant 15 : i32
      %get3A_218 = arith.index_cast %get3A_217 : i32 to index
      %get3A_219 = arith.index_cast %mul3A_216 : i32 to index
      %get3A_220 = tpu.vector_load %arg10[%get3A_218, %get3A_219] {strides = array<i32>} : memref<16x640xf32, #tpu.memory_space<vmem>>, vector<16xf32>,
      %add3A_221 = arith.addf %add3A_214, %get3A_220 : vector<16xf32>
      %mul3A_222 = arith.constant 16 : i32
      %mul3A_223 = arith.muli %scan3A_111, %mul3A_222 : i32
      %swap3A = arith.index_cast %mul3A_223 : i32 to index
      %swap3A_224 = tpu.vector_load %arg11[%swap3A] {strides = array<i32>} : memref<640xf32, #tpu.memory_space<vmem>>, vector<16xf32>,
      tpu.vector_store %arg11[%swap3A], %add3A_221 {strides = array<i32>} : memref<640xf32, #tpu.memory_space<vmem>>, vector<16xf32>,
      %scan3A_225 = arith.constant 0 : i32
      scf.yield %scan3A_225 : i32
    }
    %scan3A_61 = arith.constant 40 : i32
    %run_scoped3A_62 = arith.constant 0 : i32
    %run_scoped3A_63 = arith.constant 0 : i32
    "tpu.region"() ({
      %run_scoped3A_111 = tpu.sem_alloc : memref<!tpu.dma_semaphore, #tpu.memory_space<semaphore_mem>>
      %dma_start3A = arith.constant 0 : i32
      %dma_start3A_112 = tpu.memref_slice %arg10[%run_scoped3A_63, %dma_start3A] : memref<16x640xf32, #tpu.memory_space<vmem>> -> memref<1x640xf32, #tpu.memory_space<vmem>>
      %dma_start3A_113 = tpu.memref_squeeze %dma_start3A_112 : memref<1x640xf32, #tpu.memory_space<vmem>> -> memref<640xf32, #tpu.memory_space<vmem>>
      %dma_start3A_114 = tpu.memref_slice %arg14[%run_scoped3A_62, %mul3A_23] : memref<16x10240xf32, #tpu.memory_space<vmem_shared>> -> memref<1x640xf32, #tpu.memory_space<vmem_shared>>
      %dma_start3A_115 = tpu.memref_squeeze %dma_start3A_114 : memref<1x640xf32, #tpu.memory_space<vmem_shared>> -> memref<640xf32, #tpu.memory_space<vmem_shared>>
      %dma_start3A_116 = arith.constant 0 : i32
      %dma_start3A_117 = tpu.memref_slice %arg10[%run_scoped3A_63, %dma_start3A_116] : memref<16x640xf32, #tpu.memory_space<vmem>> -> memref<1x640xf32, #tpu.memory_space<vmem>>
      %dma_start3A_118 = tpu.memref_squeeze %dma_start3A_117 : memref<1x640xf32, #tpu.memory_space<vmem>> -> memref<640xf32, #tpu.memory_space<vmem>>
      %dma_start3A_119 = tpu.memref_slice %arg14[%run_scoped3A_62, %mul3A_23] : memref<16x10240xf32, #tpu.memory_space<vmem_shared>> -> memref<1x640xf32, #tpu.memory_space<vmem_shared>>
      %dma_start3A_120 = tpu.memref_squeeze %dma_start3A_119 : memref<1x640xf32, #tpu.memory_space<vmem_shared>> -> memref<640xf32, #tpu.memory_space<vmem_shared>>
      tpu.enqueue_dma source(%dma_start3A_120 : memref<640xf32, #tpu.memory_space<vmem_shared>>) target(%dma_start3A_118 : memref<640xf32, #tpu.memory_space<vmem>>) target_semaphore(%run_scoped3A_111 : memref<!tpu.dma_semaphore, #tpu.memory_space<semaphore_mem>>)
      %dma_wait3A = arith.constant 0 : i32
      %dma_wait3A_121 = tpu.memref_slice %arg10[%run_scoped3A_63, %dma_wait3A] : memref<16x640xf32, #tpu.memory_space<vmem>> -> memref<1x640xf32, #tpu.memory_space<vmem>>
      %dma_wait3A_122 = tpu.memref_squeeze %dma_wait3A_121 : memref<1x640xf32, #tpu.memory_space<vmem>> -> memref<640xf32, #tpu.memory_space<vmem>>
      %dma_wait3A_123 = tpu.memref_slice %arg14[%run_scoped3A_62, %mul3A_23] : memref<16x10240xf32, #tpu.memory_space<vmem_shared>> -> memref<1x640xf32, #tpu.memory_space<vmem_shared>>
      %dma_wait3A_124 = tpu.memref_squeeze %dma_wait3A_123 : memref<1x640xf32, #tpu.memory_space<vmem_shared>> -> memref<640xf32, #tpu.memory_space<vmem_shared>>
      %dma_wait3A_125 = arith.constant 0 : i32
      %dma_wait3A_126 = tpu.memref_slice %arg10[%run_scoped3A_63, %dma_wait3A_125] : memref<16x640xf32, #tpu.memory_space<vmem>> -> memref<1x640xf32, #tpu.memory_space<vmem>>
      %dma_wait3A_127 = tpu.memref_squeeze %dma_wait3A_126 : memref<1x640xf32, #tpu.memory_space<vmem>> -> memref<640xf32, #tpu.memory_space<vmem>>
      %dma_wait3A_128 = tpu.memref_slice %arg14[%run_scoped3A_62, %mul3A_23] : memref<16x10240xf32, #tpu.memory_space<vmem_shared>> -> memref<1x640xf32, #tpu.memory_space<vmem_shared>>
      %dma_wait3A_129 = tpu.memref_squeeze %dma_wait3A_128 : memref<1x640xf32, #tpu.memory_space<vmem_shared>> -> memref<640xf32, #tpu.memory_space<vmem_shared>>
      tpu.wait_dma2 semaphore(%run_scoped3A_111 : memref<!tpu.dma_semaphore, #tpu.memory_space<semaphore_mem>>) src(%dma_wait3A_129 : memref<640xf32, #tpu.memory_space<vmem_shared>>) dst(%dma_wait3A_127 : memref<640xf32, #tpu.memory_space<vmem>>)
      tpu.yield
    }) : () -> ()
    %run_scoped3A_64 = arith.constant 1 : i32
    %run_scoped3A_65 = arith.constant 1 : i32
    "tpu.region"() ({
      %run_scoped3A_111 = tpu.sem_alloc : memref<!tpu.dma_semaphore, #tpu.memory_space<semaphore_mem>>
      %dma_start3A = arith.constant 0 : i32
      %dma_start3A_112 = tpu.memref_slice %arg10[%run_scoped3A_65, %dma_start3A] : memref<16x640xf32, #tpu.memory_space<vmem>> -> memref<1x640xf32, #tpu.memory_space<vmem>>
      %dma_start3A_113 = tpu.memref_squeeze %dma_start3A_112 : memref<1x640xf32, #tpu.memory_space<vmem>> -> memref<640xf32, #tpu.memory_space<vmem>>
      %dma_start3A_114 = tpu.memref_slice %arg14[%run_scoped3A_64, %mul3A_23] : memref<16x10240xf32, #tpu.memory_space<vmem_shared>> -> memref<1x640xf32, #tpu.memory_space<vmem_shared>>
      %dma_start3A_115 = tpu.memref_squeeze %dma_start3A_114 : memref<1x640xf32, #tpu.memory_space<vmem_shared>> -> memref<640xf32, #tpu.memory_space<vmem_shared>>
      %dma_start3A_116 = arith.constant 0 : i32
      %dma_start3A_117 = tpu.memref_slice %arg10[%run_scoped3A_65, %dma_start3A_116] : memref<16x640xf32, #tpu.memory_space<vmem>> -> memref<1x640xf32, #tpu.memory_space<vmem>>
      %dma_start3A_118 = tpu.memref_squeeze %dma_start3A_117 : memref<1x640xf32, #tpu.memory_space<vmem>> -> memref<640xf32, #tpu.memory_space<vmem>>
      %dma_start3A_119 = tpu.memref_slice %arg14[%run_scoped3A_64, %mul3A_23] : memref<16x10240xf32, #tpu.memory_space<vmem_shared>> -> memref<1x640xf32, #tpu.memory_space<vmem_shared>>
      %dma_start3A_120 = tpu.memref_squeeze %dma_start3A_119 : memref<1x640xf32, #tpu.memory_space<vmem_shared>> -> memref<640xf32, #tpu.memory_space<vmem_shared>>
      tpu.enqueue_dma source(%dma_start3A_120 : memref<640xf32, #tpu.memory_space<vmem_shared>>) target(%dma_start3A_118 : memref<640xf32, #tpu.memory_space<vmem>>) target_semaphore(%run_scoped3A_111 : memref<!tpu.dma_semaphore, #tpu.memory_space<semaphore_mem>>)
      %dma_wait3A = arith.constant 0 : i32
      %dma_wait3A_121 = tpu.memref_slice %arg10[%run_scoped3A_65, %dma_wait3A] : memref<16x640xf32, #tpu.memory_space<vmem>> -> memref<1x640xf32, #tpu.memory_space<vmem>>
      %dma_wait3A_122 = tpu.memref_squeeze %dma_wait3A_121 : memref<1x640xf32, #tpu.memory_space<vmem>> -> memref<640xf32, #tpu.memory_space<vmem>>
      %dma_wait3A_123 = tpu.memref_slice %arg14[%run_scoped3A_64, %mul3A_23] : memref<16x10240xf32, #tpu.memory_space<vmem_shared>> -> memref<1x640xf32, #tpu.memory_space<vmem_shared>>
      %dma_wait3A_124 = tpu.memref_squeeze %dma_wait3A_123 : memref<1x640xf32, #tpu.memory_space<vmem_shared>> -> memref<640xf32, #tpu.memory_space<vmem_shared>>
      %dma_wait3A_125 = arith.constant 0 : i32
      %dma_wait3A_126 = tpu.memref_slice %arg10[%run_scoped3A_65, %dma_wait3A_125] : memref<16x640xf32, #tpu.memory_space<vmem>> -> memref<1x640xf32, #tpu.memory_space<vmem>>
      %dma_wait3A_127 = tpu.memref_squeeze %dma_wait3A_126 : memref<1x640xf32, #tpu.memory_space<vmem>> -> memref<640xf32, #tpu.memory_space<vmem>>
      %dma_wait3A_128 = tpu.memref_slice %arg14[%run_scoped3A_64, %mul3A_23] : memref<16x10240xf32, #tpu.memory_space<vmem_shared>> -> memref<1x640xf32, #tpu.memory_space<vmem_shared>>
      %dma_wait3A_129 = tpu.memref_squeeze %dma_wait3A_128 : memref<1x640xf32, #tpu.memory_space<vmem_shared>> -> memref<640xf32, #tpu.memory_space<vmem_shared>>
      tpu.wait_dma2 semaphore(%run_scoped3A_111 : memref<!tpu.dma_semaphore, #tpu.memory_space<semaphore_mem>>) src(%dma_wait3A_129 : memref<640xf32, #tpu.memory_space<vmem_shared>>) dst(%dma_wait3A_127 : memref<640xf32, #tpu.memory_space<vmem>>)
      tpu.yield
    }) : () -> ()
    %run_scoped3A_66 = arith.constant 2 : i32
    %run_scoped3A_67 = arith.constant 2 : i32
    "tpu.region"() ({
      %run_scoped3A_111 = tpu.sem_alloc : memref<!tpu.dma_semaphore, #tpu.memory_space<semaphore_mem>>
      %dma_start3A = arith.constant 0 : i32
      %dma_start3A_112 = tpu.memref_slice %arg10[%run_scoped3A_67, %dma_start3A] : memref<16x640xf32, #tpu.memory_space<vmem>> -> memref<1x640xf32, #tpu.memory_space<vmem>>
      %dma_start3A_113 = tpu.memref_squeeze %dma_start3A_112 : memref<1x640xf32, #tpu.memory_space<vmem>> -> memref<640xf32, #tpu.memory_space<vmem>>
      %dma_start3A_114 = tpu.memref_slice %arg14[%run_scoped3A_66, %mul3A_23] : memref<16x10240xf32, #tpu.memory_space<vmem_shared>> -> memref<1x640xf32, #tpu.memory_space<vmem_shared>>
      %dma_start3A_115 = tpu.memref_squeeze %dma_start3A_114 : memref<1x640xf32, #tpu.memory_space<vmem_shared>> -> memref<640xf32, #tpu.memory_space<vmem_shared>>
      %dma_start3A_116 = arith.constant 0 : i32
      %dma_start3A_117 = tpu.memref_slice %arg10[%run_scoped3A_67, %dma_start3A_116] : memref<16x640xf32, #tpu.memory_space<vmem>> -> memref<1x640xf32, #tpu.memory_space<vmem>>
      %dma_start3A_118 = tpu.memref_squeeze %dma_start3A_117 : memref<1x640xf32, #tpu.memory_space<vmem>> -> memref<640xf32, #tpu.memory_space<vmem>>
      %dma_start3A_119 = tpu.memref_slice %arg14[%run_scoped3A_66, %mul3A_23] : memref<16x10240xf32, #tpu.memory_space<vmem_shared>> -> memref<1x640xf32, #tpu.memory_space<vmem_shared>>
      %dma_start3A_120 = tpu.memref_squeeze %dma_start3A_119 : memref<1x640xf32, #tpu.memory_space<vmem_shared>> -> memref<640xf32, #tpu.memory_space<vmem_shared>>
      tpu.enqueue_dma source(%dma_start3A_120 : memref<640xf32, #tpu.memory_space<vmem_shared>>) target(%dma_start3A_118 : memref<640xf32, #tpu.memory_space<vmem>>) target_semaphore(%run_scoped3A_111 : memref<!tpu.dma_semaphore, #tpu.memory_space<semaphore_mem>>)
      %dma_wait3A = arith.constant 0 : i32
      %dma_wait3A_121 = tpu.memref_slice %arg10[%run_scoped3A_67, %dma_wait3A] : memref<16x640xf32, #tpu.memory_space<vmem>> -> memref<1x640xf32, #tpu.memory_space<vmem>>
      %dma_wait3A_122 = tpu.memref_squeeze %dma_wait3A_121 : memref<1x640xf32, #tpu.memory_space<vmem>> -> memref<640xf32, #tpu.memory_space<vmem>>
      %dma_wait3A_123 = tpu.memref_slice %arg14[%run_scoped3A_66, %mul3A_23] : memref<16x10240xf32, #tpu.memory_space<vmem_shared>> -> memref<1x640xf32, #tpu.memory_space<vmem_shared>>
      %dma_wait3A_124 = tpu.memref_squeeze %dma_wait3A_123 : memref<1x640xf32, #tpu.memory_space<vmem_shared>> -> memref<640xf32, #tpu.memory_space<vmem_shared>>
      %dma_wait3A_125 = arith.constant 0 : i32
      %dma_wait3A_126 = tpu.memref_slice %arg10[%run_scoped3A_67, %dma_wait3A_125] : memref<16x640xf32, #tpu.memory_space<vmem>> -> memref<1x640xf32, #tpu.memory_space<vmem>>
      %dma_wait3A_127 = tpu.memref_squeeze %dma_wait3A_126 : memref<1x640xf32, #tpu.memory_space<vmem>> -> memref<640xf32, #tpu.memory_space<vmem>>
      %dma_wait3A_128 = tpu.memref_slice %arg14[%run_scoped3A_66, %mul3A_23] : memref<16x10240xf32, #tpu.memory_space<vmem_shared>> -> memref<1x640xf32, #tpu.memory_space<vmem_shared>>
      %dma_wait3A_129 = tpu.memref_squeeze %dma_wait3A_128 : memref<1x640xf32, #tpu.memory_space<vmem_shared>> -> memref<640xf32, #tpu.memory_space<vmem_shared>>
      tpu.wait_dma2 semaphore(%run_scoped3A_111 : memref<!tpu.dma_semaphore, #tpu.memory_space<semaphore_mem>>) src(%dma_wait3A_129 : memref<640xf32, #tpu.memory_space<vmem_shared>>) dst(%dma_wait3A_127 : memref<640xf32, #tpu.memory_space<vmem>>)
      tpu.yield
    }) : () -> ()
    %run_scoped3A_68 = arith.constant 3 : i32
    %run_scoped3A_69 = arith.constant 3 : i32
    "tpu.region"() ({
      %run_scoped3A_111 = tpu.sem_alloc : memref<!tpu.dma_semaphore, #tpu.memory_space<semaphore_mem>>
      %dma_start3A = arith.constant 0 : i32
      %dma_start3A_112 = tpu.memref_slice %arg10[%run_scoped3A_69, %dma_start3A] : memref<16x640xf32, #tpu.memory_space<vmem>> -> memref<1x640xf32, #tpu.memory_space<vmem>>
      %dma_start3A_113 = tpu.memref_squeeze %dma_start3A_112 : memref<1x640xf32, #tpu.memory_space<vmem>> -> memref<640xf32, #tpu.memory_space<vmem>>
      %dma_start3A_114 = tpu.memref_slice %arg14[%run_scoped3A_68, %mul3A_23] : memref<16x10240xf32, #tpu.memory_space<vmem_shared>> -> memref<1x640xf32, #tpu.memory_space<vmem_shared>>
      %dma_start3A_115 = tpu.memref_squeeze %dma_start3A_114 : memref<1x640xf32, #tpu.memory_space<vmem_shared>> -> memref<640xf32, #tpu.memory_space<vmem_shared>>
      %dma_start3A_116 = arith.constant 0 : i32
      %dma_start3A_117 = tpu.memref_slice %arg10[%run_scoped3A_69, %dma_start3A_116] : memref<16x640xf32, #tpu.memory_space<vmem>> -> memref<1x640xf32, #tpu.memory_space<vmem>>
      %dma_start3A_118 = tpu.memref_squeeze %dma_start3A_117 : memref<1x640xf32, #tpu.memory_space<vmem>> -> memref<640xf32, #tpu.memory_space<vmem>>
      %dma_start3A_119 = tpu.memref_slice %arg14[%run_scoped3A_68, %mul3A_23] : memref<16x10240xf32, #tpu.memory_space<vmem_shared>> -> memref<1x640xf32, #tpu.memory_space<vmem_shared>>
      %dma_start3A_120 = tpu.memref_squeeze %dma_start3A_119 : memref<1x640xf32, #tpu.memory_space<vmem_shared>> -> memref<640xf32, #tpu.memory_space<vmem_shared>>
      tpu.enqueue_dma source(%dma_start3A_120 : memref<640xf32, #tpu.memory_space<vmem_shared>>) target(%dma_start3A_118 : memref<640xf32, #tpu.memory_space<vmem>>) target_semaphore(%run_scoped3A_111 : memref<!tpu.dma_semaphore, #tpu.memory_space<semaphore_mem>>)
      %dma_wait3A = arith.constant 0 : i32
      %dma_wait3A_121 = tpu.memref_slice %arg10[%run_scoped3A_69, %dma_wait3A] : memref<16x640xf32, #tpu.memory_space<vmem>> -> memref<1x640xf32, #tpu.memory_space<vmem>>
      %dma_wait3A_122 = tpu.memref_squeeze %dma_wait3A_121 : memref<1x640xf32, #tpu.memory_space<vmem>> -> memref<640xf32, #tpu.memory_space<vmem>>
      %dma_wait3A_123 = tpu.memref_slice %arg14[%run_scoped3A_68, %mul3A_23] : memref<16x10240xf32, #tpu.memory_space<vmem_shared>> -> memref<1x640xf32, #tpu.memory_space<vmem_shared>>
      %dma_wait3A_124 = tpu.memref_squeeze %dma_wait3A_123 : memref<1x640xf32, #tpu.memory_space<vmem_shared>> -> memref<640xf32, #tpu.memory_space<vmem_shared>>
      %dma_wait3A_125 = arith.constant 0 : i32
      %dma_wait3A_126 = tpu.memref_slice %arg10[%run_scoped3A_69, %dma_wait3A_125] : memref<16x640xf32, #tpu.memory_space<vmem>> -> memref<1x640xf32, #tpu.memory_space<vmem>>
      %dma_wait3A_127 = tpu.memref_squeeze %dma_wait3A_126 : memref<1x640xf32, #tpu.memory_space<vmem>> -> memref<640xf32, #tpu.memory_space<vmem>>
      %dma_wait3A_128 = tpu.memref_slice %arg14[%run_scoped3A_68, %mul3A_23] : memref<16x10240xf32, #tpu.memory_space<vmem_shared>> -> memref<1x640xf32, #tpu.memory_space<vmem_shared>>
      %dma_wait3A_129 = tpu.memref_squeeze %dma_wait3A_128 : memref<1x640xf32, #tpu.memory_space<vmem_shared>> -> memref<640xf32, #tpu.memory_space<vmem_shared>>
      tpu.wait_dma2 semaphore(%run_scoped3A_111 : memref<!tpu.dma_semaphore, #tpu.memory_space<semaphore_mem>>) src(%dma_wait3A_129 : memref<640xf32, #tpu.memory_space<vmem_shared>>) dst(%dma_wait3A_127 : memref<640xf32, #tpu.memory_space<vmem>>)
      tpu.yield
    }) : () -> ()
    %run_scoped3A_70 = arith.constant 4 : i32
    %run_scoped3A_71 = arith.constant 4 : i32
    "tpu.region"() ({
      %run_scoped3A_111 = tpu.sem_alloc : memref<!tpu.dma_semaphore, #tpu.memory_space<semaphore_mem>>
      %dma_start3A = arith.constant 0 : i32
      %dma_start3A_112 = tpu.memref_slice %arg10[%run_scoped3A_71, %dma_start3A] : memref<16x640xf32, #tpu.memory_space<vmem>> -> memref<1x640xf32, #tpu.memory_space<vmem>>
      %dma_start3A_113 = tpu.memref_squeeze %dma_start3A_112 : memref<1x640xf32, #tpu.memory_space<vmem>> -> memref<640xf32, #tpu.memory_space<vmem>>
      %dma_start3A_114 = tpu.memref_slice %arg14[%run_scoped3A_70, %mul3A_23] : memref<16x10240xf32, #tpu.memory_space<vmem_shared>> -> memref<1x640xf32, #tpu.memory_space<vmem_shared>>
      %dma_start3A_115 = tpu.memref_squeeze %dma_start3A_114 : memref<1x640xf32, #tpu.memory_space<vmem_shared>> -> memref<640xf32, #tpu.memory_space<vmem_shared>>
      %dma_start3A_116 = arith.constant 0 : i32
      %dma_start3A_117 = tpu.memref_slice %arg10[%run_scoped3A_71, %dma_start3A_116] : memref<16x640xf32, #tpu.memory_space<vmem>> -> memref<1x640xf32, #tpu.memory_space<vmem>>
      %dma_start3A_118 = tpu.memref_squeeze %dma_start3A_117 : memref<1x640xf32, #tpu.memory_space<vmem>> -> memref<640xf32, #tpu.memory_space<vmem>>
      %dma_start3A_119 = tpu.memref_slice %arg14[%run_scoped3A_70, %mul3A_23] : memref<16x10240xf32, #tpu.memory_space<vmem_shared>> -> memref<1x640xf32, #tpu.memory_space<vmem_shared>>
      %dma_start3A_120 = tpu.memref_squeeze %dma_start3A_119 : memref<1x640xf32, #tpu.memory_space<vmem_shared>> -> memref<640xf32, #tpu.memory_space<vmem_shared>>
      tpu.enqueue_dma source(%dma_start3A_120 : memref<640xf32, #tpu.memory_space<vmem_shared>>) target(%dma_start3A_118 : memref<640xf32, #tpu.memory_space<vmem>>) target_semaphore(%run_scoped3A_111 : memref<!tpu.dma_semaphore, #tpu.memory_space<semaphore_mem>>)
      %dma_wait3A = arith.constant 0 : i32
      %dma_wait3A_121 = tpu.memref_slice %arg10[%run_scoped3A_71, %dma_wait3A] : memref<16x640xf32, #tpu.memory_space<vmem>> -> memref<1x640xf32, #tpu.memory_space<vmem>>
      %dma_wait3A_122 = tpu.memref_squeeze %dma_wait3A_121 : memref<1x640xf32, #tpu.memory_space<vmem>> -> memref<640xf32, #tpu.memory_space<vmem>>
      %dma_wait3A_123 = tpu.memref_slice %arg14[%run_scoped3A_70, %mul3A_23] : memref<16x10240xf32, #tpu.memory_space<vmem_shared>> -> memref<1x640xf32, #tpu.memory_space<vmem_shared>>
      %dma_wait3A_124 = tpu.memref_squeeze %dma_wait3A_123 : memref<1x640xf32, #tpu.memory_space<vmem_shared>> -> memref<640xf32, #tpu.memory_space<vmem_shared>>
      %dma_wait3A_125 = arith.constant 0 : i32
      %dma_wait3A_126 = tpu.memref_slice %arg10[%run_scoped3A_71, %dma_wait3A_125] : memref<16x640xf32, #tpu.memory_space<vmem>> -> memref<1x640xf32, #tpu.memory_space<vmem>>
      %dma_wait3A_127 = tpu.memref_squeeze %dma_wait3A_126 : memref<1x640xf32, #tpu.memory_space<vmem>> -> memref<640xf32, #tpu.memory_space<vmem>>
      %dma_wait3A_128 = tpu.memref_slice %arg14[%run_scoped3A_70, %mul3A_23] : memref<16x10240xf32, #tpu.memory_space<vmem_shared>> -> memref<1x640xf32, #tpu.memory_space<vmem_shared>>
      %dma_wait3A_129 = tpu.memref_squeeze %dma_wait3A_128 : memref<1x640xf32, #tpu.memory_space<vmem_shared>> -> memref<640xf32, #tpu.memory_space<vmem_shared>>
      tpu.wait_dma2 semaphore(%run_scoped3A_111 : memref<!tpu.dma_semaphore, #tpu.memory_space<semaphore_mem>>) src(%dma_wait3A_129 : memref<640xf32, #tpu.memory_space<vmem_shared>>) dst(%dma_wait3A_127 : memref<640xf32, #tpu.memory_space<vmem>>)
      tpu.yield
    }) : () -> ()
    %run_scoped3A_72 = arith.constant 5 : i32
    %run_scoped3A_73 = arith.constant 5 : i32
    "tpu.region"() ({
      %run_scoped3A_111 = tpu.sem_alloc : memref<!tpu.dma_semaphore, #tpu.memory_space<semaphore_mem>>
      %dma_start3A = arith.constant 0 : i32
      %dma_start3A_112 = tpu.memref_slice %arg10[%run_scoped3A_73, %dma_start3A] : memref<16x640xf32, #tpu.memory_space<vmem>> -> memref<1x640xf32, #tpu.memory_space<vmem>>
      %dma_start3A_113 = tpu.memref_squeeze %dma_start3A_112 : memref<1x640xf32, #tpu.memory_space<vmem>> -> memref<640xf32, #tpu.memory_space<vmem>>
      %dma_start3A_114 = tpu.memref_slice %arg14[%run_scoped3A_72, %mul3A_23] : memref<16x10240xf32, #tpu.memory_space<vmem_shared>> -> memref<1x640xf32, #tpu.memory_space<vmem_shared>>
      %dma_start3A_115 = tpu.memref_squeeze %dma_start3A_114 : memref<1x640xf32, #tpu.memory_space<vmem_shared>> -> memref<640xf32, #tpu.memory_space<vmem_shared>>
      %dma_start3A_116 = arith.constant 0 : i32
      %dma_start3A_117 = tpu.memref_slice %arg10[%run_scoped3A_73, %dma_start3A_116] : memref<16x640xf32, #tpu.memory_space<vmem>> -> memref<1x640xf32, #tpu.memory_space<vmem>>
      %dma_start3A_118 = tpu.memref_squeeze %dma_start3A_117 : memref<1x640xf32, #tpu.memory_space<vmem>> -> memref<640xf32, #tpu.memory_space<vmem>>
      %dma_start3A_119 = tpu.memref_slice %arg14[%run_scoped3A_72, %mul3A_23] : memref<16x10240xf32, #tpu.memory_space<vmem_shared>> -> memref<1x640xf32, #tpu.memory_space<vmem_shared>>
      %dma_start3A_120 = tpu.memref_squeeze %dma_start3A_119 : memref<1x640xf32, #tpu.memory_space<vmem_shared>> -> memref<640xf32, #tpu.memory_space<vmem_shared>>
      tpu.enqueue_dma source(%dma_start3A_120 : memref<640xf32, #tpu.memory_space<vmem_shared>>) target(%dma_start3A_118 : memref<640xf32, #tpu.memory_space<vmem>>) target_semaphore(%run_scoped3A_111 : memref<!tpu.dma_semaphore, #tpu.memory_space<semaphore_mem>>)
      %dma_wait3A = arith.constant 0 : i32
      %dma_wait3A_121 = tpu.memref_slice %arg10[%run_scoped3A_73, %dma_wait3A] : memref<16x640xf32, #tpu.memory_space<vmem>> -> memref<1x640xf32, #tpu.memory_space<vmem>>
      %dma_wait3A_122 = tpu.memref_squeeze %dma_wait3A_121 : memref<1x640xf32, #tpu.memory_space<vmem>> -> memref<640xf32, #tpu.memory_space<vmem>>
      %dma_wait3A_123 = tpu.memref_slice %arg14[%run_scoped3A_72, %mul3A_23] : memref<16x10240xf32, #tpu.memory_space<vmem_shared>> -> memref<1x640xf32, #tpu.memory_space<vmem_shared>>
      %dma_wait3A_124 = tpu.memref_squeeze %dma_wait3A_123 : memref<1x640xf32, #tpu.memory_space<vmem_shared>> -> memref<640xf32, #tpu.memory_space<vmem_shared>>
      %dma_wait3A_125 = arith.constant 0 : i32
      %dma_wait3A_126 = tpu.memref_slice %arg10[%run_scoped3A_73, %dma_wait3A_125] : memref<16x640xf32, #tpu.memory_space<vmem>> -> memref<1x640xf32, #tpu.memory_space<vmem>>
      %dma_wait3A_127 = tpu.memref_squeeze %dma_wait3A_126 : memref<1x640xf32, #tpu.memory_space<vmem>> -> memref<640xf32, #tpu.memory_space<vmem>>
      %dma_wait3A_128 = tpu.memref_slice %arg14[%run_scoped3A_72, %mul3A_23] : memref<16x10240xf32, #tpu.memory_space<vmem_shared>> -> memref<1x640xf32, #tpu.memory_space<vmem_shared>>
      %dma_wait3A_129 = tpu.memref_squeeze %dma_wait3A_128 : memref<1x640xf32, #tpu.memory_space<vmem_shared>> -> memref<640xf32, #tpu.memory_space<vmem_shared>>
      tpu.wait_dma2 semaphore(%run_scoped3A_111 : memref<!tpu.dma_semaphore, #tpu.memory_space<semaphore_mem>>) src(%dma_wait3A_129 : memref<640xf32, #tpu.memory_space<vmem_shared>>) dst(%dma_wait3A_127 : memref<640xf32, #tpu.memory_space<vmem>>)
      tpu.yield
    }) : () -> ()
    %run_scoped3A_74 = arith.constant 6 : i32
    %run_scoped3A_75 = arith.constant 6 : i32
    "tpu.region"() ({
      %run_scoped3A_111 = tpu.sem_alloc : memref<!tpu.dma_semaphore, #tpu.memory_space<semaphore_mem>>
      %dma_start3A = arith.constant 0 : i32
      %dma_start3A_112 = tpu.memref_slice %arg10[%run_scoped3A_75, %dma_start3A] : memref<16x640xf32, #tpu.memory_space<vmem>> -> memref<1x640xf32, #tpu.memory_space<vmem>>
      %dma_start3A_113 = tpu.memref_squeeze %dma_start3A_112 : memref<1x640xf32, #tpu.memory_space<vmem>> -> memref<640xf32, #tpu.memory_space<vmem>>
      %dma_start3A_114 = tpu.memref_slice %arg14[%run_scoped3A_74, %mul3A_23] : memref<16x10240xf32, #tpu.memory_space<vmem_shared>> -> memref<1x640xf32, #tpu.memory_space<vmem_shared>>
      %dma_start3A_115 = tpu.memref_squeeze %dma_start3A_114 : memref<1x640xf32, #tpu.memory_space<vmem_shared>> -> memref<640xf32, #tpu.memory_space<vmem_shared>>
      %dma_start3A_116 = arith.constant 0 : i32
      %dma_start3A_117 = tpu.memref_slice %arg10[%run_scoped3A_75, %dma_start3A_116] : memref<16x640xf32, #tpu.memory_space<vmem>> -> memref<1x640xf32, #tpu.memory_space<vmem>>
      %dma_start3A_118 = tpu.memref_squeeze %dma_start3A_117 : memref<1x640xf32, #tpu.memory_space<vmem>> -> memref<640xf32, #tpu.memory_space<vmem>>
      %dma_start3A_119 = tpu.memref_slice %arg14[%run_scoped3A_74, %mul3A_23] : memref<16x10240xf32, #tpu.memory_space<vmem_shared>> -> memref<1x640xf32, #tpu.memory_space<vmem_shared>>
      %dma_start3A_120 = tpu.memref_squeeze %dma_start3A_119 : memref<1x640xf32, #tpu.memory_space<vmem_shared>> -> memref<640xf32, #tpu.memory_space<vmem_shared>>
      tpu.enqueue_dma source(%dma_start3A_120 : memref<640xf32, #tpu.memory_space<vmem_shared>>) target(%dma_start3A_118 : memref<640xf32, #tpu.memory_space<vmem>>) target_semaphore(%run_scoped3A_111 : memref<!tpu.dma_semaphore, #tpu.memory_space<semaphore_mem>>)
      %dma_wait3A = arith.constant 0 : i32
      %dma_wait3A_121 = tpu.memref_slice %arg10[%run_scoped3A_75, %dma_wait3A] : memref<16x640xf32, #tpu.memory_space<vmem>> -> memref<1x640xf32, #tpu.memory_space<vmem>>
      %dma_wait3A_122 = tpu.memref_squeeze %dma_wait3A_121 : memref<1x640xf32, #tpu.memory_space<vmem>> -> memref<640xf32, #tpu.memory_space<vmem>>
      %dma_wait3A_123 = tpu.memref_slice %arg14[%run_scoped3A_74, %mul3A_23] : memref<16x10240xf32, #tpu.memory_space<vmem_shared>> -> memref<1x640xf32, #tpu.memory_space<vmem_shared>>
      %dma_wait3A_124 = tpu.memref_squeeze %dma_wait3A_123 : memref<1x640xf32, #tpu.memory_space<vmem_shared>> -> memref<640xf32, #tpu.memory_space<vmem_shared>>
      %dma_wait3A_125 = arith.constant 0 : i32
      %dma_wait3A_126 = tpu.memref_slice %arg10[%run_scoped3A_75, %dma_wait3A_125] : memref<16x640xf32, #tpu.memory_space<vmem>> -> memref<1x640xf32, #tpu.memory_space<vmem>>
      %dma_wait3A_127 = tpu.memref_squeeze %dma_wait3A_126 : memref<1x640xf32, #tpu.memory_space<vmem>> -> memref<640xf32, #tpu.memory_space<vmem>>
      %dma_wait3A_128 = tpu.memref_slice %arg14[%run_scoped3A_74, %mul3A_23] : memref<16x10240xf32, #tpu.memory_space<vmem_shared>> -> memref<1x640xf32, #tpu.memory_space<vmem_shared>>
      %dma_wait3A_129 = tpu.memref_squeeze %dma_wait3A_128 : memref<1x640xf32, #tpu.memory_space<vmem_shared>> -> memref<640xf32, #tpu.memory_space<vmem_shared>>
      tpu.wait_dma2 semaphore(%run_scoped3A_111 : memref<!tpu.dma_semaphore, #tpu.memory_space<semaphore_mem>>) src(%dma_wait3A_129 : memref<640xf32, #tpu.memory_space<vmem_shared>>) dst(%dma_wait3A_127 : memref<640xf32, #tpu.memory_space<vmem>>)
      tpu.yield
    }) : () -> ()
    %run_scoped3A_76 = arith.constant 7 : i32
    %run_scoped3A_77 = arith.constant 7 : i32
    "tpu.region"() ({
      %run_scoped3A_111 = tpu.sem_alloc : memref<!tpu.dma_semaphore, #tpu.memory_space<semaphore_mem>>
      %dma_start3A = arith.constant 0 : i32
      %dma_start3A_112 = tpu.memref_slice %arg10[%run_scoped3A_77, %dma_start3A] : memref<16x640xf32, #tpu.memory_space<vmem>> -> memref<1x640xf32, #tpu.memory_space<vmem>>
      %dma_start3A_113 = tpu.memref_squeeze %dma_start3A_112 : memref<1x640xf32, #tpu.memory_space<vmem>> -> memref<640xf32, #tpu.memory_space<vmem>>
      %dma_start3A_114 = tpu.memref_slice %arg14[%run_scoped3A_76, %mul3A_23] : memref<16x10240xf32, #tpu.memory_space<vmem_shared>> -> memref<1x640xf32, #tpu.memory_space<vmem_shared>>
      %dma_start3A_115 = tpu.memref_squeeze %dma_start3A_114 : memref<1x640xf32, #tpu.memory_space<vmem_shared>> -> memref<640xf32, #tpu.memory_space<vmem_shared>>
      %dma_start3A_116 = arith.constant 0 : i32
      %dma_start3A_117 = tpu.memref_slice %arg10[%run_scoped3A_77, %dma_start3A_116] : memref<16x640xf32, #tpu.memory_space<vmem>> -> memref<1x640xf32, #tpu.memory_space<vmem>>
      %dma_start3A_118 = tpu.memref_squeeze %dma_start3A_117 : memref<1x640xf32, #tpu.memory_space<vmem>> -> memref<640xf32, #tpu.memory_space<vmem>>
      %dma_start3A_119 = tpu.memref_slice %arg14[%run_scoped3A_76, %mul3A_23] : memref<16x10240xf32, #tpu.memory_space<vmem_shared>> -> memref<1x640xf32, #tpu.memory_space<vmem_shared>>
      %dma_start3A_120 = tpu.memref_squeeze %dma_start3A_119 : memref<1x640xf32, #tpu.memory_space<vmem_shared>> -> memref<640xf32, #tpu.memory_space<vmem_shared>>
      tpu.enqueue_dma source(%dma_start3A_120 : memref<640xf32, #tpu.memory_space<vmem_shared>>) target(%dma_start3A_118 : memref<640xf32, #tpu.memory_space<vmem>>) target_semaphore(%run_scoped3A_111 : memref<!tpu.dma_semaphore, #tpu.memory_space<semaphore_mem>>)
      %dma_wait3A = arith.constant 0 : i32
      %dma_wait3A_121 = tpu.memref_slice %arg10[%run_scoped3A_77, %dma_wait3A] : memref<16x640xf32, #tpu.memory_space<vmem>> -> memref<1x640xf32, #tpu.memory_space<vmem>>
      %dma_wait3A_122 = tpu.memref_squeeze %dma_wait3A_121 : memref<1x640xf32, #tpu.memory_space<vmem>> -> memref<640xf32, #tpu.memory_space<vmem>>
      %dma_wait3A_123 = tpu.memref_slice %arg14[%run_scoped3A_76, %mul3A_23] : memref<16x10240xf32, #tpu.memory_space<vmem_shared>> -> memref<1x640xf32, #tpu.memory_space<vmem_shared>>
      %dma_wait3A_124 = tpu.memref_squeeze %dma_wait3A_123 : memref<1x640xf32, #tpu.memory_space<vmem_shared>> -> memref<640xf32, #tpu.memory_space<vmem_shared>>
      %dma_wait3A_125 = arith.constant 0 : i32
      %dma_wait3A_126 = tpu.memref_slice %arg10[%run_scoped3A_77, %dma_wait3A_125] : memref<16x640xf32, #tpu.memory_space<vmem>> -> memref<1x640xf32, #tpu.memory_space<vmem>>
      %dma_wait3A_127 = tpu.memref_squeeze %dma_wait3A_126 : memref<1x640xf32, #tpu.memory_space<vmem>> -> memref<640xf32, #tpu.memory_space<vmem>>
      %dma_wait3A_128 = tpu.memref_slice %arg14[%run_scoped3A_76, %mul3A_23] : memref<16x10240xf32, #tpu.memory_space<vmem_shared>> -> memref<1x640xf32, #tpu.memory_space<vmem_shared>>
      %dma_wait3A_129 = tpu.memref_squeeze %dma_wait3A_128 : memref<1x640xf32, #tpu.memory_space<vmem_shared>> -> memref<640xf32, #tpu.memory_space<vmem_shared>>
      tpu.wait_dma2 semaphore(%run_scoped3A_111 : memref<!tpu.dma_semaphore, #tpu.memory_space<semaphore_mem>>) src(%dma_wait3A_129 : memref<640xf32, #tpu.memory_space<vmem_shared>>) dst(%dma_wait3A_127 : memref<640xf32, #tpu.memory_space<vmem>>)
      tpu.yield
    }) : () -> ()
    %run_scoped3A_78 = arith.constant 8 : i32
    %run_scoped3A_79 = arith.constant 8 : i32
    "tpu.region"() ({
      %run_scoped3A_111 = tpu.sem_alloc : memref<!tpu.dma_semaphore, #tpu.memory_space<semaphore_mem>>
      %dma_start3A = arith.constant 0 : i32
      %dma_start3A_112 = tpu.memref_slice %arg10[%run_scoped3A_79, %dma_start3A] : memref<16x640xf32, #tpu.memory_space<vmem>> -> memref<1x640xf32, #tpu.memory_space<vmem>>
      %dma_start3A_113 = tpu.memref_squeeze %dma_start3A_112 : memref<1x640xf32, #tpu.memory_space<vmem>> -> memref<640xf32, #tpu.memory_space<vmem>>
      %dma_start3A_114 = tpu.memref_slice %arg14[%run_scoped3A_78, %mul3A_23] : memref<16x10240xf32, #tpu.memory_space<vmem_shared>> -> memref<1x640xf32, #tpu.memory_space<vmem_shared>>
      %dma_start3A_115 = tpu.memref_squeeze %dma_start3A_114 : memref<1x640xf32, #tpu.memory_space<vmem_shared>> -> memref<640xf32, #tpu.memory_space<vmem_shared>>
      %dma_start3A_116 = arith.constant 0 : i32
      %dma_start3A_117 = tpu.memref_slice %arg10[%run_scoped3A_79, %dma_start3A_116] : memref<16x640xf32, #tpu.memory_space<vmem>> -> memref<1x640xf32, #tpu.memory_space<vmem>>
      %dma_start3A_118 = tpu.memref_squeeze %dma_start3A_117 : memref<1x640xf32, #tpu.memory_space<vmem>> -> memref<640xf32, #tpu.memory_space<vmem>>
      %dma_start3A_119 = tpu.memref_slice %arg14[%run_scoped3A_78, %mul3A_23] : memref<16x10240xf32, #tpu.memory_space<vmem_shared>> -> memref<1x640xf32, #tpu.memory_space<vmem_shared>>
      %dma_start3A_120 = tpu.memref_squeeze %dma_start3A_119 : memref<1x640xf32, #tpu.memory_space<vmem_shared>> -> memref<640xf32, #tpu.memory_space<vmem_shared>>
      tpu.enqueue_dma source(%dma_start3A_120 : memref<640xf32, #tpu.memory_space<vmem_shared>>) target(%dma_start3A_118 : memref<640xf32, #tpu.memory_space<vmem>>) target_semaphore(%run_scoped3A_111 : memref<!tpu.dma_semaphore, #tpu.memory_space<semaphore_mem>>)
      %dma_wait3A = arith.constant 0 : i32
      %dma_wait3A_121 = tpu.memref_slice %arg10[%run_scoped3A_79, %dma_wait3A] : memref<16x640xf32, #tpu.memory_space<vmem>> -> memref<1x640xf32, #tpu.memory_space<vmem>>
      %dma_wait3A_122 = tpu.memref_squeeze %dma_wait3A_121 : memref<1x640xf32, #tpu.memory_space<vmem>> -> memref<640xf32, #tpu.memory_space<vmem>>
      %dma_wait3A_123 = tpu.memref_slice %arg14[%run_scoped3A_78, %mul3A_23] : memref<16x10240xf32, #tpu.memory_space<vmem_shared>> -> memref<1x640xf32, #tpu.memory_space<vmem_shared>>
      %dma_wait3A_124 = tpu.memref_squeeze %dma_wait3A_123 : memref<1x640xf32, #tpu.memory_space<vmem_shared>> -> memref<640xf32, #tpu.memory_space<vmem_shared>>
      %dma_wait3A_125 = arith.constant 0 : i32
      %dma_wait3A_126 = tpu.memref_slice %arg10[%run_scoped3A_79, %dma_wait3A_125] : memref<16x640xf32, #tpu.memory_space<vmem>> -> memref<1x640xf32, #tpu.memory_space<vmem>>
      %dma_wait3A_127 = tpu.memref_squeeze %dma_wait3A_126 : memref<1x640xf32, #tpu.memory_space<vmem>> -> memref<640xf32, #tpu.memory_space<vmem>>
      %dma_wait3A_128 = tpu.memref_slice %arg14[%run_scoped3A_78, %mul3A_23] : memref<16x10240xf32, #tpu.memory_space<vmem_shared>> -> memref<1x640xf32, #tpu.memory_space<vmem_shared>>
      %dma_wait3A_129 = tpu.memref_squeeze %dma_wait3A_128 : memref<1x640xf32, #tpu.memory_space<vmem_shared>> -> memref<640xf32, #tpu.memory_space<vmem_shared>>
      tpu.wait_dma2 semaphore(%run_scoped3A_111 : memref<!tpu.dma_semaphore, #tpu.memory_space<semaphore_mem>>) src(%dma_wait3A_129 : memref<640xf32, #tpu.memory_space<vmem_shared>>) dst(%dma_wait3A_127 : memref<640xf32, #tpu.memory_space<vmem>>)
      tpu.yield
    }) : () -> ()
    %run_scoped3A_80 = arith.constant 9 : i32
    %run_scoped3A_81 = arith.constant 9 : i32
    "tpu.region"() ({
      %run_scoped3A_111 = tpu.sem_alloc : memref<!tpu.dma_semaphore, #tpu.memory_space<semaphore_mem>>
      %dma_start3A = arith.constant 0 : i32
      %dma_start3A_112 = tpu.memref_slice %arg10[%run_scoped3A_81, %dma_start3A] : memref<16x640xf32, #tpu.memory_space<vmem>> -> memref<1x640xf32, #tpu.memory_space<vmem>>
      %dma_start3A_113 = tpu.memref_squeeze %dma_start3A_112 : memref<1x640xf32, #tpu.memory_space<vmem>> -> memref<640xf32, #tpu.memory_space<vmem>>
      %dma_start3A_114 = tpu.memref_slice %arg14[%run_scoped3A_80, %mul3A_23] : memref<16x10240xf32, #tpu.memory_space<vmem_shared>> -> memref<1x640xf32, #tpu.memory_space<vmem_shared>>
      %dma_start3A_115 = tpu.memref_squeeze %dma_start3A_114 : memref<1x640xf32, #tpu.memory_space<vmem_shared>> -> memref<640xf32, #tpu.memory_space<vmem_shared>>
      %dma_start3A_116 = arith.constant 0 : i32
      %dma_start3A_117 = tpu.memref_slice %arg10[%run_scoped3A_81, %dma_start3A_116] : memref<16x640xf32, #tpu.memory_space<vmem>> -> memref<1x640xf32, #tpu.memory_space<vmem>>
      %dma_start3A_118 = tpu.memref_squeeze %dma_start3A_117 : memref<1x640xf32, #tpu.memory_space<vmem>> -> memref<640xf32, #tpu.memory_space<vmem>>
      %dma_start3A_119 = tpu.memref_slice %arg14[%run_scoped3A_80, %mul3A_23] : memref<16x10240xf32, #tpu.memory_space<vmem_shared>> -> memref<1x640xf32, #tpu.memory_space<vmem_shared>>
      %dma_start3A_120 = tpu.memref_squeeze %dma_start3A_119 : memref<1x640xf32, #tpu.memory_space<vmem_shared>> -> memref<640xf32, #tpu.memory_space<vmem_shared>>
      tpu.enqueue_dma source(%dma_start3A_120 : memref<640xf32, #tpu.memory_space<vmem_shared>>) target(%dma_start3A_118 : memref<640xf32, #tpu.memory_space<vmem>>) target_semaphore(%run_scoped3A_111 : memref<!tpu.dma_semaphore, #tpu.memory_space<semaphore_mem>>)
      %dma_wait3A = arith.constant 0 : i32
      %dma_wait3A_121 = tpu.memref_slice %arg10[%run_scoped3A_81, %dma_wait3A] : memref<16x640xf32, #tpu.memory_space<vmem>> -> memref<1x640xf32, #tpu.memory_space<vmem>>
      %dma_wait3A_122 = tpu.memref_squeeze %dma_wait3A_121 : memref<1x640xf32, #tpu.memory_space<vmem>> -> memref<640xf32, #tpu.memory_space<vmem>>
      %dma_wait3A_123 = tpu.memref_slice %arg14[%run_scoped3A_80, %mul3A_23] : memref<16x10240xf32, #tpu.memory_space<vmem_shared>> -> memref<1x640xf32, #tpu.memory_space<vmem_shared>>
      %dma_wait3A_124 = tpu.memref_squeeze %dma_wait3A_123 : memref<1x640xf32, #tpu.memory_space<vmem_shared>> -> memref<640xf32, #tpu.memory_space<vmem_shared>>
      %dma_wait3A_125 = arith.constant 0 : i32
      %dma_wait3A_126 = tpu.memref_slice %arg10[%run_scoped3A_81, %dma_wait3A_125] : memref<16x640xf32, #tpu.memory_space<vmem>> -> memref<1x640xf32, #tpu.memory_space<vmem>>
      %dma_wait3A_127 = tpu.memref_squeeze %dma_wait3A_126 : memref<1x640xf32, #tpu.memory_space<vmem>> -> memref<640xf32, #tpu.memory_space<vmem>>
      %dma_wait3A_128 = tpu.memref_slice %arg14[%run_scoped3A_80, %mul3A_23] : memref<16x10240xf32, #tpu.memory_space<vmem_shared>> -> memref<1x640xf32, #tpu.memory_space<vmem_shared>>
      %dma_wait3A_129 = tpu.memref_squeeze %dma_wait3A_128 : memref<1x640xf32, #tpu.memory_space<vmem_shared>> -> memref<640xf32, #tpu.memory_space<vmem_shared>>
      tpu.wait_dma2 semaphore(%run_scoped3A_111 : memref<!tpu.dma_semaphore, #tpu.memory_space<semaphore_mem>>) src(%dma_wait3A_129 : memref<640xf32, #tpu.memory_space<vmem_shared>>) dst(%dma_wait3A_127 : memref<640xf32, #tpu.memory_space<vmem>>)
      tpu.yield
    }) : () -> ()
    %run_scoped3A_82 = arith.constant 10 : i32
    %run_scoped3A_83 = arith.constant 10 : i32
    "tpu.region"() ({
      %run_scoped3A_111 = tpu.sem_alloc : memref<!tpu.dma_semaphore, #tpu.memory_space<semaphore_mem>>
      %dma_start3A = arith.constant 0 : i32
      %dma_start3A_112 = tpu.memref_slice %arg10[%run_scoped3A_83, %dma_start3A] : memref<16x640xf32, #tpu.memory_space<vmem>> -> memref<1x640xf32, #tpu.memory_space<vmem>>
      %dma_start3A_113 = tpu.memref_squeeze %dma_start3A_112 : memref<1x640xf32, #tpu.memory_space<vmem>> -> memref<640xf32, #tpu.memory_space<vmem>>
      %dma_start3A_114 = tpu.memref_slice %arg14[%run_scoped3A_82, %mul3A_23] : memref<16x10240xf32, #tpu.memory_space<vmem_shared>> -> memref<1x640xf32, #tpu.memory_space<vmem_shared>>
      %dma_start3A_115 = tpu.memref_squeeze %dma_start3A_114 : memref<1x640xf32, #tpu.memory_space<vmem_shared>> -> memref<640xf32, #tpu.memory_space<vmem_shared>>
      %dma_start3A_116 = arith.constant 0 : i32
      %dma_start3A_117 = tpu.memref_slice %arg10[%run_scoped3A_83, %dma_start3A_116] : memref<16x640xf32, #tpu.memory_space<vmem>> -> memref<1x640xf32, #tpu.memory_space<vmem>>
      %dma_start3A_118 = tpu.memref_squeeze %dma_start3A_117 : memref<1x640xf32, #tpu.memory_space<vmem>> -> memref<640xf32, #tpu.memory_space<vmem>>
      %dma_start3A_119 = tpu.memref_slice %arg14[%run_scoped3A_82, %mul3A_23] : memref<16x10240xf32, #tpu.memory_space<vmem_shared>> -> memref<1x640xf32, #tpu.memory_space<vmem_shared>>
      %dma_start3A_120 = tpu.memref_squeeze %dma_start3A_119 : memref<1x640xf32, #tpu.memory_space<vmem_shared>> -> memref<640xf32, #tpu.memory_space<vmem_shared>>
      tpu.enqueue_dma source(%dma_start3A_120 : memref<640xf32, #tpu.memory_space<vmem_shared>>) target(%dma_start3A_118 : memref<640xf32, #tpu.memory_space<vmem>>) target_semaphore(%run_scoped3A_111 : memref<!tpu.dma_semaphore, #tpu.memory_space<semaphore_mem>>)
      %dma_wait3A = arith.constant 0 : i32
      %dma_wait3A_121 = tpu.memref_slice %arg10[%run_scoped3A_83, %dma_wait3A] : memref<16x640xf32, #tpu.memory_space<vmem>> -> memref<1x640xf32, #tpu.memory_space<vmem>>
      %dma_wait3A_122 = tpu.memref_squeeze %dma_wait3A_121 : memref<1x640xf32, #tpu.memory_space<vmem>> -> memref<640xf32, #tpu.memory_space<vmem>>
      %dma_wait3A_123 = tpu.memref_slice %arg14[%run_scoped3A_82, %mul3A_23] : memref<16x10240xf32, #tpu.memory_space<vmem_shared>> -> memref<1x640xf32, #tpu.memory_space<vmem_shared>>
      %dma_wait3A_124 = tpu.memref_squeeze %dma_wait3A_123 : memref<1x640xf32, #tpu.memory_space<vmem_shared>> -> memref<640xf32, #tpu.memory_space<vmem_shared>>
      %dma_wait3A_125 = arith.constant 0 : i32
      %dma_wait3A_126 = tpu.memref_slice %arg10[%run_scoped3A_83, %dma_wait3A_125] : memref<16x640xf32, #tpu.memory_space<vmem>> -> memref<1x640xf32, #tpu.memory_space<vmem>>
      %dma_wait3A_127 = tpu.memref_squeeze %dma_wait3A_126 : memref<1x640xf32, #tpu.memory_space<vmem>> -> memref<640xf32, #tpu.memory_space<vmem>>
      %dma_wait3A_128 = tpu.memref_slice %arg14[%run_scoped3A_82, %mul3A_23] : memref<16x10240xf32, #tpu.memory_space<vmem_shared>> -> memref<1x640xf32, #tpu.memory_space<vmem_shared>>
      %dma_wait3A_129 = tpu.memref_squeeze %dma_wait3A_128 : memref<1x640xf32, #tpu.memory_space<vmem_shared>> -> memref<640xf32, #tpu.memory_space<vmem_shared>>
      tpu.wait_dma2 semaphore(%run_scoped3A_111 : memref<!tpu.dma_semaphore, #tpu.memory_space<semaphore_mem>>) src(%dma_wait3A_129 : memref<640xf32, #tpu.memory_space<vmem_shared>>) dst(%dma_wait3A_127 : memref<640xf32, #tpu.memory_space<vmem>>)
      tpu.yield
    }) : () -> ()
    %run_scoped3A_84 = arith.constant 11 : i32
    %run_scoped3A_85 = arith.constant 11 : i32
    "tpu.region"() ({
      %run_scoped3A_111 = tpu.sem_alloc : memref<!tpu.dma_semaphore, #tpu.memory_space<semaphore_mem>>
      %dma_start3A = arith.constant 0 : i32
      %dma_start3A_112 = tpu.memref_slice %arg10[%run_scoped3A_85, %dma_start3A] : memref<16x640xf32, #tpu.memory_space<vmem>> -> memref<1x640xf32, #tpu.memory_space<vmem>>
      %dma_start3A_113 = tpu.memref_squeeze %dma_start3A_112 : memref<1x640xf32, #tpu.memory_space<vmem>> -> memref<640xf32, #tpu.memory_space<vmem>>
      %dma_start3A_114 = tpu.memref_slice %arg14[%run_scoped3A_84, %mul3A_23] : memref<16x10240xf32, #tpu.memory_space<vmem_shared>> -> memref<1x640xf32, #tpu.memory_space<vmem_shared>>
      %dma_start3A_115 = tpu.memref_squeeze %dma_start3A_114 : memref<1x640xf32, #tpu.memory_space<vmem_shared>> -> memref<640xf32, #tpu.memory_space<vmem_shared>>
      %dma_start3A_116 = arith.constant 0 : i32
      %dma_start3A_117 = tpu.memref_slice %arg10[%run_scoped3A_85, %dma_start3A_116] : memref<16x640xf32, #tpu.memory_space<vmem>> -> memref<1x640xf32, #tpu.memory_space<vmem>>
      %dma_start3A_118 = tpu.memref_squeeze %dma_start3A_117 : memref<1x640xf32, #tpu.memory_space<vmem>> -> memref<640xf32, #tpu.memory_space<vmem>>
      %dma_start3A_119 = tpu.memref_slice %arg14[%run_scoped3A_84, %mul3A_23] : memref<16x10240xf32, #tpu.memory_space<vmem_shared>> -> memref<1x640xf32, #tpu.memory_space<vmem_shared>>
      %dma_start3A_120 = tpu.memref_squeeze %dma_start3A_119 : memref<1x640xf32, #tpu.memory_space<vmem_shared>> -> memref<640xf32, #tpu.memory_space<vmem_shared>>
      tpu.enqueue_dma source(%dma_start3A_120 : memref<640xf32, #tpu.memory_space<vmem_shared>>) target(%dma_start3A_118 : memref<640xf32, #tpu.memory_space<vmem>>) target_semaphore(%run_scoped3A_111 : memref<!tpu.dma_semaphore, #tpu.memory_space<semaphore_mem>>)
      %dma_wait3A = arith.constant 0 : i32
      %dma_wait3A_121 = tpu.memref_slice %arg10[%run_scoped3A_85, %dma_wait3A] : memref<16x640xf32, #tpu.memory_space<vmem>> -> memref<1x640xf32, #tpu.memory_space<vmem>>
      %dma_wait3A_122 = tpu.memref_squeeze %dma_wait3A_121 : memref<1x640xf32, #tpu.memory_space<vmem>> -> memref<640xf32, #tpu.memory_space<vmem>>
      %dma_wait3A_123 = tpu.memref_slice %arg14[%run_scoped3A_84, %mul3A_23] : memref<16x10240xf32, #tpu.memory_space<vmem_shared>> -> memref<1x640xf32, #tpu.memory_space<vmem_shared>>
      %dma_wait3A_124 = tpu.memref_squeeze %dma_wait3A_123 : memref<1x640xf32, #tpu.memory_space<vmem_shared>> -> memref<640xf32, #tpu.memory_space<vmem_shared>>
      %dma_wait3A_125 = arith.constant 0 : i32
      %dma_wait3A_126 = tpu.memref_slice %arg10[%run_scoped3A_85, %dma_wait3A_125] : memref<16x640xf32, #tpu.memory_space<vmem>> -> memref<1x640xf32, #tpu.memory_space<vmem>>
      %dma_wait3A_127 = tpu.memref_squeeze %dma_wait3A_126 : memref<1x640xf32, #tpu.memory_space<vmem>> -> memref<640xf32, #tpu.memory_space<vmem>>
      %dma_wait3A_128 = tpu.memref_slice %arg14[%run_scoped3A_84, %mul3A_23] : memref<16x10240xf32, #tpu.memory_space<vmem_shared>> -> memref<1x640xf32, #tpu.memory_space<vmem_shared>>
      %dma_wait3A_129 = tpu.memref_squeeze %dma_wait3A_128 : memref<1x640xf32, #tpu.memory_space<vmem_shared>> -> memref<640xf32, #tpu.memory_space<vmem_shared>>
      tpu.wait_dma2 semaphore(%run_scoped3A_111 : memref<!tpu.dma_semaphore, #tpu.memory_space<semaphore_mem>>) src(%dma_wait3A_129 : memref<640xf32, #tpu.memory_space<vmem_shared>>) dst(%dma_wait3A_127 : memref<640xf32, #tpu.memory_space<vmem>>)
      tpu.yield
    }) : () -> ()
    %run_scoped3A_86 = arith.constant 12 : i32
    %run_scoped3A_87 = arith.constant 12 : i32
    "tpu.region"() ({
      %run_scoped3A_111 = tpu.sem_alloc : memref<!tpu.dma_semaphore, #tpu.memory_space<semaphore_mem>>
      %dma_start3A = arith.constant 0 : i32
      %dma_start3A_112 = tpu.memref_slice %arg10[%run_scoped3A_87, %dma_start3A] : memref<16x640xf32, #tpu.memory_space<vmem>> -> memref<1x640xf32, #tpu.memory_space<vmem>>
      %dma_start3A_113 = tpu.memref_squeeze %dma_start3A_112 : memref<1x640xf32, #tpu.memory_space<vmem>> -> memref<640xf32, #tpu.memory_space<vmem>>
      %dma_start3A_114 = tpu.memref_slice %arg14[%run_scoped3A_86, %mul3A_23] : memref<16x10240xf32, #tpu.memory_space<vmem_shared>> -> memref<1x640xf32, #tpu.memory_space<vmem_shared>>
      %dma_start3A_115 = tpu.memref_squeeze %dma_start3A_114 : memref<1x640xf32, #tpu.memory_space<vmem_shared>> -> memref<640xf32, #tpu.memory_space<vmem_shared>>
      %dma_start3A_116 = arith.constant 0 : i32
      %dma_start3A_117 = tpu.memref_slice %arg10[%run_scoped3A_87, %dma_start3A_116] : memref<16x640xf32, #tpu.memory_space<vmem>> -> memref<1x640xf32, #tpu.memory_space<vmem>>
      %dma_start3A_118 = tpu.memref_squeeze %dma_start3A_117 : memref<1x640xf32, #tpu.memory_space<vmem>> -> memref<640xf32, #tpu.memory_space<vmem>>
      %dma_start3A_119 = tpu.memref_slice %arg14[%run_scoped3A_86, %mul3A_23] : memref<16x10240xf32, #tpu.memory_space<vmem_shared>> -> memref<1x640xf32, #tpu.memory_space<vmem_shared>>
      %dma_start3A_120 = tpu.memref_squeeze %dma_start3A_119 : memref<1x640xf32, #tpu.memory_space<vmem_shared>> -> memref<640xf32, #tpu.memory_space<vmem_shared>>
      tpu.enqueue_dma source(%dma_start3A_120 : memref<640xf32, #tpu.memory_space<vmem_shared>>) target(%dma_start3A_118 : memref<640xf32, #tpu.memory_space<vmem>>) target_semaphore(%run_scoped3A_111 : memref<!tpu.dma_semaphore, #tpu.memory_space<semaphore_mem>>)
      %dma_wait3A = arith.constant 0 : i32
      %dma_wait3A_121 = tpu.memref_slice %arg10[%run_scoped3A_87, %dma_wait3A] : memref<16x640xf32, #tpu.memory_space<vmem>> -> memref<1x640xf32, #tpu.memory_space<vmem>>
      %dma_wait3A_122 = tpu.memref_squeeze %dma_wait3A_121 : memref<1x640xf32, #tpu.memory_space<vmem>> -> memref<640xf32, #tpu.memory_space<vmem>>
      %dma_wait3A_123 = tpu.memref_slice %arg14[%run_scoped3A_86, %mul3A_23] : memref<16x10240xf32, #tpu.memory_space<vmem_shared>> -> memref<1x640xf32, #tpu.memory_space<vmem_shared>>
      %dma_wait3A_124 = tpu.memref_squeeze %dma_wait3A_123 : memref<1x640xf32, #tpu.memory_space<vmem_shared>> -> memref<640xf32, #tpu.memory_space<vmem_shared>>
      %dma_wait3A_125 = arith.constant 0 : i32
      %dma_wait3A_126 = tpu.memref_slice %arg10[%run_scoped3A_87, %dma_wait3A_125] : memref<16x640xf32, #tpu.memory_space<vmem>> -> memref<1x640xf32, #tpu.memory_space<vmem>>
      %dma_wait3A_127 = tpu.memref_squeeze %dma_wait3A_126 : memref<1x640xf32, #tpu.memory_space<vmem>> -> memref<640xf32, #tpu.memory_space<vmem>>
      %dma_wait3A_128 = tpu.memref_slice %arg14[%run_scoped3A_86, %mul3A_23] : memref<16x10240xf32, #tpu.memory_space<vmem_shared>> -> memref<1x640xf32, #tpu.memory_space<vmem_shared>>
      %dma_wait3A_129 = tpu.memref_squeeze %dma_wait3A_128 : memref<1x640xf32, #tpu.memory_space<vmem_shared>> -> memref<640xf32, #tpu.memory_space<vmem_shared>>
      tpu.wait_dma2 semaphore(%run_scoped3A_111 : memref<!tpu.dma_semaphore, #tpu.memory_space<semaphore_mem>>) src(%dma_wait3A_129 : memref<640xf32, #tpu.memory_space<vmem_shared>>) dst(%dma_wait3A_127 : memref<640xf32, #tpu.memory_space<vmem>>)
      tpu.yield
    }) : () -> ()
    %run_scoped3A_88 = arith.constant 13 : i32
    %run_scoped3A_89 = arith.constant 13 : i32
    "tpu.region"() ({
      %run_scoped3A_111 = tpu.sem_alloc : memref<!tpu.dma_semaphore, #tpu.memory_space<semaphore_mem>>
      %dma_start3A = arith.constant 0 : i32
      %dma_start3A_112 = tpu.memref_slice %arg10[%run_scoped3A_89, %dma_start3A] : memref<16x640xf32, #tpu.memory_space<vmem>> -> memref<1x640xf32, #tpu.memory_space<vmem>>
      %dma_start3A_113 = tpu.memref_squeeze %dma_start3A_112 : memref<1x640xf32, #tpu.memory_space<vmem>> -> memref<640xf32, #tpu.memory_space<vmem>>
      %dma_start3A_114 = tpu.memref_slice %arg14[%run_scoped3A_88, %mul3A_23] : memref<16x10240xf32, #tpu.memory_space<vmem_shared>> -> memref<1x640xf32, #tpu.memory_space<vmem_shared>>
      %dma_start3A_115 = tpu.memref_squeeze %dma_start3A_114 : memref<1x640xf32, #tpu.memory_space<vmem_shared>> -> memref<640xf32, #tpu.memory_space<vmem_shared>>
      %dma_start3A_116 = arith.constant 0 : i32
      %dma_start3A_117 = tpu.memref_slice %arg10[%run_scoped3A_89, %dma_start3A_116] : memref<16x640xf32, #tpu.memory_space<vmem>> -> memref<1x640xf32, #tpu.memory_space<vmem>>
      %dma_start3A_118 = tpu.memref_squeeze %dma_start3A_117 : memref<1x640xf32, #tpu.memory_space<vmem>> -> memref<640xf32, #tpu.memory_space<vmem>>
      %dma_start3A_119 = tpu.memref_slice %arg14[%run_scoped3A_88, %mul3A_23] : memref<16x10240xf32, #tpu.memory_space<vmem_shared>> -> memref<1x640xf32, #tpu.memory_space<vmem_shared>>
      %dma_start3A_120 = tpu.memref_squeeze %dma_start3A_119 : memref<1x640xf32, #tpu.memory_space<vmem_shared>> -> memref<640xf32, #tpu.memory_space<vmem_shared>>
      tpu.enqueue_dma source(%dma_start3A_120 : memref<640xf32, #tpu.memory_space<vmem_shared>>) target(%dma_start3A_118 : memref<640xf32, #tpu.memory_space<vmem>>) target_semaphore(%run_scoped3A_111 : memref<!tpu.dma_semaphore, #tpu.memory_space<semaphore_mem>>)
      %dma_wait3A = arith.constant 0 : i32
      %dma_wait3A_121 = tpu.memref_slice %arg10[%run_scoped3A_89, %dma_wait3A] : memref<16x640xf32, #tpu.memory_space<vmem>> -> memref<1x640xf32, #tpu.memory_space<vmem>>
      %dma_wait3A_122 = tpu.memref_squeeze %dma_wait3A_121 : memref<1x640xf32, #tpu.memory_space<vmem>> -> memref<640xf32, #tpu.memory_space<vmem>>
      %dma_wait3A_123 = tpu.memref_slice %arg14[%run_scoped3A_88, %mul3A_23] : memref<16x10240xf32, #tpu.memory_space<vmem_shared>> -> memref<1x640xf32, #tpu.memory_space<vmem_shared>>
      %dma_wait3A_124 = tpu.memref_squeeze %dma_wait3A_123 : memref<1x640xf32, #tpu.memory_space<vmem_shared>> -> memref<640xf32, #tpu.memory_space<vmem_shared>>
      %dma_wait3A_125 = arith.constant 0 : i32
      %dma_wait3A_126 = tpu.memref_slice %arg10[%run_scoped3A_89, %dma_wait3A_125] : memref<16x640xf32, #tpu.memory_space<vmem>> -> memref<1x640xf32, #tpu.memory_space<vmem>>
      %dma_wait3A_127 = tpu.memref_squeeze %dma_wait3A_126 : memref<1x640xf32, #tpu.memory_space<vmem>> -> memref<640xf32, #tpu.memory_space<vmem>>
      %dma_wait3A_128 = tpu.memref_slice %arg14[%run_scoped3A_88, %mul3A_23] : memref<16x10240xf32, #tpu.memory_space<vmem_shared>> -> memref<1x640xf32, #tpu.memory_space<vmem_shared>>
      %dma_wait3A_129 = tpu.memref_squeeze %dma_wait3A_128 : memref<1x640xf32, #tpu.memory_space<vmem_shared>> -> memref<640xf32, #tpu.memory_space<vmem_shared>>
      tpu.wait_dma2 semaphore(%run_scoped3A_111 : memref<!tpu.dma_semaphore, #tpu.memory_space<semaphore_mem>>) src(%dma_wait3A_129 : memref<640xf32, #tpu.memory_space<vmem_shared>>) dst(%dma_wait3A_127 : memref<640xf32, #tpu.memory_space<vmem>>)
      tpu.yield
    }) : () -> ()
    %run_scoped3A_90 = arith.constant 14 : i32
    %run_scoped3A_91 = arith.constant 14 : i32
    "tpu.region"() ({
      %run_scoped3A_111 = tpu.sem_alloc : memref<!tpu.dma_semaphore, #tpu.memory_space<semaphore_mem>>
      %dma_start3A = arith.constant 0 : i32
      %dma_start3A_112 = tpu.memref_slice %arg10[%run_scoped3A_91, %dma_start3A] : memref<16x640xf32, #tpu.memory_space<vmem>> -> memref<1x640xf32, #tpu.memory_space<vmem>>
      %dma_start3A_113 = tpu.memref_squeeze %dma_start3A_112 : memref<1x640xf32, #tpu.memory_space<vmem>> -> memref<640xf32, #tpu.memory_space<vmem>>
      %dma_start3A_114 = tpu.memref_slice %arg14[%run_scoped3A_90, %mul3A_23] : memref<16x10240xf32, #tpu.memory_space<vmem_shared>> -> memref<1x640xf32, #tpu.memory_space<vmem_shared>>
      %dma_start3A_115 = tpu.memref_squeeze %dma_start3A_114 : memref<1x640xf32, #tpu.memory_space<vmem_shared>> -> memref<640xf32, #tpu.memory_space<vmem_shared>>
      %dma_start3A_116 = arith.constant 0 : i32
      %dma_start3A_117 = tpu.memref_slice %arg10[%run_scoped3A_91, %dma_start3A_116] : memref<16x640xf32, #tpu.memory_space<vmem>> -> memref<1x640xf32, #tpu.memory_space<vmem>>
      %dma_start3A_118 = tpu.memref_squeeze %dma_start3A_117 : memref<1x640xf32, #tpu.memory_space<vmem>> -> memref<640xf32, #tpu.memory_space<vmem>>
      %dma_start3A_119 = tpu.memref_slice %arg14[%run_scoped3A_90, %mul3A_23] : memref<16x10240xf32, #tpu.memory_space<vmem_shared>> -> memref<1x640xf32, #tpu.memory_space<vmem_shared>>
      %dma_start3A_120 = tpu.memref_squeeze %dma_start3A_119 : memref<1x640xf32, #tpu.memory_space<vmem_shared>> -> memref<640xf32, #tpu.memory_space<vmem_shared>>
      tpu.enqueue_dma source(%dma_start3A_120 : memref<640xf32, #tpu.memory_space<vmem_shared>>) target(%dma_start3A_118 : memref<640xf32, #tpu.memory_space<vmem>>) target_semaphore(%run_scoped3A_111 : memref<!tpu.dma_semaphore, #tpu.memory_space<semaphore_mem>>)
      %dma_wait3A = arith.constant 0 : i32
      %dma_wait3A_121 = tpu.memref_slice %arg10[%run_scoped3A_91, %dma_wait3A] : memref<16x640xf32, #tpu.memory_space<vmem>> -> memref<1x640xf32, #tpu.memory_space<vmem>>
      %dma_wait3A_122 = tpu.memref_squeeze %dma_wait3A_121 : memref<1x640xf32, #tpu.memory_space<vmem>> -> memref<640xf32, #tpu.memory_space<vmem>>
      %dma_wait3A_123 = tpu.memref_slice %arg14[%run_scoped3A_90, %mul3A_23] : memref<16x10240xf32, #tpu.memory_space<vmem_shared>> -> memref<1x640xf32, #tpu.memory_space<vmem_shared>>
      %dma_wait3A_124 = tpu.memref_squeeze %dma_wait3A_123 : memref<1x640xf32, #tpu.memory_space<vmem_shared>> -> memref<640xf32, #tpu.memory_space<vmem_shared>>
      %dma_wait3A_125 = arith.constant 0 : i32
      %dma_wait3A_126 = tpu.memref_slice %arg10[%run_scoped3A_91, %dma_wait3A_125] : memref<16x640xf32, #tpu.memory_space<vmem>> -> memref<1x640xf32, #tpu.memory_space<vmem>>
      %dma_wait3A_127 = tpu.memref_squeeze %dma_wait3A_126 : memref<1x640xf32, #tpu.memory_space<vmem>> -> memref<640xf32, #tpu.memory_space<vmem>>
      %dma_wait3A_128 = tpu.memref_slice %arg14[%run_scoped3A_90, %mul3A_23] : memref<16x10240xf32, #tpu.memory_space<vmem_shared>> -> memref<1x640xf32, #tpu.memory_space<vmem_shared>>
      %dma_wait3A_129 = tpu.memref_squeeze %dma_wait3A_128 : memref<1x640xf32, #tpu.memory_space<vmem_shared>> -> memref<640xf32, #tpu.memory_space<vmem_shared>>
      tpu.wait_dma2 semaphore(%run_scoped3A_111 : memref<!tpu.dma_semaphore, #tpu.memory_space<semaphore_mem>>) src(%dma_wait3A_129 : memref<640xf32, #tpu.memory_space<vmem_shared>>) dst(%dma_wait3A_127 : memref<640xf32, #tpu.memory_space<vmem>>)
      tpu.yield
    }) : () -> ()
    %run_scoped3A_92 = arith.constant 15 : i32
    %run_scoped3A_93 = arith.constant 15 : i32
    "tpu.region"() ({
      %run_scoped3A_111 = tpu.sem_alloc : memref<!tpu.dma_semaphore, #tpu.memory_space<semaphore_mem>>
      %dma_start3A = arith.constant 0 : i32
      %dma_start3A_112 = tpu.memref_slice %arg10[%run_scoped3A_93, %dma_start3A] : memref<16x640xf32, #tpu.memory_space<vmem>> -> memref<1x640xf32, #tpu.memory_space<vmem>>
      %dma_start3A_113 = tpu.memref_squeeze %dma_start3A_112 : memref<1x640xf32, #tpu.memory_space<vmem>> -> memref<640xf32, #tpu.memory_space<vmem>>
      %dma_start3A_114 = tpu.memref_slice %arg14[%run_scoped3A_92, %mul3A_23] : memref<16x10240xf32, #tpu.memory_space<vmem_shared>> -> memref<1x640xf32, #tpu.memory_space<vmem_shared>>
      %dma_start3A_115 = tpu.memref_squeeze %dma_start3A_114 : memref<1x640xf32, #tpu.memory_space<vmem_shared>> -> memref<640xf32, #tpu.memory_space<vmem_shared>>
      %dma_start3A_116 = arith.constant 0 : i32
      %dma_start3A_117 = tpu.memref_slice %arg10[%run_scoped3A_93, %dma_start3A_116] : memref<16x640xf32, #tpu.memory_space<vmem>> -> memref<1x640xf32, #tpu.memory_space<vmem>>
      %dma_start3A_118 = tpu.memref_squeeze %dma_start3A_117 : memref<1x640xf32, #tpu.memory_space<vmem>> -> memref<640xf32, #tpu.memory_space<vmem>>
      %dma_start3A_119 = tpu.memref_slice %arg14[%run_scoped3A_92, %mul3A_23] : memref<16x10240xf32, #tpu.memory_space<vmem_shared>> -> memref<1x640xf32, #tpu.memory_space<vmem_shared>>
      %dma_start3A_120 = tpu.memref_squeeze %dma_start3A_119 : memref<1x640xf32, #tpu.memory_space<vmem_shared>> -> memref<640xf32, #tpu.memory_space<vmem_shared>>
      tpu.enqueue_dma source(%dma_start3A_120 : memref<640xf32, #tpu.memory_space<vmem_shared>>) target(%dma_start3A_118 : memref<640xf32, #tpu.memory_space<vmem>>) target_semaphore(%run_scoped3A_111 : memref<!tpu.dma_semaphore, #tpu.memory_space<semaphore_mem>>)
      %dma_wait3A = arith.constant 0 : i32
      %dma_wait3A_121 = tpu.memref_slice %arg10[%run_scoped3A_93, %dma_wait3A] : memref<16x640xf32, #tpu.memory_space<vmem>> -> memref<1x640xf32, #tpu.memory_space<vmem>>
      %dma_wait3A_122 = tpu.memref_squeeze %dma_wait3A_121 : memref<1x640xf32, #tpu.memory_space<vmem>> -> memref<640xf32, #tpu.memory_space<vmem>>
      %dma_wait3A_123 = tpu.memref_slice %arg14[%run_scoped3A_92, %mul3A_23] : memref<16x10240xf32, #tpu.memory_space<vmem_shared>> -> memref<1x640xf32, #tpu.memory_space<vmem_shared>>
      %dma_wait3A_124 = tpu.memref_squeeze %dma_wait3A_123 : memref<1x640xf32, #tpu.memory_space<vmem_shared>> -> memref<640xf32, #tpu.memory_space<vmem_shared>>
      %dma_wait3A_125 = arith.constant 0 : i32
      %dma_wait3A_126 = tpu.memref_slice %arg10[%run_scoped3A_93, %dma_wait3A_125] : memref<16x640xf32, #tpu.memory_space<vmem>> -> memref<1x640xf32, #tpu.memory_space<vmem>>
      %dma_wait3A_127 = tpu.memref_squeeze %dma_wait3A_126 : memref<1x640xf32, #tpu.memory_space<vmem>> -> memref<640xf32, #tpu.memory_space<vmem>>
      %dma_wait3A_128 = tpu.memref_slice %arg14[%run_scoped3A_92, %mul3A_23] : memref<16x10240xf32, #tpu.memory_space<vmem_shared>> -> memref<1x640xf32, #tpu.memory_space<vmem_shared>>
      %dma_wait3A_129 = tpu.memref_squeeze %dma_wait3A_128 : memref<1x640xf32, #tpu.memory_space<vmem_shared>> -> memref<640xf32, #tpu.memory_space<vmem_shared>>
      tpu.wait_dma2 semaphore(%run_scoped3A_111 : memref<!tpu.dma_semaphore, #tpu.memory_space<semaphore_mem>>) src(%dma_wait3A_129 : memref<640xf32, #tpu.memory_space<vmem_shared>>) dst(%dma_wait3A_127 : memref<640xf32, #tpu.memory_space<vmem>>)
      tpu.yield
    }) : () -> ()
    %scan3A_94 = arith.constant 0 : i32
    %scan3A_95 = arith.constant 0 : i32
    %scan3A_96 = arith.constant 40 : i32
    %scan3A_97 = arith.addi %scan3A_95, %scan3A_96 : i32
    %scan3A_98 = arith.constant 1 : i32
    %scan3A_99 = scf.for %scan3A_111 = %scan3A_95 to %scan3A_97 step %scan3A_98 iter_args(%scan3A_112 = %scan3A_94) -> (i32)  : i32 {
      %mul3A_113 = arith.constant 16 : i32
      %mul3A_114 = arith.muli %scan3A_111, %mul3A_113 : i32
      %get3A = arith.constant 0 : i32
      %get3A_115 = arith.index_cast %get3A : i32 to index
      %get3A_116 = arith.index_cast %mul3A_114 : i32 to index
      %get3A_117 = tpu.vector_load %arg10[%get3A_115, %get3A_116] {strides = array<i32>} : memref<16x640xf32, #tpu.memory_space<vmem>>, vector<16xf32>,
      %mul3A_118 = arith.constant 16 : i32
      %mul3A_119 = arith.muli %scan3A_111, %mul3A_118 : i32
      %get3A_120 = arith.constant 1 : i32
      %get3A_121 = arith.index_cast %get3A_120 : i32 to index
      %get3A_122 = arith.index_cast %mul3A_119 : i32 to index
      %get3A_123 = tpu.vector_load %arg10[%get3A_121, %get3A_122] {strides = array<i32>} : memref<16x640xf32, #tpu.memory_space<vmem>>, vector<16xf32>,
      %add3A = arith.addf %get3A_117, %get3A_123 : vector<16xf32>
      %mul3A_124 = arith.constant 16 : i32
      %mul3A_125 = arith.muli %scan3A_111, %mul3A_124 : i32
      %get3A_126 = arith.constant 2 : i32
      %get3A_127 = arith.index_cast %get3A_126 : i32 to index
      %get3A_128 = arith.index_cast %mul3A_125 : i32 to index
      %get3A_129 = tpu.vector_load %arg10[%get3A_127, %get3A_128] {strides = array<i32>} : memref<16x640xf32, #tpu.memory_space<vmem>>, vector<16xf32>,
      %add3A_130 = arith.addf %add3A, %get3A_129 : vector<16xf32>
      %mul3A_131 = arith.constant 16 : i32
      %mul3A_132 = arith.muli %scan3A_111, %mul3A_131 : i32
      %get3A_133 = arith.constant 3 : i32
      %get3A_134 = arith.index_cast %get3A_133 : i32 to index
      %get3A_135 = arith.index_cast %mul3A_132 : i32 to index
      %get3A_136 = tpu.vector_load %arg10[%get3A_134, %get3A_135] {strides = array<i32>} : memref<16x640xf32, #tpu.memory_space<vmem>>, vector<16xf32>,
      %add3A_137 = arith.addf %add3A_130, %get3A_136 : vector<16xf32>
      %mul3A_138 = arith.constant 16 : i32
      %mul3A_139 = arith.muli %scan3A_111, %mul3A_138 : i32
      %get3A_140 = arith.constant 4 : i32
      %get3A_141 = arith.index_cast %get3A_140 : i32 to index
      %get3A_142 = arith.index_cast %mul3A_139 : i32 to index
      %get3A_143 = tpu.vector_load %arg10[%get3A_141, %get3A_142] {strides = array<i32>} : memref<16x640xf32, #tpu.memory_space<vmem>>, vector<16xf32>,
      %add3A_144 = arith.addf %add3A_137, %get3A_143 : vector<16xf32>
      %mul3A_145 = arith.constant 16 : i32
      %mul3A_146 = arith.muli %scan3A_111, %mul3A_145 : i32
      %get3A_147 = arith.constant 5 : i32
      %get3A_148 = arith.index_cast %get3A_147 : i32 to index
      %get3A_149 = arith.index_cast %mul3A_146 : i32 to index
      %get3A_150 = tpu.vector_load %arg10[%get3A_148, %get3A_149] {strides = array<i32>} : memref<16x640xf32, #tpu.memory_space<vmem>>, vector<16xf32>,
      %add3A_151 = arith.addf %add3A_144, %get3A_150 : vector<16xf32>
      %mul3A_152 = arith.constant 16 : i32
      %mul3A_153 = arith.muli %scan3A_111, %mul3A_152 : i32
      %get3A_154 = arith.constant 6 : i32
      %get3A_155 = arith.index_cast %get3A_154 : i32 to index
      %get3A_156 = arith.index_cast %mul3A_153 : i32 to index
      %get3A_157 = tpu.vector_load %arg10[%get3A_155, %get3A_156] {strides = array<i32>} : memref<16x640xf32, #tpu.memory_space<vmem>>, vector<16xf32>,
      %add3A_158 = arith.addf %add3A_151, %get3A_157 : vector<16xf32>
      %mul3A_159 = arith.constant 16 : i32
      %mul3A_160 = arith.muli %scan3A_111, %mul3A_159 : i32
      %get3A_161 = arith.constant 7 : i32
      %get3A_162 = arith.index_cast %get3A_161 : i32 to index
      %get3A_163 = arith.index_cast %mul3A_160 : i32 to index
      %get3A_164 = tpu.vector_load %arg10[%get3A_162, %get3A_163] {strides = array<i32>} : memref<16x640xf32, #tpu.memory_space<vmem>>, vector<16xf32>,
      %add3A_165 = arith.addf %add3A_158, %get3A_164 : vector<16xf32>
      %mul3A_166 = arith.constant 16 : i32
      %mul3A_167 = arith.muli %scan3A_111, %mul3A_166 : i32
      %get3A_168 = arith.constant 8 : i32
      %get3A_169 = arith.index_cast %get3A_168 : i32 to index
      %get3A_170 = arith.index_cast %mul3A_167 : i32 to index
      %get3A_171 = tpu.vector_load %arg10[%get3A_169, %get3A_170] {strides = array<i32>} : memref<16x640xf32, #tpu.memory_space<vmem>>, vector<16xf32>,
      %add3A_172 = arith.addf %add3A_165, %get3A_171 : vector<16xf32>
      %mul3A_173 = arith.constant 16 : i32
      %mul3A_174 = arith.muli %scan3A_111, %mul3A_173 : i32
      %get3A_175 = arith.constant 9 : i32
      %get3A_176 = arith.index_cast %get3A_175 : i32 to index
      %get3A_177 = arith.index_cast %mul3A_174 : i32 to index
      %get3A_178 = tpu.vector_load %arg10[%get3A_176, %get3A_177] {strides = array<i32>} : memref<16x640xf32, #tpu.memory_space<vmem>>, vector<16xf32>,
      %add3A_179 = arith.addf %add3A_172, %get3A_178 : vector<16xf32>
      %mul3A_180 = arith.constant 16 : i32
      %mul3A_181 = arith.muli %scan3A_111, %mul3A_180 : i32
      %get3A_182 = arith.constant 10 : i32
      %get3A_183 = arith.index_cast %get3A_182 : i32 to index
      %get3A_184 = arith.index_cast %mul3A_181 : i32 to index
      %get3A_185 = tpu.vector_load %arg10[%get3A_183, %get3A_184] {strides = array<i32>} : memref<16x640xf32, #tpu.memory_space<vmem>>, vector<16xf32>,
      %add3A_186 = arith.addf %add3A_179, %get3A_185 : vector<16xf32>
      %mul3A_187 = arith.constant 16 : i32
      %mul3A_188 = arith.muli %scan3A_111, %mul3A_187 : i32
      %get3A_189 = arith.constant 11 : i32
      %get3A_190 = arith.index_cast %get3A_189 : i32 to index
      %get3A_191 = arith.index_cast %mul3A_188 : i32 to index
      %get3A_192 = tpu.vector_load %arg10[%get3A_190, %get3A_191] {strides = array<i32>} : memref<16x640xf32, #tpu.memory_space<vmem>>, vector<16xf32>,
      %add3A_193 = arith.addf %add3A_186, %get3A_192 : vector<16xf32>
      %mul3A_194 = arith.constant 16 : i32
      %mul3A_195 = arith.muli %scan3A_111, %mul3A_194 : i32
      %get3A_196 = arith.constant 12 : i32
      %get3A_197 = arith.index_cast %get3A_196 : i32 to index
      %get3A_198 = arith.index_cast %mul3A_195 : i32 to index
      %get3A_199 = tpu.vector_load %arg10[%get3A_197, %get3A_198] {strides = array<i32>} : memref<16x640xf32, #tpu.memory_space<vmem>>, vector<16xf32>,
      %add3A_200 = arith.addf %add3A_193, %get3A_199 : vector<16xf32>
      %mul3A_201 = arith.constant 16 : i32
      %mul3A_202 = arith.muli %scan3A_111, %mul3A_201 : i32
      %get3A_203 = arith.constant 13 : i32
      %get3A_204 = arith.index_cast %get3A_203 : i32 to index
      %get3A_205 = arith.index_cast %mul3A_202 : i32 to index
      %get3A_206 = tpu.vector_load %arg10[%get3A_204, %get3A_205] {strides = array<i32>} : memref<16x640xf32, #tpu.memory_space<vmem>>, vector<16xf32>,
      %add3A_207 = arith.addf %add3A_200, %get3A_206 : vector<16xf32>
      %mul3A_208 = arith.constant 16 : i32
      %mul3A_209 = arith.muli %scan3A_111, %mul3A_208 : i32
      %get3A_210 = arith.constant 14 : i32
      %get3A_211 = arith.index_cast %get3A_210 : i32 to index
      %get3A_212 = arith.index_cast %mul3A_209 : i32 to index
      %get3A_213 = tpu.vector_load %arg10[%get3A_211, %get3A_212] {strides = array<i32>} : memref<16x640xf32, #tpu.memory_space<vmem>>, vector<16xf32>,
      %add3A_214 = arith.addf %add3A_207, %get3A_213 : vector<16xf32>
      %mul3A_215 = arith.constant 16 : i32
      %mul3A_216 = arith.muli %scan3A_111, %mul3A_215 : i32
      %get3A_217 = arith.constant 15 : i32
      %get3A_218 = arith.index_cast %get3A_217 : i32 to index
      %get3A_219 = arith.index_cast %mul3A_216 : i32 to index
      %get3A_220 = tpu.vector_load %arg10[%get3A_218, %get3A_219] {strides = array<i32>} : memref<16x640xf32, #tpu.memory_space<vmem>>, vector<16xf32>,
      %add3A_221 = arith.addf %add3A_214, %get3A_220 : vector<16xf32>
      %mul3A_222 = arith.constant 16 : i32
      %mul3A_223 = arith.muli %scan3A_111, %mul3A_222 : i32
      %swap3A = arith.index_cast %mul3A_223 : i32 to index
      %swap3A_224 = tpu.vector_load %arg12[%swap3A] {strides = array<i32>} : memref<640xf32, #tpu.memory_space<vmem>>, vector<16xf32>,
      tpu.vector_store %arg12[%swap3A], %add3A_221 {strides = array<i32>} : memref<640xf32, #tpu.memory_space<vmem>>, vector<16xf32>,
      %scan3A_225 = arith.constant 0 : i32
      scf.yield %scan3A_225 : i32
    }
    %scan3A_100 = arith.constant 40 : i32
    %eq3A_101 = arith.constant 0 : i32
    %eq3A_102 = arith.cmpi eq, %arg0, %eq3A_101 : i32
    %convert_element_type3A_103 = arith.extui %eq3A_102 : i1 to i32
    %cond3A_104 = arith.constant 0 : i32
    %cond3A_105 = arith.cmpi ne, %convert_element_type3A_103, %cond3A_104 : i32
    scf.if %cond3A_105 {
      %run_scoped3A_111 = arith.constant 0 : i32
      "tpu.region"() ({
        %run_scoped3A_113 = tpu.sem_alloc : memref<!tpu.dma_semaphore, #tpu.memory_space<semaphore_mem>>
        %dma_start3A = tpu.memref_slice %arg4[%run_scoped3A_111, %mul3A_23] : memref<2x10240xf32, #tpu.memory_space<hbm>> -> memref<1x640xf32, #tpu.memory_space<hbm>>
        %dma_start3A_114 = tpu.memref_squeeze %dma_start3A : memref<1x640xf32, #tpu.memory_space<hbm>> -> memref<640xf32, #tpu.memory_space<hbm>>
        %dma_start3A_115 = tpu.memref_slice %arg4[%run_scoped3A_111, %mul3A_23] : memref<2x10240xf32, #tpu.memory_space<hbm>> -> memref<1x640xf32, #tpu.memory_space<hbm>>
        %dma_start3A_116 = tpu.memref_squeeze %dma_start3A_115 : memref<1x640xf32, #tpu.memory_space<hbm>> -> memref<640xf32, #tpu.memory_space<hbm>>
        tpu.enqueue_dma source(%arg11 : memref<640xf32, #tpu.memory_space<vmem>>) target(%dma_start3A_116 : memref<640xf32, #tpu.memory_space<hbm>>) target_semaphore(%run_scoped3A_113 : memref<!tpu.dma_semaphore, #tpu.memory_space<semaphore_mem>>)
        %dma_wait3A = tpu.memref_slice %arg4[%run_scoped3A_111, %mul3A_23] : memref<2x10240xf32, #tpu.memory_space<hbm>> -> memref<1x640xf32, #tpu.memory_space<hbm>>
        %dma_wait3A_117 = tpu.memref_squeeze %dma_wait3A : memref<1x640xf32, #tpu.memory_space<hbm>> -> memref<640xf32, #tpu.memory_space<hbm>>
        %dma_wait3A_118 = tpu.memref_slice %arg4[%run_scoped3A_111, %mul3A_23] : memref<2x10240xf32, #tpu.memory_space<hbm>> -> memref<1x640xf32, #tpu.memory_space<hbm>>
        %dma_wait3A_119 = tpu.memref_squeeze %dma_wait3A_118 : memref<1x640xf32, #tpu.memory_space<hbm>> -> memref<640xf32, #tpu.memory_space<hbm>>
        tpu.wait_dma2 semaphore(%run_scoped3A_113 : memref<!tpu.dma_semaphore, #tpu.memory_space<semaphore_mem>>) src(%arg11 : memref<640xf32, #tpu.memory_space<vmem>>) dst(%dma_wait3A_119 : memref<640xf32, #tpu.memory_space<hbm>>)
        tpu.yield
      }) : () -> ()
      %run_scoped3A_112 = arith.constant 1 : i32
      "tpu.region"() ({
        %run_scoped3A_113 = tpu.sem_alloc : memref<!tpu.dma_semaphore, #tpu.memory_space<semaphore_mem>>
        %dma_start3A = tpu.memref_slice %arg4[%run_scoped3A_112, %mul3A_23] : memref<2x10240xf32, #tpu.memory_space<hbm>> -> memref<1x640xf32, #tpu.memory_space<hbm>>
        %dma_start3A_114 = tpu.memref_squeeze %dma_start3A : memref<1x640xf32, #tpu.memory_space<hbm>> -> memref<640xf32, #tpu.memory_space<hbm>>
        %dma_start3A_115 = tpu.memref_slice %arg4[%run_scoped3A_112, %mul3A_23] : memref<2x10240xf32, #tpu.memory_space<hbm>> -> memref<1x640xf32, #tpu.memory_space<hbm>>
        %dma_start3A_116 = tpu.memref_squeeze %dma_start3A_115 : memref<1x640xf32, #tpu.memory_space<hbm>> -> memref<640xf32, #tpu.memory_space<hbm>>
        tpu.enqueue_dma source(%arg12 : memref<640xf32, #tpu.memory_space<vmem>>) target(%dma_start3A_116 : memref<640xf32, #tpu.memory_space<hbm>>) target_semaphore(%run_scoped3A_113 : memref<!tpu.dma_semaphore, #tpu.memory_space<semaphore_mem>>)
        %dma_wait3A = tpu.memref_slice %arg4[%run_scoped3A_112, %mul3A_23] : memref<2x10240xf32, #tpu.memory_space<hbm>> -> memref<1x640xf32, #tpu.memory_space<hbm>>
        %dma_wait3A_117 = tpu.memref_squeeze %dma_wait3A : memref<1x640xf32, #tpu.memory_space<hbm>> -> memref<640xf32, #tpu.memory_space<hbm>>
        %dma_wait3A_118 = tpu.memref_slice %arg4[%run_scoped3A_112, %mul3A_23] : memref<2x10240xf32, #tpu.memory_space<hbm>> -> memref<1x640xf32, #tpu.memory_space<hbm>>
        %dma_wait3A_119 = tpu.memref_squeeze %dma_wait3A_118 : memref<1x640xf32, #tpu.memory_space<hbm>> -> memref<640xf32, #tpu.memory_space<hbm>>
        tpu.wait_dma2 semaphore(%run_scoped3A_113 : memref<!tpu.dma_semaphore, #tpu.memory_space<semaphore_mem>>) src(%arg12 : memref<640xf32, #tpu.memory_space<vmem>>) dst(%dma_wait3A_119 : memref<640xf32, #tpu.memory_space<hbm>>)
        tpu.yield
      }) : () -> ()
    } else {
    }
    %eq3A_106 = arith.constant 1 : i32
    %eq3A_107 = arith.cmpi eq, %arg0, %eq3A_106 : i32
    %convert_element_type3A_108 = arith.extui %eq3A_107 : i1 to i32
    %cond3A_109 = arith.constant 0 : i32
    %cond3A_110 = arith.cmpi ne, %convert_element_type3A_108, %cond3A_109 : i32
    scf.if %cond3A_110 {
      %run_scoped3A_111 = arith.constant 0 : i32
      "tpu.region"() ({
        %run_scoped3A_113 = tpu.sem_alloc : memref<!tpu.dma_semaphore, #tpu.memory_space<semaphore_mem>>
        %dma_start3A = tpu.memref_slice %arg5[%run_scoped3A_111, %mul3A_23] : memref<2x10240xf32, #tpu.memory_space<hbm>> -> memref<1x640xf32, #tpu.memory_space<hbm>>
        %dma_start3A_114 = tpu.memref_squeeze %dma_start3A : memref<1x640xf32, #tpu.memory_space<hbm>> -> memref<640xf32, #tpu.memory_space<hbm>>
        %dma_start3A_115 = tpu.memref_slice %arg5[%run_scoped3A_111, %mul3A_23] : memref<2x10240xf32, #tpu.memory_space<hbm>> -> memref<1x640xf32, #tpu.memory_space<hbm>>
        %dma_start3A_116 = tpu.memref_squeeze %dma_start3A_115 : memref<1x640xf32, #tpu.memory_space<hbm>> -> memref<640xf32, #tpu.memory_space<hbm>>
        tpu.enqueue_dma source(%arg11 : memref<640xf32, #tpu.memory_space<vmem>>) target(%dma_start3A_116 : memref<640xf32, #tpu.memory_space<hbm>>) target_semaphore(%run_scoped3A_113 : memref<!tpu.dma_semaphore, #tpu.memory_space<semaphore_mem>>)
        %dma_wait3A = tpu.memref_slice %arg5[%run_scoped3A_111, %mul3A_23] : memref<2x10240xf32, #tpu.memory_space<hbm>> -> memref<1x640xf32, #tpu.memory_space<hbm>>
        %dma_wait3A_117 = tpu.memref_squeeze %dma_wait3A : memref<1x640xf32, #tpu.memory_space<hbm>> -> memref<640xf32, #tpu.memory_space<hbm>>
        %dma_wait3A_118 = tpu.memref_slice %arg5[%run_scoped3A_111, %mul3A_23] : memref<2x10240xf32, #tpu.memory_space<hbm>> -> memref<1x640xf32, #tpu.memory_space<hbm>>
        %dma_wait3A_119 = tpu.memref_squeeze %dma_wait3A_118 : memref<1x640xf32, #tpu.memory_space<hbm>> -> memref<640xf32, #tpu.memory_space<hbm>>
        tpu.wait_dma2 semaphore(%run_scoped3A_113 : memref<!tpu.dma_semaphore, #tpu.memory_space<semaphore_mem>>) src(%arg11 : memref<640xf32, #tpu.memory_space<vmem>>) dst(%dma_wait3A_119 : memref<640xf32, #tpu.memory_space<hbm>>)
        tpu.yield
      }) : () -> ()
      %run_scoped3A_112 = arith.constant 1 : i32
      "tpu.region"() ({
        %run_scoped3A_113 = tpu.sem_alloc : memref<!tpu.dma_semaphore, #tpu.memory_space<semaphore_mem>>
        %dma_start3A = tpu.memref_slice %arg5[%run_scoped3A_112, %mul3A_23] : memref<2x10240xf32, #tpu.memory_space<hbm>> -> memref<1x640xf32, #tpu.memory_space<hbm>>
        %dma_start3A_114 = tpu.memref_squeeze %dma_start3A : memref<1x640xf32, #tpu.memory_space<hbm>> -> memref<640xf32, #tpu.memory_space<hbm>>
        %dma_start3A_115 = tpu.memref_slice %arg5[%run_scoped3A_112, %mul3A_23] : memref<2x10240xf32, #tpu.memory_space<hbm>> -> memref<1x640xf32, #tpu.memory_space<hbm>>
        %dma_start3A_116 = tpu.memref_squeeze %dma_start3A_115 : memref<1x640xf32, #tpu.memory_space<hbm>> -> memref<640xf32, #tpu.memory_space<hbm>>
        tpu.enqueue_dma source(%arg12 : memref<640xf32, #tpu.memory_space<vmem>>) target(%dma_start3A_116 : memref<640xf32, #tpu.memory_space<hbm>>) target_semaphore(%run_scoped3A_113 : memref<!tpu.dma_semaphore, #tpu.memory_space<semaphore_mem>>)
        %dma_wait3A = tpu.memref_slice %arg5[%run_scoped3A_112, %mul3A_23] : memref<2x10240xf32, #tpu.memory_space<hbm>> -> memref<1x640xf32, #tpu.memory_space<hbm>>
        %dma_wait3A_117 = tpu.memref_squeeze %dma_wait3A : memref<1x640xf32, #tpu.memory_space<hbm>> -> memref<640xf32, #tpu.memory_space<hbm>>
        %dma_wait3A_118 = tpu.memref_slice %arg5[%run_scoped3A_112, %mul3A_23] : memref<2x10240xf32, #tpu.memory_space<hbm>> -> memref<1x640xf32, #tpu.memory_space<hbm>>
        %dma_wait3A_119 = tpu.memref_squeeze %dma_wait3A_118 : memref<1x640xf32, #tpu.memory_space<hbm>> -> memref<640xf32, #tpu.memory_space<hbm>>
        tpu.wait_dma2 semaphore(%run_scoped3A_113 : memref<!tpu.dma_semaphore, #tpu.memory_space<semaphore_mem>>) src(%arg12 : memref<640xf32, #tpu.memory_space<vmem>>) dst(%dma_wait3A_119 : memref<640xf32, #tpu.memory_space<hbm>>)
        tpu.yield
      }) : () -> ()
    } else {
    }
    return
  }
}

#map = affine_map<(d0, d1) -> (0, 0)>
#map1 = affine_map<(d0, d1) -> (0, 0, 0, 0)>
module attributes {stable_mosaic.version = 14 : i64} {
  func.func @_scatter_body(%arg0: i32, %arg1: i32, %arg2: memref<10000x64xf32, #tpu.memory_space<hbm>>, %arg3: memref<10000x64xf32, #tpu.memory_space<hbm>>, %arg4: memref<2x16x160x125xi32, #tpu.memory_space<hbm>>, %arg5: memref<2x16x160x125xi32, #tpu.memory_space<hbm>>, %arg6: memref<640x64xf32, #tpu.memory_space<hbm>>, %arg7: memref<10240x64xf32, #tpu.memory_space<hbm>>, %arg8: memref<10240x64xf32, #tpu.memory_space<hbm>>, %arg9: memref<160x125xi32, #tpu.memory_space<vmem>>, %arg10: memref<160x125xi32, #tpu.memory_space<vmem>>, %arg11: memref<4x125x64xf32, #tpu.memory_space<vmem>>, %arg12: memref<10240x64xf32, #tpu.memory_space<vmem_shared>>, %arg13: memref<!tpu.dma_semaphore, #tpu.memory_space<semaphore_mem>>, %arg14: memref<!tpu.dma_semaphore, #tpu.memory_space<semaphore_mem>>, %arg15: memref<!tpu.dma_semaphore, #tpu.memory_space<semaphore_mem>>, %arg16: memref<!tpu.dma_semaphore, #tpu.memory_space<semaphore_mem>>) attributes {dimension_semantics = [#tpu.dimension_semantics<core_parallel>, #tpu.dimension_semantics<subcore_parallel>], iteration_bounds = array<i64: 2, 16>, scalar_prefetch = 0 : i64, scratch_operands = 8 : i64, tpu.core_type = #tpu.core_type<sc_vector_subcore>, window_params = [{transform_indices = #map}, {transform_indices = #map}, {transform_indices = #map1}, {transform_indices = #map1}, {transform_indices = #map}, {transform_indices = #map}, {transform_indices = #map}]} {
    %mul3A = arith.constant 640 : i32
    %mul3A_0 = arith.muli %arg1, %mul3A : i32
    "tpu.region"() ({
      %run_scoped3A = tpu.sem_alloc : memref<!tpu.dma_semaphore, #tpu.memory_space<semaphore_mem>>
      %dma_start3A = arith.constant 0 : i32
      %dma_start3A_31 = tpu.memref_slice %arg12[%mul3A_0, %dma_start3A] : memref<10240x64xf32, #tpu.memory_space<vmem_shared>> -> memref<640x64xf32, #tpu.memory_space<vmem_shared>>
      tpu.enqueue_dma source(%arg6 : memref<640x64xf32, #tpu.memory_space<hbm>>) target(%dma_start3A_31 : memref<640x64xf32, #tpu.memory_space<vmem_shared>>) target_semaphore(%run_scoped3A : memref<!tpu.dma_semaphore, #tpu.memory_space<semaphore_mem>>)
      %dma_wait3A = arith.constant 0 : i32
      %dma_wait3A_32 = tpu.memref_slice %arg12[%mul3A_0, %dma_wait3A] : memref<10240x64xf32, #tpu.memory_space<vmem_shared>> -> memref<640x64xf32, #tpu.memory_space<vmem_shared>>
      tpu.wait_dma2 semaphore(%run_scoped3A : memref<!tpu.dma_semaphore, #tpu.memory_space<semaphore_mem>>) src(%arg6 : memref<640x64xf32, #tpu.memory_space<hbm>>) dst(%dma_wait3A_32 : memref<640x64xf32, #tpu.memory_space<vmem_shared>>)
      tpu.yield
    }) : () -> ()
    %eq3A = arith.constant 0 : i32
    %eq3A_1 = arith.cmpi eq, %arg0, %eq3A : i32
    %convert_element_type3A = arith.extui %eq3A_1 : i1 to i32
    %cond3A = arith.constant 0 : i32
    %cond3A_2 = arith.cmpi ne, %convert_element_type3A, %cond3A : i32
    scf.if %cond3A_2 {
      %run_scoped3A = arith.constant 0 : i32
      "tpu.region"() ({
        %run_scoped3A_32 = tpu.sem_alloc : memref<!tpu.dma_semaphore, #tpu.memory_space<semaphore_mem>>
        %dma_start3A = arith.constant 0 : i32
        %dma_start3A_33 = arith.constant 0 : i32
        %dma_start3A_34 = tpu.memref_slice %arg4[%run_scoped3A, %arg1, %dma_start3A, %dma_start3A_33] : memref<2x16x160x125xi32, #tpu.memory_space<hbm>> -> memref<1x1x160x125xi32, #tpu.memory_space<hbm>>
        %dma_start3A_35 = tpu.memref_squeeze %dma_start3A_34 : memref<1x1x160x125xi32, #tpu.memory_space<hbm>> -> memref<160x125xi32, #tpu.memory_space<hbm>>
        %dma_start3A_36 = arith.constant 0 : i32
        %dma_start3A_37 = arith.constant 0 : i32
        %dma_start3A_38 = tpu.memref_slice %arg4[%run_scoped3A, %arg1, %dma_start3A_36, %dma_start3A_37] : memref<2x16x160x125xi32, #tpu.memory_space<hbm>> -> memref<1x1x160x125xi32, #tpu.memory_space<hbm>>
        %dma_start3A_39 = tpu.memref_squeeze %dma_start3A_38 : memref<1x1x160x125xi32, #tpu.memory_space<hbm>> -> memref<160x125xi32, #tpu.memory_space<hbm>>
        tpu.enqueue_dma source(%dma_start3A_39 : memref<160x125xi32, #tpu.memory_space<hbm>>) target(%arg9 : memref<160x125xi32, #tpu.memory_space<vmem>>) target_semaphore(%run_scoped3A_32 : memref<!tpu.dma_semaphore, #tpu.memory_space<semaphore_mem>>)
        %dma_wait3A = arith.constant 0 : i32
        %dma_wait3A_40 = arith.constant 0 : i32
        %dma_wait3A_41 = tpu.memref_slice %arg4[%run_scoped3A, %arg1, %dma_wait3A, %dma_wait3A_40] : memref<2x16x160x125xi32, #tpu.memory_space<hbm>> -> memref<1x1x160x125xi32, #tpu.memory_space<hbm>>
        %dma_wait3A_42 = tpu.memref_squeeze %dma_wait3A_41 : memref<1x1x160x125xi32, #tpu.memory_space<hbm>> -> memref<160x125xi32, #tpu.memory_space<hbm>>
        %dma_wait3A_43 = arith.constant 0 : i32
        %dma_wait3A_44 = arith.constant 0 : i32
        %dma_wait3A_45 = tpu.memref_slice %arg4[%run_scoped3A, %arg1, %dma_wait3A_43, %dma_wait3A_44] : memref<2x16x160x125xi32, #tpu.memory_space<hbm>> -> memref<1x1x160x125xi32, #tpu.memory_space<hbm>>
        %dma_wait3A_46 = tpu.memref_squeeze %dma_wait3A_45 : memref<1x1x160x125xi32, #tpu.memory_space<hbm>> -> memref<160x125xi32, #tpu.memory_space<hbm>>
        tpu.wait_dma2 semaphore(%run_scoped3A_32 : memref<!tpu.dma_semaphore, #tpu.memory_space<semaphore_mem>>) src(%dma_wait3A_46 : memref<160x125xi32, #tpu.memory_space<hbm>>) dst(%arg9 : memref<160x125xi32, #tpu.memory_space<vmem>>)
        tpu.yield
      }) : () -> ()
      %run_scoped3A_31 = arith.constant 1 : i32
      "tpu.region"() ({
        %run_scoped3A_32 = tpu.sem_alloc : memref<!tpu.dma_semaphore, #tpu.memory_space<semaphore_mem>>
        %dma_start3A = arith.constant 0 : i32
        %dma_start3A_33 = arith.constant 0 : i32
        %dma_start3A_34 = tpu.memref_slice %arg4[%run_scoped3A_31, %arg1, %dma_start3A, %dma_start3A_33] : memref<2x16x160x125xi32, #tpu.memory_space<hbm>> -> memref<1x1x160x125xi32, #tpu.memory_space<hbm>>
        %dma_start3A_35 = tpu.memref_squeeze %dma_start3A_34 : memref<1x1x160x125xi32, #tpu.memory_space<hbm>> -> memref<160x125xi32, #tpu.memory_space<hbm>>
        %dma_start3A_36 = arith.constant 0 : i32
        %dma_start3A_37 = arith.constant 0 : i32
        %dma_start3A_38 = tpu.memref_slice %arg4[%run_scoped3A_31, %arg1, %dma_start3A_36, %dma_start3A_37] : memref<2x16x160x125xi32, #tpu.memory_space<hbm>> -> memref<1x1x160x125xi32, #tpu.memory_space<hbm>>
        %dma_start3A_39 = tpu.memref_squeeze %dma_start3A_38 : memref<1x1x160x125xi32, #tpu.memory_space<hbm>> -> memref<160x125xi32, #tpu.memory_space<hbm>>
        tpu.enqueue_dma source(%dma_start3A_39 : memref<160x125xi32, #tpu.memory_space<hbm>>) target(%arg10 : memref<160x125xi32, #tpu.memory_space<vmem>>) target_semaphore(%run_scoped3A_32 : memref<!tpu.dma_semaphore, #tpu.memory_space<semaphore_mem>>)
        %dma_wait3A = arith.constant 0 : i32
        %dma_wait3A_40 = arith.constant 0 : i32
        %dma_wait3A_41 = tpu.memref_slice %arg4[%run_scoped3A_31, %arg1, %dma_wait3A, %dma_wait3A_40] : memref<2x16x160x125xi32, #tpu.memory_space<hbm>> -> memref<1x1x160x125xi32, #tpu.memory_space<hbm>>
        %dma_wait3A_42 = tpu.memref_squeeze %dma_wait3A_41 : memref<1x1x160x125xi32, #tpu.memory_space<hbm>> -> memref<160x125xi32, #tpu.memory_space<hbm>>
        %dma_wait3A_43 = arith.constant 0 : i32
        %dma_wait3A_44 = arith.constant 0 : i32
        %dma_wait3A_45 = tpu.memref_slice %arg4[%run_scoped3A_31, %arg1, %dma_wait3A_43, %dma_wait3A_44] : memref<2x16x160x125xi32, #tpu.memory_space<hbm>> -> memref<1x1x160x125xi32, #tpu.memory_space<hbm>>
        %dma_wait3A_46 = tpu.memref_squeeze %dma_wait3A_45 : memref<1x1x160x125xi32, #tpu.memory_space<hbm>> -> memref<160x125xi32, #tpu.memory_space<hbm>>
        tpu.wait_dma2 semaphore(%run_scoped3A_32 : memref<!tpu.dma_semaphore, #tpu.memory_space<semaphore_mem>>) src(%dma_wait3A_46 : memref<160x125xi32, #tpu.memory_space<hbm>>) dst(%arg10 : memref<160x125xi32, #tpu.memory_space<vmem>>)
        tpu.yield
      }) : () -> ()
    } else {
    }
    %eq3A_3 = arith.constant 1 : i32
    %eq3A_4 = arith.cmpi eq, %arg0, %eq3A_3 : i32
    %convert_element_type3A_5 = arith.extui %eq3A_4 : i1 to i32
    %cond3A_6 = arith.constant 0 : i32
    %cond3A_7 = arith.cmpi ne, %convert_element_type3A_5, %cond3A_6 : i32
    scf.if %cond3A_7 {
      %run_scoped3A = arith.constant 0 : i32
      "tpu.region"() ({
        %run_scoped3A_32 = tpu.sem_alloc : memref<!tpu.dma_semaphore, #tpu.memory_space<semaphore_mem>>
        %dma_start3A = arith.constant 0 : i32
        %dma_start3A_33 = arith.constant 0 : i32
        %dma_start3A_34 = tpu.memref_slice %arg5[%run_scoped3A, %arg1, %dma_start3A, %dma_start3A_33] : memref<2x16x160x125xi32, #tpu.memory_space<hbm>> -> memref<1x1x160x125xi32, #tpu.memory_space<hbm>>
        %dma_start3A_35 = tpu.memref_squeeze %dma_start3A_34 : memref<1x1x160x125xi32, #tpu.memory_space<hbm>> -> memref<160x125xi32, #tpu.memory_space<hbm>>
        %dma_start3A_36 = arith.constant 0 : i32
        %dma_start3A_37 = arith.constant 0 : i32
        %dma_start3A_38 = tpu.memref_slice %arg5[%run_scoped3A, %arg1, %dma_start3A_36, %dma_start3A_37] : memref<2x16x160x125xi32, #tpu.memory_space<hbm>> -> memref<1x1x160x125xi32, #tpu.memory_space<hbm>>
        %dma_start3A_39 = tpu.memref_squeeze %dma_start3A_38 : memref<1x1x160x125xi32, #tpu.memory_space<hbm>> -> memref<160x125xi32, #tpu.memory_space<hbm>>
        tpu.enqueue_dma source(%dma_start3A_39 : memref<160x125xi32, #tpu.memory_space<hbm>>) target(%arg9 : memref<160x125xi32, #tpu.memory_space<vmem>>) target_semaphore(%run_scoped3A_32 : memref<!tpu.dma_semaphore, #tpu.memory_space<semaphore_mem>>)
        %dma_wait3A = arith.constant 0 : i32
        %dma_wait3A_40 = arith.constant 0 : i32
        %dma_wait3A_41 = tpu.memref_slice %arg5[%run_scoped3A, %arg1, %dma_wait3A, %dma_wait3A_40] : memref<2x16x160x125xi32, #tpu.memory_space<hbm>> -> memref<1x1x160x125xi32, #tpu.memory_space<hbm>>
        %dma_wait3A_42 = tpu.memref_squeeze %dma_wait3A_41 : memref<1x1x160x125xi32, #tpu.memory_space<hbm>> -> memref<160x125xi32, #tpu.memory_space<hbm>>
        %dma_wait3A_43 = arith.constant 0 : i32
        %dma_wait3A_44 = arith.constant 0 : i32
        %dma_wait3A_45 = tpu.memref_slice %arg5[%run_scoped3A, %arg1, %dma_wait3A_43, %dma_wait3A_44] : memref<2x16x160x125xi32, #tpu.memory_space<hbm>> -> memref<1x1x160x125xi32, #tpu.memory_space<hbm>>
        %dma_wait3A_46 = tpu.memref_squeeze %dma_wait3A_45 : memref<1x1x160x125xi32, #tpu.memory_space<hbm>> -> memref<160x125xi32, #tpu.memory_space<hbm>>
        tpu.wait_dma2 semaphore(%run_scoped3A_32 : memref<!tpu.dma_semaphore, #tpu.memory_space<semaphore_mem>>) src(%dma_wait3A_46 : memref<160x125xi32, #tpu.memory_space<hbm>>) dst(%arg9 : memref<160x125xi32, #tpu.memory_space<vmem>>)
        tpu.yield
      }) : () -> ()
      %run_scoped3A_31 = arith.constant 1 : i32
      "tpu.region"() ({
        %run_scoped3A_32 = tpu.sem_alloc : memref<!tpu.dma_semaphore, #tpu.memory_space<semaphore_mem>>
        %dma_start3A = arith.constant 0 : i32
        %dma_start3A_33 = arith.constant 0 : i32
        %dma_start3A_34 = tpu.memref_slice %arg5[%run_scoped3A_31, %arg1, %dma_start3A, %dma_start3A_33] : memref<2x16x160x125xi32, #tpu.memory_space<hbm>> -> memref<1x1x160x125xi32, #tpu.memory_space<hbm>>
        %dma_start3A_35 = tpu.memref_squeeze %dma_start3A_34 : memref<1x1x160x125xi32, #tpu.memory_space<hbm>> -> memref<160x125xi32, #tpu.memory_space<hbm>>
        %dma_start3A_36 = arith.constant 0 : i32
        %dma_start3A_37 = arith.constant 0 : i32
        %dma_start3A_38 = tpu.memref_slice %arg5[%run_scoped3A_31, %arg1, %dma_start3A_36, %dma_start3A_37] : memref<2x16x160x125xi32, #tpu.memory_space<hbm>> -> memref<1x1x160x125xi32, #tpu.memory_space<hbm>>
        %dma_start3A_39 = tpu.memref_squeeze %dma_start3A_38 : memref<1x1x160x125xi32, #tpu.memory_space<hbm>> -> memref<160x125xi32, #tpu.memory_space<hbm>>
        tpu.enqueue_dma source(%dma_start3A_39 : memref<160x125xi32, #tpu.memory_space<hbm>>) target(%arg10 : memref<160x125xi32, #tpu.memory_space<vmem>>) target_semaphore(%run_scoped3A_32 : memref<!tpu.dma_semaphore, #tpu.memory_space<semaphore_mem>>)
        %dma_wait3A = arith.constant 0 : i32
        %dma_wait3A_40 = arith.constant 0 : i32
        %dma_wait3A_41 = tpu.memref_slice %arg5[%run_scoped3A_31, %arg1, %dma_wait3A, %dma_wait3A_40] : memref<2x16x160x125xi32, #tpu.memory_space<hbm>> -> memref<1x1x160x125xi32, #tpu.memory_space<hbm>>
        %dma_wait3A_42 = tpu.memref_squeeze %dma_wait3A_41 : memref<1x1x160x125xi32, #tpu.memory_space<hbm>> -> memref<160x125xi32, #tpu.memory_space<hbm>>
        %dma_wait3A_43 = arith.constant 0 : i32
        %dma_wait3A_44 = arith.constant 0 : i32
        %dma_wait3A_45 = tpu.memref_slice %arg5[%run_scoped3A_31, %arg1, %dma_wait3A_43, %dma_wait3A_44] : memref<2x16x160x125xi32, #tpu.memory_space<hbm>> -> memref<1x1x160x125xi32, #tpu.memory_space<hbm>>
        %dma_wait3A_46 = tpu.memref_squeeze %dma_wait3A_45 : memref<1x1x160x125xi32, #tpu.memory_space<hbm>> -> memref<160x125xi32, #tpu.memory_space<hbm>>
        tpu.wait_dma2 semaphore(%run_scoped3A_32 : memref<!tpu.dma_semaphore, #tpu.memory_space<semaphore_mem>>) src(%dma_wait3A_46 : memref<160x125xi32, #tpu.memory_space<hbm>>) dst(%arg10 : memref<160x125xi32, #tpu.memory_space<vmem>>)
        tpu.yield
      }) : () -> ()
    } else {
    }
    %barrier3A = arith.constant 0 : index
    tpu.barrier barrier_id(%barrier3A)
    %eq3A_8 = arith.constant 0 : i32
    %eq3A_9 = arith.cmpi eq, %arg0, %eq3A_8 : i32
    %convert_element_type3A_10 = arith.extui %eq3A_9 : i1 to i32
    %cond3A_11 = arith.constant 0 : i32
    %cond3A_12 = arith.cmpi ne, %convert_element_type3A_10, %cond3A_11 : i32
    scf.if %cond3A_12 {
      %dma_start3A = arith.constant 0 : i32
      %dma_start3A_31 = arith.constant 0 : i32
      %dma_start3A_32 = arith.constant 0 : i32
      %dma_start3A_33 = arith.constant 0 : i32
      %dma_start3A_34 = tpu.memref_slice %arg11[%dma_start3A_31, %dma_start3A_32, %dma_start3A_33] : memref<4x125x64xf32, #tpu.memory_space<vmem>> -> memref<1x125x64xf32, #tpu.memory_space<vmem>>
      %dma_start3A_35 = tpu.memref_squeeze %dma_start3A_34 : memref<1x125x64xf32, #tpu.memory_space<vmem>> -> memref<125x64xf32, #tpu.memory_space<vmem>>
      %dma_start3A_36 = arith.constant 0 : i32
      %dma_start3A_37 = tpu.memref_slice %arg9[%dma_start3A, %dma_start3A_36] : memref<160x125xi32, #tpu.memory_space<vmem>> -> memref<1x125xi32, #tpu.memory_space<vmem>>
      %dma_start3A_38 = tpu.memref_squeeze %dma_start3A_37 : memref<1x125xi32, #tpu.memory_space<vmem>> -> memref<125xi32, #tpu.memory_space<vmem>>
      %dma_start3A_39 = arith.constant 0 : i32
      %dma_start3A_40 = arith.constant 0 : i32
      %dma_start3A_41 = tpu.memref_slice %arg2[%dma_start3A_39, %dma_start3A_40] : memref<10000x64xf32, #tpu.memory_space<hbm>> -> memref<10000x64xf32, #tpu.memory_space<hbm>>
      tpu.enqueue_indirect_dma source(%dma_start3A_41 : memref<10000x64xf32, #tpu.memory_space<hbm>>) target(%dma_start3A_35 : memref<125x64xf32, #tpu.memory_space<vmem>>) offsets(%dma_start3A_38 : memref<125xi32, #tpu.memory_space<vmem>>) semaphore(%arg13 : memref<!tpu.dma_semaphore, #tpu.memory_space<semaphore_mem>>)
      %dma_start3A_42 = arith.constant 1 : i32
      %dma_start3A_43 = arith.constant 1 : i32
      %dma_start3A_44 = arith.constant 0 : i32
      %dma_start3A_45 = arith.constant 0 : i32
      %dma_start3A_46 = tpu.memref_slice %arg11[%dma_start3A_43, %dma_start3A_44, %dma_start3A_45] : memref<4x125x64xf32, #tpu.memory_space<vmem>> -> memref<1x125x64xf32, #tpu.memory_space<vmem>>
      %dma_start3A_47 = tpu.memref_squeeze %dma_start3A_46 : memref<1x125x64xf32, #tpu.memory_space<vmem>> -> memref<125x64xf32, #tpu.memory_space<vmem>>
      %dma_start3A_48 = arith.constant 0 : i32
      %dma_start3A_49 = tpu.memref_slice %arg9[%dma_start3A_42, %dma_start3A_48] : memref<160x125xi32, #tpu.memory_space<vmem>> -> memref<1x125xi32, #tpu.memory_space<vmem>>
      %dma_start3A_50 = tpu.memref_squeeze %dma_start3A_49 : memref<1x125xi32, #tpu.memory_space<vmem>> -> memref<125xi32, #tpu.memory_space<vmem>>
      %dma_start3A_51 = arith.constant 0 : i32
      %dma_start3A_52 = arith.constant 0 : i32
      %dma_start3A_53 = tpu.memref_slice %arg2[%dma_start3A_51, %dma_start3A_52] : memref<10000x64xf32, #tpu.memory_space<hbm>> -> memref<10000x64xf32, #tpu.memory_space<hbm>>
      tpu.enqueue_indirect_dma source(%dma_start3A_53 : memref<10000x64xf32, #tpu.memory_space<hbm>>) target(%dma_start3A_47 : memref<125x64xf32, #tpu.memory_space<vmem>>) offsets(%dma_start3A_50 : memref<125xi32, #tpu.memory_space<vmem>>) semaphore(%arg14 : memref<!tpu.dma_semaphore, #tpu.memory_space<semaphore_mem>>)
      %dma_start3A_54 = arith.constant 2 : i32
      %dma_start3A_55 = arith.constant 2 : i32
      %dma_start3A_56 = arith.constant 0 : i32
      %dma_start3A_57 = arith.constant 0 : i32
      %dma_start3A_58 = tpu.memref_slice %arg11[%dma_start3A_55, %dma_start3A_56, %dma_start3A_57] : memref<4x125x64xf32, #tpu.memory_space<vmem>> -> memref<1x125x64xf32, #tpu.memory_space<vmem>>
      %dma_start3A_59 = tpu.memref_squeeze %dma_start3A_58 : memref<1x125x64xf32, #tpu.memory_space<vmem>> -> memref<125x64xf32, #tpu.memory_space<vmem>>
      %dma_start3A_60 = arith.constant 0 : i32
      %dma_start3A_61 = tpu.memref_slice %arg9[%dma_start3A_54, %dma_start3A_60] : memref<160x125xi32, #tpu.memory_space<vmem>> -> memref<1x125xi32, #tpu.memory_space<vmem>>
      %dma_start3A_62 = tpu.memref_squeeze %dma_start3A_61 : memref<1x125xi32, #tpu.memory_space<vmem>> -> memref<125xi32, #tpu.memory_space<vmem>>
      %dma_start3A_63 = arith.constant 0 : i32
      %dma_start3A_64 = arith.constant 0 : i32
      %dma_start3A_65 = tpu.memref_slice %arg2[%dma_start3A_63, %dma_start3A_64] : memref<10000x64xf32, #tpu.memory_space<hbm>> -> memref<10000x64xf32, #tpu.memory_space<hbm>>
      tpu.enqueue_indirect_dma source(%dma_start3A_65 : memref<10000x64xf32, #tpu.memory_space<hbm>>) target(%dma_start3A_59 : memref<125x64xf32, #tpu.memory_space<vmem>>) offsets(%dma_start3A_62 : memref<125xi32, #tpu.memory_space<vmem>>) semaphore(%arg15 : memref<!tpu.dma_semaphore, #tpu.memory_space<semaphore_mem>>)
      %dma_start3A_66 = arith.constant 3 : i32
      %dma_start3A_67 = arith.constant 3 : i32
      %dma_start3A_68 = arith.constant 0 : i32
      %dma_start3A_69 = arith.constant 0 : i32
      %dma_start3A_70 = tpu.memref_slice %arg11[%dma_start3A_67, %dma_start3A_68, %dma_start3A_69] : memref<4x125x64xf32, #tpu.memory_space<vmem>> -> memref<1x125x64xf32, #tpu.memory_space<vmem>>
      %dma_start3A_71 = tpu.memref_squeeze %dma_start3A_70 : memref<1x125x64xf32, #tpu.memory_space<vmem>> -> memref<125x64xf32, #tpu.memory_space<vmem>>
      %dma_start3A_72 = arith.constant 0 : i32
      %dma_start3A_73 = tpu.memref_slice %arg9[%dma_start3A_66, %dma_start3A_72] : memref<160x125xi32, #tpu.memory_space<vmem>> -> memref<1x125xi32, #tpu.memory_space<vmem>>
      %dma_start3A_74 = tpu.memref_squeeze %dma_start3A_73 : memref<1x125xi32, #tpu.memory_space<vmem>> -> memref<125xi32, #tpu.memory_space<vmem>>
      %dma_start3A_75 = arith.constant 0 : i32
      %dma_start3A_76 = arith.constant 0 : i32
      %dma_start3A_77 = tpu.memref_slice %arg2[%dma_start3A_75, %dma_start3A_76] : memref<10000x64xf32, #tpu.memory_space<hbm>> -> memref<10000x64xf32, #tpu.memory_space<hbm>>
      tpu.enqueue_indirect_dma source(%dma_start3A_77 : memref<10000x64xf32, #tpu.memory_space<hbm>>) target(%dma_start3A_71 : memref<125x64xf32, #tpu.memory_space<vmem>>) offsets(%dma_start3A_74 : memref<125xi32, #tpu.memory_space<vmem>>) semaphore(%arg16 : memref<!tpu.dma_semaphore, #tpu.memory_space<semaphore_mem>>)
      %scan3A = arith.constant 0 : i32
      %scan3A_78 = arith.constant 0 : i32
      %scan3A_79 = arith.constant 40 : i32
      %scan3A_80 = arith.addi %scan3A_78, %scan3A_79 : i32
      %scan3A_81 = arith.constant 1 : i32
      %scan3A_82 = scf.for %scan3A_84 = %scan3A_78 to %scan3A_80 step %scan3A_81 iter_args(%scan3A_85 = %scan3A) -> (i32)  : i32 {
        %mul3A_86 = arith.constant 4 : i32
        %mul3A_87 = arith.muli %scan3A_84, %mul3A_86 : i32
        %add3A = arith.constant 0 : i32
        %add3A_88 = arith.addi %mul3A_87, %add3A : i32
        %dma_wait3A = arith.constant 0 : i32
        %dma_wait3A_89 = arith.constant 0 : i32
        %dma_wait3A_90 = arith.constant 0 : i32
        %dma_wait3A_91 = tpu.memref_slice %arg11[%dma_wait3A, %dma_wait3A_89, %dma_wait3A_90] : memref<4x125x64xf32, #tpu.memory_space<vmem>> -> memref<1x125x64xf32, #tpu.memory_space<vmem>>
        %dma_wait3A_92 = tpu.memref_squeeze %dma_wait3A_91 : memref<1x125x64xf32, #tpu.memory_space<vmem>> -> memref<125x64xf32, #tpu.memory_space<vmem>>
        %dma_wait3A_93 = arith.constant 0 : i32
        %dma_wait3A_94 = tpu.memref_slice %arg9[%add3A_88, %dma_wait3A_93] : memref<160x125xi32, #tpu.memory_space<vmem>> -> memref<1x125xi32, #tpu.memory_space<vmem>>
        %dma_wait3A_95 = tpu.memref_squeeze %dma_wait3A_94 : memref<1x125xi32, #tpu.memory_space<vmem>> -> memref<125xi32, #tpu.memory_space<vmem>>
        %dma_wait3A_96 = arith.constant 0 : i32
        %dma_wait3A_97 = arith.constant 0 : i32
        %dma_wait3A_98 = tpu.memref_slice %arg2[%dma_wait3A_96, %dma_wait3A_97] : memref<10000x64xf32, #tpu.memory_space<hbm>> -> memref<10000x64xf32, #tpu.memory_space<hbm>>
        tpu.wait_indirect_dma semaphore(%arg13 : memref<!tpu.dma_semaphore, #tpu.memory_space<semaphore_mem>>) src(%dma_wait3A_98 : memref<10000x64xf32, #tpu.memory_space<hbm>>) dst(%dma_wait3A_92 : memref<125x64xf32, #tpu.memory_space<vmem>>)
        %run_scoped3A = arith.constant 0 : i32
        "tpu.region"() ({
          %run_scoped3A_175 = tpu.sem_alloc : memref<!tpu.dma_semaphore, #tpu.memory_space<semaphore_mem>>
          %dma_start3A_176 = arith.constant 0 : i32
          %dma_start3A_177 = arith.constant 0 : i32
          %dma_start3A_178 = tpu.memref_slice %arg11[%run_scoped3A, %dma_start3A_176, %dma_start3A_177] : memref<4x125x64xf32, #tpu.memory_space<vmem>> -> memref<1x125x64xf32, #tpu.memory_space<vmem>>
          %dma_start3A_179 = tpu.memref_squeeze %dma_start3A_178 : memref<1x125x64xf32, #tpu.memory_space<vmem>> -> memref<125x64xf32, #tpu.memory_space<vmem>>
          %dma_start3A_180 = arith.constant 0 : i32
          %dma_start3A_181 = tpu.memref_slice %arg10[%add3A_88, %dma_start3A_180] : memref<160x125xi32, #tpu.memory_space<vmem>> -> memref<1x125xi32, #tpu.memory_space<vmem>>
          %dma_start3A_182 = tpu.memref_squeeze %dma_start3A_181 : memref<1x125xi32, #tpu.memory_space<vmem>> -> memref<125xi32, #tpu.memory_space<vmem>>
          %dma_start3A_183 = arith.constant 0 : i32
          %dma_start3A_184 = arith.constant 0 : i32
          %dma_start3A_185 = tpu.memref_slice %arg12[%dma_start3A_183, %dma_start3A_184] : memref<10240x64xf32, #tpu.memory_space<vmem_shared>> -> memref<10240x64xf32, #tpu.memory_space<vmem_shared>>
          tpu.enqueue_indirect_dma source(%dma_start3A_179 : memref<125x64xf32, #tpu.memory_space<vmem>>) target(%dma_start3A_185 : memref<10240x64xf32, #tpu.memory_space<vmem_shared>>) offsets(%dma_start3A_182 : memref<125xi32, #tpu.memory_space<vmem>>) semaphore(%run_scoped3A_175 : memref<!tpu.dma_semaphore, #tpu.memory_space<semaphore_mem>>) {add = true}
          %dma_wait3A_186 = arith.constant 0 : i32
          %dma_wait3A_187 = arith.constant 0 : i32
          %dma_wait3A_188 = tpu.memref_slice %arg11[%run_scoped3A, %dma_wait3A_186, %dma_wait3A_187] : memref<4x125x64xf32, #tpu.memory_space<vmem>> -> memref<1x125x64xf32, #tpu.memory_space<vmem>>
          %dma_wait3A_189 = tpu.memref_squeeze %dma_wait3A_188 : memref<1x125x64xf32, #tpu.memory_space<vmem>> -> memref<125x64xf32, #tpu.memory_space<vmem>>
          %dma_wait3A_190 = arith.constant 0 : i32
          %dma_wait3A_191 = tpu.memref_slice %arg10[%add3A_88, %dma_wait3A_190] : memref<160x125xi32, #tpu.memory_space<vmem>> -> memref<1x125xi32, #tpu.memory_space<vmem>>
          %dma_wait3A_192 = tpu.memref_squeeze %dma_wait3A_191 : memref<1x125xi32, #tpu.memory_space<vmem>> -> memref<125xi32, #tpu.memory_space<vmem>>
          %dma_wait3A_193 = arith.constant 0 : i32
          %dma_wait3A_194 = arith.constant 0 : i32
          %dma_wait3A_195 = tpu.memref_slice %arg12[%dma_wait3A_193, %dma_wait3A_194] : memref<10240x64xf32, #tpu.memory_space<vmem_shared>> -> memref<10240x64xf32, #tpu.memory_space<vmem_shared>>
          tpu.wait_indirect_dma semaphore(%run_scoped3A_175 : memref<!tpu.dma_semaphore, #tpu.memory_space<semaphore_mem>>) src(%dma_wait3A_189 : memref<125x64xf32, #tpu.memory_space<vmem>>) dst(%dma_wait3A_195 : memref<10240x64xf32, #tpu.memory_space<vmem_shared>>)
          tpu.yield
        }) : () -> ()
        %add3A_99 = arith.constant 4 : i32
        %add3A_100 = arith.addi %add3A_88, %add3A_99 : i32
        %lt3A = arith.constant 160 : i32
        %lt3A_101 = arith.cmpi slt, %add3A_100, %lt3A : i32
        %convert_element_type3A_102 = arith.extui %lt3A_101 : i1 to i32
        %cond3A_103 = arith.constant 0 : i32
        %cond3A_104 = arith.cmpi ne, %convert_element_type3A_102, %cond3A_103 : i32
        scf.if %cond3A_104 {
          %add3A_175 = arith.constant 4 : i32
          %add3A_176 = arith.addi %add3A_88, %add3A_175 : i32
          %dma_start3A_177 = arith.constant 0 : i32
          %dma_start3A_178 = arith.constant 0 : i32
          %dma_start3A_179 = arith.constant 0 : i32
          %dma_start3A_180 = tpu.memref_slice %arg11[%dma_start3A_177, %dma_start3A_178, %dma_start3A_179] : memref<4x125x64xf32, #tpu.memory_space<vmem>> -> memref<1x125x64xf32, #tpu.memory_space<vmem>>
          %dma_start3A_181 = tpu.memref_squeeze %dma_start3A_180 : memref<1x125x64xf32, #tpu.memory_space<vmem>> -> memref<125x64xf32, #tpu.memory_space<vmem>>
          %dma_start3A_182 = arith.constant 0 : i32
          %dma_start3A_183 = tpu.memref_slice %arg9[%add3A_176, %dma_start3A_182] : memref<160x125xi32, #tpu.memory_space<vmem>> -> memref<1x125xi32, #tpu.memory_space<vmem>>
          %dma_start3A_184 = tpu.memref_squeeze %dma_start3A_183 : memref<1x125xi32, #tpu.memory_space<vmem>> -> memref<125xi32, #tpu.memory_space<vmem>>
          %dma_start3A_185 = arith.constant 0 : i32
          %dma_start3A_186 = arith.constant 0 : i32
          %dma_start3A_187 = tpu.memref_slice %arg2[%dma_start3A_185, %dma_start3A_186] : memref<10000x64xf32, #tpu.memory_space<hbm>> -> memref<10000x64xf32, #tpu.memory_space<hbm>>
          tpu.enqueue_indirect_dma source(%dma_start3A_187 : memref<10000x64xf32, #tpu.memory_space<hbm>>) target(%dma_start3A_181 : memref<125x64xf32, #tpu.memory_space<vmem>>) offsets(%dma_start3A_184 : memref<125xi32, #tpu.memory_space<vmem>>) semaphore(%arg13 : memref<!tpu.dma_semaphore, #tpu.memory_space<semaphore_mem>>)
        } else {
        }
        %mul3A_105 = arith.constant 4 : i32
        %mul3A_106 = arith.muli %scan3A_84, %mul3A_105 : i32
        %add3A_107 = arith.constant 1 : i32
        %add3A_108 = arith.addi %mul3A_106, %add3A_107 : i32
        %dma_wait3A_109 = arith.constant 1 : i32
        %dma_wait3A_110 = arith.constant 0 : i32
        %dma_wait3A_111 = arith.constant 0 : i32
        %dma_wait3A_112 = tpu.memref_slice %arg11[%dma_wait3A_109, %dma_wait3A_110, %dma_wait3A_111] : memref<4x125x64xf32, #tpu.memory_space<vmem>> -> memref<1x125x64xf32, #tpu.memory_space<vmem>>
        %dma_wait3A_113 = tpu.memref_squeeze %dma_wait3A_112 : memref<1x125x64xf32, #tpu.memory_space<vmem>> -> memref<125x64xf32, #tpu.memory_space<vmem>>
        %dma_wait3A_114 = arith.constant 0 : i32
        %dma_wait3A_115 = tpu.memref_slice %arg9[%add3A_108, %dma_wait3A_114] : memref<160x125xi32, #tpu.memory_space<vmem>> -> memref<1x125xi32, #tpu.memory_space<vmem>>
        %dma_wait3A_116 = tpu.memref_squeeze %dma_wait3A_115 : memref<1x125xi32, #tpu.memory_space<vmem>> -> memref<125xi32, #tpu.memory_space<vmem>>
        %dma_wait3A_117 = arith.constant 0 : i32
        %dma_wait3A_118 = arith.constant 0 : i32
        %dma_wait3A_119 = tpu.memref_slice %arg2[%dma_wait3A_117, %dma_wait3A_118] : memref<10000x64xf32, #tpu.memory_space<hbm>> -> memref<10000x64xf32, #tpu.memory_space<hbm>>
        tpu.wait_indirect_dma semaphore(%arg14 : memref<!tpu.dma_semaphore, #tpu.memory_space<semaphore_mem>>) src(%dma_wait3A_119 : memref<10000x64xf32, #tpu.memory_space<hbm>>) dst(%dma_wait3A_113 : memref<125x64xf32, #tpu.memory_space<vmem>>)
        %run_scoped3A_120 = arith.constant 1 : i32
        "tpu.region"() ({
          %run_scoped3A_175 = tpu.sem_alloc : memref<!tpu.dma_semaphore, #tpu.memory_space<semaphore_mem>>
          %dma_start3A_176 = arith.constant 0 : i32
          %dma_start3A_177 = arith.constant 0 : i32
          %dma_start3A_178 = tpu.memref_slice %arg11[%run_scoped3A_120, %dma_start3A_176, %dma_start3A_177] : memref<4x125x64xf32, #tpu.memory_space<vmem>> -> memref<1x125x64xf32, #tpu.memory_space<vmem>>
          %dma_start3A_179 = tpu.memref_squeeze %dma_start3A_178 : memref<1x125x64xf32, #tpu.memory_space<vmem>> -> memref<125x64xf32, #tpu.memory_space<vmem>>
          %dma_start3A_180 = arith.constant 0 : i32
          %dma_start3A_181 = tpu.memref_slice %arg10[%add3A_108, %dma_start3A_180] : memref<160x125xi32, #tpu.memory_space<vmem>> -> memref<1x125xi32, #tpu.memory_space<vmem>>
          %dma_start3A_182 = tpu.memref_squeeze %dma_start3A_181 : memref<1x125xi32, #tpu.memory_space<vmem>> -> memref<125xi32, #tpu.memory_space<vmem>>
          %dma_start3A_183 = arith.constant 0 : i32
          %dma_start3A_184 = arith.constant 0 : i32
          %dma_start3A_185 = tpu.memref_slice %arg12[%dma_start3A_183, %dma_start3A_184] : memref<10240x64xf32, #tpu.memory_space<vmem_shared>> -> memref<10240x64xf32, #tpu.memory_space<vmem_shared>>
          tpu.enqueue_indirect_dma source(%dma_start3A_179 : memref<125x64xf32, #tpu.memory_space<vmem>>) target(%dma_start3A_185 : memref<10240x64xf32, #tpu.memory_space<vmem_shared>>) offsets(%dma_start3A_182 : memref<125xi32, #tpu.memory_space<vmem>>) semaphore(%run_scoped3A_175 : memref<!tpu.dma_semaphore, #tpu.memory_space<semaphore_mem>>) {add = true}
          %dma_wait3A_186 = arith.constant 0 : i32
          %dma_wait3A_187 = arith.constant 0 : i32
          %dma_wait3A_188 = tpu.memref_slice %arg11[%run_scoped3A_120, %dma_wait3A_186, %dma_wait3A_187] : memref<4x125x64xf32, #tpu.memory_space<vmem>> -> memref<1x125x64xf32, #tpu.memory_space<vmem>>
          %dma_wait3A_189 = tpu.memref_squeeze %dma_wait3A_188 : memref<1x125x64xf32, #tpu.memory_space<vmem>> -> memref<125x64xf32, #tpu.memory_space<vmem>>
          %dma_wait3A_190 = arith.constant 0 : i32
          %dma_wait3A_191 = tpu.memref_slice %arg10[%add3A_108, %dma_wait3A_190] : memref<160x125xi32, #tpu.memory_space<vmem>> -> memref<1x125xi32, #tpu.memory_space<vmem>>
          %dma_wait3A_192 = tpu.memref_squeeze %dma_wait3A_191 : memref<1x125xi32, #tpu.memory_space<vmem>> -> memref<125xi32, #tpu.memory_space<vmem>>
          %dma_wait3A_193 = arith.constant 0 : i32
          %dma_wait3A_194 = arith.constant 0 : i32
          %dma_wait3A_195 = tpu.memref_slice %arg12[%dma_wait3A_193, %dma_wait3A_194] : memref<10240x64xf32, #tpu.memory_space<vmem_shared>> -> memref<10240x64xf32, #tpu.memory_space<vmem_shared>>
          tpu.wait_indirect_dma semaphore(%run_scoped3A_175 : memref<!tpu.dma_semaphore, #tpu.memory_space<semaphore_mem>>) src(%dma_wait3A_189 : memref<125x64xf32, #tpu.memory_space<vmem>>) dst(%dma_wait3A_195 : memref<10240x64xf32, #tpu.memory_space<vmem_shared>>)
          tpu.yield
        }) : () -> ()
        %add3A_121 = arith.constant 4 : i32
        %add3A_122 = arith.addi %add3A_108, %add3A_121 : i32
        %lt3A_123 = arith.constant 160 : i32
        %lt3A_124 = arith.cmpi slt, %add3A_122, %lt3A_123 : i32
        %convert_element_type3A_125 = arith.extui %lt3A_124 : i1 to i32
        %cond3A_126 = arith.constant 0 : i32
        %cond3A_127 = arith.cmpi ne, %convert_element_type3A_125, %cond3A_126 : i32
        scf.if %cond3A_127 {
          %add3A_175 = arith.constant 4 : i32
          %add3A_176 = arith.addi %add3A_108, %add3A_175 : i32
          %dma_start3A_177 = arith.constant 1 : i32
          %dma_start3A_178 = arith.constant 0 : i32
          %dma_start3A_179 = arith.constant 0 : i32
          %dma_start3A_180 = tpu.memref_slice %arg11[%dma_start3A_177, %dma_start3A_178, %dma_start3A_179] : memref<4x125x64xf32, #tpu.memory_space<vmem>> -> memref<1x125x64xf32, #tpu.memory_space<vmem>>
          %dma_start3A_181 = tpu.memref_squeeze %dma_start3A_180 : memref<1x125x64xf32, #tpu.memory_space<vmem>> -> memref<125x64xf32, #tpu.memory_space<vmem>>
          %dma_start3A_182 = arith.constant 0 : i32
          %dma_start3A_183 = tpu.memref_slice %arg9[%add3A_176, %dma_start3A_182] : memref<160x125xi32, #tpu.memory_space<vmem>> -> memref<1x125xi32, #tpu.memory_space<vmem>>
          %dma_start3A_184 = tpu.memref_squeeze %dma_start3A_183 : memref<1x125xi32, #tpu.memory_space<vmem>> -> memref<125xi32, #tpu.memory_space<vmem>>
          %dma_start3A_185 = arith.constant 0 : i32
          %dma_start3A_186 = arith.constant 0 : i32
          %dma_start3A_187 = tpu.memref_slice %arg2[%dma_start3A_185, %dma_start3A_186] : memref<10000x64xf32, #tpu.memory_space<hbm>> -> memref<10000x64xf32, #tpu.memory_space<hbm>>
          tpu.enqueue_indirect_dma source(%dma_start3A_187 : memref<10000x64xf32, #tpu.memory_space<hbm>>) target(%dma_start3A_181 : memref<125x64xf32, #tpu.memory_space<vmem>>) offsets(%dma_start3A_184 : memref<125xi32, #tpu.memory_space<vmem>>) semaphore(%arg14 : memref<!tpu.dma_semaphore, #tpu.memory_space<semaphore_mem>>)
        } else {
        }
        %mul3A_128 = arith.constant 4 : i32
        %mul3A_129 = arith.muli %scan3A_84, %mul3A_128 : i32
        %add3A_130 = arith.constant 2 : i32
        %add3A_131 = arith.addi %mul3A_129, %add3A_130 : i32
        %dma_wait3A_132 = arith.constant 2 : i32
        %dma_wait3A_133 = arith.constant 0 : i32
        %dma_wait3A_134 = arith.constant 0 : i32
        %dma_wait3A_135 = tpu.memref_slice %arg11[%dma_wait3A_132, %dma_wait3A_133, %dma_wait3A_134] : memref<4x125x64xf32, #tpu.memory_space<vmem>> -> memref<1x125x64xf32, #tpu.memory_space<vmem>>
        %dma_wait3A_136 = tpu.memref_squeeze %dma_wait3A_135 : memref<1x125x64xf32, #tpu.memory_space<vmem>> -> memref<125x64xf32, #tpu.memory_space<vmem>>
        %dma_wait3A_137 = arith.constant 0 : i32
        %dma_wait3A_138 = tpu.memref_slice %arg9[%add3A_131, %dma_wait3A_137] : memref<160x125xi32, #tpu.memory_space<vmem>> -> memref<1x125xi32, #tpu.memory_space<vmem>>
        %dma_wait3A_139 = tpu.memref_squeeze %dma_wait3A_138 : memref<1x125xi32, #tpu.memory_space<vmem>> -> memref<125xi32, #tpu.memory_space<vmem>>
        %dma_wait3A_140 = arith.constant 0 : i32
        %dma_wait3A_141 = arith.constant 0 : i32
        %dma_wait3A_142 = tpu.memref_slice %arg2[%dma_wait3A_140, %dma_wait3A_141] : memref<10000x64xf32, #tpu.memory_space<hbm>> -> memref<10000x64xf32, #tpu.memory_space<hbm>>
        tpu.wait_indirect_dma semaphore(%arg15 : memref<!tpu.dma_semaphore, #tpu.memory_space<semaphore_mem>>) src(%dma_wait3A_142 : memref<10000x64xf32, #tpu.memory_space<hbm>>) dst(%dma_wait3A_136 : memref<125x64xf32, #tpu.memory_space<vmem>>)
        %run_scoped3A_143 = arith.constant 2 : i32
        "tpu.region"() ({
          %run_scoped3A_175 = tpu.sem_alloc : memref<!tpu.dma_semaphore, #tpu.memory_space<semaphore_mem>>
          %dma_start3A_176 = arith.constant 0 : i32
          %dma_start3A_177 = arith.constant 0 : i32
          %dma_start3A_178 = tpu.memref_slice %arg11[%run_scoped3A_143, %dma_start3A_176, %dma_start3A_177] : memref<4x125x64xf32, #tpu.memory_space<vmem>> -> memref<1x125x64xf32, #tpu.memory_space<vmem>>
          %dma_start3A_179 = tpu.memref_squeeze %dma_start3A_178 : memref<1x125x64xf32, #tpu.memory_space<vmem>> -> memref<125x64xf32, #tpu.memory_space<vmem>>
          %dma_start3A_180 = arith.constant 0 : i32
          %dma_start3A_181 = tpu.memref_slice %arg10[%add3A_131, %dma_start3A_180] : memref<160x125xi32, #tpu.memory_space<vmem>> -> memref<1x125xi32, #tpu.memory_space<vmem>>
          %dma_start3A_182 = tpu.memref_squeeze %dma_start3A_181 : memref<1x125xi32, #tpu.memory_space<vmem>> -> memref<125xi32, #tpu.memory_space<vmem>>
          %dma_start3A_183 = arith.constant 0 : i32
          %dma_start3A_184 = arith.constant 0 : i32
          %dma_start3A_185 = tpu.memref_slice %arg12[%dma_start3A_183, %dma_start3A_184] : memref<10240x64xf32, #tpu.memory_space<vmem_shared>> -> memref<10240x64xf32, #tpu.memory_space<vmem_shared>>
          tpu.enqueue_indirect_dma source(%dma_start3A_179 : memref<125x64xf32, #tpu.memory_space<vmem>>) target(%dma_start3A_185 : memref<10240x64xf32, #tpu.memory_space<vmem_shared>>) offsets(%dma_start3A_182 : memref<125xi32, #tpu.memory_space<vmem>>) semaphore(%run_scoped3A_175 : memref<!tpu.dma_semaphore, #tpu.memory_space<semaphore_mem>>) {add = true}
          %dma_wait3A_186 = arith.constant 0 : i32
          %dma_wait3A_187 = arith.constant 0 : i32
          %dma_wait3A_188 = tpu.memref_slice %arg11[%run_scoped3A_143, %dma_wait3A_186, %dma_wait3A_187] : memref<4x125x64xf32, #tpu.memory_space<vmem>> -> memref<1x125x64xf32, #tpu.memory_space<vmem>>
          %dma_wait3A_189 = tpu.memref_squeeze %dma_wait3A_188 : memref<1x125x64xf32, #tpu.memory_space<vmem>> -> memref<125x64xf32, #tpu.memory_space<vmem>>
          %dma_wait3A_190 = arith.constant 0 : i32
          %dma_wait3A_191 = tpu.memref_slice %arg10[%add3A_131, %dma_wait3A_190] : memref<160x125xi32, #tpu.memory_space<vmem>> -> memref<1x125xi32, #tpu.memory_space<vmem>>
          %dma_wait3A_192 = tpu.memref_squeeze %dma_wait3A_191 : memref<1x125xi32, #tpu.memory_space<vmem>> -> memref<125xi32, #tpu.memory_space<vmem>>
          %dma_wait3A_193 = arith.constant 0 : i32
          %dma_wait3A_194 = arith.constant 0 : i32
          %dma_wait3A_195 = tpu.memref_slice %arg12[%dma_wait3A_193, %dma_wait3A_194] : memref<10240x64xf32, #tpu.memory_space<vmem_shared>> -> memref<10240x64xf32, #tpu.memory_space<vmem_shared>>
          tpu.wait_indirect_dma semaphore(%run_scoped3A_175 : memref<!tpu.dma_semaphore, #tpu.memory_space<semaphore_mem>>) src(%dma_wait3A_189 : memref<125x64xf32, #tpu.memory_space<vmem>>) dst(%dma_wait3A_195 : memref<10240x64xf32, #tpu.memory_space<vmem_shared>>)
          tpu.yield
        }) : () -> ()
        %add3A_144 = arith.constant 4 : i32
        %add3A_145 = arith.addi %add3A_131, %add3A_144 : i32
        %lt3A_146 = arith.constant 160 : i32
        %lt3A_147 = arith.cmpi slt, %add3A_145, %lt3A_146 : i32
        %convert_element_type3A_148 = arith.extui %lt3A_147 : i1 to i32
        %cond3A_149 = arith.constant 0 : i32
        %cond3A_150 = arith.cmpi ne, %convert_element_type3A_148, %cond3A_149 : i32
        scf.if %cond3A_150 {
          %add3A_175 = arith.constant 4 : i32
          %add3A_176 = arith.addi %add3A_131, %add3A_175 : i32
          %dma_start3A_177 = arith.constant 2 : i32
          %dma_start3A_178 = arith.constant 0 : i32
          %dma_start3A_179 = arith.constant 0 : i32
          %dma_start3A_180 = tpu.memref_slice %arg11[%dma_start3A_177, %dma_start3A_178, %dma_start3A_179] : memref<4x125x64xf32, #tpu.memory_space<vmem>> -> memref<1x125x64xf32, #tpu.memory_space<vmem>>
          %dma_start3A_181 = tpu.memref_squeeze %dma_start3A_180 : memref<1x125x64xf32, #tpu.memory_space<vmem>> -> memref<125x64xf32, #tpu.memory_space<vmem>>
          %dma_start3A_182 = arith.constant 0 : i32
          %dma_start3A_183 = tpu.memref_slice %arg9[%add3A_176, %dma_start3A_182] : memref<160x125xi32, #tpu.memory_space<vmem>> -> memref<1x125xi32, #tpu.memory_space<vmem>>
          %dma_start3A_184 = tpu.memref_squeeze %dma_start3A_183 : memref<1x125xi32, #tpu.memory_space<vmem>> -> memref<125xi32, #tpu.memory_space<vmem>>
          %dma_start3A_185 = arith.constant 0 : i32
          %dma_start3A_186 = arith.constant 0 : i32
          %dma_start3A_187 = tpu.memref_slice %arg2[%dma_start3A_185, %dma_start3A_186] : memref<10000x64xf32, #tpu.memory_space<hbm>> -> memref<10000x64xf32, #tpu.memory_space<hbm>>
          tpu.enqueue_indirect_dma source(%dma_start3A_187 : memref<10000x64xf32, #tpu.memory_space<hbm>>) target(%dma_start3A_181 : memref<125x64xf32, #tpu.memory_space<vmem>>) offsets(%dma_start3A_184 : memref<125xi32, #tpu.memory_space<vmem>>) semaphore(%arg15 : memref<!tpu.dma_semaphore, #tpu.memory_space<semaphore_mem>>)
        } else {
        }
        %mul3A_151 = arith.constant 4 : i32
        %mul3A_152 = arith.muli %scan3A_84, %mul3A_151 : i32
        %add3A_153 = arith.constant 3 : i32
        %add3A_154 = arith.addi %mul3A_152, %add3A_153 : i32
        %dma_wait3A_155 = arith.constant 3 : i32
        %dma_wait3A_156 = arith.constant 0 : i32
        %dma_wait3A_157 = arith.constant 0 : i32
        %dma_wait3A_158 = tpu.memref_slice %arg11[%dma_wait3A_155, %dma_wait3A_156, %dma_wait3A_157] : memref<4x125x64xf32, #tpu.memory_space<vmem>> -> memref<1x125x64xf32, #tpu.memory_space<vmem>>
        %dma_wait3A_159 = tpu.memref_squeeze %dma_wait3A_158 : memref<1x125x64xf32, #tpu.memory_space<vmem>> -> memref<125x64xf32, #tpu.memory_space<vmem>>
        %dma_wait3A_160 = arith.constant 0 : i32
        %dma_wait3A_161 = tpu.memref_slice %arg9[%add3A_154, %dma_wait3A_160] : memref<160x125xi32, #tpu.memory_space<vmem>> -> memref<1x125xi32, #tpu.memory_space<vmem>>
        %dma_wait3A_162 = tpu.memref_squeeze %dma_wait3A_161 : memref<1x125xi32, #tpu.memory_space<vmem>> -> memref<125xi32, #tpu.memory_space<vmem>>
        %dma_wait3A_163 = arith.constant 0 : i32
        %dma_wait3A_164 = arith.constant 0 : i32
        %dma_wait3A_165 = tpu.memref_slice %arg2[%dma_wait3A_163, %dma_wait3A_164] : memref<10000x64xf32, #tpu.memory_space<hbm>> -> memref<10000x64xf32, #tpu.memory_space<hbm>>
        tpu.wait_indirect_dma semaphore(%arg16 : memref<!tpu.dma_semaphore, #tpu.memory_space<semaphore_mem>>) src(%dma_wait3A_165 : memref<10000x64xf32, #tpu.memory_space<hbm>>) dst(%dma_wait3A_159 : memref<125x64xf32, #tpu.memory_space<vmem>>)
        %run_scoped3A_166 = arith.constant 3 : i32
        "tpu.region"() ({
          %run_scoped3A_175 = tpu.sem_alloc : memref<!tpu.dma_semaphore, #tpu.memory_space<semaphore_mem>>
          %dma_start3A_176 = arith.constant 0 : i32
          %dma_start3A_177 = arith.constant 0 : i32
          %dma_start3A_178 = tpu.memref_slice %arg11[%run_scoped3A_166, %dma_start3A_176, %dma_start3A_177] : memref<4x125x64xf32, #tpu.memory_space<vmem>> -> memref<1x125x64xf32, #tpu.memory_space<vmem>>
          %dma_start3A_179 = tpu.memref_squeeze %dma_start3A_178 : memref<1x125x64xf32, #tpu.memory_space<vmem>> -> memref<125x64xf32, #tpu.memory_space<vmem>>
          %dma_start3A_180 = arith.constant 0 : i32
          %dma_start3A_181 = tpu.memref_slice %arg10[%add3A_154, %dma_start3A_180] : memref<160x125xi32, #tpu.memory_space<vmem>> -> memref<1x125xi32, #tpu.memory_space<vmem>>
          %dma_start3A_182 = tpu.memref_squeeze %dma_start3A_181 : memref<1x125xi32, #tpu.memory_space<vmem>> -> memref<125xi32, #tpu.memory_space<vmem>>
          %dma_start3A_183 = arith.constant 0 : i32
          %dma_start3A_184 = arith.constant 0 : i32
          %dma_start3A_185 = tpu.memref_slice %arg12[%dma_start3A_183, %dma_start3A_184] : memref<10240x64xf32, #tpu.memory_space<vmem_shared>> -> memref<10240x64xf32, #tpu.memory_space<vmem_shared>>
          tpu.enqueue_indirect_dma source(%dma_start3A_179 : memref<125x64xf32, #tpu.memory_space<vmem>>) target(%dma_start3A_185 : memref<10240x64xf32, #tpu.memory_space<vmem_shared>>) offsets(%dma_start3A_182 : memref<125xi32, #tpu.memory_space<vmem>>) semaphore(%run_scoped3A_175 : memref<!tpu.dma_semaphore, #tpu.memory_space<semaphore_mem>>) {add = true}
          %dma_wait3A_186 = arith.constant 0 : i32
          %dma_wait3A_187 = arith.constant 0 : i32
          %dma_wait3A_188 = tpu.memref_slice %arg11[%run_scoped3A_166, %dma_wait3A_186, %dma_wait3A_187] : memref<4x125x64xf32, #tpu.memory_space<vmem>> -> memref<1x125x64xf32, #tpu.memory_space<vmem>>
          %dma_wait3A_189 = tpu.memref_squeeze %dma_wait3A_188 : memref<1x125x64xf32, #tpu.memory_space<vmem>> -> memref<125x64xf32, #tpu.memory_space<vmem>>
          %dma_wait3A_190 = arith.constant 0 : i32
          %dma_wait3A_191 = tpu.memref_slice %arg10[%add3A_154, %dma_wait3A_190] : memref<160x125xi32, #tpu.memory_space<vmem>> -> memref<1x125xi32, #tpu.memory_space<vmem>>
          %dma_wait3A_192 = tpu.memref_squeeze %dma_wait3A_191 : memref<1x125xi32, #tpu.memory_space<vmem>> -> memref<125xi32, #tpu.memory_space<vmem>>
          %dma_wait3A_193 = arith.constant 0 : i32
          %dma_wait3A_194 = arith.constant 0 : i32
          %dma_wait3A_195 = tpu.memref_slice %arg12[%dma_wait3A_193, %dma_wait3A_194] : memref<10240x64xf32, #tpu.memory_space<vmem_shared>> -> memref<10240x64xf32, #tpu.memory_space<vmem_shared>>
          tpu.wait_indirect_dma semaphore(%run_scoped3A_175 : memref<!tpu.dma_semaphore, #tpu.memory_space<semaphore_mem>>) src(%dma_wait3A_189 : memref<125x64xf32, #tpu.memory_space<vmem>>) dst(%dma_wait3A_195 : memref<10240x64xf32, #tpu.memory_space<vmem_shared>>)
          tpu.yield
        }) : () -> ()
        %add3A_167 = arith.constant 4 : i32
        %add3A_168 = arith.addi %add3A_154, %add3A_167 : i32
        %lt3A_169 = arith.constant 160 : i32
        %lt3A_170 = arith.cmpi slt, %add3A_168, %lt3A_169 : i32
        %convert_element_type3A_171 = arith.extui %lt3A_170 : i1 to i32
        %cond3A_172 = arith.constant 0 : i32
        %cond3A_173 = arith.cmpi ne, %convert_element_type3A_171, %cond3A_172 : i32
        scf.if %cond3A_173 {
          %add3A_175 = arith.constant 4 : i32
          %add3A_176 = arith.addi %add3A_154, %add3A_175 : i32
          %dma_start3A_177 = arith.constant 3 : i32
          %dma_start3A_178 = arith.constant 0 : i32
          %dma_start3A_179 = arith.constant 0 : i32
          %dma_start3A_180 = tpu.memref_slice %arg11[%dma_start3A_177, %dma_start3A_178, %dma_start3A_179] : memref<4x125x64xf32, #tpu.memory_space<vmem>> -> memref<1x125x64xf32, #tpu.memory_space<vmem>>
          %dma_start3A_181 = tpu.memref_squeeze %dma_start3A_180 : memref<1x125x64xf32, #tpu.memory_space<vmem>> -> memref<125x64xf32, #tpu.memory_space<vmem>>
          %dma_start3A_182 = arith.constant 0 : i32
          %dma_start3A_183 = tpu.memref_slice %arg9[%add3A_176, %dma_start3A_182] : memref<160x125xi32, #tpu.memory_space<vmem>> -> memref<1x125xi32, #tpu.memory_space<vmem>>
          %dma_start3A_184 = tpu.memref_squeeze %dma_start3A_183 : memref<1x125xi32, #tpu.memory_space<vmem>> -> memref<125xi32, #tpu.memory_space<vmem>>
          %dma_start3A_185 = arith.constant 0 : i32
          %dma_start3A_186 = arith.constant 0 : i32
          %dma_start3A_187 = tpu.memref_slice %arg2[%dma_start3A_185, %dma_start3A_186] : memref<10000x64xf32, #tpu.memory_space<hbm>> -> memref<10000x64xf32, #tpu.memory_space<hbm>>
          tpu.enqueue_indirect_dma source(%dma_start3A_187 : memref<10000x64xf32, #tpu.memory_space<hbm>>) target(%dma_start3A_181 : memref<125x64xf32, #tpu.memory_space<vmem>>) offsets(%dma_start3A_184 : memref<125xi32, #tpu.memory_space<vmem>>) semaphore(%arg16 : memref<!tpu.dma_semaphore, #tpu.memory_space<semaphore_mem>>)
        } else {
        }
        %scan3A_174 = arith.constant 0 : i32
        scf.yield %scan3A_174 : i32
      }
      %scan3A_83 = arith.constant 40 : i32
    } else {
    }
    %eq3A_13 = arith.constant 1 : i32
    %eq3A_14 = arith.cmpi eq, %arg0, %eq3A_13 : i32
    %convert_element_type3A_15 = arith.extui %eq3A_14 : i1 to i32
    %cond3A_16 = arith.constant 0 : i32
    %cond3A_17 = arith.cmpi ne, %convert_element_type3A_15, %cond3A_16 : i32
    scf.if %cond3A_17 {
      %dma_start3A = arith.constant 0 : i32
      %dma_start3A_31 = arith.constant 0 : i32
      %dma_start3A_32 = arith.constant 0 : i32
      %dma_start3A_33 = arith.constant 0 : i32
      %dma_start3A_34 = tpu.memref_slice %arg11[%dma_start3A_31, %dma_start3A_32, %dma_start3A_33] : memref<4x125x64xf32, #tpu.memory_space<vmem>> -> memref<1x125x64xf32, #tpu.memory_space<vmem>>
      %dma_start3A_35 = tpu.memref_squeeze %dma_start3A_34 : memref<1x125x64xf32, #tpu.memory_space<vmem>> -> memref<125x64xf32, #tpu.memory_space<vmem>>
      %dma_start3A_36 = arith.constant 0 : i32
      %dma_start3A_37 = tpu.memref_slice %arg9[%dma_start3A, %dma_start3A_36] : memref<160x125xi32, #tpu.memory_space<vmem>> -> memref<1x125xi32, #tpu.memory_space<vmem>>
      %dma_start3A_38 = tpu.memref_squeeze %dma_start3A_37 : memref<1x125xi32, #tpu.memory_space<vmem>> -> memref<125xi32, #tpu.memory_space<vmem>>
      %dma_start3A_39 = arith.constant 0 : i32
      %dma_start3A_40 = arith.constant 0 : i32
      %dma_start3A_41 = tpu.memref_slice %arg3[%dma_start3A_39, %dma_start3A_40] : memref<10000x64xf32, #tpu.memory_space<hbm>> -> memref<10000x64xf32, #tpu.memory_space<hbm>>
      tpu.enqueue_indirect_dma source(%dma_start3A_41 : memref<10000x64xf32, #tpu.memory_space<hbm>>) target(%dma_start3A_35 : memref<125x64xf32, #tpu.memory_space<vmem>>) offsets(%dma_start3A_38 : memref<125xi32, #tpu.memory_space<vmem>>) semaphore(%arg13 : memref<!tpu.dma_semaphore, #tpu.memory_space<semaphore_mem>>)
      %dma_start3A_42 = arith.constant 1 : i32
      %dma_start3A_43 = arith.constant 1 : i32
      %dma_start3A_44 = arith.constant 0 : i32
      %dma_start3A_45 = arith.constant 0 : i32
      %dma_start3A_46 = tpu.memref_slice %arg11[%dma_start3A_43, %dma_start3A_44, %dma_start3A_45] : memref<4x125x64xf32, #tpu.memory_space<vmem>> -> memref<1x125x64xf32, #tpu.memory_space<vmem>>
      %dma_start3A_47 = tpu.memref_squeeze %dma_start3A_46 : memref<1x125x64xf32, #tpu.memory_space<vmem>> -> memref<125x64xf32, #tpu.memory_space<vmem>>
      %dma_start3A_48 = arith.constant 0 : i32
      %dma_start3A_49 = tpu.memref_slice %arg9[%dma_start3A_42, %dma_start3A_48] : memref<160x125xi32, #tpu.memory_space<vmem>> -> memref<1x125xi32, #tpu.memory_space<vmem>>
      %dma_start3A_50 = tpu.memref_squeeze %dma_start3A_49 : memref<1x125xi32, #tpu.memory_space<vmem>> -> memref<125xi32, #tpu.memory_space<vmem>>
      %dma_start3A_51 = arith.constant 0 : i32
      %dma_start3A_52 = arith.constant 0 : i32
      %dma_start3A_53 = tpu.memref_slice %arg3[%dma_start3A_51, %dma_start3A_52] : memref<10000x64xf32, #tpu.memory_space<hbm>> -> memref<10000x64xf32, #tpu.memory_space<hbm>>
      tpu.enqueue_indirect_dma source(%dma_start3A_53 : memref<10000x64xf32, #tpu.memory_space<hbm>>) target(%dma_start3A_47 : memref<125x64xf32, #tpu.memory_space<vmem>>) offsets(%dma_start3A_50 : memref<125xi32, #tpu.memory_space<vmem>>) semaphore(%arg14 : memref<!tpu.dma_semaphore, #tpu.memory_space<semaphore_mem>>)
      %dma_start3A_54 = arith.constant 2 : i32
      %dma_start3A_55 = arith.constant 2 : i32
      %dma_start3A_56 = arith.constant 0 : i32
      %dma_start3A_57 = arith.constant 0 : i32
      %dma_start3A_58 = tpu.memref_slice %arg11[%dma_start3A_55, %dma_start3A_56, %dma_start3A_57] : memref<4x125x64xf32, #tpu.memory_space<vmem>> -> memref<1x125x64xf32, #tpu.memory_space<vmem>>
      %dma_start3A_59 = tpu.memref_squeeze %dma_start3A_58 : memref<1x125x64xf32, #tpu.memory_space<vmem>> -> memref<125x64xf32, #tpu.memory_space<vmem>>
      %dma_start3A_60 = arith.constant 0 : i32
      %dma_start3A_61 = tpu.memref_slice %arg9[%dma_start3A_54, %dma_start3A_60] : memref<160x125xi32, #tpu.memory_space<vmem>> -> memref<1x125xi32, #tpu.memory_space<vmem>>
      %dma_start3A_62 = tpu.memref_squeeze %dma_start3A_61 : memref<1x125xi32, #tpu.memory_space<vmem>> -> memref<125xi32, #tpu.memory_space<vmem>>
      %dma_start3A_63 = arith.constant 0 : i32
      %dma_start3A_64 = arith.constant 0 : i32
      %dma_start3A_65 = tpu.memref_slice %arg3[%dma_start3A_63, %dma_start3A_64] : memref<10000x64xf32, #tpu.memory_space<hbm>> -> memref<10000x64xf32, #tpu.memory_space<hbm>>
      tpu.enqueue_indirect_dma source(%dma_start3A_65 : memref<10000x64xf32, #tpu.memory_space<hbm>>) target(%dma_start3A_59 : memref<125x64xf32, #tpu.memory_space<vmem>>) offsets(%dma_start3A_62 : memref<125xi32, #tpu.memory_space<vmem>>) semaphore(%arg15 : memref<!tpu.dma_semaphore, #tpu.memory_space<semaphore_mem>>)
      %dma_start3A_66 = arith.constant 3 : i32
      %dma_start3A_67 = arith.constant 3 : i32
      %dma_start3A_68 = arith.constant 0 : i32
      %dma_start3A_69 = arith.constant 0 : i32
      %dma_start3A_70 = tpu.memref_slice %arg11[%dma_start3A_67, %dma_start3A_68, %dma_start3A_69] : memref<4x125x64xf32, #tpu.memory_space<vmem>> -> memref<1x125x64xf32, #tpu.memory_space<vmem>>
      %dma_start3A_71 = tpu.memref_squeeze %dma_start3A_70 : memref<1x125x64xf32, #tpu.memory_space<vmem>> -> memref<125x64xf32, #tpu.memory_space<vmem>>
      %dma_start3A_72 = arith.constant 0 : i32
      %dma_start3A_73 = tpu.memref_slice %arg9[%dma_start3A_66, %dma_start3A_72] : memref<160x125xi32, #tpu.memory_space<vmem>> -> memref<1x125xi32, #tpu.memory_space<vmem>>
      %dma_start3A_74 = tpu.memref_squeeze %dma_start3A_73 : memref<1x125xi32, #tpu.memory_space<vmem>> -> memref<125xi32, #tpu.memory_space<vmem>>
      %dma_start3A_75 = arith.constant 0 : i32
      %dma_start3A_76 = arith.constant 0 : i32
      %dma_start3A_77 = tpu.memref_slice %arg3[%dma_start3A_75, %dma_start3A_76] : memref<10000x64xf32, #tpu.memory_space<hbm>> -> memref<10000x64xf32, #tpu.memory_space<hbm>>
      tpu.enqueue_indirect_dma source(%dma_start3A_77 : memref<10000x64xf32, #tpu.memory_space<hbm>>) target(%dma_start3A_71 : memref<125x64xf32, #tpu.memory_space<vmem>>) offsets(%dma_start3A_74 : memref<125xi32, #tpu.memory_space<vmem>>) semaphore(%arg16 : memref<!tpu.dma_semaphore, #tpu.memory_space<semaphore_mem>>)
      %scan3A = arith.constant 0 : i32
      %scan3A_78 = arith.constant 0 : i32
      %scan3A_79 = arith.constant 40 : i32
      %scan3A_80 = arith.addi %scan3A_78, %scan3A_79 : i32
      %scan3A_81 = arith.constant 1 : i32
      %scan3A_82 = scf.for %scan3A_84 = %scan3A_78 to %scan3A_80 step %scan3A_81 iter_args(%scan3A_85 = %scan3A) -> (i32)  : i32 {
        %mul3A_86 = arith.constant 4 : i32
        %mul3A_87 = arith.muli %scan3A_84, %mul3A_86 : i32
        %add3A = arith.constant 0 : i32
        %add3A_88 = arith.addi %mul3A_87, %add3A : i32
        %dma_wait3A = arith.constant 0 : i32
        %dma_wait3A_89 = arith.constant 0 : i32
        %dma_wait3A_90 = arith.constant 0 : i32
        %dma_wait3A_91 = tpu.memref_slice %arg11[%dma_wait3A, %dma_wait3A_89, %dma_wait3A_90] : memref<4x125x64xf32, #tpu.memory_space<vmem>> -> memref<1x125x64xf32, #tpu.memory_space<vmem>>
        %dma_wait3A_92 = tpu.memref_squeeze %dma_wait3A_91 : memref<1x125x64xf32, #tpu.memory_space<vmem>> -> memref<125x64xf32, #tpu.memory_space<vmem>>
        %dma_wait3A_93 = arith.constant 0 : i32
        %dma_wait3A_94 = tpu.memref_slice %arg9[%add3A_88, %dma_wait3A_93] : memref<160x125xi32, #tpu.memory_space<vmem>> -> memref<1x125xi32, #tpu.memory_space<vmem>>
        %dma_wait3A_95 = tpu.memref_squeeze %dma_wait3A_94 : memref<1x125xi32, #tpu.memory_space<vmem>> -> memref<125xi32, #tpu.memory_space<vmem>>
        %dma_wait3A_96 = arith.constant 0 : i32
        %dma_wait3A_97 = arith.constant 0 : i32
        %dma_wait3A_98 = tpu.memref_slice %arg3[%dma_wait3A_96, %dma_wait3A_97] : memref<10000x64xf32, #tpu.memory_space<hbm>> -> memref<10000x64xf32, #tpu.memory_space<hbm>>
        tpu.wait_indirect_dma semaphore(%arg13 : memref<!tpu.dma_semaphore, #tpu.memory_space<semaphore_mem>>) src(%dma_wait3A_98 : memref<10000x64xf32, #tpu.memory_space<hbm>>) dst(%dma_wait3A_92 : memref<125x64xf32, #tpu.memory_space<vmem>>)
        %run_scoped3A = arith.constant 0 : i32
        "tpu.region"() ({
          %run_scoped3A_175 = tpu.sem_alloc : memref<!tpu.dma_semaphore, #tpu.memory_space<semaphore_mem>>
          %dma_start3A_176 = arith.constant 0 : i32
          %dma_start3A_177 = arith.constant 0 : i32
          %dma_start3A_178 = tpu.memref_slice %arg11[%run_scoped3A, %dma_start3A_176, %dma_start3A_177] : memref<4x125x64xf32, #tpu.memory_space<vmem>> -> memref<1x125x64xf32, #tpu.memory_space<vmem>>
          %dma_start3A_179 = tpu.memref_squeeze %dma_start3A_178 : memref<1x125x64xf32, #tpu.memory_space<vmem>> -> memref<125x64xf32, #tpu.memory_space<vmem>>
          %dma_start3A_180 = arith.constant 0 : i32
          %dma_start3A_181 = tpu.memref_slice %arg10[%add3A_88, %dma_start3A_180] : memref<160x125xi32, #tpu.memory_space<vmem>> -> memref<1x125xi32, #tpu.memory_space<vmem>>
          %dma_start3A_182 = tpu.memref_squeeze %dma_start3A_181 : memref<1x125xi32, #tpu.memory_space<vmem>> -> memref<125xi32, #tpu.memory_space<vmem>>
          %dma_start3A_183 = arith.constant 0 : i32
          %dma_start3A_184 = arith.constant 0 : i32
          %dma_start3A_185 = tpu.memref_slice %arg12[%dma_start3A_183, %dma_start3A_184] : memref<10240x64xf32, #tpu.memory_space<vmem_shared>> -> memref<10240x64xf32, #tpu.memory_space<vmem_shared>>
          tpu.enqueue_indirect_dma source(%dma_start3A_179 : memref<125x64xf32, #tpu.memory_space<vmem>>) target(%dma_start3A_185 : memref<10240x64xf32, #tpu.memory_space<vmem_shared>>) offsets(%dma_start3A_182 : memref<125xi32, #tpu.memory_space<vmem>>) semaphore(%run_scoped3A_175 : memref<!tpu.dma_semaphore, #tpu.memory_space<semaphore_mem>>) {add = true}
          %dma_wait3A_186 = arith.constant 0 : i32
          %dma_wait3A_187 = arith.constant 0 : i32
          %dma_wait3A_188 = tpu.memref_slice %arg11[%run_scoped3A, %dma_wait3A_186, %dma_wait3A_187] : memref<4x125x64xf32, #tpu.memory_space<vmem>> -> memref<1x125x64xf32, #tpu.memory_space<vmem>>
          %dma_wait3A_189 = tpu.memref_squeeze %dma_wait3A_188 : memref<1x125x64xf32, #tpu.memory_space<vmem>> -> memref<125x64xf32, #tpu.memory_space<vmem>>
          %dma_wait3A_190 = arith.constant 0 : i32
          %dma_wait3A_191 = tpu.memref_slice %arg10[%add3A_88, %dma_wait3A_190] : memref<160x125xi32, #tpu.memory_space<vmem>> -> memref<1x125xi32, #tpu.memory_space<vmem>>
          %dma_wait3A_192 = tpu.memref_squeeze %dma_wait3A_191 : memref<1x125xi32, #tpu.memory_space<vmem>> -> memref<125xi32, #tpu.memory_space<vmem>>
          %dma_wait3A_193 = arith.constant 0 : i32
          %dma_wait3A_194 = arith.constant 0 : i32
          %dma_wait3A_195 = tpu.memref_slice %arg12[%dma_wait3A_193, %dma_wait3A_194] : memref<10240x64xf32, #tpu.memory_space<vmem_shared>> -> memref<10240x64xf32, #tpu.memory_space<vmem_shared>>
          tpu.wait_indirect_dma semaphore(%run_scoped3A_175 : memref<!tpu.dma_semaphore, #tpu.memory_space<semaphore_mem>>) src(%dma_wait3A_189 : memref<125x64xf32, #tpu.memory_space<vmem>>) dst(%dma_wait3A_195 : memref<10240x64xf32, #tpu.memory_space<vmem_shared>>)
          tpu.yield
        }) : () -> ()
        %add3A_99 = arith.constant 4 : i32
        %add3A_100 = arith.addi %add3A_88, %add3A_99 : i32
        %lt3A = arith.constant 160 : i32
        %lt3A_101 = arith.cmpi slt, %add3A_100, %lt3A : i32
        %convert_element_type3A_102 = arith.extui %lt3A_101 : i1 to i32
        %cond3A_103 = arith.constant 0 : i32
        %cond3A_104 = arith.cmpi ne, %convert_element_type3A_102, %cond3A_103 : i32
        scf.if %cond3A_104 {
          %add3A_175 = arith.constant 4 : i32
          %add3A_176 = arith.addi %add3A_88, %add3A_175 : i32
          %dma_start3A_177 = arith.constant 0 : i32
          %dma_start3A_178 = arith.constant 0 : i32
          %dma_start3A_179 = arith.constant 0 : i32
          %dma_start3A_180 = tpu.memref_slice %arg11[%dma_start3A_177, %dma_start3A_178, %dma_start3A_179] : memref<4x125x64xf32, #tpu.memory_space<vmem>> -> memref<1x125x64xf32, #tpu.memory_space<vmem>>
          %dma_start3A_181 = tpu.memref_squeeze %dma_start3A_180 : memref<1x125x64xf32, #tpu.memory_space<vmem>> -> memref<125x64xf32, #tpu.memory_space<vmem>>
          %dma_start3A_182 = arith.constant 0 : i32
          %dma_start3A_183 = tpu.memref_slice %arg9[%add3A_176, %dma_start3A_182] : memref<160x125xi32, #tpu.memory_space<vmem>> -> memref<1x125xi32, #tpu.memory_space<vmem>>
          %dma_start3A_184 = tpu.memref_squeeze %dma_start3A_183 : memref<1x125xi32, #tpu.memory_space<vmem>> -> memref<125xi32, #tpu.memory_space<vmem>>
          %dma_start3A_185 = arith.constant 0 : i32
          %dma_start3A_186 = arith.constant 0 : i32
          %dma_start3A_187 = tpu.memref_slice %arg3[%dma_start3A_185, %dma_start3A_186] : memref<10000x64xf32, #tpu.memory_space<hbm>> -> memref<10000x64xf32, #tpu.memory_space<hbm>>
          tpu.enqueue_indirect_dma source(%dma_start3A_187 : memref<10000x64xf32, #tpu.memory_space<hbm>>) target(%dma_start3A_181 : memref<125x64xf32, #tpu.memory_space<vmem>>) offsets(%dma_start3A_184 : memref<125xi32, #tpu.memory_space<vmem>>) semaphore(%arg13 : memref<!tpu.dma_semaphore, #tpu.memory_space<semaphore_mem>>)
        } else {
        }
        %mul3A_105 = arith.constant 4 : i32
        %mul3A_106 = arith.muli %scan3A_84, %mul3A_105 : i32
        %add3A_107 = arith.constant 1 : i32
        %add3A_108 = arith.addi %mul3A_106, %add3A_107 : i32
        %dma_wait3A_109 = arith.constant 1 : i32
        %dma_wait3A_110 = arith.constant 0 : i32
        %dma_wait3A_111 = arith.constant 0 : i32
        %dma_wait3A_112 = tpu.memref_slice %arg11[%dma_wait3A_109, %dma_wait3A_110, %dma_wait3A_111] : memref<4x125x64xf32, #tpu.memory_space<vmem>> -> memref<1x125x64xf32, #tpu.memory_space<vmem>>
        %dma_wait3A_113 = tpu.memref_squeeze %dma_wait3A_112 : memref<1x125x64xf32, #tpu.memory_space<vmem>> -> memref<125x64xf32, #tpu.memory_space<vmem>>
        %dma_wait3A_114 = arith.constant 0 : i32
        %dma_wait3A_115 = tpu.memref_slice %arg9[%add3A_108, %dma_wait3A_114] : memref<160x125xi32, #tpu.memory_space<vmem>> -> memref<1x125xi32, #tpu.memory_space<vmem>>
        %dma_wait3A_116 = tpu.memref_squeeze %dma_wait3A_115 : memref<1x125xi32, #tpu.memory_space<vmem>> -> memref<125xi32, #tpu.memory_space<vmem>>
        %dma_wait3A_117 = arith.constant 0 : i32
        %dma_wait3A_118 = arith.constant 0 : i32
        %dma_wait3A_119 = tpu.memref_slice %arg3[%dma_wait3A_117, %dma_wait3A_118] : memref<10000x64xf32, #tpu.memory_space<hbm>> -> memref<10000x64xf32, #tpu.memory_space<hbm>>
        tpu.wait_indirect_dma semaphore(%arg14 : memref<!tpu.dma_semaphore, #tpu.memory_space<semaphore_mem>>) src(%dma_wait3A_119 : memref<10000x64xf32, #tpu.memory_space<hbm>>) dst(%dma_wait3A_113 : memref<125x64xf32, #tpu.memory_space<vmem>>)
        %run_scoped3A_120 = arith.constant 1 : i32
        "tpu.region"() ({
          %run_scoped3A_175 = tpu.sem_alloc : memref<!tpu.dma_semaphore, #tpu.memory_space<semaphore_mem>>
          %dma_start3A_176 = arith.constant 0 : i32
          %dma_start3A_177 = arith.constant 0 : i32
          %dma_start3A_178 = tpu.memref_slice %arg11[%run_scoped3A_120, %dma_start3A_176, %dma_start3A_177] : memref<4x125x64xf32, #tpu.memory_space<vmem>> -> memref<1x125x64xf32, #tpu.memory_space<vmem>>
          %dma_start3A_179 = tpu.memref_squeeze %dma_start3A_178 : memref<1x125x64xf32, #tpu.memory_space<vmem>> -> memref<125x64xf32, #tpu.memory_space<vmem>>
          %dma_start3A_180 = arith.constant 0 : i32
          %dma_start3A_181 = tpu.memref_slice %arg10[%add3A_108, %dma_start3A_180] : memref<160x125xi32, #tpu.memory_space<vmem>> -> memref<1x125xi32, #tpu.memory_space<vmem>>
          %dma_start3A_182 = tpu.memref_squeeze %dma_start3A_181 : memref<1x125xi32, #tpu.memory_space<vmem>> -> memref<125xi32, #tpu.memory_space<vmem>>
          %dma_start3A_183 = arith.constant 0 : i32
          %dma_start3A_184 = arith.constant 0 : i32
          %dma_start3A_185 = tpu.memref_slice %arg12[%dma_start3A_183, %dma_start3A_184] : memref<10240x64xf32, #tpu.memory_space<vmem_shared>> -> memref<10240x64xf32, #tpu.memory_space<vmem_shared>>
          tpu.enqueue_indirect_dma source(%dma_start3A_179 : memref<125x64xf32, #tpu.memory_space<vmem>>) target(%dma_start3A_185 : memref<10240x64xf32, #tpu.memory_space<vmem_shared>>) offsets(%dma_start3A_182 : memref<125xi32, #tpu.memory_space<vmem>>) semaphore(%run_scoped3A_175 : memref<!tpu.dma_semaphore, #tpu.memory_space<semaphore_mem>>) {add = true}
          %dma_wait3A_186 = arith.constant 0 : i32
          %dma_wait3A_187 = arith.constant 0 : i32
          %dma_wait3A_188 = tpu.memref_slice %arg11[%run_scoped3A_120, %dma_wait3A_186, %dma_wait3A_187] : memref<4x125x64xf32, #tpu.memory_space<vmem>> -> memref<1x125x64xf32, #tpu.memory_space<vmem>>
          %dma_wait3A_189 = tpu.memref_squeeze %dma_wait3A_188 : memref<1x125x64xf32, #tpu.memory_space<vmem>> -> memref<125x64xf32, #tpu.memory_space<vmem>>
          %dma_wait3A_190 = arith.constant 0 : i32
          %dma_wait3A_191 = tpu.memref_slice %arg10[%add3A_108, %dma_wait3A_190] : memref<160x125xi32, #tpu.memory_space<vmem>> -> memref<1x125xi32, #tpu.memory_space<vmem>>
          %dma_wait3A_192 = tpu.memref_squeeze %dma_wait3A_191 : memref<1x125xi32, #tpu.memory_space<vmem>> -> memref<125xi32, #tpu.memory_space<vmem>>
          %dma_wait3A_193 = arith.constant 0 : i32
          %dma_wait3A_194 = arith.constant 0 : i32
          %dma_wait3A_195 = tpu.memref_slice %arg12[%dma_wait3A_193, %dma_wait3A_194] : memref<10240x64xf32, #tpu.memory_space<vmem_shared>> -> memref<10240x64xf32, #tpu.memory_space<vmem_shared>>
          tpu.wait_indirect_dma semaphore(%run_scoped3A_175 : memref<!tpu.dma_semaphore, #tpu.memory_space<semaphore_mem>>) src(%dma_wait3A_189 : memref<125x64xf32, #tpu.memory_space<vmem>>) dst(%dma_wait3A_195 : memref<10240x64xf32, #tpu.memory_space<vmem_shared>>)
          tpu.yield
        }) : () -> ()
        %add3A_121 = arith.constant 4 : i32
        %add3A_122 = arith.addi %add3A_108, %add3A_121 : i32
        %lt3A_123 = arith.constant 160 : i32
        %lt3A_124 = arith.cmpi slt, %add3A_122, %lt3A_123 : i32
        %convert_element_type3A_125 = arith.extui %lt3A_124 : i1 to i32
        %cond3A_126 = arith.constant 0 : i32
        %cond3A_127 = arith.cmpi ne, %convert_element_type3A_125, %cond3A_126 : i32
        scf.if %cond3A_127 {
          %add3A_175 = arith.constant 4 : i32
          %add3A_176 = arith.addi %add3A_108, %add3A_175 : i32
          %dma_start3A_177 = arith.constant 1 : i32
          %dma_start3A_178 = arith.constant 0 : i32
          %dma_start3A_179 = arith.constant 0 : i32
          %dma_start3A_180 = tpu.memref_slice %arg11[%dma_start3A_177, %dma_start3A_178, %dma_start3A_179] : memref<4x125x64xf32, #tpu.memory_space<vmem>> -> memref<1x125x64xf32, #tpu.memory_space<vmem>>
          %dma_start3A_181 = tpu.memref_squeeze %dma_start3A_180 : memref<1x125x64xf32, #tpu.memory_space<vmem>> -> memref<125x64xf32, #tpu.memory_space<vmem>>
          %dma_start3A_182 = arith.constant 0 : i32
          %dma_start3A_183 = tpu.memref_slice %arg9[%add3A_176, %dma_start3A_182] : memref<160x125xi32, #tpu.memory_space<vmem>> -> memref<1x125xi32, #tpu.memory_space<vmem>>
          %dma_start3A_184 = tpu.memref_squeeze %dma_start3A_183 : memref<1x125xi32, #tpu.memory_space<vmem>> -> memref<125xi32, #tpu.memory_space<vmem>>
          %dma_start3A_185 = arith.constant 0 : i32
          %dma_start3A_186 = arith.constant 0 : i32
          %dma_start3A_187 = tpu.memref_slice %arg3[%dma_start3A_185, %dma_start3A_186] : memref<10000x64xf32, #tpu.memory_space<hbm>> -> memref<10000x64xf32, #tpu.memory_space<hbm>>
          tpu.enqueue_indirect_dma source(%dma_start3A_187 : memref<10000x64xf32, #tpu.memory_space<hbm>>) target(%dma_start3A_181 : memref<125x64xf32, #tpu.memory_space<vmem>>) offsets(%dma_start3A_184 : memref<125xi32, #tpu.memory_space<vmem>>) semaphore(%arg14 : memref<!tpu.dma_semaphore, #tpu.memory_space<semaphore_mem>>)
        } else {
        }
        %mul3A_128 = arith.constant 4 : i32
        %mul3A_129 = arith.muli %scan3A_84, %mul3A_128 : i32
        %add3A_130 = arith.constant 2 : i32
        %add3A_131 = arith.addi %mul3A_129, %add3A_130 : i32
        %dma_wait3A_132 = arith.constant 2 : i32
        %dma_wait3A_133 = arith.constant 0 : i32
        %dma_wait3A_134 = arith.constant 0 : i32
        %dma_wait3A_135 = tpu.memref_slice %arg11[%dma_wait3A_132, %dma_wait3A_133, %dma_wait3A_134] : memref<4x125x64xf32, #tpu.memory_space<vmem>> -> memref<1x125x64xf32, #tpu.memory_space<vmem>>
        %dma_wait3A_136 = tpu.memref_squeeze %dma_wait3A_135 : memref<1x125x64xf32, #tpu.memory_space<vmem>> -> memref<125x64xf32, #tpu.memory_space<vmem>>
        %dma_wait3A_137 = arith.constant 0 : i32
        %dma_wait3A_138 = tpu.memref_slice %arg9[%add3A_131, %dma_wait3A_137] : memref<160x125xi32, #tpu.memory_space<vmem>> -> memref<1x125xi32, #tpu.memory_space<vmem>>
        %dma_wait3A_139 = tpu.memref_squeeze %dma_wait3A_138 : memref<1x125xi32, #tpu.memory_space<vmem>> -> memref<125xi32, #tpu.memory_space<vmem>>
        %dma_wait3A_140 = arith.constant 0 : i32
        %dma_wait3A_141 = arith.constant 0 : i32
        %dma_wait3A_142 = tpu.memref_slice %arg3[%dma_wait3A_140, %dma_wait3A_141] : memref<10000x64xf32, #tpu.memory_space<hbm>> -> memref<10000x64xf32, #tpu.memory_space<hbm>>
        tpu.wait_indirect_dma semaphore(%arg15 : memref<!tpu.dma_semaphore, #tpu.memory_space<semaphore_mem>>) src(%dma_wait3A_142 : memref<10000x64xf32, #tpu.memory_space<hbm>>) dst(%dma_wait3A_136 : memref<125x64xf32, #tpu.memory_space<vmem>>)
        %run_scoped3A_143 = arith.constant 2 : i32
        "tpu.region"() ({
          %run_scoped3A_175 = tpu.sem_alloc : memref<!tpu.dma_semaphore, #tpu.memory_space<semaphore_mem>>
          %dma_start3A_176 = arith.constant 0 : i32
          %dma_start3A_177 = arith.constant 0 : i32
          %dma_start3A_178 = tpu.memref_slice %arg11[%run_scoped3A_143, %dma_start3A_176, %dma_start3A_177] : memref<4x125x64xf32, #tpu.memory_space<vmem>> -> memref<1x125x64xf32, #tpu.memory_space<vmem>>
          %dma_start3A_179 = tpu.memref_squeeze %dma_start3A_178 : memref<1x125x64xf32, #tpu.memory_space<vmem>> -> memref<125x64xf32, #tpu.memory_space<vmem>>
          %dma_start3A_180 = arith.constant 0 : i32
          %dma_start3A_181 = tpu.memref_slice %arg10[%add3A_131, %dma_start3A_180] : memref<160x125xi32, #tpu.memory_space<vmem>> -> memref<1x125xi32, #tpu.memory_space<vmem>>
          %dma_start3A_182 = tpu.memref_squeeze %dma_start3A_181 : memref<1x125xi32, #tpu.memory_space<vmem>> -> memref<125xi32, #tpu.memory_space<vmem>>
          %dma_start3A_183 = arith.constant 0 : i32
          %dma_start3A_184 = arith.constant 0 : i32
          %dma_start3A_185 = tpu.memref_slice %arg12[%dma_start3A_183, %dma_start3A_184] : memref<10240x64xf32, #tpu.memory_space<vmem_shared>> -> memref<10240x64xf32, #tpu.memory_space<vmem_shared>>
          tpu.enqueue_indirect_dma source(%dma_start3A_179 : memref<125x64xf32, #tpu.memory_space<vmem>>) target(%dma_start3A_185 : memref<10240x64xf32, #tpu.memory_space<vmem_shared>>) offsets(%dma_start3A_182 : memref<125xi32, #tpu.memory_space<vmem>>) semaphore(%run_scoped3A_175 : memref<!tpu.dma_semaphore, #tpu.memory_space<semaphore_mem>>) {add = true}
          %dma_wait3A_186 = arith.constant 0 : i32
          %dma_wait3A_187 = arith.constant 0 : i32
          %dma_wait3A_188 = tpu.memref_slice %arg11[%run_scoped3A_143, %dma_wait3A_186, %dma_wait3A_187] : memref<4x125x64xf32, #tpu.memory_space<vmem>> -> memref<1x125x64xf32, #tpu.memory_space<vmem>>
          %dma_wait3A_189 = tpu.memref_squeeze %dma_wait3A_188 : memref<1x125x64xf32, #tpu.memory_space<vmem>> -> memref<125x64xf32, #tpu.memory_space<vmem>>
          %dma_wait3A_190 = arith.constant 0 : i32
          %dma_wait3A_191 = tpu.memref_slice %arg10[%add3A_131, %dma_wait3A_190] : memref<160x125xi32, #tpu.memory_space<vmem>> -> memref<1x125xi32, #tpu.memory_space<vmem>>
          %dma_wait3A_192 = tpu.memref_squeeze %dma_wait3A_191 : memref<1x125xi32, #tpu.memory_space<vmem>> -> memref<125xi32, #tpu.memory_space<vmem>>
          %dma_wait3A_193 = arith.constant 0 : i32
          %dma_wait3A_194 = arith.constant 0 : i32
          %dma_wait3A_195 = tpu.memref_slice %arg12[%dma_wait3A_193, %dma_wait3A_194] : memref<10240x64xf32, #tpu.memory_space<vmem_shared>> -> memref<10240x64xf32, #tpu.memory_space<vmem_shared>>
          tpu.wait_indirect_dma semaphore(%run_scoped3A_175 : memref<!tpu.dma_semaphore, #tpu.memory_space<semaphore_mem>>) src(%dma_wait3A_189 : memref<125x64xf32, #tpu.memory_space<vmem>>) dst(%dma_wait3A_195 : memref<10240x64xf32, #tpu.memory_space<vmem_shared>>)
          tpu.yield
        }) : () -> ()
        %add3A_144 = arith.constant 4 : i32
        %add3A_145 = arith.addi %add3A_131, %add3A_144 : i32
        %lt3A_146 = arith.constant 160 : i32
        %lt3A_147 = arith.cmpi slt, %add3A_145, %lt3A_146 : i32
        %convert_element_type3A_148 = arith.extui %lt3A_147 : i1 to i32
        %cond3A_149 = arith.constant 0 : i32
        %cond3A_150 = arith.cmpi ne, %convert_element_type3A_148, %cond3A_149 : i32
        scf.if %cond3A_150 {
          %add3A_175 = arith.constant 4 : i32
          %add3A_176 = arith.addi %add3A_131, %add3A_175 : i32
          %dma_start3A_177 = arith.constant 2 : i32
          %dma_start3A_178 = arith.constant 0 : i32
          %dma_start3A_179 = arith.constant 0 : i32
          %dma_start3A_180 = tpu.memref_slice %arg11[%dma_start3A_177, %dma_start3A_178, %dma_start3A_179] : memref<4x125x64xf32, #tpu.memory_space<vmem>> -> memref<1x125x64xf32, #tpu.memory_space<vmem>>
          %dma_start3A_181 = tpu.memref_squeeze %dma_start3A_180 : memref<1x125x64xf32, #tpu.memory_space<vmem>> -> memref<125x64xf32, #tpu.memory_space<vmem>>
          %dma_start3A_182 = arith.constant 0 : i32
          %dma_start3A_183 = tpu.memref_slice %arg9[%add3A_176, %dma_start3A_182] : memref<160x125xi32, #tpu.memory_space<vmem>> -> memref<1x125xi32, #tpu.memory_space<vmem>>
          %dma_start3A_184 = tpu.memref_squeeze %dma_start3A_183 : memref<1x125xi32, #tpu.memory_space<vmem>> -> memref<125xi32, #tpu.memory_space<vmem>>
          %dma_start3A_185 = arith.constant 0 : i32
          %dma_start3A_186 = arith.constant 0 : i32
          %dma_start3A_187 = tpu.memref_slice %arg3[%dma_start3A_185, %dma_start3A_186] : memref<10000x64xf32, #tpu.memory_space<hbm>> -> memref<10000x64xf32, #tpu.memory_space<hbm>>
          tpu.enqueue_indirect_dma source(%dma_start3A_187 : memref<10000x64xf32, #tpu.memory_space<hbm>>) target(%dma_start3A_181 : memref<125x64xf32, #tpu.memory_space<vmem>>) offsets(%dma_start3A_184 : memref<125xi32, #tpu.memory_space<vmem>>) semaphore(%arg15 : memref<!tpu.dma_semaphore, #tpu.memory_space<semaphore_mem>>)
        } else {
        }
        %mul3A_151 = arith.constant 4 : i32
        %mul3A_152 = arith.muli %scan3A_84, %mul3A_151 : i32
        %add3A_153 = arith.constant 3 : i32
        %add3A_154 = arith.addi %mul3A_152, %add3A_153 : i32
        %dma_wait3A_155 = arith.constant 3 : i32
        %dma_wait3A_156 = arith.constant 0 : i32
        %dma_wait3A_157 = arith.constant 0 : i32
        %dma_wait3A_158 = tpu.memref_slice %arg11[%dma_wait3A_155, %dma_wait3A_156, %dma_wait3A_157] : memref<4x125x64xf32, #tpu.memory_space<vmem>> -> memref<1x125x64xf32, #tpu.memory_space<vmem>>
        %dma_wait3A_159 = tpu.memref_squeeze %dma_wait3A_158 : memref<1x125x64xf32, #tpu.memory_space<vmem>> -> memref<125x64xf32, #tpu.memory_space<vmem>>
        %dma_wait3A_160 = arith.constant 0 : i32
        %dma_wait3A_161 = tpu.memref_slice %arg9[%add3A_154, %dma_wait3A_160] : memref<160x125xi32, #tpu.memory_space<vmem>> -> memref<1x125xi32, #tpu.memory_space<vmem>>
        %dma_wait3A_162 = tpu.memref_squeeze %dma_wait3A_161 : memref<1x125xi32, #tpu.memory_space<vmem>> -> memref<125xi32, #tpu.memory_space<vmem>>
        %dma_wait3A_163 = arith.constant 0 : i32
        %dma_wait3A_164 = arith.constant 0 : i32
        %dma_wait3A_165 = tpu.memref_slice %arg3[%dma_wait3A_163, %dma_wait3A_164] : memref<10000x64xf32, #tpu.memory_space<hbm>> -> memref<10000x64xf32, #tpu.memory_space<hbm>>
        tpu.wait_indirect_dma semaphore(%arg16 : memref<!tpu.dma_semaphore, #tpu.memory_space<semaphore_mem>>) src(%dma_wait3A_165 : memref<10000x64xf32, #tpu.memory_space<hbm>>) dst(%dma_wait3A_159 : memref<125x64xf32, #tpu.memory_space<vmem>>)
        %run_scoped3A_166 = arith.constant 3 : i32
        "tpu.region"() ({
          %run_scoped3A_175 = tpu.sem_alloc : memref<!tpu.dma_semaphore, #tpu.memory_space<semaphore_mem>>
          %dma_start3A_176 = arith.constant 0 : i32
          %dma_start3A_177 = arith.constant 0 : i32
          %dma_start3A_178 = tpu.memref_slice %arg11[%run_scoped3A_166, %dma_start3A_176, %dma_start3A_177] : memref<4x125x64xf32, #tpu.memory_space<vmem>> -> memref<1x125x64xf32, #tpu.memory_space<vmem>>
          %dma_start3A_179 = tpu.memref_squeeze %dma_start3A_178 : memref<1x125x64xf32, #tpu.memory_space<vmem>> -> memref<125x64xf32, #tpu.memory_space<vmem>>
          %dma_start3A_180 = arith.constant 0 : i32
          %dma_start3A_181 = tpu.memref_slice %arg10[%add3A_154, %dma_start3A_180] : memref<160x125xi32, #tpu.memory_space<vmem>> -> memref<1x125xi32, #tpu.memory_space<vmem>>
          %dma_start3A_182 = tpu.memref_squeeze %dma_start3A_181 : memref<1x125xi32, #tpu.memory_space<vmem>> -> memref<125xi32, #tpu.memory_space<vmem>>
          %dma_start3A_183 = arith.constant 0 : i32
          %dma_start3A_184 = arith.constant 0 : i32
          %dma_start3A_185 = tpu.memref_slice %arg12[%dma_start3A_183, %dma_start3A_184] : memref<10240x64xf32, #tpu.memory_space<vmem_shared>> -> memref<10240x64xf32, #tpu.memory_space<vmem_shared>>
          tpu.enqueue_indirect_dma source(%dma_start3A_179 : memref<125x64xf32, #tpu.memory_space<vmem>>) target(%dma_start3A_185 : memref<10240x64xf32, #tpu.memory_space<vmem_shared>>) offsets(%dma_start3A_182 : memref<125xi32, #tpu.memory_space<vmem>>) semaphore(%run_scoped3A_175 : memref<!tpu.dma_semaphore, #tpu.memory_space<semaphore_mem>>) {add = true}
          %dma_wait3A_186 = arith.constant 0 : i32
          %dma_wait3A_187 = arith.constant 0 : i32
          %dma_wait3A_188 = tpu.memref_slice %arg11[%run_scoped3A_166, %dma_wait3A_186, %dma_wait3A_187] : memref<4x125x64xf32, #tpu.memory_space<vmem>> -> memref<1x125x64xf32, #tpu.memory_space<vmem>>
          %dma_wait3A_189 = tpu.memref_squeeze %dma_wait3A_188 : memref<1x125x64xf32, #tpu.memory_space<vmem>> -> memref<125x64xf32, #tpu.memory_space<vmem>>
          %dma_wait3A_190 = arith.constant 0 : i32
          %dma_wait3A_191 = tpu.memref_slice %arg10[%add3A_154, %dma_wait3A_190] : memref<160x125xi32, #tpu.memory_space<vmem>> -> memref<1x125xi32, #tpu.memory_space<vmem>>
          %dma_wait3A_192 = tpu.memref_squeeze %dma_wait3A_191 : memref<1x125xi32, #tpu.memory_space<vmem>> -> memref<125xi32, #tpu.memory_space<vmem>>
          %dma_wait3A_193 = arith.constant 0 : i32
          %dma_wait3A_194 = arith.constant 0 : i32
          %dma_wait3A_195 = tpu.memref_slice %arg12[%dma_wait3A_193, %dma_wait3A_194] : memref<10240x64xf32, #tpu.memory_space<vmem_shared>> -> memref<10240x64xf32, #tpu.memory_space<vmem_shared>>
          tpu.wait_indirect_dma semaphore(%run_scoped3A_175 : memref<!tpu.dma_semaphore, #tpu.memory_space<semaphore_mem>>) src(%dma_wait3A_189 : memref<125x64xf32, #tpu.memory_space<vmem>>) dst(%dma_wait3A_195 : memref<10240x64xf32, #tpu.memory_space<vmem_shared>>)
          tpu.yield
        }) : () -> ()
        %add3A_167 = arith.constant 4 : i32
        %add3A_168 = arith.addi %add3A_154, %add3A_167 : i32
        %lt3A_169 = arith.constant 160 : i32
        %lt3A_170 = arith.cmpi slt, %add3A_168, %lt3A_169 : i32
        %convert_element_type3A_171 = arith.extui %lt3A_170 : i1 to i32
        %cond3A_172 = arith.constant 0 : i32
        %cond3A_173 = arith.cmpi ne, %convert_element_type3A_171, %cond3A_172 : i32
        scf.if %cond3A_173 {
          %add3A_175 = arith.constant 4 : i32
          %add3A_176 = arith.addi %add3A_154, %add3A_175 : i32
          %dma_start3A_177 = arith.constant 3 : i32
          %dma_start3A_178 = arith.constant 0 : i32
          %dma_start3A_179 = arith.constant 0 : i32
          %dma_start3A_180 = tpu.memref_slice %arg11[%dma_start3A_177, %dma_start3A_178, %dma_start3A_179] : memref<4x125x64xf32, #tpu.memory_space<vmem>> -> memref<1x125x64xf32, #tpu.memory_space<vmem>>
          %dma_start3A_181 = tpu.memref_squeeze %dma_start3A_180 : memref<1x125x64xf32, #tpu.memory_space<vmem>> -> memref<125x64xf32, #tpu.memory_space<vmem>>
          %dma_start3A_182 = arith.constant 0 : i32
          %dma_start3A_183 = tpu.memref_slice %arg9[%add3A_176, %dma_start3A_182] : memref<160x125xi32, #tpu.memory_space<vmem>> -> memref<1x125xi32, #tpu.memory_space<vmem>>
          %dma_start3A_184 = tpu.memref_squeeze %dma_start3A_183 : memref<1x125xi32, #tpu.memory_space<vmem>> -> memref<125xi32, #tpu.memory_space<vmem>>
          %dma_start3A_185 = arith.constant 0 : i32
          %dma_start3A_186 = arith.constant 0 : i32
          %dma_start3A_187 = tpu.memref_slice %arg3[%dma_start3A_185, %dma_start3A_186] : memref<10000x64xf32, #tpu.memory_space<hbm>> -> memref<10000x64xf32, #tpu.memory_space<hbm>>
          tpu.enqueue_indirect_dma source(%dma_start3A_187 : memref<10000x64xf32, #tpu.memory_space<hbm>>) target(%dma_start3A_181 : memref<125x64xf32, #tpu.memory_space<vmem>>) offsets(%dma_start3A_184 : memref<125xi32, #tpu.memory_space<vmem>>) semaphore(%arg16 : memref<!tpu.dma_semaphore, #tpu.memory_space<semaphore_mem>>)
        } else {
        }
        %scan3A_174 = arith.constant 0 : i32
        scf.yield %scan3A_174 : i32
      }
      %scan3A_83 = arith.constant 40 : i32
    } else {
    }
    %barrier3A_18 = arith.constant 0 : index
    tpu.barrier barrier_id(%barrier3A_18)
    %mul3A_19 = arith.constant 640 : i32
    %mul3A_20 = arith.muli %arg1, %mul3A_19 : i32
    %eq3A_21 = arith.constant 0 : i32
    %eq3A_22 = arith.cmpi eq, %arg0, %eq3A_21 : i32
    %convert_element_type3A_23 = arith.extui %eq3A_22 : i1 to i32
    %cond3A_24 = arith.constant 0 : i32
    %cond3A_25 = arith.cmpi ne, %convert_element_type3A_23, %cond3A_24 : i32
    scf.if %cond3A_25 {
      "tpu.region"() ({
        %run_scoped3A = tpu.sem_alloc : memref<!tpu.dma_semaphore, #tpu.memory_space<semaphore_mem>>
        %dma_start3A = arith.constant 0 : i32
        %dma_start3A_31 = tpu.memref_slice %arg7[%mul3A_20, %dma_start3A] : memref<10240x64xf32, #tpu.memory_space<hbm>> -> memref<640x64xf32, #tpu.memory_space<hbm>>
        %dma_start3A_32 = arith.constant 0 : i32
        %dma_start3A_33 = tpu.memref_slice %arg12[%mul3A_20, %dma_start3A_32] : memref<10240x64xf32, #tpu.memory_space<vmem_shared>> -> memref<640x64xf32, #tpu.memory_space<vmem_shared>>
        tpu.enqueue_dma source(%dma_start3A_33 : memref<640x64xf32, #tpu.memory_space<vmem_shared>>) target(%dma_start3A_31 : memref<640x64xf32, #tpu.memory_space<hbm>>) target_semaphore(%run_scoped3A : memref<!tpu.dma_semaphore, #tpu.memory_space<semaphore_mem>>)
        %dma_wait3A = arith.constant 0 : i32
        %dma_wait3A_34 = tpu.memref_slice %arg7[%mul3A_20, %dma_wait3A] : memref<10240x64xf32, #tpu.memory_space<hbm>> -> memref<640x64xf32, #tpu.memory_space<hbm>>
        %dma_wait3A_35 = arith.constant 0 : i32
        %dma_wait3A_36 = tpu.memref_slice %arg12[%mul3A_20, %dma_wait3A_35] : memref<10240x64xf32, #tpu.memory_space<vmem_shared>> -> memref<640x64xf32, #tpu.memory_space<vmem_shared>>
        tpu.wait_dma2 semaphore(%run_scoped3A : memref<!tpu.dma_semaphore, #tpu.memory_space<semaphore_mem>>) src(%dma_wait3A_36 : memref<640x64xf32, #tpu.memory_space<vmem_shared>>) dst(%dma_wait3A_34 : memref<640x64xf32, #tpu.memory_space<hbm>>)
        tpu.yield
      }) : () -> ()
    } else {
    }
    %eq3A_26 = arith.constant 1 : i32
    %eq3A_27 = arith.cmpi eq, %arg0, %eq3A_26 : i32
    %convert_element_type3A_28 = arith.extui %eq3A_27 : i1 to i32
    %cond3A_29 = arith.constant 0 : i32
    %cond3A_30 = arith.cmpi ne, %convert_element_type3A_28, %cond3A_29 : i32
    scf.if %cond3A_30 {
      "tpu.region"() ({
        %run_scoped3A = tpu.sem_alloc : memref<!tpu.dma_semaphore, #tpu.memory_space<semaphore_mem>>
        %dma_start3A = arith.constant 0 : i32
        %dma_start3A_31 = tpu.memref_slice %arg8[%mul3A_20, %dma_start3A] : memref<10240x64xf32, #tpu.memory_space<hbm>> -> memref<640x64xf32, #tpu.memory_space<hbm>>
        %dma_start3A_32 = arith.constant 0 : i32
        %dma_start3A_33 = tpu.memref_slice %arg12[%mul3A_20, %dma_start3A_32] : memref<10240x64xf32, #tpu.memory_space<vmem_shared>> -> memref<640x64xf32, #tpu.memory_space<vmem_shared>>
        tpu.enqueue_dma source(%dma_start3A_33 : memref<640x64xf32, #tpu.memory_space<vmem_shared>>) target(%dma_start3A_31 : memref<640x64xf32, #tpu.memory_space<hbm>>) target_semaphore(%run_scoped3A : memref<!tpu.dma_semaphore, #tpu.memory_space<semaphore_mem>>)
        %dma_wait3A = arith.constant 0 : i32
        %dma_wait3A_34 = tpu.memref_slice %arg8[%mul3A_20, %dma_wait3A] : memref<10240x64xf32, #tpu.memory_space<hbm>> -> memref<640x64xf32, #tpu.memory_space<hbm>>
        %dma_wait3A_35 = arith.constant 0 : i32
        %dma_wait3A_36 = tpu.memref_slice %arg12[%mul3A_20, %dma_wait3A_35] : memref<10240x64xf32, #tpu.memory_space<vmem_shared>> -> memref<640x64xf32, #tpu.memory_space<vmem_shared>>
        tpu.wait_dma2 semaphore(%run_scoped3A : memref<!tpu.dma_semaphore, #tpu.memory_space<semaphore_mem>>) src(%dma_wait3A_36 : memref<640x64xf32, #tpu.memory_space<vmem_shared>>) dst(%dma_wait3A_34 : memref<640x64xf32, #tpu.memory_space<hbm>>)
        tpu.yield
      }) : () -> ()
    } else {
    }
    return
  }
}

module attributes {stable_mosaic.version = 14 : i64} {
  func.func @_matmul_body(%arg0: i32, %arg1: memref<1000x128xf32, #tpu.memory_space<vmem>>, %arg2: memref<128x128xf32, #tpu.memory_space<vmem>>, %arg3: memref<128x128xf32, #tpu.memory_space<vmem>>, %arg4: memref<1000x1xf32, #tpu.memory_space<vmem>>, %arg5: memref<1000x1xf32, #tpu.memory_space<vmem>>, %arg6: memref<1000x64xf32, #tpu.memory_space<vmem>>, %arg7: memref<1000x64xf32, #tpu.memory_space<vmem>>, %arg8: memref<1000x64xf32, #tpu.memory_space<vmem>>, %arg9: memref<1000x64xf32, #tpu.memory_space<vmem>>) attributes {dimension_semantics = [#tpu.dimension_semantics<arbitrary>], iteration_bounds = array<i64: 10>, scalar_prefetch = 0 : i64, scratch_operands = 0 : i64, tpu.core_type = #tpu.core_type<tc>, window_params = [{transform_indices = @transform_0, window_bounds = array<i64: 1000, 128>}, {pipeline_mode = #tpu.pipeline_mode<synchronous>, transform_indices = @transform_1, window_bounds = array<i64: 128, 128>}, {pipeline_mode = #tpu.pipeline_mode<synchronous>, transform_indices = @transform_2, window_bounds = array<i64: 128, 128>}, {transform_indices = @transform_3, window_bounds = array<i64: 1000, 1>}, {transform_indices = @transform_4, window_bounds = array<i64: 1000, 1>}, {transform_indices = @transform_5, window_bounds = array<i64: 1000, 64>}, {transform_indices = @transform_6, window_bounds = array<i64: 1000, 64>}, {transform_indices = @transform_7, window_bounds = array<i64: 1000, 64>}, {transform_indices = @transform_8, window_bounds = array<i64: 1000, 64>}]} {
    %get3A = arith.constant 0 : index
    %get3A_0 = arith.constant 0 : index
    %get3A_1 = vector.load %arg1[%get3A, %get3A_0] : memref<1000x128xf32, #tpu.memory_space<vmem>>, vector<1000x128xf32>
    %get3A_2 = arith.constant 0 : index
    %get3A_3 = arith.constant 0 : index
    %get3A_4 = vector.load %arg4[%get3A_2, %get3A_3] : memref<1000x1xf32, #tpu.memory_space<vmem>>, vector<1000x1xf32>
    %max3A = arith.constant 1.000000e+00 : f32
    %max3A_5 = vector.broadcast %max3A : f32 to vector<1000x1xf32>
    %max3A_6 = arith.maximumf %get3A_4, %max3A_5 : vector<1000x1xf32>
    %rsqrt3A = math.rsqrt %max3A_6 : vector<1000x1xf32>
    %get3A_7 = arith.constant 0 : index
    %get3A_8 = arith.constant 0 : index
    %get3A_9 = vector.load %arg5[%get3A_7, %get3A_8] : memref<1000x1xf32, #tpu.memory_space<vmem>>, vector<1000x1xf32>
    %max3A_10 = arith.constant 1.000000e+00 : f32
    %max3A_11 = vector.broadcast %max3A_10 : f32 to vector<1000x1xf32>
    %max3A_12 = arith.maximumf %get3A_9, %max3A_11 : vector<1000x1xf32>
    %rsqrt3A_13 = math.rsqrt %max3A_12 : vector<1000x1xf32>
    %mul3A = vector.broadcast %rsqrt3A : vector<1000x1xf32> to vector<1000x128xf32>
    %mul3A_14 = arith.mulf %get3A_1, %mul3A : vector<1000x128xf32>
    %get3A_15 = arith.constant 0 : index
    %get3A_16 = arith.constant 0 : index
    %get3A_17 = vector.load %arg2[%get3A_15, %get3A_16] : memref<128x128xf32, #tpu.memory_space<vmem>>, vector<128x128xf32>
    %dot_general3A = arith.constant dense<0.000000e+00> : vector<1000x128xf32>
    %dot_general3A_18 = tpu.matmul %mul3A_14, %get3A_17, %dot_general3A {dimension_numbers = #tpu.dot_dimension_numbers<[1], [0], [0], [1], [0, 0, 1, 1], [], []>, transpose_lhs_hint = false} : vector<1000x128xf32>, vector<128x128xf32>, vector<1000x128xf32> -> vector<1000x128xf32>
    %mul3A_19 = vector.broadcast %rsqrt3A_13 : vector<1000x1xf32> to vector<1000x128xf32>
    %mul3A_20 = arith.mulf %get3A_1, %mul3A_19 : vector<1000x128xf32>
    %get3A_21 = arith.constant 0 : index
    %get3A_22 = arith.constant 0 : index
    %get3A_23 = vector.load %arg3[%get3A_21, %get3A_22] : memref<128x128xf32, #tpu.memory_space<vmem>>, vector<128x128xf32>
    %dot_general3A_24 = arith.constant dense<0.000000e+00> : vector<1000x128xf32>
    %dot_general3A_25 = tpu.matmul %mul3A_20, %get3A_23, %dot_general3A_24 {dimension_numbers = #tpu.dot_dimension_numbers<[1], [0], [0], [1], [0, 0, 1, 1], [], []>, transpose_lhs_hint = false} : vector<1000x128xf32>, vector<128x128xf32>, vector<1000x128xf32> -> vector<1000x128xf32>
    %slice3A = vector.extract_strided_slice %dot_general3A_18 {offsets = [0, 0], sizes = [1000, 64], strides = [1, 1]} : vector<1000x128xf32> to vector<1000x64xf32>
    %swap3A = arith.constant 0 : index
    %swap3A_26 = arith.constant 0 : index
    %swap3A_27 = vector.load %arg6[%swap3A, %swap3A_26] : memref<1000x64xf32, #tpu.memory_space<vmem>>, vector<1000x64xf32>
    tpu.vector_store %arg6[%swap3A, %swap3A_26], %slice3A {strides = array<i32>} : memref<1000x64xf32, #tpu.memory_space<vmem>>, vector<1000x64xf32>,
    %slice3A_28 = vector.extract_strided_slice %dot_general3A_18 {offsets = [0, 64], sizes = [1000, 64], strides = [1, 1]} : vector<1000x128xf32> to vector<1000x64xf32>
    %swap3A_29 = arith.constant 0 : index
    %swap3A_30 = arith.constant 0 : index
    %swap3A_31 = vector.load %arg7[%swap3A_29, %swap3A_30] : memref<1000x64xf32, #tpu.memory_space<vmem>>, vector<1000x64xf32>
    tpu.vector_store %arg7[%swap3A_29, %swap3A_30], %slice3A_28 {strides = array<i32>} : memref<1000x64xf32, #tpu.memory_space<vmem>>, vector<1000x64xf32>,
    %slice3A_32 = vector.extract_strided_slice %dot_general3A_25 {offsets = [0, 0], sizes = [1000, 64], strides = [1, 1]} : vector<1000x128xf32> to vector<1000x64xf32>
    %swap3A_33 = arith.constant 0 : index
    %swap3A_34 = arith.constant 0 : index
    %swap3A_35 = vector.load %arg8[%swap3A_33, %swap3A_34] : memref<1000x64xf32, #tpu.memory_space<vmem>>, vector<1000x64xf32>
    tpu.vector_store %arg8[%swap3A_33, %swap3A_34], %slice3A_32 {strides = array<i32>} : memref<1000x64xf32, #tpu.memory_space<vmem>>, vector<1000x64xf32>,
    %slice3A_36 = vector.extract_strided_slice %dot_general3A_25 {offsets = [0, 64], sizes = [1000, 64], strides = [1, 1]} : vector<1000x128xf32> to vector<1000x64xf32>
    %swap3A_37 = arith.constant 0 : index
    %swap3A_38 = arith.constant 0 : index
    %swap3A_39 = vector.load %arg9[%swap3A_37, %swap3A_38] : memref<1000x64xf32, #tpu.memory_space<vmem>>, vector<1000x64xf32>
    tpu.vector_store %arg9[%swap3A_37, %swap3A_38], %slice3A_36 {strides = array<i32>} : memref<1000x64xf32, #tpu.memory_space<vmem>>, vector<1000x64xf32>,
    return
  }
  func.func @transform_0(%arg0: i32) -> (i32, i32) {
    %c0_i32 = arith.constant 0 : i32
    %c0_i32_0 = arith.constant 0 : i32
    return %arg0, %c0_i32 : i32, i32
  }
  func.func @transform_1(%arg0: i32) -> (i32, i32) {
    %c0_i32 = arith.constant 0 : i32
    %c0_i32_0 = arith.constant 0 : i32
    %c0_i32_1 = arith.constant 0 : i32
    return %c0_i32, %c0_i32_0 : i32, i32
  }
  func.func @transform_2(%arg0: i32) -> (i32, i32) {
    %c0_i32 = arith.constant 0 : i32
    %c0_i32_0 = arith.constant 0 : i32
    %c0_i32_1 = arith.constant 0 : i32
    return %c0_i32, %c0_i32_0 : i32, i32
  }
  func.func @transform_3(%arg0: i32) -> (i32, i32) {
    %c0_i32 = arith.constant 0 : i32
    %c0_i32_0 = arith.constant 0 : i32
    return %arg0, %c0_i32 : i32, i32
  }
  func.func @transform_4(%arg0: i32) -> (i32, i32) {
    %c0_i32 = arith.constant 0 : i32
    %c0_i32_0 = arith.constant 0 : i32
    return %arg0, %c0_i32 : i32, i32
  }
  func.func @transform_5(%arg0: i32) -> (i32, i32) {
    %c0_i32 = arith.constant 0 : i32
    %c0_i32_0 = arith.constant 0 : i32
    return %arg0, %c0_i32 : i32, i32
  }
  func.func @transform_6(%arg0: i32) -> (i32, i32) {
    %c0_i32 = arith.constant 0 : i32
    %c0_i32_0 = arith.constant 0 : i32
    return %arg0, %c0_i32 : i32, i32
  }
  func.func @transform_7(%arg0: i32) -> (i32, i32) {
    %c0_i32 = arith.constant 0 : i32
    %c0_i32_0 = arith.constant 0 : i32
    return %arg0, %c0_i32 : i32, i32
  }
  func.func @transform_8(%arg0: i32) -> (i32, i32) {
    %c0_i32 = arith.constant 0 : i32
    %c0_i32_0 = arith.constant 0 : i32
    return %arg0, %c0_i32 : i32, i32
  }
}

module attributes {stable_mosaic.version = 14 : i64} {
  func.func @_combine_body(%arg0: i32, %arg1: memref<1000x64xf32, #tpu.memory_space<vmem>>, %arg2: memref<1000x64xf32, #tpu.memory_space<vmem>>, %arg3: memref<1000x64xf32, #tpu.memory_space<vmem>>, %arg4: memref<1000x64xf32, #tpu.memory_space<vmem>>, %arg5: memref<1000x1xf32, #tpu.memory_space<vmem>>, %arg6: memref<1000x1xf32, #tpu.memory_space<vmem>>, %arg7: memref<1x128xf32, #tpu.memory_space<vmem>>, %arg8: memref<1x128xf32, #tpu.memory_space<vmem>>, %arg9: memref<1000x128xf32, #tpu.memory_space<vmem>>) attributes {dimension_semantics = [#tpu.dimension_semantics<arbitrary>], iteration_bounds = array<i64: 10>, scalar_prefetch = 0 : i64, scratch_operands = 0 : i64, tpu.core_type = #tpu.core_type<tc>, window_params = [{transform_indices = @transform_0, window_bounds = array<i64: 1000, 64>}, {transform_indices = @transform_1, window_bounds = array<i64: 1000, 64>}, {transform_indices = @transform_2, window_bounds = array<i64: 1000, 64>}, {transform_indices = @transform_3, window_bounds = array<i64: 1000, 64>}, {transform_indices = @transform_4, window_bounds = array<i64: 1000, 1>}, {transform_indices = @transform_5, window_bounds = array<i64: 1000, 1>}, {pipeline_mode = #tpu.pipeline_mode<synchronous>, transform_indices = @transform_6, window_bounds = array<i64: 1, 128>}, {pipeline_mode = #tpu.pipeline_mode<synchronous>, transform_indices = @transform_7, window_bounds = array<i64: 1, 128>}, {transform_indices = @transform_8, window_bounds = array<i64: 1000, 128>}]} {
    %get3A = arith.constant 0 : index
    %get3A_0 = arith.constant 0 : index
    %get3A_1 = vector.load %arg5[%get3A, %get3A_0] : memref<1000x1xf32, #tpu.memory_space<vmem>>, vector<1000x1xf32>
    %max3A = arith.constant 1.000000e+00 : f32
    %max3A_2 = vector.broadcast %max3A : f32 to vector<1000x1xf32>
    %max3A_3 = arith.maximumf %get3A_1, %max3A_2 : vector<1000x1xf32>
    %rsqrt3A = math.rsqrt %max3A_3 : vector<1000x1xf32>
    %get3A_4 = arith.constant 0 : index
    %get3A_5 = arith.constant 0 : index
    %get3A_6 = vector.load %arg6[%get3A_4, %get3A_5] : memref<1000x1xf32, #tpu.memory_space<vmem>>, vector<1000x1xf32>
    %max3A_7 = arith.constant 1.000000e+00 : f32
    %max3A_8 = vector.broadcast %max3A_7 : f32 to vector<1000x1xf32>
    %max3A_9 = arith.maximumf %get3A_6, %max3A_8 : vector<1000x1xf32>
    %rsqrt3A_10 = math.rsqrt %max3A_9 : vector<1000x1xf32>
    %get3A_11 = arith.constant 0 : index
    %get3A_12 = arith.constant 0 : index
    %get3A_13 = vector.load %arg7[%get3A_11, %get3A_12] : memref<1x128xf32, #tpu.memory_space<vmem>>, vector<1x128xf32>
    %get3A_14 = arith.constant 0 : index
    %get3A_15 = arith.constant 0 : index
    %get3A_16 = vector.load %arg8[%get3A_14, %get3A_15] : memref<1x128xf32, #tpu.memory_space<vmem>>, vector<1x128xf32>
    %add3A = arith.addf %get3A_13, %get3A_16 : vector<1x128xf32>
    %get3A_17 = arith.constant 0 : index
    %get3A_18 = arith.constant 0 : index
    %get3A_19 = vector.load %arg1[%get3A_17, %get3A_18] : memref<1000x64xf32, #tpu.memory_space<vmem>>, vector<1000x64xf32>
    %mul3A = vector.broadcast %rsqrt3A : vector<1000x1xf32> to vector<1000x64xf32>
    %mul3A_20 = arith.mulf %get3A_19, %mul3A : vector<1000x64xf32>
    %get3A_21 = arith.constant 0 : index
    %get3A_22 = arith.constant 0 : index
    %get3A_23 = vector.load %arg3[%get3A_21, %get3A_22] : memref<1000x64xf32, #tpu.memory_space<vmem>>, vector<1000x64xf32>
    %mul3A_24 = vector.broadcast %rsqrt3A_10 : vector<1000x1xf32> to vector<1000x64xf32>
    %mul3A_25 = arith.mulf %get3A_23, %mul3A_24 : vector<1000x64xf32>
    %add3A_26 = arith.addf %mul3A_20, %mul3A_25 : vector<1000x64xf32>
    %slice3A = vector.extract_strided_slice %add3A {offsets = [0, 0], sizes = [1, 64], strides = [1, 1]} : vector<1x128xf32> to vector<1x64xf32>
    %add3A_27 = vector.broadcast %slice3A : vector<1x64xf32> to vector<1000x64xf32>
    %add3A_28 = arith.addf %add3A_26, %add3A_27 : vector<1000x64xf32>
    %get3A_29 = arith.constant 0 : index
    %get3A_30 = arith.constant 0 : index
    %get3A_31 = vector.load %arg2[%get3A_29, %get3A_30] : memref<1000x64xf32, #tpu.memory_space<vmem>>, vector<1000x64xf32>
    %mul3A_32 = vector.broadcast %rsqrt3A : vector<1000x1xf32> to vector<1000x64xf32>
    %mul3A_33 = arith.mulf %get3A_31, %mul3A_32 : vector<1000x64xf32>
    %get3A_34 = arith.constant 0 : index
    %get3A_35 = arith.constant 0 : index
    %get3A_36 = vector.load %arg4[%get3A_34, %get3A_35] : memref<1000x64xf32, #tpu.memory_space<vmem>>, vector<1000x64xf32>
    %mul3A_37 = vector.broadcast %rsqrt3A_10 : vector<1000x1xf32> to vector<1000x64xf32>
    %mul3A_38 = arith.mulf %get3A_36, %mul3A_37 : vector<1000x64xf32>
    %add3A_39 = arith.addf %mul3A_33, %mul3A_38 : vector<1000x64xf32>
    %slice3A_40 = vector.extract_strided_slice %add3A {offsets = [0, 64], sizes = [1, 64], strides = [1, 1]} : vector<1x128xf32> to vector<1x64xf32>
    %add3A_41 = vector.broadcast %slice3A_40 : vector<1x64xf32> to vector<1000x64xf32>
    %add3A_42 = arith.addf %add3A_39, %add3A_41 : vector<1000x64xf32>
    %mul3A_43 = arith.mulf %add3A_28, %add3A_28 : vector<1000x64xf32>
    %reduce_sum3A = arith.constant dense<0.000000e+00> : vector<1000xf32>
    %reduce_sum3A_44 = vector.multi_reduction <add>, %mul3A_43, %reduce_sum3A [1] : vector<1000x64xf32> to vector<1000xf32>
    %broadcast_in_dim3A = vector.shape_cast %reduce_sum3A_44 : vector<1000xf32> to vector<1000x1xf32>
    %mul3A_45 = arith.mulf %add3A_42, %add3A_42 : vector<1000x64xf32>
    %reduce_sum3A_46 = arith.constant dense<0.000000e+00> : vector<1000xf32>
    %reduce_sum3A_47 = vector.multi_reduction <add>, %mul3A_45, %reduce_sum3A_46 [1] : vector<1000x64xf32> to vector<1000xf32>
    %broadcast_in_dim3A_48 = vector.shape_cast %reduce_sum3A_47 : vector<1000xf32> to vector<1000x1xf32>
    %add3A_49 = arith.addf %broadcast_in_dim3A, %broadcast_in_dim3A_48 : vector<1000x1xf32>
    %max3A_50 = arith.constant 1.000000e-24 : f32
    %max3A_51 = vector.broadcast %max3A_50 : f32 to vector<1000x1xf32>
    %max3A_52 = arith.maximumf %add3A_49, %max3A_51 : vector<1000x1xf32>
    %rsqrt3A_53 = math.rsqrt %max3A_52 : vector<1000x1xf32>
    %mul3A_54 = vector.broadcast %rsqrt3A_53 : vector<1000x1xf32> to vector<1000x64xf32>
    %mul3A_55 = arith.mulf %add3A_28, %mul3A_54 : vector<1000x64xf32>
    %swap3A = arith.constant 0 : index
    %swap3A_56 = arith.constant 0 : index
    %swap3A_57 = vector.load %arg9[%swap3A, %swap3A_56] : memref<1000x128xf32, #tpu.memory_space<vmem>>, vector<1000x64xf32>
    tpu.vector_store %arg9[%swap3A, %swap3A_56], %mul3A_55 {strides = array<i32>} : memref<1000x128xf32, #tpu.memory_space<vmem>>, vector<1000x64xf32>,
    %mul3A_58 = vector.broadcast %rsqrt3A_53 : vector<1000x1xf32> to vector<1000x64xf32>
    %mul3A_59 = arith.mulf %add3A_42, %mul3A_58 : vector<1000x64xf32>
    %swap3A_60 = arith.constant 0 : index
    %swap3A_61 = arith.constant 64 : index
    %swap3A_62 = vector.load %arg9[%swap3A_60, %swap3A_61] : memref<1000x128xf32, #tpu.memory_space<vmem>>, vector<1000x64xf32>
    tpu.vector_store %arg9[%swap3A_60, %swap3A_61], %mul3A_59 {strides = array<i32>} : memref<1000x128xf32, #tpu.memory_space<vmem>>, vector<1000x64xf32>,
    return
  }
  func.func @transform_0(%arg0: i32) -> (i32, i32) {
    %c0_i32 = arith.constant 0 : i32
    %c0_i32_0 = arith.constant 0 : i32
    return %arg0, %c0_i32 : i32, i32
  }
  func.func @transform_1(%arg0: i32) -> (i32, i32) {
    %c0_i32 = arith.constant 0 : i32
    %c0_i32_0 = arith.constant 0 : i32
    return %arg0, %c0_i32 : i32, i32
  }
  func.func @transform_2(%arg0: i32) -> (i32, i32) {
    %c0_i32 = arith.constant 0 : i32
    %c0_i32_0 = arith.constant 0 : i32
    return %arg0, %c0_i32 : i32, i32
  }
  func.func @transform_3(%arg0: i32) -> (i32, i32) {
    %c0_i32 = arith.constant 0 : i32
    %c0_i32_0 = arith.constant 0 : i32
    return %arg0, %c0_i32 : i32, i32
  }
  func.func @transform_4(%arg0: i32) -> (i32, i32) {
    %c0_i32 = arith.constant 0 : i32
    %c0_i32_0 = arith.constant 0 : i32
    return %arg0, %c0_i32 : i32, i32
  }
  func.func @transform_5(%arg0: i32) -> (i32, i32) {
    %c0_i32 = arith.constant 0 : i32
    %c0_i32_0 = arith.constant 0 : i32
    return %arg0, %c0_i32 : i32, i32
  }
  func.func @transform_6(%arg0: i32) -> (i32, i32) {
    %c0_i32 = arith.constant 0 : i32
    %c0_i32_0 = arith.constant 0 : i32
    %c0_i32_1 = arith.constant 0 : i32
    return %c0_i32, %c0_i32_0 : i32, i32
  }
  func.func @transform_7(%arg0: i32) -> (i32, i32) {
    %c0_i32 = arith.constant 0 : i32
    %c0_i32_0 = arith.constant 0 : i32
    %c0_i32_1 = arith.constant 0 : i32
    return %c0_i32, %c0_i32_0 : i32, i32
  }
  func.func @transform_8(%arg0: i32) -> (i32, i32) {
    %c0_i32 = arith.constant 0 : i32
    %c0_i32_0 = arith.constant 0 : i32
    return %arg0, %c0_i32 : i32, i32
  }
}

</mosaic_0001>

<sc_bundles>
// kernel: kernel.10.cloned.1.call-start
scs
__scs_entry_jumppad:
0x0: {  	(pc) =	sbr.rel $0x88, $3  }
0x1: {  	(tag) =	ssettag $0x0;
	lr =	simm.s32 $0x1  }
0x2: {  	[smem:$0x3F9A] =	sst lr;
	_ =	strace $0xD0000000  }
0x3: {  	_ = 	snop  }
0x4: {  	_ = 	snop  }
0x5: {  	_ = 	snop  }
0x6: {  	_ = 	snop  }
0x7: {  	_ = 	snop  }
__scs_overlays_trampoline_lowered:
0x8: {  	[smem:$0x3FA9] =	sst s0  }
0x9: {  	[smem:$0x3FAA] =	sst s1  }
0xa: {  	[smem:$0x3FAB] =	sst s2  }
0xb: {  	[smem:$0x3FAC] =	sst s3  }
0xc: {  	[smem:$0x3FAD] =	sst s4  }
0xd: {  	[smem:$0x3FAE] =	sst s5  }
0xe: {  	[smem:$0x3FAF] =	sst s6  }
0xf: {  	[smem:$0x3FB0] =	sst s7  }
0x10: {  	[smem:$0x3FB1] =	sst s8  }
0x11: {  	[smem:$0x3FB2] =	sst s9;
	s0 =	simm.s32 @!p0 $0x0  }
0x12: {  	s1 =	sld [smem:$0x3F98];
	s0 =	simm.s32 @p0 $0x1  }
0x13: {  	[smem:$0x3FB3] =	sst s0;
	s0 =	simm.s32 @!p1 $0x0  }
0x14: {  	s2 =	sld [smem:$0x3F97];
	s0 =	simm.s32 @p1 $0x1  }
0x15: {  	[smem:$0x3FB4] =	sst s0;
	s0 =	simm.s32 @!p2 $0x0  }
0x16: {  	s3 =	sld [smem:$0x3FDB];
	s0 =	simm.s32 @p2 $0x1  }
0x17: {  	s4 =	simm.s32 $0x1BF5;
	[smem:$0x3FB6] =	sst s0  }
0x18: {  	s0 =	sld [smem:$0x3F99];
	_ =	swait.ge [sflag:s4], $0x0  }
0x19: {  	s7 =	sld [smem:$0x3F9A]  }
0x1a: {  	s8 =	sadd.s32 $0xFFFFE003, lr  }
0x1b: {  	s9 =	sadd.s32 $0xFFFFFEF7, lr;
	s5 =	simm.s32 $0xFFFFFFFF;
	p2 =	slt.u32 s8, $0xFFFFF086  }
0x1c: {  	p1 =	slt.u32 s9, $0xF7A;
	s5 =	simm.s32 @!p2 $0x0  }
0x1d: {  	s5 =	simm.s32 @p1 $0x1;
	p0 =	seq.s32 s7, s2  }
0x1e: {  	s7 =	smul.u32 @!p0 $0xF7A, s2;
	p2 =	seq.s32 @!p0 s5, $0x0  }
0x1f: {  	s9 =	smul.u32 $0xF7A, s1;
	s8 =	simm.s32 @!p0 $0x1BF5;
	p2 =	por !p2, p0  }
0x20: {  	[sflag:s8] =	ssyncset.s32 @!p0 $0xFFFFF086;
	s6 =	sadd.s32 @!p0 s3, s7;
	s7 =	simm.s32 @!p0 $0x108  }
0x21: {  	s3 =	sadd.s32 s3, s9;
	s6 =	sadd.s32 @!p0 $0x88, s6;
	s7 =	simm.s32 @p2 $0x1082  }
0x22: {  	[simem:s7], [sflag:s8] =	dma.local @!p0 [hbm:s6], $0xF7A  }
0x23: {  	s9 =	sor.u32 $0xD0000000, s2;
	s6 =	simm.s32 $0x108;
	_ =	swait.ge @!p0 [sflag:s8], $0x0  }
0x24: {  	s3 =	sadd.s32 $0x88, s3;
	s6 =	simm.s32 @!p1 $0x1082;
	[sflag:s4] =	ssyncset.s32 $0xFFFFF086  }
0x25: {  	[simem:s6], [sflag:s4] =	dma.local [hbm:s3], $0xF7A  }
0x26: {  	[smem:$0x3F9A] =	sst s1;
	(tag) =	ssettag s2;
	_ =	strace s9  }
0x27: {  	s1 =	sld [smem:$0x3FAA]  }
0x28: {  	s2 =	sld [smem:$0x3FAB]  }
0x29: {  	s4 =	sld [smem:$0x3FAD]  }
0x2a: {  	p0 =	seq.s32 s5, $0x0;
	s5 =	sld [smem:$0x3FAE]  }
0x2b: {  	s6 =	sld [smem:$0x3FAF]  }
0x2c: {  	s7 =	sld [smem:$0x3FB0]  }
0x2d: {  	s3 =	simm.s32 $0x108;
	s8 =	sld [smem:$0x3FB1]  }
0x2e: {  	s3 =	simm.s32 @!p0 $0x1082;
	s9 =	sld [smem:$0x3FB2]  }
0x2f: {  	lr =	sadd.s32 s0, s3;
	s0 =	sld [smem:$0x3FA9]  }
0x30: {  	s3 =	sld [smem:$0x3FAC]  }
0x31: {  	[smem:$0x3FB5] =	sst s10  }
0x32: {  	s10 =	sld [smem:$0x3FB3];
	_ =	sdelay $0x3  }
0x33: {  	p0 =	seq.s32 s10, $0x1;
	s10 =	sld [smem:$0x3FB5];
	_ =	sdelay $0x3  }
0x34: {  	[smem:$0x3FB5] =	sst s10  }
0x35: {  	s10 =	sld [smem:$0x3FB4];
	_ =	sdelay $0x3  }
0x36: {  	p1 =	seq.s32 s10, $0x1;
	s10 =	sld [smem:$0x3FB5];
	_ =	sdelay $0x3  }
0x37: {  	[smem:$0x3FB5] =	sst s10  }
0x38: {  	s10 =	sld [smem:$0x3FB6]  }
0x39: {  	_ = 	snop;
	(pc) =	sbr.ind lr, $3  }
0x3a: {  	_ = 	snop  }
0x3b: {  	_ = 	snop  }
0x3c: {  	p2 =	seq.s32 s10, $0x1;
	s10 =	sld [smem:$0x3FB5]  }
0x3d: {  	_ =	shalt  }
0x3e: {  	_ =	shalt  }
0x3f: {  	_ =	shalt  }
0x40: {  	_ =	shalt  }
0x41: {  	_ =	shalt  }
0x42: {  	_ =	shalt  }
0x43: {  	_ =	shalt  }
0x44: {  	_ =	shalt  }
0x45: {  	_ =	shalt  }
0x46: {  	_ =	shalt  }
0x47: {  	_ =	shalt  }
0x48: {  	_ =	shalt  }
0x49: {  	_ =	shalt  }
0x4a: {  	_ =	shalt  }
0x4b: {  	_ =	shalt  }
0x4c: {  	_ =	shalt  }
0x4d: {  	_ =	shalt  }
0x4e: {  	_ =	shalt  }
0x4f: {  	_ =	shalt  }
0x50: {  	_ =	shalt  }
0x51: {  	_ =	shalt  }
0x52: {  	_ =	shalt  }
0x53: {  	_ =	shalt  }
0x54: {  	_ =	shalt  }
0x55: {  	_ =	shalt  }
0x56: {  	_ =	shalt  }
0x57: {  	_ =	shalt  }
0x58: {  	_ =	shalt  }
0x59: {  	_ =	shalt  }
0x5a: {  	_ =	shalt  }
0x5b: {  	_ =	shalt  }
0x5c: {  	_ =	shalt  }
0x5d: {  	_ =	shalt  }
0x5e: {  	_ =	shalt  }
0x5f: {  	_ =	shalt  }
0x60: {  	_ =	shalt  }
0x61: {  	_ =	shalt  }
0x62: {  	_ =	shalt  }
0x63: {  	_ =	shalt  }
0x64: {  	_ =	shalt  }
0x65: {  	_ =	shalt  }
0x66: {  	_ =	shalt  }
0x67: {  	_ =	shalt  }
0x68: {  	_ =	shalt  }
0x69: {  	_ =	shalt  }
0x6a: {  	_ =	shalt  }
0x6b: {  	_ =	shalt  }
0x6c: {  	_ =	shalt  }
0x6d: {  	_ =	shalt  }
0x6e: {  	_ =	shalt  }
0x6f: {  	_ =	shalt  }
0x70: {  	_ =	shalt  }
0x71: {  	_ =	shalt  }
0x72: {  	_ =	shalt  }
0x73: {  	_ =	shalt  }
0x74: {  	_ =	shalt  }
0x75: {  	_ =	shalt  }
0x76: {  	_ =	shalt  }
0x77: {  	_ =	shalt  }
0x78: {  	_ =	shalt  }
0x79: {  	_ =	shalt  }
0x7a: {  	_ =	shalt  }
0x7b: {  	_ =	shalt  }
0x7c: {  	_ =	shalt  }
0x7d: {  	_ =	shalt  }
0x7e: {  	_ =	shalt  }
0x7f: {  	_ =	shalt  }
0x80: {  	_ =	shalt  }
0x81: {  	_ =	shalt  }
0x82: {  	_ =	shalt  }
0x83: {  	_ =	shalt  }
0x84: {  	_ =	shalt  }
0x85: {  	_ =	shalt  }
0x86: {  	_ =	shalt  }
0x87: {  	_ =	shalt  }
.Lfunc_end0:
.L_simem_size_0:
called_computation.1_lowered:
.L_overlay_start_0:
0x88: {  	s2 =	sld [smem:$0x3FD9]  }
0x89: {  	s3 =	sld [smem:$0x3FFE];
	_ =	sdelay $0x1  }
0x8a: {  	s1 =	srdreg.scid  }
0x8b: {  	s0 =	sand.u32 $0x1, s1  }
0x8c: {  	s17 =	sshll.u32 s0, $0xA;
	s2 =	sadd.s32 s3, s2  }
0x8d: {  	s2 =	sadd.s32 s2, s17  }
0x8e: {  	[smem:$0x3FC1] =	sst s2  }
0x8f: {  	_ = 	snop  }
0x90: {  	s18 =	sld [smem:$0x3FD0];
	(tm) =	ssettm $0x1  }
0x91: {  	s19 =	sld [smem:$0x3FFB];
	_ =	sdelay $0x3  }
0x92: {  	_ =	strace s19  }
0x93: {  	s2 =	sld [smem:$0x3FFC];
	_ =	sdelay $0x3  }
0x94: {  	_ =	strace s2  }
0x95: {  	s2 =	sld [smem:$0x3FFD];
	_ =	sdelay $0x3  }
0x96: {  	_ =	strace s2  }
0x97: {  	_ =	strace $0x8FFFFFFF  }
0x98: {  	s20 =	sld [smem:$0x3FDB];
	_ =	sdelay $0x1  }
0x99: {  	s4 =	simm.s32 $_scs_section_size  }
0x9a: {  	s5 =	simm.s32 $_size__tile_overlayer_lowered;
	s6 =	simm.s32 $_tile_overlayer_lowered  }
0x9b: {  	s7 =	simm.s32 $0x1BFF;
	s21 =	sshll.u32 s6, $0x1;
	s4 =	sadd.s32 s4, s20  }
0x9c: {  	s22 =	simm.s32 $0x0;
	s5 =	sshll.u32 s5, $0x1;
	s6 =	sadd.s32 s21, s4  }
0x9d: {  	[timem:s22], [sflag:s7] =	dma.local [hbm:s6], s5  }
0x9e: {  	_ =	swait.ge [sflag:s7], s5  }
0x9f: {  	s5 =	ssub.s32 $0x0, s5;
	[sflag:s7] =	ssyncset.done $0x0  }
0xa0: {  	[sflag:s7] =	ssyncadd.s32 s5;
	_ =	sdelay $0x1  }
0xa1: {  	s23 =	simm.s32 $0x1B8B  }
0xa2: {  	_ =	swait.ge [sflag:s23], $0x1  }
0xa3: {  	[sflag:s23] =	ssyncset.done $0x0  }
0xa4: {  	[sflag:s23] =	ssyncadd.s32 $0xFFFFFFFF  }
0xa5: {  	s5 =	sld [smem:$0x0]  }
0xa6: {  	s6 =	sand.u32 $0xFFFFFFFE, s1  }
0xa7: {  	p0 =	sne.s32 s1, s6  }
0xa8: {  	s6 =	sshll.u32 @p0 s6, $0xE  }
0xa9: {  	s6 =	sadd.s32 @p0 $0x11B8D, s6;
	s7 =	sshll.u32 @p0 s5, $0x11  }
0xaa: {  	s6 =	sor.u32 @p0 s7, s6  }
0xab: {  	[sflag:s6] =	ssyncadd.remote.s32 @p0 $0x1;
	_ =	sdelay $0x1  }
0xac: {  	s6 =	simm.s32 @p0 $0x1B8D  }
0xad: {  	_ =	swait.eq @p0 [sflag:s6], $0x1  }
0xae: {  	[sflag:s6] =	ssyncadd.s32 @p0 $0xFFFFFFFF  }
0xaf: {  	s7 =	sshll.u32 @!p0 s1, $0xE  }
0xb0: {  	s7 =	sor.u32 @!p0 $0x4000, s7;
	s6 =	simm.s32 @!p0 $0x1B8D  }
0xb1: {  	s5 =	sshll.u32 @!p0 s5, $0x11;
	s7 =	sadd.s32 @!p0 $0x11B8D, s7;
	_ =	swait.eq @!p0 [sflag:s6], $0x1  }
0xb2: {  	s5 =	sor.u32 @!p0 s5, s7;
	[sflag:s6] =	ssyncadd.s32 @!p0 $0xFFFFFFFF  }
0xb3: {  	s25 =	simm.s32 $0x1B8E;
	s24 =	sld [smem:$0x3FFE];
	[sflag:s5] =	ssyncadd.remote.s32 @!p0 $0x1  }
0xb4: {  	s26 =	simm.s32 $execute0_lowered;
	[smem:$0x3FD2] =	sst s25  }
0xb5: {  	s6 =	sshll.u32 s26, $0x1;
	_ =	strace $0x8000004C;
	[dreg:$0x1] =	wrdreg $0xFFFFFFFF  }
0xb6: {  	s28 =	simm.s32 $_size_execute0_lowered;
	s4 =	sadd.s32 s4, s6;
	[dreg:$0x0] =	wrdreg $0x0  }
0xb7: {  	s6 =	sshll.u32 s28, $0x1;
	[dreg:$0x2] =	wrdreg s4  }
0xb8: {  	[dreg:$0x3] =	wrdreg s6  }
0xb9: {  	[dreg:$0x4] =	wrdreg $0xC0  }
0xba: {  	_ =	task [dreg:s22], $0x5FFFF  }
0xbb: {  	[dreg:$0x1] =	wrdreg $0xFFFFFFFF  }
0xbc: {  	[dreg:$0x0] =	wrdreg $0x60  }
0xbd: {  	[dreg:$0x2] =	wrdreg s24  }
0xbe: {  	[dreg:$0x3] =	wrdreg s18  }
0xbf: {  	[dreg:$0x4] =	wrdreg $0x11D000  }
0xc0: {  	[dreg:$0x5] =	wrdreg $0x9  }
0xc1: {  	_ =	task.clear_ibuf [dreg:s22], $0x6FFFF;
	_ =	strace $0x9000004C  }
0xc2: {  	s29 =	simm.s32 $0x9;
	_ =	strace $0x8000004E  }
0xc3: {  	_ =	swait.ge [sflag:s29], $0x1  }
0xc4: {  	[sflag:s29] =	ssyncadd.s32 $0xFFFFFFFF  }
0xc5: {  	_ =	strace $0x9000004E  }
0xc6: {  	_ =	sfence  }
0xc7: {  	s30 =	sld [smem:$0x0];
	_ =	sdelay $0x2  }
0xc8: {  	s31 =	sshll.u32 s1, $0xD;
	s1 =	sshrl.u32 s1, $0x2  }
0xc9: {  	s4 =	sand.u32 $0x4000, s31;
	s1 =	sadd.s32 s1, s30  }
0xca: {  	s0 =	sor.u32 s4, s0;
	s1 =	sshll.u32 s1, $0x11  }
0xcb: {  	s0 =	sor.u32 s1, s0  }
0xcc: {  	s0 =	sadd.s32 $0x8F2B, s0  }
0xcd: {  	[sflag:s0] =	ssyncadd.remote.s32 $0x1  }
0xce: {  	_ =	sfence.sel $0xFFFF  }
0xcf: {  	[dreg:$0x0] =	wrdreg $0xFFFFFFFF;
	(pc) =	sbr.abs _section_cstart, $3  }
0xd0: {  	[dreg:$0x1] =	wrdreg $0xFFFFFFFF  }
0xd1: {  	_ =	task.clear_ibuf [dreg:s22], $0x2FFFF;
	_ =	strace $0x9FFFFFFF  }
0xd2: {  	(tm) =	ssettm $0x7FFFFFFF  }
0xd3: {  	_ =	shalt  }
tec
execute0_lowered:
.L_overlay_start_1:
0x0: {  	(tag) =	ssettag $0x1  }
0x1: {  	s0 =	rddreg [dreg:$0x0]  }
0x2: {  	s2 =	rddreg [dreg:$0x2]  }
0x3: {  	s3 =	simm.s32 $0x0;
	s1 =	srdreg.scid;
	s13 =	stileid.u32  }
0x4: {  	s17 =	simm.s32 $0x5;
	s19 =	simm.s32 $0x7D;
	s20 =	simm.s32 $0xA000  }
0x5: {  	s21 =	simm.s32 $0x80;
	s22 =	simm.s32 $0xBF40;
	s23 =	simm.s32 $0x100  }
0x6: {  	s28 =	simm.s32 $0x1;
	s29 =	simm.s32 $0x2;
	s30 =	simm.s32 $0x3  }
0x7: {  	s31 =	simm.s32 $0x4;
	[smem:$0x7FF] =	sst s3;
	s5 =	sadd.s32 $0x9B400, s0  }
0x8: {  	s6 =	sadd.s32 $0x87A00, s0;
	s4 =	sadd.s32 $0x38000, s0;
	s1 =	sand.u32 $0x1, s1  }
0x9: {  	s8 =	sadd.s32 $0x24000, s0;
	s10 =	smul.u32 $0x5000, s13;
	s7 =	sadd.s32 $0x16600, s0  }
0xa: {  	s12 =	smul.u32 $0xA000, s13;
	s0 =	sadd.s32 $0xAEE00, s0;
	s25 =	sshll.u32 s13, $0x6  }
0xb: {  	_ =	strace $0x8000004D;
	s9 =	ssub.s32 $0x2, s1;
	[dreg:$0x4] =	wrdreg s0  }
0xc: {  	p0 =	seq.s32 s1, $0x0;
	s0 =	simm.s32 $0x9E00;
	s1 =	simm.s32 $0x9F00  }
0xd: {  	s11 =	sshrl.u32 s9, $0x1;
	s10 =	sshrl.u32 s10, $0x3;
	s16 =	sadd.s32 s12, s2  }
0xe: {  	s12 =	sshrl.u32 s12, $0x3;
	s24 =	ssub.s32 s9, s11;
	s14 =	sadd.s32 $0xA000, s10  }
.Ltmp0:
0xf: {  	s9 =	sor.u32 $0x1C05, s25;
	s26 =	sadd.s32 s8, s10;
	(pc) =	sbr.rel .LBB2_1-.Ltmp0, $4  }
0x10: {  	s13 =	sadd.s32 s4, s10;
	s16 =	sshrl.u32 s16, $0x3;
	s25 =	simm.s32 $0x180  }
0x11: {  	[dreg:$0x5] =	wrdreg s26;
	s8 =	sadd.s32 s8, s14;
	s14 =	sadd.s32 s4, s14  }
0x12: {  	s15 =	smax.u32 s24, $0x1;
	s24 =	simm.s32 $0xDE80;
	s26 =	simm.s32 $0xFDC0  }
0x13: {  	s4 =	simm.s32 $0x9E80;
	[dreg:$0x6] =	wrdreg s8;
	s8 =	simm.s32 $0x9F80  }
.LBB2_7:
0x14: {  	[tilespmem:s26], [sflag:$0x4] =	stream.indirect.gather [hbm4b:s5+s19], $0x40, s10, s19, $0xb8;
	[tilespmem:$0x1BD00] =	vst v63  }
0x15: {  	s10 =	rddreg [dreg:$0x1]  }
.LBB2_8:
0x16: {  	_ =	swait.ge [sflag:s28], $0x1F40  }
0x17: {  	[sflag:s28] =	ssyncset.done $0x0  }
0x18: {  	[sflag:s28] =	ssyncadd.s32 $0xFFFFE0C0  }
0x19: {  	[spmem:s2] =	stream.indirect.scatter.add.f32 [tilespmem:s20], [sflag:$0x5], $0x40, s0, s19, $0xb8;
	[tilespmem:$0x1BD00] =	vst v63  }
0x1a: {  	_ =	swait.ge [sflag:s17], $0x1F40  }
0x1b: {  	[sflag:s17] =	ssyncset.done $0x0  }
0x1c: {  	[sflag:s17] =	ssyncadd.s32 $0xFFFFE0C0  }
0x1d: {  	_ =	swait.ge [sflag:s29], $0x1F40  }
0x1e: {  	[sflag:s29] =	ssyncset.done $0x0  }
0x1f: {  	[sflag:s29] =	ssyncadd.s32 $0xFFFFE0C0  }
0x20: {  	[spmem:s2] =	stream.indirect.scatter.add.f32 [tilespmem:s22], [sflag:$0x5], $0x40, s4, s19, $0xb8;
	[tilespmem:$0x1BD00] =	vst v63  }
0x21: {  	_ =	swait.ge [sflag:s17], $0x1F40  }
0x22: {  	[sflag:s17] =	ssyncset.done $0x0  }
0x23: {  	[sflag:s17] =	ssyncadd.s32 $0xFFFFE0C0  }
0x24: {  	_ =	swait.ge [sflag:s30], $0x1F40  }
0x25: {  	[sflag:s30] =	ssyncset.done $0x0  }
0x26: {  	[sflag:s30] =	ssyncadd.s32 $0xFFFFE0C0  }
0x27: {  	[spmem:s2] =	stream.indirect.scatter.add.f32 [tilespmem:s24], [sflag:$0x5], $0x40, s1, s19, $0xb8;
	[tilespmem:$0x1BD00] =	vst v63  }
0x28: {  	_ =	swait.ge [sflag:s17], $0x1F40  }
0x29: {  	[sflag:s17] =	ssyncset.done $0x0  }
0x2a: {  	[sflag:s17] =	ssyncadd.s32 $0xFFFFE0C0  }
0x2b: {  	_ =	swait.ge [sflag:s31], $0x1F40  }
0x2c: {  	[sflag:s31] =	ssyncset.done $0x0  }
0x2d: {  	[sflag:s31] =	ssyncadd.s32 $0xFFFFE0C0  }
0x2e: {  	[spmem:s2] =	stream.indirect.scatter.add.f32 [tilespmem:s26], [sflag:$0x5], $0x40, s8, s19, $0xb8;
	[tilespmem:$0x1BD00] =	vst v63  }
0x2f: {  	_ =	swait.ge [sflag:s17], $0x1F40  }
0x30: {  	s3 =	sadd.s32 $0x1, s3;
	[sflag:s17] =	ssyncset.done $0x0  }
0x31: {  	p1 =	sne.s32 s3, s15;
	[sflag:s17] =	ssyncadd.s32 $0xFFFFE0C0  }
.Ltmp1:
0x32: {  	s10 =	sadd.s32 s10, s12;
	[bflag:$0x0] =	sbarrier.arrive $0xFFFF;
	(pc) =	sbr.rel @!p1 .LBB2_9-.Ltmp1, $4  }
0x33: {  	[hbm:s10], [sflag:s9] =	dma.local [spmem:s16], $0x1400  }
0x34: {  	_ =	swait.ge [sflag:s17], $0x1400  }
0x35: {  	[sflag:s17] =	ssyncset.done $0x0  }
0x36: {  	[sflag:s17] =	ssyncadd.s32 $0xFFFFEC00  }
.LBB2_1:
.Ltmp2:
0x37: {  	(pc) =	sbr.rel @!p0 .LBB2_2-.Ltmp2, $4  }
0x38: {  	[spmem:s16], [sflag:s9] =	dma.local [hbm:s7], $0x1400  }
0x39: {  	_ =	swait.ge [sflag:s17], $0x1400  }
0x3a: {  	[sflag:s17] =	ssyncset.done $0x0  }
0x3b: {  	s10 =	simm.s32 $0x0;
	[sflag:s17] =	ssyncadd.s32 $0xFFFFEC00  }
0x3c: {  	[tilespmem:s10], [sflag:$0x5] =	stream.linear.gather [hbm4b:s13+s10], $0x5000, $0x38;
	[tilespmem:$0x1BD00] =	vst v63  }
0x3d: {  	_ =	swait.ge [sflag:s17], $0x5000  }
0x3e: {  	[sflag:s17] =	ssyncset.done $0x0  }
0x3f: {  	s11 =	simm.s32 $0x5000;
	[sflag:s17] =	ssyncadd.s32 $0xFFFFB000  }
0x40: {  	[tilespmem:s11], [sflag:$0x5] =	stream.linear.gather [hbm4b:s14+s10], $0x5000, $0x38;
	[tilespmem:$0x1BD00] =	vst v63  }
0x41: {  	_ =	swait.ge [sflag:s17], $0x5000  }
0x42: {  	[sflag:s17] =	ssyncset.done $0x0  }
0x43: {  	[sflag:s17] =	ssyncadd.s32 $0xFFFFB000  }
0x44: {  	[bflag:$0x0] =	sbarrier.arrive $0xFFFF  }
0x45: {  	[tilespmem:s20], [sflag:$0x1] =	stream.indirect.gather [hbm4b:s5+s19], $0x40, s10, s19, $0xb8;
	[tilespmem:$0x1BD00] =	vst v63  }
0x46: {  	_ = 	snop  }
0x47: {  	[tilespmem:s22], [sflag:$0x2] =	stream.indirect.gather [hbm4b:s5+s19], $0x40, s21, s19, $0xb8;
	[tilespmem:$0x1BD00] =	vst v63  }
0x48: {  	_ = 	snop  }
0x49: {  	[tilespmem:s24], [sflag:$0x3] =	stream.indirect.gather [hbm4b:s5+s19], $0x40, s23, s19, $0xb8;
	[tilespmem:$0x1BD00] =	vst v63  }
0x4a: {  	_ = 	snop  }
0x4b: {  	[tilespmem:s26], [sflag:$0x4] =	stream.indirect.gather [hbm4b:s5+s19], $0x40, s25, s19, $0xb8;
	[tilespmem:$0x1BD00] =	vst v63  }
0x4c: {  	_ =	swait.ge [sflag:s28], $0x1F40  }
0x4d: {  	[sflag:s28] =	ssyncset.done $0x0  }
0x4e: {  	s18 =	simm.s32 $0x5000;
	[sflag:s28] =	ssyncadd.s32 $0xFFFFE0C0  }
0x4f: {  	[spmem:s2] =	stream.indirect.scatter.add.f32 [tilespmem:s20], [sflag:$0x5], $0x40, s18, s19, $0xb8;
	[tilespmem:$0x1BD00] =	vst v63  }
0x50: {  	_ =	swait.ge [sflag:s17], $0x1F40  }
0x51: {  	[sflag:s17] =	ssyncset.done $0x0  }
0x52: {  	s11 =	simm.s32 $0x200;
	[sflag:s17] =	ssyncadd.s32 $0xFFFFE0C0  }
0x53: {  	[tilespmem:s20], [sflag:$0x1] =	stream.indirect.gather [hbm4b:s5+s19], $0x40, s11, s19, $0xb8;
	[tilespmem:$0x1BD00] =	vst v63  }
0x54: {  	_ =	swait.ge [sflag:s29], $0x1F40  }
0x55: {  	[sflag:s29] =	ssyncset.done $0x0  }
0x56: {  	s18 =	simm.s32 $0x5080;
	[sflag:s29] =	ssyncadd.s32 $0xFFFFE0C0  }
0x57: {  	[spmem:s2] =	stream.indirect.scatter.add.f32 [tilespmem:s22], [sflag:$0x5], $0x40, s18, s19, $0xb8;
	[tilespmem:$0x1BD00] =	vst v63  }
0x58: {  	_ =	swait.ge [sflag:s17], $0x1F40  }
0x59: {  	[sflag:s17] =	ssyncset.done $0x0  }
0x5a: {  	s11 =	simm.s32 $0x280;
	[sflag:s17] =	ssyncadd.s32 $0xFFFFE0C0  }
0x5b: {  	[tilespmem:s22], [sflag:$0x2] =	stream.indirect.gather [hbm4b:s5+s19], $0x40, s11, s19, $0xb8;
	[tilespmem:$0x1BD00] =	vst v63  }
0x5c: {  	_ =	swait.ge [sflag:s30], $0x1F40  }
0x5d: {  	[sflag:s30] =	ssyncset.done $0x0  }
0x5e: {  	s18 =	simm.s32 $0x5100;
	[sflag:s30] =	ssyncadd.s32 $0xFFFFE0C0  }
0x5f: {  	[spmem:s2] =	stream.indirect.scatter.add.f32 [tilespmem:s24], [sflag:$0x5], $0x40, s18, s19, $0xb8;
	[tilespmem:$0x1BD00] =	vst v63  }
0x60: {  	_ =	swait.ge [sflag:s17], $0x1F40  }
0x61: {  	[sflag:s17] =	ssyncset.done $0x0  }
0x62: {  	s11 =	simm.s32 $0x300;
	[sflag:s17] =	ssyncadd.s32 $0xFFFFE0C0  }
0x63: {  	[tilespmem:s24], [sflag:$0x3] =	stream.indirect.gather [hbm4b:s5+s19], $0x40, s11, s19, $0xb8;
	[tilespmem:$0x1BD00] =	vst v63  }
0x64: {  	_ =	swait.ge [sflag:s31], $0x1F40  }
0x65: {  	[sflag:s31] =	ssyncset.done $0x0  }
0x66: {  	s18 =	simm.s32 $0x5180;
	[sflag:s31] =	ssyncadd.s32 $0xFFFFE0C0  }
0x67: {  	[spmem:s2] =	stream.indirect.scatter.add.f32 [tilespmem:s26], [sflag:$0x5], $0x40, s18, s19, $0xb8;
	[tilespmem:$0x1BD00] =	vst v63  }
0x68: {  	_ =	swait.ge [sflag:s17], $0x1F40  }
0x69: {  	[sflag:s17] =	ssyncset.done $0x0  }
0x6a: {  	s10 =	simm.s32 $0x380;
	s18 =	simm.s32 $0x800;
	[sflag:s17] =	ssyncadd.s32 $0xFFFFE0C0  }
.LBB2_6:
0x6b: {  	[tilespmem:s26], [sflag:$0x4] =	stream.indirect.gather [hbm4b:s5+s19], $0x40, s10, s19, $0xb8;
	[tilespmem:$0x1BD00] =	vst v63  }
0x6c: {  	s10 =	smov.u32 s18  }
0x6d: {  	p1 =	seq.s32 s18, $0x13000;
	s18 =	sadd.s32 $0x800, s18;
	_ =	swait.ge [sflag:s28], $0x1F40  }
0x6e: {  	s10 =	sshra.s32 s10, $0x2;
	[sflag:s28] =	ssyncset.done $0x0  }
0x6f: {  	s11 =	sadd.s32 $0x5000, s10;
	[sflag:s28] =	ssyncadd.s32 $0xFFFFE0C0  }
0x70: {  	[spmem:s2] =	stream.indirect.scatter.add.f32 [tilespmem:s20], [sflag:$0x5], $0x40, s11, s19, $0xb8;
	[tilespmem:$0x1BD00] =	vst v63  }
0x71: {  	_ =	swait.ge [sflag:s17], $0x1F40  }
0x72: {  	[sflag:s17] =	ssyncset.done $0x0  }
0x73: {  	s11 =	sadd.s32 $0x200, s10;
	[sflag:s17] =	ssyncadd.s32 $0xFFFFE0C0  }
0x74: {  	[tilespmem:s20], [sflag:$0x1] =	stream.indirect.gather [hbm4b:s5+s19], $0x40, s11, s19, $0xb8;
	[tilespmem:$0x1BD00] =	vst v63  }
0x75: {  	_ =	swait.ge [sflag:s29], $0x1F40  }
0x76: {  	[sflag:s29] =	ssyncset.done $0x0  }
0x77: {  	s11 =	sadd.s32 $0x5080, s10;
	[sflag:s29] =	ssyncadd.s32 $0xFFFFE0C0  }
0x78: {  	[spmem:s2] =	stream.indirect.scatter.add.f32 [tilespmem:s22], [sflag:$0x5], $0x40, s11, s19, $0xb8;
	[tilespmem:$0x1BD00] =	vst v63  }
0x79: {  	_ =	swait.ge [sflag:s17], $0x1F40  }
0x7a: {  	[sflag:s17] =	ssyncset.done $0x0  }
0x7b: {  	s11 =	sadd.s32 $0x280, s10;
	[sflag:s17] =	ssyncadd.s32 $0xFFFFE0C0  }
0x7c: {  	[tilespmem:s22], [sflag:$0x2] =	stream.indirect.gather [hbm4b:s5+s19], $0x40, s11, s19, $0xb8;
	[tilespmem:$0x1BD00] =	vst v63  }
0x7d: {  	_ =	swait.ge [sflag:s30], $0x1F40  }
0x7e: {  	[sflag:s30] =	ssyncset.done $0x0  }
0x7f: {  	s11 =	sadd.s32 $0x5100, s10;
	[sflag:s30] =	ssyncadd.s32 $0xFFFFE0C0  }
0x80: {  	[spmem:s2] =	stream.indirect.scatter.add.f32 [tilespmem:s24], [sflag:$0x5], $0x40, s11, s19, $0xb8;
	[tilespmem:$0x1BD00] =	vst v63  }
0x81: {  	_ =	swait.ge [sflag:s17], $0x1F40  }
0x82: {  	[sflag:s17] =	ssyncset.done $0x0  }
0x83: {  	s11 =	sadd.s32 $0x300, s10;
	[sflag:s17] =	ssyncadd.s32 $0xFFFFE0C0  }
0x84: {  	[tilespmem:s24], [sflag:$0x3] =	stream.indirect.gather [hbm4b:s5+s19], $0x40, s11, s19, $0xb8;
	[tilespmem:$0x1BD00] =	vst v63  }
0x85: {  	_ =	swait.ge [sflag:s31], $0x1F40  }
0x86: {  	[sflag:s31] =	ssyncset.done $0x0  }
.Ltmp3:
0x87: {  	s11 =	sadd.s32 $0x5180, s10;
	[sflag:s31] =	ssyncadd.s32 $0xFFFFE0C0;
	(pc) =	sbr.rel @!p1 .LBB2_6-.Ltmp3, $4  }
0x88: {  	[spmem:s2] =	stream.indirect.scatter.add.f32 [tilespmem:s26], [sflag:$0x5], $0x40, s11, s19, $0xb8;
	[tilespmem:$0x1BD00] =	vst v63  }
0x89: {  	_ =	swait.ge [sflag:s17], $0x1F40  }
0x8a: {  	[sflag:s17] =	ssyncset.done $0x0  }
0x8b: {  	s10 =	sadd.s32 $0x380, s10;
	[sflag:s17] =	ssyncadd.s32 $0xFFFFE0C0  }
.Ltmp4:
0x8c: {  	_ = 	snop;
	(pc) =	sbr.rel .LBB2_7-.Ltmp4, $1  }
0x8d: {  	_ =	sdelay $0x3  }
.LBB2_2:
0x8e: {  	s11 =	rddreg [dreg:$0x5]  }
0x8f: {  	[tilespmem:s10], [sflag:$0x5] =	stream.linear.gather [hbm4b:s11+s10], $0x5000, $0x38;
	[tilespmem:$0x1BD00] =	vst v63  }
0x90: {  	_ =	swait.ge [sflag:s17], $0x5000  }
0x91: {  	[sflag:s17] =	ssyncset.done $0x0  }
0x92: {  	s18 =	simm.s32 $0x5000;
	s11 =	rddreg [dreg:$0x6];
	[sflag:s17] =	ssyncadd.s32 $0xFFFFB000  }
0x93: {  	[tilespmem:s18], [sflag:$0x5] =	stream.linear.gather [hbm4b:s11+s10], $0x5000, $0x38;
	[tilespmem:$0x1BD00] =	vst v63  }
0x94: {  	_ =	swait.ge [sflag:s17], $0x5000  }
0x95: {  	[sflag:s17] =	ssyncset.done $0x0  }
0x96: {  	[sflag:s17] =	ssyncadd.s32 $0xFFFFB000  }
0x97: {  	[bflag:$0x0] =	sbarrier.arrive $0xFFFF  }
0x98: {  	[tilespmem:s20], [sflag:$0x1] =	stream.indirect.gather [hbm4b:s6+s19], $0x40, s10, s19, $0xb8;
	[tilespmem:$0x1BD00] =	vst v63  }
0x99: {  	_ = 	snop  }
0x9a: {  	[tilespmem:s22], [sflag:$0x2] =	stream.indirect.gather [hbm4b:s6+s19], $0x40, s21, s19, $0xb8;
	[tilespmem:$0x1BD00] =	vst v63  }
0x9b: {  	_ = 	snop  }
0x9c: {  	[tilespmem:s24], [sflag:$0x3] =	stream.indirect.gather [hbm4b:s6+s19], $0x40, s23, s19, $0xb8;
	[tilespmem:$0x1BD00] =	vst v63  }
0x9d: {  	_ = 	snop  }
0x9e: {  	[tilespmem:s26], [sflag:$0x4] =	stream.indirect.gather [hbm4b:s6+s19], $0x40, s25, s19, $0xb8;
	[tilespmem:$0x1BD00] =	vst v63  }
0x9f: {  	_ =	swait.ge [sflag:s28], $0x1F40  }
0xa0: {  	[sflag:s28] =	ssyncset.done $0x0  }
0xa1: {  	s18 =	simm.s32 $0x5000;
	[sflag:s28] =	ssyncadd.s32 $0xFFFFE0C0  }
0xa2: {  	[spmem:s2] =	stream.indirect.scatter.add.f32 [tilespmem:s20], [sflag:$0x5], $0x40, s18, s19, $0xb8;
	[tilespmem:$0x1BD00] =	vst v63  }
0xa3: {  	_ =	swait.ge [sflag:s17], $0x1F40  }
0xa4: {  	[sflag:s17] =	ssyncset.done $0x0  }
0xa5: {  	s11 =	simm.s32 $0x200;
	[sflag:s17] =	ssyncadd.s32 $0xFFFFE0C0  }
0xa6: {  	[tilespmem:s20], [sflag:$0x1] =	stream.indirect.gather [hbm4b:s6+s19], $0x40, s11, s19, $0xb8;
	[tilespmem:$0x1BD00] =	vst v63  }
0xa7: {  	_ =	swait.ge [sflag:s29], $0x1F40  }
0xa8: {  	[sflag:s29] =	ssyncset.done $0x0  }
0xa9: {  	s18 =	simm.s32 $0x5080;
	[sflag:s29] =	ssyncadd.s32 $0xFFFFE0C0  }
0xaa: {  	[spmem:s2] =	stream.indirect.scatter.add.f32 [tilespmem:s22], [sflag:$0x5], $0x40, s18, s19, $0xb8;
	[tilespmem:$0x1BD00] =	vst v63  }
0xab: {  	_ =	swait.ge [sflag:s17], $0x1F40  }
0xac: {  	[sflag:s17] =	ssyncset.done $0x0  }
0xad: {  	s11 =	simm.s32 $0x280;
	[sflag:s17] =	ssyncadd.s32 $0xFFFFE0C0  }
0xae: {  	[tilespmem:s22], [sflag:$0x2] =	stream.indirect.gather [hbm4b:s6+s19], $0x40, s11, s19, $0xb8;
	[tilespmem:$0x1BD00] =	vst v63  }
0xaf: {  	_ =	swait.ge [sflag:s30], $0x1F40  }
0xb0: {  	[sflag:s30] =	ssyncset.done $0x0  }
0xb1: {  	s18 =	simm.s32 $0x5100;
	[sflag:s30] =	ssyncadd.s32 $0xFFFFE0C0  }
0xb2: {  	[spmem:s2] =	stream.indirect.scatter.add.f32 [tilespmem:s24], [sflag:$0x5], $0x40, s18, s19, $0xb8;
	[tilespmem:$0x1BD00] =	vst v63  }
0xb3: {  	_ =	swait.ge [sflag:s17], $0x1F40  }
0xb4: {  	[sflag:s17] =	ssyncset.done $0x0  }
0xb5: {  	s11 =	simm.s32 $0x300;
	[sflag:s17] =	ssyncadd.s32 $0xFFFFE0C0  }
0xb6: {  	[tilespmem:s24], [sflag:$0x3] =	stream.indirect.gather [hbm4b:s6+s19], $0x40, s11, s19, $0xb8;
	[tilespmem:$0x1BD00] =	vst v63  }
0xb7: {  	_ =	swait.ge [sflag:s31], $0x1F40  }
0xb8: {  	[sflag:s31] =	ssyncset.done $0x0  }
0xb9: {  	s18 =	simm.s32 $0x5180;
	[sflag:s31] =	ssyncadd.s32 $0xFFFFE0C0  }
0xba: {  	[spmem:s2] =	stream.indirect.scatter.add.f32 [tilespmem:s26], [sflag:$0x5], $0x40, s18, s19, $0xb8;
	[tilespmem:$0x1BD00] =	vst v63  }
0xbb: {  	_ =	swait.ge [sflag:s17], $0x1F40  }
0xbc: {  	[sflag:s17] =	ssyncset.done $0x0  }
0xbd: {  	s10 =	simm.s32 $0x380;
	s18 =	simm.s32 $0x800;
	[sflag:s17] =	ssyncadd.s32 $0xFFFFE0C0  }
.LBB2_3:
0xbe: {  	[tilespmem:s26], [sflag:$0x4] =	stream.indirect.gather [hbm4b:s6+s19], $0x40, s10, s19, $0xb8;
	[tilespmem:$0x1BD00] =	vst v63  }
0xbf: {  	s10 =	smov.u32 s18  }
0xc0: {  	p1 =	sne.s32 s18, $0x13000;
	s18 =	sadd.s32 $0x800, s18;
	_ =	swait.ge [sflag:s28], $0x1F40  }
0xc1: {  	s10 =	sshra.s32 s10, $0x2;
	[sflag:s28] =	ssyncset.done $0x0  }
0xc2: {  	s11 =	sadd.s32 $0x5000, s10;
	[sflag:s28] =	ssyncadd.s32 $0xFFFFE0C0  }
0xc3: {  	[spmem:s2] =	stream.indirect.scatter.add.f32 [tilespmem:s20], [sflag:$0x5], $0x40, s11, s19, $0xb8;
	[tilespmem:$0x1BD00] =	vst v63  }
0xc4: {  	_ =	swait.ge [sflag:s17], $0x1F40  }
0xc5: {  	[sflag:s17] =	ssyncset.done $0x0  }
0xc6: {  	s11 =	sadd.s32 $0x200, s10;
	[sflag:s17] =	ssyncadd.s32 $0xFFFFE0C0  }
0xc7: {  	[tilespmem:s20], [sflag:$0x1] =	stream.indirect.gather [hbm4b:s6+s19], $0x40, s11, s19, $0xb8;
	[tilespmem:$0x1BD00] =	vst v63  }
0xc8: {  	_ =	swait.ge [sflag:s29], $0x1F40  }
0xc9: {  	[sflag:s29] =	ssyncset.done $0x0  }
0xca: {  	s11 =	sadd.s32 $0x5080, s10;
	[sflag:s29] =	ssyncadd.s32 $0xFFFFE0C0  }
0xcb: {  	[spmem:s2] =	stream.indirect.scatter.add.f32 [tilespmem:s22], [sflag:$0x5], $0x40, s11, s19, $0xb8;
	[tilespmem:$0x1BD00] =	vst v63  }
0xcc: {  	_ =	swait.ge [sflag:s17], $0x1F40  }
0xcd: {  	[sflag:s17] =	ssyncset.done $0x0  }
0xce: {  	s11 =	sadd.s32 $0x280, s10;
	[sflag:s17] =	ssyncadd.s32 $0xFFFFE0C0  }
0xcf: {  	[tilespmem:s22], [sflag:$0x2] =	stream.indirect.gather [hbm4b:s6+s19], $0x40, s11, s19, $0xb8;
	[tilespmem:$0x1BD00] =	vst v63  }
0xd0: {  	_ =	swait.ge [sflag:s30], $0x1F40  }
0xd1: {  	[sflag:s30] =	ssyncset.done $0x0  }
0xd2: {  	s11 =	sadd.s32 $0x5100, s10;
	[sflag:s30] =	ssyncadd.s32 $0xFFFFE0C0  }
0xd3: {  	[spmem:s2] =	stream.indirect.scatter.add.f32 [tilespmem:s24], [sflag:$0x5], $0x40, s11, s19, $0xb8;
	[tilespmem:$0x1BD00] =	vst v63  }
0xd4: {  	_ =	swait.ge [sflag:s17], $0x1F40  }
0xd5: {  	[sflag:s17] =	ssyncset.done $0x0  }
0xd6: {  	s11 =	sadd.s32 $0x300, s10;
	[sflag:s17] =	ssyncadd.s32 $0xFFFFE0C0  }
0xd7: {  	[tilespmem:s24], [sflag:$0x3] =	stream.indirect.gather [hbm4b:s6+s19], $0x40, s11, s19, $0xb8;
	[tilespmem:$0x1BD00] =	vst v63  }
0xd8: {  	_ =	swait.ge [sflag:s31], $0x1F40  }
0xd9: {  	[sflag:s31] =	ssyncset.done $0x0  }
.Ltmp5:
0xda: {  	s11 =	sadd.s32 $0x5180, s10;
	[sflag:s31] =	ssyncadd.s32 $0xFFFFE0C0;
	(pc) =	sbr.rel @p1 .LBB2_3-.Ltmp5, $4  }
0xdb: {  	[spmem:s2] =	stream.indirect.scatter.add.f32 [tilespmem:s26], [sflag:$0x5], $0x40, s11, s19, $0xb8;
	[tilespmem:$0x1BD00] =	vst v63  }
0xdc: {  	_ =	swait.ge [sflag:s17], $0x1F40  }
0xdd: {  	[sflag:s17] =	ssyncset.done $0x0  }
0xde: {  	s10 =	sadd.s32 $0x380, s10;
	[sflag:s17] =	ssyncadd.s32 $0xFFFFE0C0  }
.Ltmp6:
0xdf: {  	(pc) =	sbr.rel .LBB2_8-.Ltmp6, $3  }
0xe0: {  	_ =	sdelay $0x1  }
0xe1: {  	[tilespmem:s26], [sflag:$0x4] =	stream.indirect.gather [hbm4b:s6+s19], $0x40, s10, s19, $0xb8;
	[tilespmem:$0x1BD00] =	vst v63  }
0xe2: {  	s10 =	rddreg [dreg:$0x4]  }
.LBB2_9:
0xe3: {  	_ =	sfence.sel $0x180000  }
0xe4: {  	[bflag:$0x0] =	sbarrier.arrive $0xFFFF  }
0xe5: {  	_ =	strace $0x9000004D  }
0xe6: {  	s0 =	stileid.u32;
	[bflag:$0x2] =	sbarrier.arrive $0xFFFF  }
0xe7: {  	p0 =	sne.s32 s0, $0x0;
	s0 =	rddreg [dreg:$0x3]  }
0xe8: {  	s0 =	sadd.s32 @!p0 $0x100000, s0  }
0xe9: {  	[sflag:s0] =	ssyncadd.tile.s32 @!p0 $0x1;
	_ =	shalt  }
.Lfunc_end2:
_tile_overlayer_lowered:
.L_overlay_start_2:
0xea: {  	(tag) =	ssettag $0x2  }
0xeb: {  	s0 =	rddreg [dreg:$0x0];
	s2 =	stileid.u32  }
0xec: {  	s1 =	rddreg [dreg:$0x1];
	p0 =	sne.s32 s2, $0x0  }
0xed: {  	s3 =	rddreg [dreg:$0x2];
	[bflag:$0x3] =	sbarrier.arrive $0xFFFF;
	s2 =	simm.s32 @!p0 $0x1C05  }
0xee: {  	[timem:s3], [sflag:s2] =	dma.local @!p0 [hbm:s0], s1  }
0xef: {  	s0 =	simm.s32 @!p0 $0x5  }
0xf0: {  	_ =	swait.ge @!p0 [sflag:s0], s1  }
0xf1: {  	s1 =	ssub.s32 @!p0 $0x0, s1;
	[sflag:s0] =	ssyncset.done @!p0 $0x0  }
0xf2: {  	[sflag:s0] =	ssyncadd.s32 @!p0 s1  }
0xf3: {  	[bflag:$0x3] =	sbarrier.arrive $0xFFFF  }
0xf4: {  	_ =	shalt  }

// kernel: kernel.13.cloned.1.call-start
scs
__scs_entry_jumppad:
0x0: {  	(pc) =	sbr.rel $0x88, $3  }
0x1: {  	(tag) =	ssettag $0x0;
	lr =	simm.s32 $0x1  }
0x2: {  	[smem:$0x3F9A] =	sst lr;
	_ =	strace $0xD0000000  }
0x3: {  	_ = 	snop  }
0x4: {  	_ = 	snop  }
0x5: {  	_ = 	snop  }
0x6: {  	_ = 	snop  }
0x7: {  	_ = 	snop  }
__scs_overlays_trampoline_lowered:
0x8: {  	[smem:$0x3FA9] =	sst s0  }
0x9: {  	[smem:$0x3FAA] =	sst s1  }
0xa: {  	[smem:$0x3FAB] =	sst s2  }
0xb: {  	[smem:$0x3FAC] =	sst s3  }
0xc: {  	[smem:$0x3FAD] =	sst s4  }
0xd: {  	[smem:$0x3FAE] =	sst s5  }
0xe: {  	[smem:$0x3FAF] =	sst s6  }
0xf: {  	[smem:$0x3FB0] =	sst s7  }
0x10: {  	[smem:$0x3FB1] =	sst s8  }
0x11: {  	[smem:$0x3FB2] =	sst s9;
	s0 =	simm.s32 @!p0 $0x0  }
0x12: {  	s1 =	sld [smem:$0x3F98];
	s0 =	simm.s32 @p0 $0x1  }
0x13: {  	[smem:$0x3FB3] =	sst s0;
	s0 =	simm.s32 @!p1 $0x0  }
0x14: {  	s2 =	sld [smem:$0x3F97];
	s0 =	simm.s32 @p1 $0x1  }
0x15: {  	[smem:$0x3FB4] =	sst s0;
	s0 =	simm.s32 @!p2 $0x0  }
0x16: {  	s3 =	sld [smem:$0x3FDB];
	s0 =	simm.s32 @p2 $0x1  }
0x17: {  	s4 =	simm.s32 $0x1BF5;
	[smem:$0x3FB6] =	sst s0  }
0x18: {  	s0 =	sld [smem:$0x3F99];
	_ =	swait.ge [sflag:s4], $0x0  }
0x19: {  	s7 =	sld [smem:$0x3F9A]  }
0x1a: {  	s8 =	sadd.s32 $0xFFFFE003, lr  }
0x1b: {  	s9 =	sadd.s32 $0xFFFFFEF7, lr;
	s5 =	simm.s32 $0xFFFFFFFF;
	p2 =	slt.u32 s8, $0xFFFFF086  }
0x1c: {  	p1 =	slt.u32 s9, $0xF7A;
	s5 =	simm.s32 @!p2 $0x0  }
0x1d: {  	s5 =	simm.s32 @p1 $0x1;
	p0 =	seq.s32 s7, s2  }
0x1e: {  	s7 =	smul.u32 @!p0 $0xF7A, s2;
	p2 =	seq.s32 @!p0 s5, $0x0  }
0x1f: {  	s9 =	smul.u32 $0xF7A, s1;
	s8 =	simm.s32 @!p0 $0x1BF5;
	p2 =	por !p2, p0  }
0x20: {  	[sflag:s8] =	ssyncset.s32 @!p0 $0xFFFFF086;
	s6 =	sadd.s32 @!p0 s3, s7;
	s7 =	simm.s32 @!p0 $0x108  }
0x21: {  	s3 =	sadd.s32 s3, s9;
	s6 =	sadd.s32 @!p0 $0x88, s6;
	s7 =	simm.s32 @p2 $0x1082  }
0x22: {  	[simem:s7], [sflag:s8] =	dma.local @!p0 [hbm:s6], $0xF7A  }
0x23: {  	s9 =	sor.u32 $0xD0000000, s2;
	s6 =	simm.s32 $0x108;
	_ =	swait.ge @!p0 [sflag:s8], $0x0  }
0x24: {  	s3 =	sadd.s32 $0x88, s3;
	s6 =	simm.s32 @!p1 $0x1082;
	[sflag:s4] =	ssyncset.s32 $0xFFFFF086  }
0x25: {  	[simem:s6], [sflag:s4] =	dma.local [hbm:s3], $0xF7A  }
0x26: {  	[smem:$0x3F9A] =	sst s1;
	(tag) =	ssettag s2;
	_ =	strace s9  }
0x27: {  	s1 =	sld [smem:$0x3FAA]  }
0x28: {  	s2 =	sld [smem:$0x3FAB]  }
0x29: {  	s4 =	sld [smem:$0x3FAD]  }
0x2a: {  	p0 =	seq.s32 s5, $0x0;
	s5 =	sld [smem:$0x3FAE]  }
0x2b: {  	s6 =	sld [smem:$0x3FAF]  }
0x2c: {  	s7 =	sld [smem:$0x3FB0]  }
0x2d: {  	s3 =	simm.s32 $0x108;
	s8 =	sld [smem:$0x3FB1]  }
0x2e: {  	s3 =	simm.s32 @!p0 $0x1082;
	s9 =	sld [smem:$0x3FB2]  }
0x2f: {  	lr =	sadd.s32 s0, s3;
	s0 =	sld [smem:$0x3FA9]  }
0x30: {  	s3 =	sld [smem:$0x3FAC]  }
0x31: {  	[smem:$0x3FB5] =	sst s10  }
0x32: {  	s10 =	sld [smem:$0x3FB3];
	_ =	sdelay $0x3  }
0x33: {  	p0 =	seq.s32 s10, $0x1;
	s10 =	sld [smem:$0x3FB5];
	_ =	sdelay $0x3  }
0x34: {  	[smem:$0x3FB5] =	sst s10  }
0x35: {  	s10 =	sld [smem:$0x3FB4];
	_ =	sdelay $0x3  }
0x36: {  	p1 =	seq.s32 s10, $0x1;
	s10 =	sld [smem:$0x3FB5];
	_ =	sdelay $0x3  }
0x37: {  	[smem:$0x3FB5] =	sst s10  }
0x38: {  	s10 =	sld [smem:$0x3FB6]  }
0x39: {  	_ = 	snop;
	(pc) =	sbr.ind lr, $3  }
0x3a: {  	_ = 	snop  }
0x3b: {  	_ = 	snop  }
0x3c: {  	p2 =	seq.s32 s10, $0x1;
	s10 =	sld [smem:$0x3FB5]  }
0x3d: {  	_ =	shalt  }
0x3e: {  	_ =	shalt  }
0x3f: {  	_ =	shalt  }
0x40: {  	_ =	shalt  }
0x41: {  	_ =	shalt  }
0x42: {  	_ =	shalt  }
0x43: {  	_ =	shalt  }
0x44: {  	_ =	shalt  }
0x45: {  	_ =	shalt  }
0x46: {  	_ =	shalt  }
0x47: {  	_ =	shalt  }
0x48: {  	_ =	shalt  }
0x49: {  	_ =	shalt  }
0x4a: {  	_ =	shalt  }
0x4b: {  	_ =	shalt  }
0x4c: {  	_ =	shalt  }
0x4d: {  	_ =	shalt  }
0x4e: {  	_ =	shalt  }
0x4f: {  	_ =	shalt  }
0x50: {  	_ =	shalt  }
0x51: {  	_ =	shalt  }
0x52: {  	_ =	shalt  }
0x53: {  	_ =	shalt  }
0x54: {  	_ =	shalt  }
0x55: {  	_ =	shalt  }
0x56: {  	_ =	shalt  }
0x57: {  	_ =	shalt  }
0x58: {  	_ =	shalt  }
0x59: {  	_ =	shalt  }
0x5a: {  	_ =	shalt  }
0x5b: {  	_ =	shalt  }
0x5c: {  	_ =	shalt  }
0x5d: {  	_ =	shalt  }
0x5e: {  	_ =	shalt  }
0x5f: {  	_ =	shalt  }
0x60: {  	_ =	shalt  }
0x61: {  	_ =	shalt  }
0x62: {  	_ =	shalt  }
0x63: {  	_ =	shalt  }
0x64: {  	_ =	shalt  }
0x65: {  	_ =	shalt  }
0x66: {  	_ =	shalt  }
0x67: {  	_ =	shalt  }
0x68: {  	_ =	shalt  }
0x69: {  	_ =	shalt  }
0x6a: {  	_ =	shalt  }
0x6b: {  	_ =	shalt  }
0x6c: {  	_ =	shalt  }
0x6d: {  	_ =	shalt  }
0x6e: {  	_ =	shalt  }
0x6f: {  	_ =	shalt  }
0x70: {  	_ =	shalt  }
0x71: {  	_ =	shalt  }
0x72: {  	_ =	shalt  }
0x73: {  	_ =	shalt  }
0x74: {  	_ =	shalt  }
0x75: {  	_ =	shalt  }
0x76: {  	_ =	shalt  }
0x77: {  	_ =	shalt  }
0x78: {  	_ =	shalt  }
0x79: {  	_ =	shalt  }
0x7a: {  	_ =	shalt  }
0x7b: {  	_ =	shalt  }
0x7c: {  	_ =	shalt  }
0x7d: {  	_ =	shalt  }
0x7e: {  	_ =	shalt  }
0x7f: {  	_ =	shalt  }
0x80: {  	_ =	shalt  }
0x81: {  	_ =	shalt  }
0x82: {  	_ =	shalt  }
0x83: {  	_ =	shalt  }
0x84: {  	_ =	shalt  }
0x85: {  	_ =	shalt  }
0x86: {  	_ =	shalt  }
0x87: {  	_ =	shalt  }
.Lfunc_end0:
.L_simem_size_0:
called_computation.2_lowered:
.L_overlay_start_0:
0x88: {  	s2 =	sld [smem:$0x3FD9]  }
0x89: {  	s3 =	sld [smem:$0x3FFE];
	_ =	sdelay $0x1  }
0x8a: {  	s1 =	srdreg.scid  }
0x8b: {  	s0 =	sand.u32 $0x1, s1  }
0x8c: {  	s16 =	sshll.u32 s0, $0xA;
	s2 =	sadd.s32 s3, s2  }
0x8d: {  	s2 =	sadd.s32 s2, s16  }
0x8e: {  	[smem:$0x3FC1] =	sst s2  }
0x8f: {  	_ = 	snop  }
0x90: {  	(tm) =	ssettm $0x1  }
0x91: {  	s17 =	sld [smem:$0x3FFB];
	_ =	sdelay $0x3  }
0x92: {  	_ =	strace s17  }
0x93: {  	s2 =	sld [smem:$0x3FFC];
	_ =	sdelay $0x3  }
0x94: {  	_ =	strace s2  }
0x95: {  	s2 =	sld [smem:$0x3FFD];
	_ =	sdelay $0x3  }
0x96: {  	_ =	strace s2  }
0x97: {  	_ =	strace $0x8FFFFFFF  }
0x98: {  	s18 =	sld [smem:$0x3FDB];
	_ =	sdelay $0x1  }
0x99: {  	s19 =	simm.s32 $_scs_section_size  }
0x9a: {  	s4 =	simm.s32 $_size__tile_overlayer_lowered;
	s5 =	simm.s32 $_tile_overlayer_lowered  }
0x9b: {  	s22 =	simm.s32 $0x1BFF;
	s21 =	sshll.u32 s5, $0x1;
	s2 =	sadd.s32 s19, s18  }
0x9c: {  	s6 =	simm.s32 $0x0;
	s20 =	sshll.u32 s4, $0x1;
	s4 =	sadd.s32 s21, s2  }
0x9d: {  	[timem:s6], [sflag:s22] =	dma.local [hbm:s4], s20  }
0x9e: {  	_ =	swait.ge [sflag:s22], s20  }
0x9f: {  	s3 =	ssub.s32 $0x0, s20;
	[sflag:s22] =	ssyncset.done $0x0  }
0xa0: {  	[sflag:s22] =	ssyncadd.s32 s3;
	_ =	sdelay $0x1  }
0xa1: {  	s23 =	simm.s32 $0x1B8B  }
0xa2: {  	_ =	swait.ge [sflag:s23], $0x1  }
0xa3: {  	[sflag:s23] =	ssyncset.done $0x0  }
0xa4: {  	s25 =	simm.s32 $0x1B8E;
	s24 =	sld [smem:$0x3FFE];
	[sflag:s23] =	ssyncadd.s32 $0xFFFFFFFF  }
0xa5: {  	s26 =	simm.s32 $execute0_lowered;
	[smem:$0x3FD2] =	sst s25  }
0xa6: {  	s4 =	sshll.u32 s26, $0x1;
	_ =	strace $0x80000049;
	[dreg:$0x1] =	wrdreg $0xFFFFFFFF  }
0xa7: {  	s28 =	simm.s32 $_size_execute0_lowered;
	s2 =	sadd.s32 s2, s4;
	[dreg:$0x0] =	wrdreg $0x0  }
0xa8: {  	s4 =	sshll.u32 s28, $0x1;
	[dreg:$0x2] =	wrdreg s2  }
0xa9: {  	[dreg:$0x3] =	wrdreg s4  }
0xaa: {  	[dreg:$0x4] =	wrdreg $0xC0  }
0xab: {  	_ =	task [dreg:s6], $0x5FFFF  }
0xac: {  	[dreg:$0x1] =	wrdreg $0xFFFFFFFF  }
0xad: {  	[dreg:$0x0] =	wrdreg $0x60  }
0xae: {  	[dreg:$0x2] =	wrdreg s24  }
0xaf: {  	[dreg:$0x3] =	wrdreg $0x11D000  }
0xb0: {  	[dreg:$0x4] =	wrdreg $0xA  }
0xb1: {  	_ =	task.clear_ibuf [dreg:s6], $0x5FFFF;
	_ =	strace $0x90000049  }
0xb2: {  	s29 =	simm.s32 $0xA;
	_ =	strace $0x8000004B  }
0xb3: {  	_ =	swait.ge [sflag:s29], $0x1  }
0xb4: {  	[sflag:s29] =	ssyncadd.s32 $0xFFFFFFFF  }
0xb5: {  	_ =	strace $0x9000004B  }
0xb6: {  	_ =	sfence  }
0xb7: {  	s30 =	sld [smem:$0x0];
	_ =	sdelay $0x2  }
0xb8: {  	s31 =	sshll.u32 s1, $0xD;
	s1 =	sshrl.u32 s1, $0x2  }
0xb9: {  	s3 =	sand.u32 $0x4000, s31;
	s1 =	sadd.s32 s1, s30  }
0xba: {  	s0 =	sor.u32 s3, s0;
	s1 =	sshll.u32 s1, $0x11  }
0xbb: {  	s0 =	sor.u32 s1, s0  }
0xbc: {  	s0 =	sadd.s32 $0x8F2B, s0  }
0xbd: {  	[sflag:s0] =	ssyncadd.remote.s32 $0x1  }
0xbe: {  	_ =	sfence.sel $0xFFFF  }
0xbf: {  	[dreg:$0x0] =	wrdreg $0xFFFFFFFF;
	(pc) =	sbr.abs _section_cstart, $3  }
0xc0: {  	[dreg:$0x1] =	wrdreg $0xFFFFFFFF  }
0xc1: {  	_ =	task.clear_ibuf [dreg:s6], $0x2FFFF;
	_ =	strace $0x9FFFFFFF  }
0xc2: {  	(tm) =	ssettm $0x7FFFFFFF  }
0xc3: {  	_ =	shalt  }
tec
execute0_lowered:
.L_overlay_start_1:
0x0: {  	(tag) =	ssettag $0x1  }
0x1: {  	s0 =	rddreg [dreg:$0x0]  }
0x2: {  	s1 =	rddreg [dreg:$0x1];
	s2 =	simm.s32 $0x0;
	s6 =	srdreg.scid  }
0x3: {  	s13 =	stileid.u32;
	s17 =	simm.s32 $0x5;
	s19 =	simm.s32 $0x7D  }
0x4: {  	s20 =	simm.s32 $0xA000;
	s21 =	simm.s32 $0x80;
	s22 =	simm.s32 $0xBF40  }
0x5: {  	s28 =	simm.s32 $0x1;
	s29 =	simm.s32 $0x2;
	s30 =	simm.s32 $0x3  }
0x6: {  	s31 =	simm.s32 $0x4;
	[smem:$0x7FF] =	sst s2;
	s3 =	sadd.s32 $0x4C000, s0  }
0x7: {  	s5 =	sadd.s32 $0x2C00, s0;
	s4 =	sadd.s32 $0x38000, s0;
	s7 =	sadd.s32 $0x24000, s0  }
0x8: {  	s8 =	sand.u32 $0x1, s6;
	s6 =	sadd.s32 $0x16600, s0;
	s10 =	smul.u32 $0x5000, s13  }
0x9: {  	s11 =	sadd.s32 $0x73A00, s0;
	s12 =	smul.u32 $0xA000, s13;
	s0 =	sadd.s32 $0x5FA00, s0  }
0xa: {  	s25 =	sshll.u32 s13, $0x6;
	_ =	strace $0x8000004A;
	[dreg:$0x3] =	wrdreg s11  }
0xb: {  	s9 =	ssub.s32 $0x2, s8;
	[dreg:$0x4] =	wrdreg s0;
	p0 =	seq.s32 s8, $0x0  }
0xc: {  	s0 =	simm.s32 $0x9E00;
	s8 =	simm.s32 $0x9F80;
	s23 =	sshrl.u32 s9, $0x1  }
0xd: {  	s10 =	sshrl.u32 s10, $0x3;
	s16 =	sadd.s32 s12, s1;
	s12 =	sshrl.u32 s12, $0x3  }
0xe: {  	s24 =	ssub.s32 s9, s23;
	s14 =	sadd.s32 $0xA000, s10;
	s9 =	sor.u32 $0x1C05, s25  }
.Ltmp0:
0xf: {  	s26 =	sadd.s32 s7, s10;
	s13 =	sadd.s32 s4, s10;
	(pc) =	sbr.rel .LBB2_1-.Ltmp0, $4  }
0x10: {  	s16 =	sshrl.u32 s16, $0x3;
	s23 =	simm.s32 $0x100;
	s25 =	simm.s32 $0x180  }
0x11: {  	[dreg:$0x5] =	wrdreg s26;
	s7 =	sadd.s32 s7, s14;
	s14 =	sadd.s32 s4, s14  }
0x12: {  	s15 =	smax.u32 s24, $0x1;
	s24 =	simm.s32 $0xDE80;
	s26 =	simm.s32 $0xFDC0  }
0x13: {  	s4 =	simm.s32 $0x9E80;
	[dreg:$0x6] =	wrdreg s7;
	s7 =	simm.s32 $0x9F00  }
.LBB2_7:
0x14: {  	[tilespmem:s26], [sflag:$0x4] =	stream.indirect.gather [hbm4b:s3+s19], $0x40, s10, s19, $0xb8;
	[tilespmem:$0x1BD00] =	vst v63  }
0x15: {  	s10 =	rddreg [dreg:$0x3]  }
.LBB2_8:
0x16: {  	_ =	swait.ge [sflag:s28], $0x1F40  }
0x17: {  	[sflag:s28] =	ssyncset.done $0x0  }
0x18: {  	[sflag:s28] =	ssyncadd.s32 $0xFFFFE0C0  }
0x19: {  	[spmem:s1] =	stream.indirect.scatter.add.f32 [tilespmem:s20], [sflag:$0x5], $0x40, s0, s19, $0xb8;
	[tilespmem:$0x1BD00] =	vst v63  }
0x1a: {  	_ =	swait.ge [sflag:s17], $0x1F40  }
0x1b: {  	[sflag:s17] =	ssyncset.done $0x0  }
0x1c: {  	[sflag:s17] =	ssyncadd.s32 $0xFFFFE0C0  }
0x1d: {  	_ =	swait.ge [sflag:s29], $0x1F40  }
0x1e: {  	[sflag:s29] =	ssyncset.done $0x0  }
0x1f: {  	[sflag:s29] =	ssyncadd.s32 $0xFFFFE0C0  }
0x20: {  	[spmem:s1] =	stream.indirect.scatter.add.f32 [tilespmem:s22], [sflag:$0x5], $0x40, s4, s19, $0xb8;
	[tilespmem:$0x1BD00] =	vst v63  }
0x21: {  	_ =	swait.ge [sflag:s17], $0x1F40  }
0x22: {  	[sflag:s17] =	ssyncset.done $0x0  }
0x23: {  	[sflag:s17] =	ssyncadd.s32 $0xFFFFE0C0  }
0x24: {  	_ =	swait.ge [sflag:s30], $0x1F40  }
0x25: {  	[sflag:s30] =	ssyncset.done $0x0  }
0x26: {  	[sflag:s30] =	ssyncadd.s32 $0xFFFFE0C0  }
0x27: {  	[spmem:s1] =	stream.indirect.scatter.add.f32 [tilespmem:s24], [sflag:$0x5], $0x40, s7, s19, $0xb8;
	[tilespmem:$0x1BD00] =	vst v63  }
0x28: {  	_ =	swait.ge [sflag:s17], $0x1F40  }
0x29: {  	[sflag:s17] =	ssyncset.done $0x0  }
0x2a: {  	[sflag:s17] =	ssyncadd.s32 $0xFFFFE0C0  }
0x2b: {  	_ =	swait.ge [sflag:s31], $0x1F40  }
0x2c: {  	[sflag:s31] =	ssyncset.done $0x0  }
0x2d: {  	[sflag:s31] =	ssyncadd.s32 $0xFFFFE0C0  }
0x2e: {  	[spmem:s1] =	stream.indirect.scatter.add.f32 [tilespmem:s26], [sflag:$0x5], $0x40, s8, s19, $0xb8;
	[tilespmem:$0x1BD00] =	vst v63  }
0x2f: {  	_ =	swait.ge [sflag:s17], $0x1F40  }
0x30: {  	s2 =	sadd.s32 $0x1, s2;
	[sflag:s17] =	ssyncset.done $0x0  }
0x31: {  	p1 =	sne.s32 s2, s15;
	[sflag:s17] =	ssyncadd.s32 $0xFFFFE0C0  }
.Ltmp1:
0x32: {  	s10 =	sadd.s32 s10, s12;
	[bflag:$0x0] =	sbarrier.arrive $0xFFFF;
	(pc) =	sbr.rel @!p1 .LBB2_9-.Ltmp1, $4  }
0x33: {  	[hbm:s10], [sflag:s9] =	dma.local [spmem:s16], $0x1400  }
0x34: {  	_ =	swait.ge [sflag:s17], $0x1400  }
0x35: {  	[sflag:s17] =	ssyncset.done $0x0  }
0x36: {  	[sflag:s17] =	ssyncadd.s32 $0xFFFFEC00  }
.LBB2_1:
.Ltmp2:
0x37: {  	(pc) =	sbr.rel @!p0 .LBB2_2-.Ltmp2, $4  }
0x38: {  	[spmem:s16], [sflag:s9] =	dma.local [hbm:s6], $0x1400  }
0x39: {  	_ =	swait.ge [sflag:s17], $0x1400  }
0x3a: {  	[sflag:s17] =	ssyncset.done $0x0  }
0x3b: {  	s10 =	simm.s32 $0x0;
	[sflag:s17] =	ssyncadd.s32 $0xFFFFEC00  }
0x3c: {  	[tilespmem:s10], [sflag:$0x5] =	stream.linear.gather [hbm4b:s13+s10], $0x5000, $0x38;
	[tilespmem:$0x1BD00] =	vst v63  }
0x3d: {  	_ =	swait.ge [sflag:s17], $0x5000  }
0x3e: {  	[sflag:s17] =	ssyncset.done $0x0  }
0x3f: {  	s11 =	simm.s32 $0x5000;
	[sflag:s17] =	ssyncadd.s32 $0xFFFFB000  }
0x40: {  	[tilespmem:s11], [sflag:$0x5] =	stream.linear.gather [hbm4b:s14+s10], $0x5000, $0x38;
	[tilespmem:$0x1BD00] =	vst v63  }
0x41: {  	_ =	swait.ge [sflag:s17], $0x5000  }
0x42: {  	[sflag:s17] =	ssyncset.done $0x0  }
0x43: {  	[sflag:s17] =	ssyncadd.s32 $0xFFFFB000  }
0x44: {  	[bflag:$0x0] =	sbarrier.arrive $0xFFFF  }
0x45: {  	[tilespmem:s20], [sflag:$0x1] =	stream.indirect.gather [hbm4b:s3+s19], $0x40, s10, s19, $0xb8;
	[tilespmem:$0x1BD00] =	vst v63  }
0x46: {  	_ = 	snop  }
0x47: {  	[tilespmem:s22], [sflag:$0x2] =	stream.indirect.gather [hbm4b:s3+s19], $0x40, s21, s19, $0xb8;
	[tilespmem:$0x1BD00] =	vst v63  }
0x48: {  	_ = 	snop  }
0x49: {  	[tilespmem:s24], [sflag:$0x3] =	stream.indirect.gather [hbm4b:s3+s19], $0x40, s23, s19, $0xb8;
	[tilespmem:$0x1BD00] =	vst v63  }
0x4a: {  	_ = 	snop  }
0x4b: {  	[tilespmem:s26], [sflag:$0x4] =	stream.indirect.gather [hbm4b:s3+s19], $0x40, s25, s19, $0xb8;
	[tilespmem:$0x1BD00] =	vst v63  }
0x4c: {  	_ =	swait.ge [sflag:s28], $0x1F40  }
0x4d: {  	[sflag:s28] =	ssyncset.done $0x0  }
0x4e: {  	s18 =	simm.s32 $0x5000;
	[sflag:s28] =	ssyncadd.s32 $0xFFFFE0C0  }
0x4f: {  	[spmem:s1] =	stream.indirect.scatter.add.f32 [tilespmem:s20], [sflag:$0x5], $0x40, s18, s19, $0xb8;
	[tilespmem:$0x1BD00] =	vst v63  }
0x50: {  	_ =	swait.ge [sflag:s17], $0x1F40  }
0x51: {  	[sflag:s17] =	ssyncset.done $0x0  }
0x52: {  	s11 =	simm.s32 $0x200;
	[sflag:s17] =	ssyncadd.s32 $0xFFFFE0C0  }
0x53: {  	[tilespmem:s20], [sflag:$0x1] =	stream.indirect.gather [hbm4b:s3+s19], $0x40, s11, s19, $0xb8;
	[tilespmem:$0x1BD00] =	vst v63  }
0x54: {  	_ =	swait.ge [sflag:s29], $0x1F40  }
0x55: {  	[sflag:s29] =	ssyncset.done $0x0  }
0x56: {  	s18 =	simm.s32 $0x5080;
	[sflag:s29] =	ssyncadd.s32 $0xFFFFE0C0  }
0x57: {  	[spmem:s1] =	stream.indirect.scatter.add.f32 [tilespmem:s22], [sflag:$0x5], $0x40, s18, s19, $0xb8;
	[tilespmem:$0x1BD00] =	vst v63  }
0x58: {  	_ =	swait.ge [sflag:s17], $0x1F40  }
0x59: {  	[sflag:s17] =	ssyncset.done $0x0  }
0x5a: {  	s11 =	simm.s32 $0x280;
	[sflag:s17] =	ssyncadd.s32 $0xFFFFE0C0  }
0x5b: {  	[tilespmem:s22], [sflag:$0x2] =	stream.indirect.gather [hbm4b:s3+s19], $0x40, s11, s19, $0xb8;
	[tilespmem:$0x1BD00] =	vst v63  }
0x5c: {  	_ =	swait.ge [sflag:s30], $0x1F40  }
0x5d: {  	[sflag:s30] =	ssyncset.done $0x0  }
0x5e: {  	s18 =	simm.s32 $0x5100;
	[sflag:s30] =	ssyncadd.s32 $0xFFFFE0C0  }
0x5f: {  	[spmem:s1] =	stream.indirect.scatter.add.f32 [tilespmem:s24], [sflag:$0x5], $0x40, s18, s19, $0xb8;
	[tilespmem:$0x1BD00] =	vst v63  }
0x60: {  	_ =	swait.ge [sflag:s17], $0x1F40  }
0x61: {  	[sflag:s17] =	ssyncset.done $0x0  }
0x62: {  	s11 =	simm.s32 $0x300;
	[sflag:s17] =	ssyncadd.s32 $0xFFFFE0C0  }
0x63: {  	[tilespmem:s24], [sflag:$0x3] =	stream.indirect.gather [hbm4b:s3+s19], $0x40, s11, s19, $0xb8;
	[tilespmem:$0x1BD00] =	vst v63  }
0x64: {  	_ =	swait.ge [sflag:s31], $0x1F40  }
0x65: {  	[sflag:s31] =	ssyncset.done $0x0  }
0x66: {  	s18 =	simm.s32 $0x5180;
	[sflag:s31] =	ssyncadd.s32 $0xFFFFE0C0  }
0x67: {  	[spmem:s1] =	stream.indirect.scatter.add.f32 [tilespmem:s26], [sflag:$0x5], $0x40, s18, s19, $0xb8;
	[tilespmem:$0x1BD00] =	vst v63  }
0x68: {  	_ =	swait.ge [sflag:s17], $0x1F40  }
0x69: {  	[sflag:s17] =	ssyncset.done $0x0  }
0x6a: {  	s10 =	simm.s32 $0x380;
	s18 =	simm.s32 $0x800;
	[sflag:s17] =	ssyncadd.s32 $0xFFFFE0C0  }
.LBB2_6:
0x6b: {  	[tilespmem:s26], [sflag:$0x4] =	stream.indirect.gather [hbm4b:s3+s19], $0x40, s10, s19, $0xb8;
	[tilespmem:$0x1BD00] =	vst v63  }
0x6c: {  	s10 =	smov.u32 s18  }
0x6d: {  	p1 =	seq.s32 s18, $0x13000;
	s18 =	sadd.s32 $0x800, s18;
	_ =	swait.ge [sflag:s28], $0x1F40  }
0x6e: {  	s10 =	sshra.s32 s10, $0x2;
	[sflag:s28] =	ssyncset.done $0x0  }
0x6f: {  	s11 =	sadd.s32 $0x5000, s10;
	[sflag:s28] =	ssyncadd.s32 $0xFFFFE0C0  }
0x70: {  	[spmem:s1] =	stream.indirect.scatter.add.f32 [tilespmem:s20], [sflag:$0x5], $0x40, s11, s19, $0xb8;
	[tilespmem:$0x1BD00] =	vst v63  }
0x71: {  	_ =	swait.ge [sflag:s17], $0x1F40  }
0x72: {  	[sflag:s17] =	ssyncset.done $0x0  }
0x73: {  	s11 =	sadd.s32 $0x200, s10;
	[sflag:s17] =	ssyncadd.s32 $0xFFFFE0C0  }
0x74: {  	[tilespmem:s20], [sflag:$0x1] =	stream.indirect.gather [hbm4b:s3+s19], $0x40, s11, s19, $0xb8;
	[tilespmem:$0x1BD00] =	vst v63  }
0x75: {  	_ =	swait.ge [sflag:s29], $0x1F40  }
0x76: {  	[sflag:s29] =	ssyncset.done $0x0  }
0x77: {  	s11 =	sadd.s32 $0x5080, s10;
	[sflag:s29] =	ssyncadd.s32 $0xFFFFE0C0  }
0x78: {  	[spmem:s1] =	stream.indirect.scatter.add.f32 [tilespmem:s22], [sflag:$0x5], $0x40, s11, s19, $0xb8;
	[tilespmem:$0x1BD00] =	vst v63  }
0x79: {  	_ =	swait.ge [sflag:s17], $0x1F40  }
0x7a: {  	[sflag:s17] =	ssyncset.done $0x0  }
0x7b: {  	s11 =	sadd.s32 $0x280, s10;
	[sflag:s17] =	ssyncadd.s32 $0xFFFFE0C0  }
0x7c: {  	[tilespmem:s22], [sflag:$0x2] =	stream.indirect.gather [hbm4b:s3+s19], $0x40, s11, s19, $0xb8;
	[tilespmem:$0x1BD00] =	vst v63  }
0x7d: {  	_ =	swait.ge [sflag:s30], $0x1F40  }
0x7e: {  	[sflag:s30] =	ssyncset.done $0x0  }
0x7f: {  	s11 =	sadd.s32 $0x5100, s10;
	[sflag:s30] =	ssyncadd.s32 $0xFFFFE0C0  }
0x80: {  	[spmem:s1] =	stream.indirect.scatter.add.f32 [tilespmem:s24], [sflag:$0x5], $0x40, s11, s19, $0xb8;
	[tilespmem:$0x1BD00] =	vst v63  }
0x81: {  	_ =	swait.ge [sflag:s17], $0x1F40  }
0x82: {  	[sflag:s17] =	ssyncset.done $0x0  }
0x83: {  	s11 =	sadd.s32 $0x300, s10;
	[sflag:s17] =	ssyncadd.s32 $0xFFFFE0C0  }
0x84: {  	[tilespmem:s24], [sflag:$0x3] =	stream.indirect.gather [hbm4b:s3+s19], $0x40, s11, s19, $0xb8;
	[tilespmem:$0x1BD00] =	vst v63  }
0x85: {  	_ =	swait.ge [sflag:s31], $0x1F40  }
0x86: {  	[sflag:s31] =	ssyncset.done $0x0  }
.Ltmp3:
0x87: {  	s11 =	sadd.s32 $0x5180, s10;
	[sflag:s31] =	ssyncadd.s32 $0xFFFFE0C0;
	(pc) =	sbr.rel @!p1 .LBB2_6-.Ltmp3, $4  }
0x88: {  	[spmem:s1] =	stream.indirect.scatter.add.f32 [tilespmem:s26], [sflag:$0x5], $0x40, s11, s19, $0xb8;
	[tilespmem:$0x1BD00] =	vst v63  }
0x89: {  	_ =	swait.ge [sflag:s17], $0x1F40  }
0x8a: {  	[sflag:s17] =	ssyncset.done $0x0  }
0x8b: {  	s10 =	sadd.s32 $0x380, s10;
	[sflag:s17] =	ssyncadd.s32 $0xFFFFE0C0  }
.Ltmp4:
0x8c: {  	_ = 	snop;
	(pc) =	sbr.rel .LBB2_7-.Ltmp4, $1  }
0x8d: {  	_ =	sdelay $0x3  }
.LBB2_2:
0x8e: {  	s11 =	rddreg [dreg:$0x5]  }
0x8f: {  	[tilespmem:s10], [sflag:$0x5] =	stream.linear.gather [hbm4b:s11+s10], $0x5000, $0x38;
	[tilespmem:$0x1BD00] =	vst v63  }
0x90: {  	_ =	swait.ge [sflag:s17], $0x5000  }
0x91: {  	[sflag:s17] =	ssyncset.done $0x0  }
0x92: {  	s18 =	simm.s32 $0x5000;
	s11 =	rddreg [dreg:$0x6];
	[sflag:s17] =	ssyncadd.s32 $0xFFFFB000  }
0x93: {  	[tilespmem:s18], [sflag:$0x5] =	stream.linear.gather [hbm4b:s11+s10], $0x5000, $0x38;
	[tilespmem:$0x1BD00] =	vst v63  }
0x94: {  	_ =	swait.ge [sflag:s17], $0x5000  }
0x95: {  	[sflag:s17] =	ssyncset.done $0x0  }
0x96: {  	[sflag:s17] =	ssyncadd.s32 $0xFFFFB000  }
0x97: {  	[bflag:$0x0] =	sbarrier.arrive $0xFFFF  }
0x98: {  	[tilespmem:s20], [sflag:$0x1] =	stream.indirect.gather [hbm4b:s5+s19], $0x40, s10, s19, $0xb8;
	[tilespmem:$0x1BD00] =	vst v63  }
0x99: {  	_ = 	snop  }
0x9a: {  	[tilespmem:s22], [sflag:$0x2] =	stream.indirect.gather [hbm4b:s5+s19], $0x40, s21, s19, $0xb8;
	[tilespmem:$0x1BD00] =	vst v63  }
0x9b: {  	_ = 	snop  }
0x9c: {  	[tilespmem:s24], [sflag:$0x3] =	stream.indirect.gather [hbm4b:s5+s19], $0x40, s23, s19, $0xb8;
	[tilespmem:$0x1BD00] =	vst v63  }
0x9d: {  	_ = 	snop  }
0x9e: {  	[tilespmem:s26], [sflag:$0x4] =	stream.indirect.gather [hbm4b:s5+s19], $0x40, s25, s19, $0xb8;
	[tilespmem:$0x1BD00] =	vst v63  }
0x9f: {  	_ =	swait.ge [sflag:s28], $0x1F40  }
0xa0: {  	[sflag:s28] =	ssyncset.done $0x0  }
0xa1: {  	s18 =	simm.s32 $0x5000;
	[sflag:s28] =	ssyncadd.s32 $0xFFFFE0C0  }
0xa2: {  	[spmem:s1] =	stream.indirect.scatter.add.f32 [tilespmem:s20], [sflag:$0x5], $0x40, s18, s19, $0xb8;
	[tilespmem:$0x1BD00] =	vst v63  }
0xa3: {  	_ =	swait.ge [sflag:s17], $0x1F40  }
0xa4: {  	[sflag:s17] =	ssyncset.done $0x0  }
0xa5: {  	s11 =	simm.s32 $0x200;
	[sflag:s17] =	ssyncadd.s32 $0xFFFFE0C0  }
0xa6: {  	[tilespmem:s20], [sflag:$0x1] =	stream.indirect.gather [hbm4b:s5+s19], $0x40, s11, s19, $0xb8;
	[tilespmem:$0x1BD00] =	vst v63  }
0xa7: {  	_ =	swait.ge [sflag:s29], $0x1F40  }
0xa8: {  	[sflag:s29] =	ssyncset.done $0x0  }
0xa9: {  	s18 =	simm.s32 $0x5080;
	[sflag:s29] =	ssyncadd.s32 $0xFFFFE0C0  }
0xaa: {  	[spmem:s1] =	stream.indirect.scatter.add.f32 [tilespmem:s22], [sflag:$0x5], $0x40, s18, s19, $0xb8;
	[tilespmem:$0x1BD00] =	vst v63  }
0xab: {  	_ =	swait.ge [sflag:s17], $0x1F40  }
0xac: {  	[sflag:s17] =	ssyncset.done $0x0  }
0xad: {  	s11 =	simm.s32 $0x280;
	[sflag:s17] =	ssyncadd.s32 $0xFFFFE0C0  }
0xae: {  	[tilespmem:s22], [sflag:$0x2] =	stream.indirect.gather [hbm4b:s5+s19], $0x40, s11, s19, $0xb8;
	[tilespmem:$0x1BD00] =	vst v63  }
0xaf: {  	_ =	swait.ge [sflag:s30], $0x1F40  }
0xb0: {  	[sflag:s30] =	ssyncset.done $0x0  }
0xb1: {  	s18 =	simm.s32 $0x5100;
	[sflag:s30] =	ssyncadd.s32 $0xFFFFE0C0  }
0xb2: {  	[spmem:s1] =	stream.indirect.scatter.add.f32 [tilespmem:s24], [sflag:$0x5], $0x40, s18, s19, $0xb8;
	[tilespmem:$0x1BD00] =	vst v63  }
0xb3: {  	_ =	swait.ge [sflag:s17], $0x1F40  }
0xb4: {  	[sflag:s17] =	ssyncset.done $0x0  }
0xb5: {  	s11 =	simm.s32 $0x300;
	[sflag:s17] =	ssyncadd.s32 $0xFFFFE0C0  }
0xb6: {  	[tilespmem:s24], [sflag:$0x3] =	stream.indirect.gather [hbm4b:s5+s19], $0x40, s11, s19, $0xb8;
	[tilespmem:$0x1BD00] =	vst v63  }
0xb7: {  	_ =	swait.ge [sflag:s31], $0x1F40  }
0xb8: {  	[sflag:s31] =	ssyncset.done $0x0  }
0xb9: {  	s18 =	simm.s32 $0x5180;
	[sflag:s31] =	ssyncadd.s32 $0xFFFFE0C0  }
0xba: {  	[spmem:s1] =	stream.indirect.scatter.add.f32 [tilespmem:s26], [sflag:$0x5], $0x40, s18, s19, $0xb8;
	[tilespmem:$0x1BD00] =	vst v63  }
0xbb: {  	_ =	swait.ge [sflag:s17], $0x1F40  }
0xbc: {  	[sflag:s17] =	ssyncset.done $0x0  }
0xbd: {  	s10 =	simm.s32 $0x380;
	s18 =	simm.s32 $0x800;
	[sflag:s17] =	ssyncadd.s32 $0xFFFFE0C0  }
.LBB2_3:
0xbe: {  	[tilespmem:s26], [sflag:$0x4] =	stream.indirect.gather [hbm4b:s5+s19], $0x40, s10, s19, $0xb8;
	[tilespmem:$0x1BD00] =	vst v63  }
0xbf: {  	s10 =	smov.u32 s18  }
0xc0: {  	p1 =	sne.s32 s18, $0x13000;
	s18 =	sadd.s32 $0x800, s18;
	_ =	swait.ge [sflag:s28], $0x1F40  }
0xc1: {  	s10 =	sshra.s32 s10, $0x2;
	[sflag:s28] =	ssyncset.done $0x0  }
0xc2: {  	s11 =	sadd.s32 $0x5000, s10;
	[sflag:s28] =	ssyncadd.s32 $0xFFFFE0C0  }
0xc3: {  	[spmem:s1] =	stream.indirect.scatter.add.f32 [tilespmem:s20], [sflag:$0x5], $0x40, s11, s19, $0xb8;
	[tilespmem:$0x1BD00] =	vst v63  }
0xc4: {  	_ =	swait.ge [sflag:s17], $0x1F40  }
0xc5: {  	[sflag:s17] =	ssyncset.done $0x0  }
0xc6: {  	s11 =	sadd.s32 $0x200, s10;
	[sflag:s17] =	ssyncadd.s32 $0xFFFFE0C0  }
0xc7: {  	[tilespmem:s20], [sflag:$0x1] =	stream.indirect.gather [hbm4b:s5+s19], $0x40, s11, s19, $0xb8;
	[tilespmem:$0x1BD00] =	vst v63  }
0xc8: {  	_ =	swait.ge [sflag:s29], $0x1F40  }
0xc9: {  	[sflag:s29] =	ssyncset.done $0x0  }
0xca: {  	s11 =	sadd.s32 $0x5080, s10;
	[sflag:s29] =	ssyncadd.s32 $0xFFFFE0C0  }
0xcb: {  	[spmem:s1] =	stream.indirect.scatter.add.f32 [tilespmem:s22], [sflag:$0x5], $0x40, s11, s19, $0xb8;
	[tilespmem:$0x1BD00] =	vst v63  }
0xcc: {  	_ =	swait.ge [sflag:s17], $0x1F40  }
0xcd: {  	[sflag:s17] =	ssyncset.done $0x0  }
0xce: {  	s11 =	sadd.s32 $0x280, s10;
	[sflag:s17] =	ssyncadd.s32 $0xFFFFE0C0  }
0xcf: {  	[tilespmem:s22], [sflag:$0x2] =	stream.indirect.gather [hbm4b:s5+s19], $0x40, s11, s19, $0xb8;
	[tilespmem:$0x1BD00] =	vst v63  }
0xd0: {  	_ =	swait.ge [sflag:s30], $0x1F40  }
0xd1: {  	[sflag:s30] =	ssyncset.done $0x0  }
0xd2: {  	s11 =	sadd.s32 $0x5100, s10;
	[sflag:s30] =	ssyncadd.s32 $0xFFFFE0C0  }
0xd3: {  	[spmem:s1] =	stream.indirect.scatter.add.f32 [tilespmem:s24], [sflag:$0x5], $0x40, s11, s19, $0xb8;
	[tilespmem:$0x1BD00] =	vst v63  }
0xd4: {  	_ =	swait.ge [sflag:s17], $0x1F40  }
0xd5: {  	[sflag:s17] =	ssyncset.done $0x0  }
0xd6: {  	s11 =	sadd.s32 $0x300, s10;
	[sflag:s17] =	ssyncadd.s32 $0xFFFFE0C0  }
0xd7: {  	[tilespmem:s24], [sflag:$0x3] =	stream.indirect.gather [hbm4b:s5+s19], $0x40, s11, s19, $0xb8;
	[tilespmem:$0x1BD00] =	vst v63  }
0xd8: {  	_ =	swait.ge [sflag:s31], $0x1F40  }
0xd9: {  	[sflag:s31] =	ssyncset.done $0x0  }
.Ltmp5:
0xda: {  	s11 =	sadd.s32 $0x5180, s10;
	[sflag:s31] =	ssyncadd.s32 $0xFFFFE0C0;
	(pc) =	sbr.rel @p1 .LBB2_3-.Ltmp5, $4  }
0xdb: {  	[spmem:s1] =	stream.indirect.scatter.add.f32 [tilespmem:s26], [sflag:$0x5], $0x40, s11, s19, $0xb8;
	[tilespmem:$0x1BD00] =	vst v63  }
0xdc: {  	_ =	swait.ge [sflag:s17], $0x1F40  }
0xdd: {  	[sflag:s17] =	ssyncset.done $0x0  }
0xde: {  	s10 =	sadd.s32 $0x380, s10;
	[sflag:s17] =	ssyncadd.s32 $0xFFFFE0C0  }
.Ltmp6:
0xdf: {  	(pc) =	sbr.rel .LBB2_8-.Ltmp6, $3  }
0xe0: {  	_ =	sdelay $0x1  }
0xe1: {  	[tilespmem:s26], [sflag:$0x4] =	stream.indirect.gather [hbm4b:s5+s19], $0x40, s10, s19, $0xb8;
	[tilespmem:$0x1BD00] =	vst v63  }
0xe2: {  	s10 =	rddreg [dreg:$0x4]  }
.LBB2_9:
0xe3: {  	_ =	sfence.sel $0x180000  }
0xe4: {  	[bflag:$0x0] =	sbarrier.arrive $0xFFFF  }
0xe5: {  	_ =	strace $0x9000004A  }
0xe6: {  	s0 =	stileid.u32;
	[bflag:$0x2] =	sbarrier.arrive $0xFFFF  }
0xe7: {  	p0 =	sne.s32 s0, $0x0;
	s0 =	rddreg [dreg:$0x2]  }
0xe8: {  	s0 =	sadd.s32 @!p0 $0x100000, s0  }
0xe9: {  	[sflag:s0] =	ssyncadd.tile.s32 @!p0 $0x1;
	_ =	shalt  }
.Lfunc_end2:
_tile_overlayer_lowered:
.L_overlay_start_2:
0xea: {  	(tag) =	ssettag $0x2  }
0xeb: {  	s0 =	rddreg [dreg:$0x0];
	s2 =	stileid.u32  }
0xec: {  	s1 =	rddreg [dreg:$0x1];
	p0 =	sne.s32 s2, $0x0  }
0xed: {  	s3 =	rddreg [dreg:$0x2];
	[bflag:$0x3] =	sbarrier.arrive $0xFFFF;
	s2 =	simm.s32 @!p0 $0x1C05  }
0xee: {  	[timem:s3], [sflag:s2] =	dma.local @!p0 [hbm:s0], s1  }
0xef: {  	s0 =	simm.s32 @!p0 $0x5  }
0xf0: {  	_ =	swait.ge @!p0 [sflag:s0], s1  }
0xf1: {  	s1 =	ssub.s32 @!p0 $0x0, s1;
	[sflag:s0] =	ssyncset.done @!p0 $0x0  }
0xf2: {  	[sflag:s0] =	ssyncadd.s32 @!p0 s1  }
0xf3: {  	[bflag:$0x3] =	sbarrier.arrive $0xFFFF  }
0xf4: {  	_ =	shalt  }

// kernel: kernel.7.cloned.1.call-start
scs
__scs_entry_jumppad:
0x0: {  	(pc) =	sbr.rel $0x88, $3  }
0x1: {  	(tag) =	ssettag $0x0;
	lr =	simm.s32 $0x1  }
0x2: {  	[smem:$0x3F9A] =	sst lr;
	_ =	strace $0xD0000000  }
0x3: {  	_ = 	snop  }
0x4: {  	_ = 	snop  }
0x5: {  	_ = 	snop  }
0x6: {  	_ = 	snop  }
0x7: {  	_ = 	snop  }
__scs_overlays_trampoline_lowered:
0x8: {  	[smem:$0x3FA9] =	sst s0  }
0x9: {  	[smem:$0x3FAA] =	sst s1  }
0xa: {  	[smem:$0x3FAB] =	sst s2  }
0xb: {  	[smem:$0x3FAC] =	sst s3  }
0xc: {  	[smem:$0x3FAD] =	sst s4  }
0xd: {  	[smem:$0x3FAE] =	sst s5  }
0xe: {  	[smem:$0x3FAF] =	sst s6  }
0xf: {  	[smem:$0x3FB0] =	sst s7  }
0x10: {  	[smem:$0x3FB1] =	sst s8  }
0x11: {  	[smem:$0x3FB2] =	sst s9;
	s0 =	simm.s32 @!p0 $0x0  }
0x12: {  	s1 =	sld [smem:$0x3F98];
	s0 =	simm.s32 @p0 $0x1  }
0x13: {  	[smem:$0x3FB3] =	sst s0;
	s0 =	simm.s32 @!p1 $0x0  }
0x14: {  	s2 =	sld [smem:$0x3F97];
	s0 =	simm.s32 @p1 $0x1  }
0x15: {  	[smem:$0x3FB4] =	sst s0;
	s0 =	simm.s32 @!p2 $0x0  }
0x16: {  	s3 =	sld [smem:$0x3FDB];
	s0 =	simm.s32 @p2 $0x1  }
0x17: {  	s4 =	simm.s32 $0x1BF5;
	[smem:$0x3FB6] =	sst s0  }
0x18: {  	s0 =	sld [smem:$0x3F99];
	_ =	swait.ge [sflag:s4], $0x0  }
0x19: {  	s7 =	sld [smem:$0x3F9A]  }
0x1a: {  	s8 =	sadd.s32 $0xFFFFE003, lr  }
0x1b: {  	s9 =	sadd.s32 $0xFFFFFEF7, lr;
	s5 =	simm.s32 $0xFFFFFFFF;
	p2 =	slt.u32 s8, $0xFFFFF086  }
0x1c: {  	p1 =	slt.u32 s9, $0xF7A;
	s5 =	simm.s32 @!p2 $0x0  }
0x1d: {  	s5 =	simm.s32 @p1 $0x1;
	p0 =	seq.s32 s7, s2  }
0x1e: {  	s7 =	smul.u32 @!p0 $0xF7A, s2;
	p2 =	seq.s32 @!p0 s5, $0x0  }
0x1f: {  	s9 =	smul.u32 $0xF7A, s1;
	s8 =	simm.s32 @!p0 $0x1BF5;
	p2 =	por !p2, p0  }
0x20: {  	[sflag:s8] =	ssyncset.s32 @!p0 $0xFFFFF086;
	s6 =	sadd.s32 @!p0 s3, s7;
	s7 =	simm.s32 @!p0 $0x108  }
0x21: {  	s3 =	sadd.s32 s3, s9;
	s6 =	sadd.s32 @!p0 $0x88, s6;
	s7 =	simm.s32 @p2 $0x1082  }
0x22: {  	[simem:s7], [sflag:s8] =	dma.local @!p0 [hbm:s6], $0xF7A  }
0x23: {  	s9 =	sor.u32 $0xD0000000, s2;
	s6 =	simm.s32 $0x108;
	_ =	swait.ge @!p0 [sflag:s8], $0x0  }
0x24: {  	s3 =	sadd.s32 $0x88, s3;
	s6 =	simm.s32 @!p1 $0x1082;
	[sflag:s4] =	ssyncset.s32 $0xFFFFF086  }
0x25: {  	[simem:s6], [sflag:s4] =	dma.local [hbm:s3], $0xF7A  }
0x26: {  	[smem:$0x3F9A] =	sst s1;
	(tag) =	ssettag s2;
	_ =	strace s9  }
0x27: {  	s1 =	sld [smem:$0x3FAA]  }
0x28: {  	s2 =	sld [smem:$0x3FAB]  }
0x29: {  	s4 =	sld [smem:$0x3FAD]  }
0x2a: {  	p0 =	seq.s32 s5, $0x0;
	s5 =	sld [smem:$0x3FAE]  }
0x2b: {  	s6 =	sld [smem:$0x3FAF]  }
0x2c: {  	s7 =	sld [smem:$0x3FB0]  }
0x2d: {  	s3 =	simm.s32 $0x108;
	s8 =	sld [smem:$0x3FB1]  }
0x2e: {  	s3 =	simm.s32 @!p0 $0x1082;
	s9 =	sld [smem:$0x3FB2]  }
0x2f: {  	lr =	sadd.s32 s0, s3;
	s0 =	sld [smem:$0x3FA9]  }
0x30: {  	s3 =	sld [smem:$0x3FAC]  }
0x31: {  	[smem:$0x3FB5] =	sst s10  }
0x32: {  	s10 =	sld [smem:$0x3FB3];
	_ =	sdelay $0x3  }
0x33: {  	p0 =	seq.s32 s10, $0x1;
	s10 =	sld [smem:$0x3FB5];
	_ =	sdelay $0x3  }
0x34: {  	[smem:$0x3FB5] =	sst s10  }
0x35: {  	s10 =	sld [smem:$0x3FB4];
	_ =	sdelay $0x3  }
0x36: {  	p1 =	seq.s32 s10, $0x1;
	s10 =	sld [smem:$0x3FB5];
	_ =	sdelay $0x3  }
0x37: {  	[smem:$0x3FB5] =	sst s10  }
0x38: {  	s10 =	sld [smem:$0x3FB6]  }
0x39: {  	_ = 	snop;
	(pc) =	sbr.ind lr, $3  }
0x3a: {  	_ = 	snop  }
0x3b: {  	_ = 	snop  }
0x3c: {  	p2 =	seq.s32 s10, $0x1;
	s10 =	sld [smem:$0x3FB5]  }
0x3d: {  	_ =	shalt  }
0x3e: {  	_ =	shalt  }
0x3f: {  	_ =	shalt  }
0x40: {  	_ =	shalt  }
0x41: {  	_ =	shalt  }
0x42: {  	_ =	shalt  }
0x43: {  	_ =	shalt  }
0x44: {  	_ =	shalt  }
0x45: {  	_ =	shalt  }
0x46: {  	_ =	shalt  }
0x47: {  	_ =	shalt  }
0x48: {  	_ =	shalt  }
0x49: {  	_ =	shalt  }
0x4a: {  	_ =	shalt  }
0x4b: {  	_ =	shalt  }
0x4c: {  	_ =	shalt  }
0x4d: {  	_ =	shalt  }
0x4e: {  	_ =	shalt  }
0x4f: {  	_ =	shalt  }
0x50: {  	_ =	shalt  }
0x51: {  	_ =	shalt  }
0x52: {  	_ =	shalt  }
0x53: {  	_ =	shalt  }
0x54: {  	_ =	shalt  }
0x55: {  	_ =	shalt  }
0x56: {  	_ =	shalt  }
0x57: {  	_ =	shalt  }
0x58: {  	_ =	shalt  }
0x59: {  	_ =	shalt  }
0x5a: {  	_ =	shalt  }
0x5b: {  	_ =	shalt  }
0x5c: {  	_ =	shalt  }
0x5d: {  	_ =	shalt  }
0x5e: {  	_ =	shalt  }
0x5f: {  	_ =	shalt  }
0x60: {  	_ =	shalt  }
0x61: {  	_ =	shalt  }
0x62: {  	_ =	shalt  }
0x63: {  	_ =	shalt  }
0x64: {  	_ =	shalt  }
0x65: {  	_ =	shalt  }
0x66: {  	_ =	shalt  }
0x67: {  	_ =	shalt  }
0x68: {  	_ =	shalt  }
0x69: {  	_ =	shalt  }
0x6a: {  	_ =	shalt  }
0x6b: {  	_ =	shalt  }
0x6c: {  	_ =	shalt  }
0x6d: {  	_ =	shalt  }
0x6e: {  	_ =	shalt  }
0x6f: {  	_ =	shalt  }
0x70: {  	_ =	shalt  }
0x71: {  	_ =	shalt  }
0x72: {  	_ =	shalt  }
0x73: {  	_ =	shalt  }
0x74: {  	_ =	shalt  }
0x75: {  	_ =	shalt  }
0x76: {  	_ =	shalt  }
0x77: {  	_ =	shalt  }
0x78: {  	_ =	shalt  }
0x79: {  	_ =	shalt  }
0x7a: {  	_ =	shalt  }
0x7b: {  	_ =	shalt  }
0x7c: {  	_ =	shalt  }
0x7d: {  	_ =	shalt  }
0x7e: {  	_ =	shalt  }
0x7f: {  	_ =	shalt  }
0x80: {  	_ =	shalt  }
0x81: {  	_ =	shalt  }
0x82: {  	_ =	shalt  }
0x83: {  	_ =	shalt  }
0x84: {  	_ =	shalt  }
0x85: {  	_ =	shalt  }
0x86: {  	_ =	shalt  }
0x87: {  	_ =	shalt  }
.Lfunc_end0:
.L_simem_size_0:
called_computation_lowered:
.L_overlay_start_0:
0x88: {  	s2 =	sld [smem:$0x3FD9]  }
0x89: {  	s3 =	sld [smem:$0x3FFE];
	_ =	sdelay $0x1  }
0x8a: {  	s1 =	srdreg.scid  }
0x8b: {  	s0 =	sand.u32 $0x1, s1  }
0x8c: {  	s17 =	sshll.u32 s0, $0xA;
	s2 =	sadd.s32 s3, s2  }
0x8d: {  	s2 =	sadd.s32 s2, s17  }
0x8e: {  	[smem:$0x3FC1] =	sst s2  }
0x8f: {  	_ = 	snop  }
0x90: {  	s2 =	sld [smem:$0x3FD0];
	(tm) =	ssettm $0x1  }
0x91: {  	s18 =	sld [smem:$0x3FFB];
	_ =	sdelay $0x3  }
0x92: {  	_ =	strace s18  }
0x93: {  	s3 =	sld [smem:$0x3FFC];
	_ =	sdelay $0x3  }
0x94: {  	_ =	strace s3  }
0x95: {  	s3 =	sld [smem:$0x3FFD];
	_ =	sdelay $0x3  }
0x96: {  	_ =	strace s3  }
0x97: {  	_ =	strace $0x8FFFFFFF  }
0x98: {  	s19 =	sld [smem:$0x3FDB];
	_ =	sdelay $0x1  }
0x99: {  	s4 =	simm.s32 $_scs_section_size  }
0x9a: {  	s5 =	simm.s32 $_size__tile_overlayer_lowered;
	s6 =	simm.s32 $_tile_overlayer_lowered  }
0x9b: {  	s22 =	simm.s32 $0x1BFF;
	s21 =	sshll.u32 s6, $0x1;
	s3 =	sadd.s32 s4, s19  }
0x9c: {  	s7 =	simm.s32 $0x0;
	s20 =	sshll.u32 s5, $0x1;
	s5 =	sadd.s32 s21, s3  }
0x9d: {  	[timem:s7], [sflag:s22] =	dma.local [hbm:s5], s20  }
0x9e: {  	_ =	swait.ge [sflag:s22], s20  }
0x9f: {  	s4 =	ssub.s32 $0x0, s20;
	[sflag:s22] =	ssyncset.done $0x0  }
0xa0: {  	[sflag:s22] =	ssyncadd.s32 s4;
	_ =	sdelay $0x1  }
0xa1: {  	s23 =	simm.s32 $0x1B8B  }
0xa2: {  	_ =	swait.ge [sflag:s23], $0x1  }
0xa3: {  	[sflag:s23] =	ssyncset.done $0x0  }
0xa4: {  	s25 =	simm.s32 $0x1B8E;
	s24 =	sld [smem:$0x3FFE];
	[sflag:s23] =	ssyncadd.s32 $0xFFFFFFFF  }
0xa5: {  	s26 =	simm.s32 $execute0_lowered;
	[smem:$0x3FD2] =	sst s25  }
0xa6: {  	s5 =	sshll.u32 s26, $0x1;
	_ =	strace $0x80000046;
	[dreg:$0x1] =	wrdreg $0xFFFFFFFF  }
0xa7: {  	s28 =	simm.s32 $_size_execute0_lowered;
	s3 =	sadd.s32 s3, s5;
	[dreg:$0x0] =	wrdreg $0x0  }
0xa8: {  	s5 =	sshll.u32 s28, $0x1;
	[dreg:$0x2] =	wrdreg s3  }
0xa9: {  	[dreg:$0x3] =	wrdreg s5  }
0xaa: {  	[dreg:$0x4] =	wrdreg $0xC0  }
0xab: {  	_ =	task [dreg:s7], $0x5FFFF  }
0xac: {  	[dreg:$0x1] =	wrdreg $0xFFFFFFFF  }
0xad: {  	[dreg:$0x0] =	wrdreg $0x60  }
0xae: {  	[dreg:$0x2] =	wrdreg s2  }
0xaf: {  	[dreg:$0x3] =	wrdreg s24  }
0xb0: {  	[dreg:$0x4] =	wrdreg $0x17D000  }
0xb1: {  	[dreg:$0x5] =	wrdreg $0x1A5000  }
0xb2: {  	[dreg:$0x6] =	wrdreg $0x9  }
0xb3: {  	_ =	task.clear_ibuf [dreg:s7], $0x7FFFF;
	_ =	strace $0x90000046  }
0xb4: {  	s29 =	simm.s32 $0x9;
	_ =	strace $0x80000048  }
0xb5: {  	_ =	swait.ge [sflag:s29], $0x1  }
0xb6: {  	[sflag:s29] =	ssyncadd.s32 $0xFFFFFFFF  }
0xb7: {  	_ =	strace $0x90000048  }
0xb8: {  	_ =	sfence  }
0xb9: {  	s30 =	sld [smem:$0x0];
	_ =	sdelay $0x2  }
0xba: {  	s31 =	sshll.u32 s1, $0xD;
	s1 =	sshrl.u32 s1, $0x2  }
0xbb: {  	s3 =	sand.u32 $0x4000, s31;
	s1 =	sadd.s32 s1, s30  }
0xbc: {  	s0 =	sor.u32 s3, s0;
	s1 =	sshll.u32 s1, $0x11  }
0xbd: {  	s0 =	sor.u32 s1, s0  }
0xbe: {  	s0 =	sadd.s32 $0x8F2B, s0  }
0xbf: {  	[sflag:s0] =	ssyncadd.remote.s32 $0x1  }
0xc0: {  	_ =	sfence.sel $0xFFFF  }
0xc1: {  	[dreg:$0x0] =	wrdreg $0xFFFFFFFF;
	(pc) =	sbr.abs _section_cstart, $3  }
0xc2: {  	[dreg:$0x1] =	wrdreg $0xFFFFFFFF  }
0xc3: {  	_ =	task.clear_ibuf [dreg:s7], $0x2FFFF;
	_ =	strace $0x9FFFFFFF  }
0xc4: {  	(tm) =	ssettm $0x7FFFFFFF  }
0xc5: {  	_ =	shalt  }
tec
execute0_lowered:
.L_overlay_start_1:
0x0: {  	(tag) =	ssettag $0x1  }
0x1: {  	s2 =	rddreg [dreg:$0x2];
	s0 =	srdreg.scid  }
0x2: {  	s8 =	stileid.u32;
	s1 =	rddreg [dreg:$0x3];
	s3 =	sand.u32 $0x1, s0  }
0x3: {  	s24 =	sshrl.u32 s8, $0x3;
	s25 =	sshll.u32 s8, $0x7;
	s8 =	smul.u32 $0x1400, s8  }
0x4: {  	s4 =	ssub.s32 $0x2, s3;
	s5 =	smul.u32 $0x14000, s24;
	s7 =	sand.u32 $0x380, s25  }
0x5: {  	p0 =	seq.s32 s3, $0x0;
	s6 =	sshrl.u32 s4, $0x1;
	s20 =	sadd.s32 s8, s2  }
0x6: {  	s9 =	sor.u32 $0x300, s8;
	s10 =	sor.u32 $0x380, s8;
	s11 =	sadd.s32 $0x14000, s8  }
0x7: {  	s12 =	sadd.s32 $0x14080, s8;
	s13 =	sadd.s32 $0x14100, s8;
	s14 =	sadd.s32 $0x14180, s8  }
0x8: {  	s15 =	sadd.s32 $0x14200, s8;
	s17 =	sadd.s32 $0x14300, s8;
	s18 =	sadd.s32 $0x14380, s8  }
0x9: {  	s26 =	ssub.s32 s4, s6;
	s28 =	sor.u32 s7, s5;
	s4 =	sor.u32 $0x100, s8  }
0xa: {  	s5 =	sor.u32 $0x180, s8;
	s6 =	sor.u32 $0x200, s8;
	s7 =	sor.u32 $0x280, s8  }
0xb: {  	s29 =	sadd.s32 s11, s2;
	s30 =	sadd.s32 s12, s2;
	s31 =	sadd.s32 s13, s2  }
0xc: {  	s16 =	sadd.s32 s15, s2;
	s11 =	sadd.s32 s11, s1;
	s12 =	sadd.s32 s12, s1  }
0xd: {  	s13 =	sadd.s32 s13, s1;
	s15 =	sadd.s32 s15, s1;
	[smem:$0x771] =	sst s26  }
0xe: {  	s0 =	sadd.s32 s28, s2;
	s3 =	sadd.s32 s28, s1;
	s22 =	sadd.s32 s4, s2  }
0xf: {  	s23 =	sadd.s32 s5, s2;
	s24 =	sadd.s32 s6, s2;
	s25 =	sadd.s32 s7, s2  }
0x10: {  	s26 =	sadd.s32 s9, s2;
	s28 =	sadd.s32 s10, s2;
	[dreg:$0x13] =	wrdreg s16  }
0x11: {  	s16 =	sadd.s32 $0x14280, s8;
	s6 =	sadd.s32 s6, s1;
	[dreg:$0x5] =	wrdreg s0  }
0x12: {  	[dreg:$0x6] =	wrdreg s3;
	s3 =	sor.u32 $0x80, s8;
	s19 =	sadd.s32 s16, s2  }
0x13: {  	s0 =	sadd.s32 s14, s2;
	[dreg:$0x14] =	wrdreg s19;
	s19 =	sadd.s32 s17, s2  }
0x14: {  	s21 =	sadd.s32 s3, s2;
	s2 =	sadd.s32 s18, s2;
	[dreg:$0x15] =	wrdreg s19  }
0x15: {  	s7 =	sadd.s32 s7, s1;
	s3 =	sadd.s32 s3, s1;
	[dreg:$0x16] =	wrdreg s2  }
0x16: {  	s9 =	sadd.s32 s9, s1;
	s10 =	sadd.s32 s10, s1;
	[dreg:$0x18] =	wrdreg s3  }
0x17: {  	s8 =	sadd.s32 s8, s1;
	s19 =	sadd.s32 s4, s1;
	s4 =	rddreg [dreg:$0x1]  }
0x18: {  	s14 =	sadd.s32 s14, s1;
	s16 =	sadd.s32 s16, s1;
	s2 =	rddreg [dreg:$0x0]  }
0x19: {  	s17 =	sadd.s32 s17, s1;
	s3 =	sadd.s32 s5, s1;
	[dreg:$0x19] =	wrdreg s19  }
0x1a: {  	s18 =	sadd.s32 s18, s1;
	[dreg:$0x1a] =	wrdreg s3;
	s3 =	sadd.s32 $0x22C00, s4  }
0x1b: {  	s5 =	sadd.s32 $0x23600, s4;
	s1 =	sadd.s32 $0x2C00, s4;
	s4 =	simm.s32 $0x0  }
0x1c: {  	[smem:$0x7FF] =	sst s4  }
0x1d: {  	_ =	strace $0x80000047;
	[dreg:$0x7] =	wrdreg s20  }
0x1e: {  	[dreg:$0x8] =	wrdreg s21  }
0x1f: {  	[dreg:$0x9] =	wrdreg s22  }
0x20: {  	[dreg:$0xa] =	wrdreg s23  }
0x21: {  	[dreg:$0xb] =	wrdreg s24  }
0x22: {  	[dreg:$0xc] =	wrdreg s25  }
0x23: {  	[dreg:$0xd] =	wrdreg s26  }
0x24: {  	[dreg:$0xe] =	wrdreg s28  }
0x25: {  	[dreg:$0xf] =	wrdreg s29  }
0x26: {  	[dreg:$0x10] =	wrdreg s30  }
0x27: {  	[dreg:$0x11] =	wrdreg s31  }
0x28: {  	[dreg:$0x12] =	wrdreg s0  }
0x29: {  	[dreg:$0x17] =	wrdreg s8  }
0x2a: {  	[dreg:$0x1b] =	wrdreg s6  }
0x2b: {  	[dreg:$0x1c] =	wrdreg s7  }
0x2c: {  	[dreg:$0x1d] =	wrdreg s9  }
0x2d: {  	[dreg:$0x1e] =	wrdreg s10  }
0x2e: {  	[dreg:$0x1f] =	wrdreg s11  }
0x2f: {  	[smem:$0x7DA] =	sst s12  }
0x30: {  	[smem:$0x7DF] =	sst s13  }
0x31: {  	[smem:$0x7E4] =	sst s14  }
0x32: {  	s19 =	stileid.u32;
	[smem:$0x7E9] =	sst s15  }
0x33: {  	s5 =	smov.u32 @p0 s3;
	s3 =	smul.u32 $0xA0, s19;
	[smem:$0x7EE] =	sst s16  }
0x34: {  	s1 =	smov.u32 @p0 s2;
	s19 =	sshll.u32 s19, $0xC;
	[smem:$0x7F3] =	sst s17  }
0x35: {  	s1 =	sadd.s32 s1, s19;
	[smem:$0x7F8] =	sst s18  }
0x36: {  	s19 =	sadd.s32 $0x400, s20;
	s3 =	sadd.s32 s5, s3;
	s5 =	sld [smem:$0x771]  }
0x37: {  	[smem:$0x773] =	sst s19  }
0x38: {  	s19 =	sadd.s32 $0xC00, s20;
	[smem:$0x7FC] =	sst s1  }
0x39: {  	[smem:$0x775] =	sst s19  }
0x3a: {  	s19 =	sadd.s32 $0x800, s21;
	[smem:$0x7FA] =	sst s3  }
0x3b: {  	[smem:$0x778] =	sst s19;
	s19 =	sadd.s32 $0x400, s22  }
0x3c: {  	s2 =	smax.u32 s5, $0x1;
	[smem:$0x77B] =	sst s19  }
0x3d: {  	s5 =	sadd.s32 $0x800, s20;
	[smem:$0x772] =	sst s2  }
0x3e: {  	s20 =	sadd.s32 $0x1000, s20;
	[smem:$0x774] =	sst s5  }
0x3f: {  	s19 =	sadd.s32 $0x400, s23;
	[smem:$0x776] =	sst s20  }
0x40: {  	s5 =	sadd.s32 $0x400, s21;
	[smem:$0x77F] =	sst s19  }
0x41: {  	s20 =	sadd.s32 $0xC00, s21;
	[smem:$0x777] =	sst s5  }
0x42: {  	s19 =	sadd.s32 $0xC00, s24;
	[smem:$0x779] =	sst s20  }
0x43: {  	s2 =	sadd.s32 $0x400, s6;
	[smem:$0x785] =	sst s19  }
0x44: {  	s5 =	sadd.s32 $0x1000, s21;
	[smem:$0x7C3] =	sst s2  }
0x45: {  	s20 =	sadd.s32 $0x800, s22;
	[smem:$0x77A] =	sst s5  }
0x46: {  	s21 =	sadd.s32 $0xC00, s22;
	[smem:$0x77C] =	sst s20  }
0x47: {  	s19 =	sadd.s32 $0xC00, s26;
	[smem:$0x77D] =	sst s21  }
0x48: {  	s2 =	sadd.s32 $0x400, s10;
	[smem:$0x78D] =	sst s19  }
0x49: {  	s5 =	sadd.s32 $0x1000, s22;
	[smem:$0x7CF] =	sst s2  }
0x4a: {  	s20 =	sadd.s32 $0x800, s23;
	[smem:$0x77E] =	sst s5  }
0x4b: {  	s21 =	sadd.s32 $0xC00, s23;
	[smem:$0x780] =	sst s20  }
0x4c: {  	s22 =	sadd.s32 $0x1000, s23;
	[smem:$0x781] =	sst s21  }
0x4d: {  	s23 =	sadd.s32 $0x400, s24;
	[smem:$0x782] =	sst s22  }
0x4e: {  	s19 =	sadd.s32 $0x400, s30;
	[smem:$0x783] =	sst s23  }
0x4f: {  	s2 =	sadd.s32 $0x400, s14;
	[smem:$0x797] =	sst s19  }
0x50: {  	s5 =	sadd.s32 $0x800, s24;
	[smem:$0x7E1] =	sst s2  }
0x51: {  	s20 =	sadd.s32 $0x1000, s24;
	[smem:$0x784] =	sst s5  }
0x52: {  	s21 =	sadd.s32 $0x400, s25;
	[smem:$0x786] =	sst s20  }
0x53: {  	s22 =	sadd.s32 $0x800, s25;
	[smem:$0x787] =	sst s21  }
0x54: {  	s23 =	sadd.s32 $0xC00, s25;
	[smem:$0x788] =	sst s22  }
0x55: {  	s24 =	sadd.s32 $0x1000, s25;
	[smem:$0x789] =	sst s23  }
0x56: {  	s25 =	sadd.s32 $0x400, s26;
	[smem:$0x78A] =	sst s24  }
0x57: {  	s19 =	sadd.s32 $0xC00, s0;
	[smem:$0x78B] =	sst s25  }
0x58: {  	s5 =	sadd.s32 $0x800, s26;
	[smem:$0x7A1] =	sst s19  }
0x59: {  	s20 =	sadd.s32 $0x1000, s26;
	[smem:$0x78C] =	sst s5  }
0x5a: {  	s21 =	sadd.s32 $0x400, s28;
	[smem:$0x78E] =	sst s20  }
0x5b: {  	s22 =	sadd.s32 $0x800, s28;
	[smem:$0x78F] =	sst s21  }
0x5c: {  	s23 =	sadd.s32 $0xC00, s28;
	[smem:$0x790] =	sst s22  }
0x5d: {  	s24 =	sadd.s32 $0x1000, s28;
	[smem:$0x791] =	sst s23  }
0x5e: {  	s25 =	sadd.s32 $0x400, s29;
	[smem:$0x792] =	sst s24  }
0x5f: {  	s26 =	sadd.s32 $0x800, s29;
	[smem:$0x793] =	sst s25  }
0x60: {  	s28 =	sadd.s32 $0xC00, s29;
	[smem:$0x794] =	sst s26  }
0x61: {  	[smem:$0x795] =	sst s28;
	s5 =	sadd.s32 $0x1000, s29  }
0x62: {  	s20 =	sadd.s32 $0x800, s30;
	[smem:$0x796] =	sst s5  }
0x63: {  	s21 =	sadd.s32 $0xC00, s30;
	[smem:$0x798] =	sst s20  }
0x64: {  	s22 =	sadd.s32 $0x1000, s30;
	[smem:$0x799] =	sst s21  }
0x65: {  	s23 =	sadd.s32 $0x400, s31;
	[smem:$0x79A] =	sst s22  }
0x66: {  	s24 =	sadd.s32 $0x800, s31;
	[smem:$0x79B] =	sst s23  }
0x67: {  	s25 =	sadd.s32 $0xC00, s31;
	[smem:$0x79C] =	sst s24  }
0x68: {  	s26 =	sadd.s32 $0x1000, s31;
	[smem:$0x79D] =	sst s25  }
0x69: {  	s28 =	sadd.s32 $0x400, s0;
	[smem:$0x79E] =	sst s26  }
0x6a: {  	[smem:$0x79F] =	sst s28  }
0x6b: {  	s20 =	rddreg [dreg:$0x13]  }
0x6c: {  	s5 =	sadd.s32 $0x800, s0;
	s25 =	rddreg [dreg:$0x14]  }
0x6d: {  	s0 =	sadd.s32 $0x1000, s0;
	[smem:$0x7A0] =	sst s5  }
0x6e: {  	[smem:$0x7A2] =	sst s0;
	s21 =	sadd.s32 $0x400, s20  }
0x6f: {  	s22 =	sadd.s32 $0x800, s20;
	s23 =	sadd.s32 $0xC00, s20;
	s24 =	sadd.s32 $0x1000, s20  }
0x70: {  	s26 =	sadd.s32 $0x400, s25;
	s28 =	sadd.s32 $0x800, s25;
	s20 =	rddreg [dreg:$0x15]  }
0x71: {  	s5 =	sadd.s32 $0xC00, s25;
	s19 =	sadd.s32 $0x1000, s25;
	s25 =	rddreg [dreg:$0x16]  }
0x72: {  	[smem:$0x7A3] =	sst s21  }
0x73: {  	[smem:$0x7A4] =	sst s22  }
0x74: {  	[smem:$0x7A5] =	sst s23  }
0x75: {  	[smem:$0x7A6] =	sst s24  }
0x76: {  	[smem:$0x7A7] =	sst s26  }
0x77: {  	[smem:$0x7A8] =	sst s28  }
0x78: {  	[smem:$0x7A9] =	sst s5  }
0x79: {  	[smem:$0x7AA] =	sst s19;
	s21 =	sadd.s32 $0x400, s20  }
0x7a: {  	s22 =	sadd.s32 $0x800, s20;
	[smem:$0x7AB] =	sst s21  }
0x7b: {  	s23 =	sadd.s32 $0xC00, s20;
	[smem:$0x7AC] =	sst s22  }
0x7c: {  	s24 =	sadd.s32 $0x1000, s20;
	[smem:$0x7AD] =	sst s23  }
0x7d: {  	s26 =	sadd.s32 $0x400, s25;
	[smem:$0x7AE] =	sst s24  }
0x7e: {  	s28 =	sadd.s32 $0x800, s25;
	[smem:$0x7AF] =	sst s26  }
0x7f: {  	s5 =	sadd.s32 $0xC00, s25;
	[smem:$0x7B0] =	sst s28  }
0x80: {  	s19 =	sadd.s32 $0x1000, s25;
	[smem:$0x7B1] =	sst s5  }
0x81: {  	s20 =	sadd.s32 $0x400, s8;
	[smem:$0x7B2] =	sst s19  }
0x82: {  	[smem:$0x7B3] =	sst s20  }
0x83: {  	s21 =	sadd.s32 $0x800, s8;
	s24 =	rddreg [dreg:$0x18]  }
0x84: {  	s22 =	sadd.s32 $0xC00, s8;
	s23 =	sadd.s32 $0x1000, s8;
	s8 =	rddreg [dreg:$0x19]  }
0x85: {  	[smem:$0x7B4] =	sst s21  }
0x86: {  	[smem:$0x7B5] =	sst s22  }
0x87: {  	[smem:$0x7B6] =	sst s23  }
0x88: {  	s25 =	sadd.s32 $0x400, s24;
	s23 =	rddreg [dreg:$0x1a]  }
0x89: {  	s26 =	sadd.s32 $0x800, s24;
	[smem:$0x7B7] =	sst s25  }
0x8a: {  	s28 =	sadd.s32 $0xC00, s24;
	[smem:$0x7B8] =	sst s26  }
0x8b: {  	s5 =	sadd.s32 $0x1000, s24;
	[smem:$0x7B9] =	sst s28  }
0x8c: {  	s19 =	sadd.s32 $0x400, s8;
	[smem:$0x7BA] =	sst s5  }
0x8d: {  	s20 =	sadd.s32 $0x800, s8;
	[smem:$0x7BB] =	sst s19  }
0x8e: {  	s21 =	sadd.s32 $0xC00, s8;
	[smem:$0x7BC] =	sst s20  }
0x8f: {  	s22 =	sadd.s32 $0x1000, s8;
	[smem:$0x7BD] =	sst s21  }
0x90: {  	s8 =	sadd.s32 $0xC00, s6;
	[smem:$0x7BE] =	sst s22  }
0x91: {  	s24 =	sadd.s32 $0x400, s23;
	[smem:$0x7C5] =	sst s8  }
0x92: {  	s25 =	sadd.s32 $0x800, s23;
	[smem:$0x7BF] =	sst s24  }
0x93: {  	s26 =	sadd.s32 $0xC00, s23;
	[smem:$0x7C0] =	sst s25  }
0x94: {  	s28 =	sadd.s32 $0x1000, s23;
	[smem:$0x7C1] =	sst s26  }
0x95: {  	s5 =	sadd.s32 $0x800, s6;
	[smem:$0x7C2] =	sst s28  }
0x96: {  	s19 =	sadd.s32 $0x1000, s6;
	[smem:$0x7C4] =	sst s5  }
0x97: {  	s20 =	sadd.s32 $0x400, s7;
	[smem:$0x7C6] =	sst s19  }
0x98: {  	s21 =	sadd.s32 $0x800, s7;
	[smem:$0x7C7] =	sst s20  }
0x99: {  	s22 =	sadd.s32 $0xC00, s7;
	[smem:$0x7C8] =	sst s21  }
0x9a: {  	s23 =	sadd.s32 $0x1000, s7;
	[smem:$0x7C9] =	sst s22  }
0x9b: {  	s6 =	sadd.s32 $0xC00, s10;
	[smem:$0x7CA] =	sst s23  }
0x9c: {  	s7 =	sadd.s32 $0x1000, s10;
	[smem:$0x7D1] =	sst s6  }
0x9d: {  	s8 =	sadd.s32 $0x400, s11;
	[smem:$0x7D2] =	sst s7  }
0x9e: {  	s24 =	sadd.s32 $0x400, s9;
	[smem:$0x7D3] =	sst s8  }
0x9f: {  	s25 =	sadd.s32 $0x800, s9;
	[smem:$0x7CB] =	sst s24  }
0xa0: {  	s26 =	sadd.s32 $0xC00, s9;
	[smem:$0x7CC] =	sst s25  }
0xa1: {  	s28 =	sadd.s32 $0x1000, s9;
	[smem:$0x7CD] =	sst s26  }
0xa2: {  	s5 =	sadd.s32 $0x800, s10;
	[smem:$0x7CE] =	sst s28  }
0xa3: {  	s9 =	sadd.s32 $0x800, s11;
	[smem:$0x7D0] =	sst s5  }
0xa4: {  	s10 =	sadd.s32 $0xC00, s11;
	[smem:$0x7D4] =	sst s9  }
0xa5: {  	s19 =	sadd.s32 $0x1000, s11;
	[smem:$0x7D5] =	sst s10  }
0xa6: {  	s20 =	sadd.s32 $0x400, s12;
	[smem:$0x7D6] =	sst s19  }
0xa7: {  	s21 =	sadd.s32 $0x800, s12;
	[smem:$0x7D7] =	sst s20  }
0xa8: {  	s22 =	sadd.s32 $0xC00, s12;
	[smem:$0x7D8] =	sst s21  }
0xa9: {  	s23 =	sadd.s32 $0x1000, s12;
	[smem:$0x7D9] =	sst s22  }
0xaa: {  	s6 =	sadd.s32 $0xC00, s14;
	[smem:$0x7DB] =	sst s23  }
0xab: {  	s7 =	sadd.s32 $0x1000, s14;
	[smem:$0x7E3] =	sst s6  }
0xac: {  	s8 =	sadd.s32 $0x400, s15;
	[smem:$0x7E5] =	sst s7  }
0xad: {  	s11 =	sadd.s32 $0x1000, s15;
	[smem:$0x7E6] =	sst s8  }
0xae: {  	s12 =	sadd.s32 $0x400, s16;
	[smem:$0x7EA] =	sst s11  }
0xaf: {  	s24 =	sadd.s32 $0x400, s13;
	[smem:$0x7EB] =	sst s12  }
0xb0: {  	s25 =	sadd.s32 $0x800, s13;
	[smem:$0x7DC] =	sst s24  }
0xb1: {  	s26 =	sadd.s32 $0xC00, s13;
	[smem:$0x7DD] =	sst s25  }
0xb2: {  	s28 =	sadd.s32 $0x1000, s13;
	[smem:$0x7DE] =	sst s26  }
0xb3: {  	s5 =	sadd.s32 $0x800, s14;
	[smem:$0x7E0] =	sst s28  }
0xb4: {  	s9 =	sadd.s32 $0x800, s15;
	[smem:$0x7E2] =	sst s5  }
0xb5: {  	s10 =	sadd.s32 $0xC00, s15;
	[smem:$0x7E7] =	sst s9  }
0xb6: {  	s13 =	sadd.s32 $0x800, s16;
	[smem:$0x7E8] =	sst s10  }
0xb7: {  	s14 =	sadd.s32 $0xC00, s16;
	[smem:$0x7EC] =	sst s13  }
0xb8: {  	s2 =	simm.s32 $0x16A00;
	s15 =	sadd.s32 $0x1000, s16;
	[smem:$0x7ED] =	sst s14  }
0xb9: {  	s29 =	simm.s32 $0x1;
	s16 =	sadd.s32 $0x400, s17;
	[smem:$0x7EF] =	sst s15  }
0xba: {  	s30 =	simm.s32 $0x80;
	s19 =	sadd.s32 $0x800, s17;
	[smem:$0x7F0] =	sst s16  }
0xbb: {  	s31 =	simm.s32 $0x16B80;
	s20 =	sadd.s32 $0xC00, s17;
	[smem:$0x7F1] =	sst s19  }
0xbc: {  	s0 =	simm.s32 $0x100;
	s21 =	sadd.s32 $0x1000, s17;
	[smem:$0x7F2] =	sst s20  }
0xbd: {  	s22 =	sadd.s32 $0x400, s18;
	s23 =	sadd.s32 $0x800, s18;
	[smem:$0x7F4] =	sst s21  }
0xbe: {  	s6 =	simm.s32 $0x17700;
	s11 =	simm.s32 $0x16F80;
	[smem:$0x7F5] =	sst s22  }
0xbf: {  	s17 =	simm.s32 $0x17380;
	s7 =	simm.s32 $0x0;
	[smem:$0x7F6] =	sst s23  }
0xc0: {  	s24 =	sadd.s32 $0xC00, s18;
	s25 =	sadd.s32 $0x1000, s18;
	s26 =	sadd.s32 $0x10, s3  }
0xc1: {  	s28 =	sadd.s32 $0x10000, s1;
	s16 =	simm.s32 $0x2800;
	s5 =	simm.s32 $0x16600  }
0xc2: {  	s19 =	simm.s32 $0x16E00;
	s13 =	simm.s32 $0x17200;
	s3 =	simm.s32 $0x17600  }
0xc3: {  	s20 =	simm.s32 $0x16680;
	s10 =	simm.s32 $0x16A80;
	[smem:$0x7F7] =	sst s24  }
0xc4: {  	s21 =	simm.s32 $0x16E80;
	s14 =	simm.s32 $0x17280;
	[smem:$0x7F9] =	sst s25  }
0xc5: {  	s22 =	simm.s32 $0x17680;
	s9 =	simm.s32 $0x16700;
	[smem:$0x7FB] =	sst s26  }
0xc6: {  	s23 =	simm.s32 $0x16B00;
	s15 =	simm.s32 $0x16F00;
	[smem:$0x7FD] =	sst s28  }
0xc7: {  	v0 =	vimm.f32 $0.0e+00;
	v1 =	vimm.f32 $1.000000000e+00;
	s24 =	simm.s32 $0x17300;
	s25 =	simm.s32 $0x16780;
	s26 =	simm.s32 $0x17780  }
.LBB2_1:
0xc8: {  	s1 =	simm.s32 $0x40;
	s8 =	simm.s32 $0x0  }
.LBB2_2:
0xc9: {  	p0 =	sne.s32 s1, $0x9FC0;
	[tilespmem:s8+$0x0] =	vst v0;
	s12 =	smov.u32 s1;
	s1 =	sadd.s32 $0x40, s1  }
.Ltmp0:
0xca: {  	[tilespmem:s8+$0x2800] =	vst v0;
	(pc) =	sbr.rel @p0 .LBB2_2-.Ltmp0, $2  }
0xcb: {  	_ =	sdelay $0x2  }
0xcc: {  	s8 =	sshra.s32 s12, $0x2  }
0xcd: {  	s28 =	sld [smem:$0x7FC]  }
0xce: {  	[tilespmem:s8+$0x0] =	vst v0  }
0xcf: {  	[tilespmem:s8+$0x2800] =	vst v0;
	s1 =	simm.s32 $0x0;
	s12 =	simm.s32 $0x5000  }
0xd0: {  	[tilespmem:s12], [sflag:$0x1] =	stream.linear.gather [hbm4b:s28+s1], $0x7D00, $0x38;
	[tilespmem:$0x1CD00] =	vst v63  }
0xd1: {  	_ =	swait.ge [sflag:s29], $0x7D00  }
0xd2: {  	s18 =	sld [smem:$0x7FD]  }
0xd3: {  	[sflag:s29] =	ssyncset.done $0x0  }
0xd4: {  	s28 =	simm.s32 $0xD000;
	[sflag:s29] =	ssyncadd.s32 $0xFFFF8300  }
0xd5: {  	[tilespmem:s28], [sflag:$0x1] =	stream.linear.gather [hbm4b:s18+s1], $0x7D00, $0x38;
	[tilespmem:$0x1CD00] =	vst v63  }
0xd6: {  	_ =	swait.ge [sflag:s29], $0x7D00  }
0xd7: {  	[sflag:s29] =	ssyncset.done $0x0  }
0xd8: {  	[sflag:s29] =	ssyncadd.s32 $0xFFFF8300  }
.LBB2_4:
0xd9: {  	s8 =	sshra.s32 s1, $0x2  }
0xda: {  	v2 =	vld [tilespmem:s8+$0x5000];
	_ =	sdelay $0x7  }
0xdb: {  	[tilespmem:v2+s4+$0x0] =	vst.idx.add.f32.msk $0xffff, v1  }
0xdc: {  	v2 =	vld [tilespmem:s8+$0xD000];
	_ =	sdelay $0x7  }
0xdd: {  	[tilespmem:v2+s16+$0x0] =	vst.idx.add.f32.msk $0xffff, v1  }
0xde: {  	v2 =	vld [tilespmem:s8+$0x5010];
	_ =	sdelay $0x7  }
0xdf: {  	[tilespmem:v2+s4+$0x0] =	vst.idx.add.f32.msk $0xffff, v1  }
0xe0: {  	v2 =	vld [tilespmem:s8+$0xD010];
	_ =	sdelay $0x7  }
0xe1: {  	[tilespmem:v2+s16+$0x0] =	vst.idx.add.f32.msk $0xffff, v1  }
0xe2: {  	v2 =	vld [tilespmem:s8+$0x5020];
	_ =	sdelay $0x7  }
0xe3: {  	[tilespmem:v2+s4+$0x0] =	vst.idx.add.f32.msk $0xffff, v1  }
0xe4: {  	v2 =	vld [tilespmem:s8+$0xD020];
	_ =	sdelay $0x7  }
0xe5: {  	[tilespmem:v2+s16+$0x0] =	vst.idx.add.f32.msk $0xffff, v1  }
0xe6: {  	v2 =	vld [tilespmem:s8+$0x5030];
	_ =	sdelay $0x7  }
0xe7: {  	[tilespmem:v2+s4+$0x0] =	vst.idx.add.f32.msk $0xffff, v1  }
0xe8: {  	v2 =	vld [tilespmem:s8+$0xD030];
	_ =	sdelay $0x7  }
0xe9: {  	[tilespmem:v2+s16+$0x0] =	vst.idx.add.f32.msk $0xffff, v1  }
0xea: {  	v2 =	vld [tilespmem:s8+$0x5040];
	_ =	sdelay $0x7  }
0xeb: {  	[tilespmem:v2+s4+$0x0] =	vst.idx.add.f32.msk $0xffff, v1  }
0xec: {  	v2 =	vld [tilespmem:s8+$0xD040];
	_ =	sdelay $0x2  }
0xed: {  	p0 =	sne.s32 s1, $0x1F200  }
.Ltmp1:
0xee: {  	_ = 	snop;
	(pc) =	sbr.rel @p0 .LBB2_4-.Ltmp1, $2  }
0xef: {  	_ =	sdelay $0x2  }
0xf0: {  	s1 =	sadd.s32 $0x200, s1;
	[tilespmem:v2+s16+$0x0] =	vst.idx.add.f32.msk $0xffff, v1  }
0xf1: {  	s8 =	simm.s32 $0x0;
	s1 =	rddreg [dreg:$0x5];
	s12 =	simm.s32 $0x400  }
0xf2: {  	[spmem:s1] =	stream.strided.scatter [tilespmem:s8], [sflag:$0x1], $0x2800, s12, s30, $0x38;
	[tilespmem:$0x1CD00] =	vst v63  }
0xf3: {  	_ =	swait.ge [sflag:s29], $0x2800  }
0xf4: {  	[sflag:s29] =	ssyncset.done $0x0  }
0xf5: {  	s18 =	rddreg [dreg:$0x6];
	[sflag:s29] =	ssyncadd.s32 $0xFFFFD800  }
0xf6: {  	[spmem:s18] =	stream.strided.scatter [tilespmem:s16], [sflag:$0x1], $0x2800, s12, s30, $0x38;
	[tilespmem:$0x1CD00] =	vst v63  }
0xf7: {  	_ =	swait.ge [sflag:s29], $0x2800  }
0xf8: {  	[sflag:s29] =	ssyncset.done $0x0  }
0xf9: {  	[sflag:s29] =	ssyncadd.s32 $0xFFFFD800  }
0xfa: {  	[bflag:$0x0] =	sbarrier.arrive $0xFFFF  }
0xfb: {  	s18 =	simm.s32 $0x15000;
	s12 =	rddreg [dreg:$0x7]  }
0xfc: {  	[tilespmem:s18], [sflag:$0x1] =	stream.linear.gather [spmem:s12], $0x80, $0x38;
	[tilespmem:$0x1CD00] =	vst v63  }
0xfd: {  	s12 =	sld [smem:$0x773];
	_ =	sdelay $0x1  }
0xfe: {  	s18 =	simm.s32 $0x15400  }
0xff: {  	[tilespmem:s18], [sflag:$0x1] =	stream.linear.gather [spmem:s12], $0x80, $0x38;
	[tilespmem:$0x1CD00] =	vst v63  }
0x100: {  	s12 =	sld [smem:$0x774];
	_ =	sdelay $0x1  }
0x101: {  	s18 =	simm.s32 $0x15800  }
0x102: {  	[tilespmem:s18], [sflag:$0x1] =	stream.linear.gather [spmem:s12], $0x80, $0x38;
	[tilespmem:$0x1CD00] =	vst v63  }
0x103: {  	s12 =	sld [smem:$0x775];
	_ =	sdelay $0x1  }
0x104: {  	s18 =	simm.s32 $0x15C00  }
0x105: {  	[tilespmem:s18], [sflag:$0x1] =	stream.linear.gather [spmem:s12], $0x80, $0x38;
	[tilespmem:$0x1CD00] =	vst v63  }
0x106: {  	s12 =	sld [smem:$0x776];
	_ =	sdelay $0x1  }
0x107: {  	s18 =	simm.s32 $0x16000  }
0x108: {  	[tilespmem:s18], [sflag:$0x1] =	stream.linear.gather [spmem:s12], $0x80, $0x38;
	[tilespmem:$0x1CD00] =	vst v63  }
0x109: {  	_ =	swait.ge [sflag:s29], $0x280  }
0x10a: {  	[sflag:s29] =	ssyncset.done $0x0  }
0x10b: {  	s18 =	simm.s32 $0x15080;
	s12 =	rddreg [dreg:$0x8];
	[sflag:s29] =	ssyncadd.s32 $0xFFFFFD80  }
0x10c: {  	[tilespmem:s18], [sflag:$0x1] =	stream.linear.gather [spmem:s12], $0x80, $0x38;
	[tilespmem:$0x1CD00] =	vst v63  }
0x10d: {  	s12 =	sld [smem:$0x777];
	_ =	sdelay $0x1  }
0x10e: {  	s18 =	simm.s32 $0x15480  }
0x10f: {  	[tilespmem:s18], [sflag:$0x1] =	stream.linear.gather [spmem:s12], $0x80, $0x38;
	[tilespmem:$0x1CD00] =	vst v63  }
0x110: {  	s12 =	sld [smem:$0x778];
	_ =	sdelay $0x1  }
0x111: {  	s18 =	simm.s32 $0x15880  }
0x112: {  	[tilespmem:s18], [sflag:$0x1] =	stream.linear.gather [spmem:s12], $0x80, $0x38;
	[tilespmem:$0x1CD00] =	vst v63  }
0x113: {  	s12 =	sld [smem:$0x779];
	_ =	sdelay $0x1  }
0x114: {  	s18 =	simm.s32 $0x15C80  }
0x115: {  	[tilespmem:s18], [sflag:$0x1] =	stream.linear.gather [spmem:s12], $0x80, $0x38;
	[tilespmem:$0x1CD00] =	vst v63  }
0x116: {  	s12 =	sld [smem:$0x77A];
	_ =	sdelay $0x1  }
0x117: {  	s18 =	simm.s32 $0x16080  }
0x118: {  	[tilespmem:s18], [sflag:$0x1] =	stream.linear.gather [spmem:s12], $0x80, $0x38;
	[tilespmem:$0x1CD00] =	vst v63  }
0x119: {  	_ =	swait.ge [sflag:s29], $0x280  }
0x11a: {  	[sflag:s29] =	ssyncset.done $0x0  }
0x11b: {  	s18 =	simm.s32 $0x15100;
	s12 =	rddreg [dreg:$0x9];
	[sflag:s29] =	ssyncadd.s32 $0xFFFFFD80  }
0x11c: {  	[tilespmem:s18], [sflag:$0x1] =	stream.linear.gather [spmem:s12], $0x80, $0x38;
	[tilespmem:$0x1CD00] =	vst v63  }
0x11d: {  	s12 =	sld [smem:$0x77B];
	_ =	sdelay $0x1  }
0x11e: {  	s18 =	simm.s32 $0x15500  }
0x11f: {  	[tilespmem:s18], [sflag:$0x1] =	stream.linear.gather [spmem:s12], $0x80, $0x38;
	[tilespmem:$0x1CD00] =	vst v63  }
0x120: {  	s12 =	sld [smem:$0x77C];
	_ =	sdelay $0x1  }
0x121: {  	s18 =	simm.s32 $0x15900  }
0x122: {  	[tilespmem:s18], [sflag:$0x1] =	stream.linear.gather [spmem:s12], $0x80, $0x38;
	[tilespmem:$0x1CD00] =	vst v63  }
0x123: {  	s12 =	sld [smem:$0x77D];
	_ =	sdelay $0x1  }
0x124: {  	s18 =	simm.s32 $0x15D00  }
0x125: {  	[tilespmem:s18], [sflag:$0x1] =	stream.linear.gather [spmem:s12], $0x80, $0x38;
	[tilespmem:$0x1CD00] =	vst v63  }
0x126: {  	s12 =	sld [smem:$0x77E];
	_ =	sdelay $0x1  }
0x127: {  	s18 =	simm.s32 $0x16100  }
0x128: {  	[tilespmem:s18], [sflag:$0x1] =	stream.linear.gather [spmem:s12], $0x80, $0x38;
	[tilespmem:$0x1CD00] =	vst v63  }
0x129: {  	_ =	swait.ge [sflag:s29], $0x280  }
0x12a: {  	[sflag:s29] =	ssyncset.done $0x0  }
0x12b: {  	s18 =	simm.s32 $0x15180;
	s12 =	rddreg [dreg:$0xa];
	[sflag:s29] =	ssyncadd.s32 $0xFFFFFD80  }
0x12c: {  	[tilespmem:s18], [sflag:$0x1] =	stream.linear.gather [spmem:s12], $0x80, $0x38;
	[tilespmem:$0x1CD00] =	vst v63  }
0x12d: {  	s12 =	sld [smem:$0x77F];
	_ =	sdelay $0x1  }
0x12e: {  	s18 =	simm.s32 $0x15580  }
0x12f: {  	[tilespmem:s18], [sflag:$0x1] =	stream.linear.gather [spmem:s12], $0x80, $0x38;
	[tilespmem:$0x1CD00] =	vst v63  }
0x130: {  	s12 =	sld [smem:$0x780];
	_ =	sdelay $0x1  }
0x131: {  	s18 =	simm.s32 $0x15980  }
0x132: {  	[tilespmem:s18], [sflag:$0x1] =	stream.linear.gather [spmem:s12], $0x80, $0x38;
	[tilespmem:$0x1CD00] =	vst v63  }
0x133: {  	s12 =	sld [smem:$0x781];
	_ =	sdelay $0x1  }
0x134: {  	s18 =	simm.s32 $0x15D80  }
0x135: {  	[tilespmem:s18], [sflag:$0x1] =	stream.linear.gather [spmem:s12], $0x80, $0x38;
	[tilespmem:$0x1CD00] =	vst v63  }
0x136: {  	s12 =	sld [smem:$0x782];
	_ =	sdelay $0x1  }
0x137: {  	s18 =	simm.s32 $0x16180  }
0x138: {  	[tilespmem:s18], [sflag:$0x1] =	stream.linear.gather [spmem:s12], $0x80, $0x38;
	[tilespmem:$0x1CD00] =	vst v63  }
0x139: {  	_ =	swait.ge [sflag:s29], $0x280  }
0x13a: {  	[sflag:s29] =	ssyncset.done $0x0  }
0x13b: {  	s18 =	simm.s32 $0x15200;
	s12 =	rddreg [dreg:$0xb];
	[sflag:s29] =	ssyncadd.s32 $0xFFFFFD80  }
0x13c: {  	[tilespmem:s18], [sflag:$0x1] =	stream.linear.gather [spmem:s12], $0x80, $0x38;
	[tilespmem:$0x1CD00] =	vst v63  }
0x13d: {  	s12 =	sld [smem:$0x783];
	_ =	sdelay $0x1  }
0x13e: {  	s18 =	simm.s32 $0x15600  }
0x13f: {  	[tilespmem:s18], [sflag:$0x1] =	stream.linear.gather [spmem:s12], $0x80, $0x38;
	[tilespmem:$0x1CD00] =	vst v63  }
0x140: {  	s12 =	sld [smem:$0x784];
	_ =	sdelay $0x1  }
0x141: {  	s18 =	simm.s32 $0x15A00  }
0x142: {  	[tilespmem:s18], [sflag:$0x1] =	stream.linear.gather [spmem:s12], $0x80, $0x38;
	[tilespmem:$0x1CD00] =	vst v63  }
0x143: {  	s12 =	sld [smem:$0x785];
	_ =	sdelay $0x1  }
0x144: {  	s18 =	simm.s32 $0x15E00  }
0x145: {  	[tilespmem:s18], [sflag:$0x1] =	stream.linear.gather [spmem:s12], $0x80, $0x38;
	[tilespmem:$0x1CD00] =	vst v63  }
0x146: {  	s12 =	sld [smem:$0x786];
	_ =	sdelay $0x1  }
0x147: {  	s18 =	simm.s32 $0x16200  }
0x148: {  	[tilespmem:s18], [sflag:$0x1] =	stream.linear.gather [spmem:s12], $0x80, $0x38;
	[tilespmem:$0x1CD00] =	vst v63  }
0x149: {  	_ =	swait.ge [sflag:s29], $0x280  }
0x14a: {  	[sflag:s29] =	ssyncset.done $0x0  }
0x14b: {  	s18 =	simm.s32 $0x15280;
	s12 =	rddreg [dreg:$0xc];
	[sflag:s29] =	ssyncadd.s32 $0xFFFFFD80  }
0x14c: {  	[tilespmem:s18], [sflag:$0x1] =	stream.linear.gather [spmem:s12], $0x80, $0x38;
	[tilespmem:$0x1CD00] =	vst v63  }
0x14d: {  	s12 =	sld [smem:$0x787];
	_ =	sdelay $0x1  }
0x14e: {  	s18 =	simm.s32 $0x15680  }
0x14f: {  	[tilespmem:s18], [sflag:$0x1] =	stream.linear.gather [spmem:s12], $0x80, $0x38;
	[tilespmem:$0x1CD00] =	vst v63  }
0x150: {  	s12 =	sld [smem:$0x788];
	_ =	sdelay $0x1  }
0x151: {  	s18 =	simm.s32 $0x15A80  }
0x152: {  	[tilespmem:s18], [sflag:$0x1] =	stream.linear.gather [spmem:s12], $0x80, $0x38;
	[tilespmem:$0x1CD00] =	vst v63  }
0x153: {  	s12 =	sld [smem:$0x789];
	_ =	sdelay $0x1  }
0x154: {  	s18 =	simm.s32 $0x15E80  }
0x155: {  	[tilespmem:s18], [sflag:$0x1] =	stream.linear.gather [spmem:s12], $0x80, $0x38;
	[tilespmem:$0x1CD00] =	vst v63  }
0x156: {  	s12 =	sld [smem:$0x78A];
	_ =	sdelay $0x1  }
0x157: {  	s18 =	simm.s32 $0x16280  }
0x158: {  	[tilespmem:s18], [sflag:$0x1] =	stream.linear.gather [spmem:s12], $0x80, $0x38;
	[tilespmem:$0x1CD00] =	vst v63  }
0x159: {  	_ =	swait.ge [sflag:s29], $0x280  }
0x15a: {  	[sflag:s29] =	ssyncset.done $0x0  }
0x15b: {  	s18 =	simm.s32 $0x15300;
	s12 =	rddreg [dreg:$0xd];
	[sflag:s29] =	ssyncadd.s32 $0xFFFFFD80  }
0x15c: {  	[tilespmem:s18], [sflag:$0x1] =	stream.linear.gather [spmem:s12], $0x80, $0x38;
	[tilespmem:$0x1CD00] =	vst v63  }
0x15d: {  	s12 =	sld [smem:$0x78B];
	_ =	sdelay $0x1  }
0x15e: {  	s18 =	simm.s32 $0x15700  }
0x15f: {  	[tilespmem:s18], [sflag:$0x1] =	stream.linear.gather [spmem:s12], $0x80, $0x38;
	[tilespmem:$0x1CD00] =	vst v63  }
0x160: {  	s12 =	sld [smem:$0x78C];
	_ =	sdelay $0x1  }
0x161: {  	s18 =	simm.s32 $0x15B00  }
0x162: {  	[tilespmem:s18], [sflag:$0x1] =	stream.linear.gather [spmem:s12], $0x80, $0x38;
	[tilespmem:$0x1CD00] =	vst v63  }
0x163: {  	s12 =	sld [smem:$0x78D];
	_ =	sdelay $0x1  }
0x164: {  	s18 =	simm.s32 $0x15F00  }
0x165: {  	[tilespmem:s18], [sflag:$0x1] =	stream.linear.gather [spmem:s12], $0x80, $0x38;
	[tilespmem:$0x1CD00] =	vst v63  }
0x166: {  	s12 =	sld [smem:$0x78E];
	_ =	sdelay $0x1  }
0x167: {  	s18 =	simm.s32 $0x16300  }
0x168: {  	[tilespmem:s18], [sflag:$0x1] =	stream.linear.gather [spmem:s12], $0x80, $0x38;
	[tilespmem:$0x1CD00] =	vst v63  }
0x169: {  	_ =	swait.ge [sflag:s29], $0x280  }
0x16a: {  	[sflag:s29] =	ssyncset.done $0x0  }
0x16b: {  	s18 =	simm.s32 $0x15380;
	s12 =	rddreg [dreg:$0xe];
	[sflag:s29] =	ssyncadd.s32 $0xFFFFFD80  }
0x16c: {  	[tilespmem:s18], [sflag:$0x1] =	stream.linear.gather [spmem:s12], $0x80, $0x38;
	[tilespmem:$0x1CD00] =	vst v63  }
0x16d: {  	s12 =	sld [smem:$0x78F];
	_ =	sdelay $0x1  }
0x16e: {  	s18 =	simm.s32 $0x15780  }
0x16f: {  	[tilespmem:s18], [sflag:$0x1] =	stream.linear.gather [spmem:s12], $0x80, $0x38;
	[tilespmem:$0x1CD00] =	vst v63  }
0x170: {  	s12 =	sld [smem:$0x790];
	_ =	sdelay $0x1  }
0x171: {  	s18 =	simm.s32 $0x15B80  }
0x172: {  	[tilespmem:s18], [sflag:$0x1] =	stream.linear.gather [spmem:s12], $0x80, $0x38;
	[tilespmem:$0x1CD00] =	vst v63  }
0x173: {  	s12 =	sld [smem:$0x791];
	_ =	sdelay $0x1  }
0x174: {  	s18 =	simm.s32 $0x15F80  }
0x175: {  	[tilespmem:s18], [sflag:$0x1] =	stream.linear.gather [spmem:s12], $0x80, $0x38;
	[tilespmem:$0x1CD00] =	vst v63  }
0x176: {  	s12 =	sld [smem:$0x792];
	_ =	sdelay $0x1  }
0x177: {  	s18 =	simm.s32 $0x16380  }
0x178: {  	[tilespmem:s18], [sflag:$0x1] =	stream.linear.gather [spmem:s12], $0x80, $0x38;
	[tilespmem:$0x1CD00] =	vst v63  }
0x179: {  	_ =	swait.ge [sflag:s29], $0x280  }
0x17a: {  	[sflag:s29] =	ssyncset.done $0x0  }
0x17b: {  	s18 =	simm.s32 $0x16400;
	s12 =	rddreg [dreg:$0xf];
	[sflag:s29] =	ssyncadd.s32 $0xFFFFFD80  }
0x17c: {  	[tilespmem:s18], [sflag:$0x1] =	stream.linear.gather [spmem:s12], $0x80, $0x38;
	[tilespmem:$0x1CD00] =	vst v63  }
0x17d: {  	s12 =	sld [smem:$0x793];
	_ =	sdelay $0x1  }
0x17e: {  	s18 =	simm.s32 $0x16800  }
0x17f: {  	[tilespmem:s18], [sflag:$0x1] =	stream.linear.gather [spmem:s12], $0x80, $0x38;
	[tilespmem:$0x1CD00] =	vst v63  }
0x180: {  	s12 =	sld [smem:$0x794];
	_ =	sdelay $0x1  }
0x181: {  	s18 =	simm.s32 $0x16C00  }
0x182: {  	[tilespmem:s18], [sflag:$0x1] =	stream.linear.gather [spmem:s12], $0x80, $0x38;
	[tilespmem:$0x1CD00] =	vst v63  }
0x183: {  	s12 =	sld [smem:$0x795];
	_ =	sdelay $0x1  }
0x184: {  	s18 =	simm.s32 $0x17000  }
0x185: {  	[tilespmem:s18], [sflag:$0x1] =	stream.linear.gather [spmem:s12], $0x80, $0x38;
	[tilespmem:$0x1CD00] =	vst v63  }
0x186: {  	s12 =	sld [smem:$0x796];
	_ =	sdelay $0x1  }
0x187: {  	s18 =	simm.s32 $0x17400  }
0x188: {  	[tilespmem:s18], [sflag:$0x1] =	stream.linear.gather [spmem:s12], $0x80, $0x38;
	[tilespmem:$0x1CD00] =	vst v63  }
0x189: {  	_ =	swait.ge [sflag:s29], $0x280  }
0x18a: {  	[sflag:s29] =	ssyncset.done $0x0  }
0x18b: {  	s18 =	simm.s32 $0x16480;
	s12 =	rddreg [dreg:$0x10];
	[sflag:s29] =	ssyncadd.s32 $0xFFFFFD80  }
0x18c: {  	[tilespmem:s18], [sflag:$0x1] =	stream.linear.gather [spmem:s12], $0x80, $0x38;
	[tilespmem:$0x1CD00] =	vst v63  }
0x18d: {  	s12 =	sld [smem:$0x797];
	_ =	sdelay $0x1  }
0x18e: {  	s18 =	simm.s32 $0x16880  }
0x18f: {  	[tilespmem:s18], [sflag:$0x1] =	stream.linear.gather [spmem:s12], $0x80, $0x38;
	[tilespmem:$0x1CD00] =	vst v63  }
0x190: {  	s12 =	sld [smem:$0x798];
	_ =	sdelay $0x1  }
0x191: {  	s18 =	simm.s32 $0x16C80  }
0x192: {  	[tilespmem:s18], [sflag:$0x1] =	stream.linear.gather [spmem:s12], $0x80, $0x38;
	[tilespmem:$0x1CD00] =	vst v63  }
0x193: {  	s12 =	sld [smem:$0x799];
	_ =	sdelay $0x1  }
0x194: {  	s18 =	simm.s32 $0x17080  }
0x195: {  	[tilespmem:s18], [sflag:$0x1] =	stream.linear.gather [spmem:s12], $0x80, $0x38;
	[tilespmem:$0x1CD00] =	vst v63  }
0x196: {  	s12 =	sld [smem:$0x79A];
	_ =	sdelay $0x1  }
0x197: {  	s18 =	simm.s32 $0x17480  }
0x198: {  	[tilespmem:s18], [sflag:$0x1] =	stream.linear.gather [spmem:s12], $0x80, $0x38;
	[tilespmem:$0x1CD00] =	vst v63  }
0x199: {  	_ =	swait.ge [sflag:s29], $0x280  }
0x19a: {  	[sflag:s29] =	ssyncset.done $0x0  }
0x19b: {  	s18 =	simm.s32 $0x16500;
	s12 =	rddreg [dreg:$0x11];
	[sflag:s29] =	ssyncadd.s32 $0xFFFFFD80  }
0x19c: {  	[tilespmem:s18], [sflag:$0x1] =	stream.linear.gather [spmem:s12], $0x80, $0x38;
	[tilespmem:$0x1CD00] =	vst v63  }
0x19d: {  	s12 =	sld [smem:$0x79B];
	_ =	sdelay $0x1  }
0x19e: {  	s18 =	simm.s32 $0x16900  }
0x19f: {  	[tilespmem:s18], [sflag:$0x1] =	stream.linear.gather [spmem:s12], $0x80, $0x38;
	[tilespmem:$0x1CD00] =	vst v63  }
0x1a0: {  	s12 =	sld [smem:$0x79C];
	_ =	sdelay $0x1  }
0x1a1: {  	s18 =	simm.s32 $0x16D00  }
0x1a2: {  	[tilespmem:s18], [sflag:$0x1] =	stream.linear.gather [spmem:s12], $0x80, $0x38;
	[tilespmem:$0x1CD00] =	vst v63  }
0x1a3: {  	s12 =	sld [smem:$0x79D];
	_ =	sdelay $0x1  }
0x1a4: {  	s18 =	simm.s32 $0x17100  }
0x1a5: {  	[tilespmem:s18], [sflag:$0x1] =	stream.linear.gather [spmem:s12], $0x80, $0x38;
	[tilespmem:$0x1CD00] =	vst v63  }
0x1a6: {  	s12 =	sld [smem:$0x79E];
	_ =	sdelay $0x1  }
0x1a7: {  	s18 =	simm.s32 $0x17500  }
0x1a8: {  	[tilespmem:s18], [sflag:$0x1] =	stream.linear.gather [spmem:s12], $0x80, $0x38;
	[tilespmem:$0x1CD00] =	vst v63  }
0x1a9: {  	_ =	swait.ge [sflag:s29], $0x280  }
0x1aa: {  	[sflag:s29] =	ssyncset.done $0x0  }
0x1ab: {  	s18 =	simm.s32 $0x16580;
	s12 =	rddreg [dreg:$0x12];
	[sflag:s29] =	ssyncadd.s32 $0xFFFFFD80  }
0x1ac: {  	[tilespmem:s18], [sflag:$0x1] =	stream.linear.gather [spmem:s12], $0x80, $0x38;
	[tilespmem:$0x1CD00] =	vst v63  }
0x1ad: {  	s12 =	sld [smem:$0x79F];
	_ =	sdelay $0x1  }
0x1ae: {  	s18 =	simm.s32 $0x16980  }
0x1af: {  	[tilespmem:s18], [sflag:$0x1] =	stream.linear.gather [spmem:s12], $0x80, $0x38;
	[tilespmem:$0x1CD00] =	vst v63  }
0x1b0: {  	s12 =	sld [smem:$0x7A0];
	_ =	sdelay $0x1  }
0x1b1: {  	s18 =	simm.s32 $0x16D80  }
0x1b2: {  	[tilespmem:s18], [sflag:$0x1] =	stream.linear.gather [spmem:s12], $0x80, $0x38;
	[tilespmem:$0x1CD00] =	vst v63  }
0x1b3: {  	s12 =	sld [smem:$0x7A1];
	_ =	sdelay $0x1  }
0x1b4: {  	s18 =	simm.s32 $0x17180  }
0x1b5: {  	[tilespmem:s18], [sflag:$0x1] =	stream.linear.gather [spmem:s12], $0x80, $0x38;
	[tilespmem:$0x1CD00] =	vst v63  }
0x1b6: {  	s12 =	sld [smem:$0x7A2];
	_ =	sdelay $0x1  }
0x1b7: {  	s18 =	simm.s32 $0x17580  }
0x1b8: {  	[tilespmem:s18], [sflag:$0x1] =	stream.linear.gather [spmem:s12], $0x80, $0x38;
	[tilespmem:$0x1CD00] =	vst v63  }
0x1b9: {  	_ =	swait.ge [sflag:s29], $0x280  }
0x1ba: {  	[sflag:s29] =	ssyncset.done $0x0;
	s18 =	rddreg [dreg:$0x13]  }
0x1bb: {  	s12 =	sld [smem:$0x7A3];
	[sflag:s29] =	ssyncadd.s32 $0xFFFFFD80  }
0x1bc: {  	[tilespmem:s5], [sflag:$0x1] =	stream.linear.gather [spmem:s18], $0x80, $0x38;
	[tilespmem:$0x1CD00] =	vst v63  }
0x1bd: {  	s18 =	sld [smem:$0x7A4]  }
0x1be: {  	[tilespmem:s2], [sflag:$0x1] =	stream.linear.gather [spmem:s12], $0x80, $0x38;
	[tilespmem:$0x1CD00] =	vst v63  }
0x1bf: {  	s12 =	sld [smem:$0x7A5]  }
0x1c0: {  	[tilespmem:s19], [sflag:$0x1] =	stream.linear.gather [spmem:s18], $0x80, $0x38;
	[tilespmem:$0x1CD00] =	vst v63  }
0x1c1: {  	s18 =	sld [smem:$0x7A6]  }
0x1c2: {  	[tilespmem:s13], [sflag:$0x1] =	stream.linear.gather [spmem:s12], $0x80, $0x38;
	[tilespmem:$0x1CD00] =	vst v63  }
0x1c3: {  	_ = 	snop  }
0x1c4: {  	[tilespmem:s3], [sflag:$0x1] =	stream.linear.gather [spmem:s18], $0x80, $0x38;
	[tilespmem:$0x1CD00] =	vst v63  }
0x1c5: {  	_ =	swait.ge [sflag:s29], $0x280  }
0x1c6: {  	[sflag:s29] =	ssyncset.done $0x0;
	s12 =	rddreg [dreg:$0x14]  }
0x1c7: {  	s18 =	sld [smem:$0x7A7];
	[sflag:s29] =	ssyncadd.s32 $0xFFFFFD80  }
0x1c8: {  	[tilespmem:s20], [sflag:$0x1] =	stream.linear.gather [spmem:s12], $0x80, $0x38;
	[tilespmem:$0x1CD00] =	vst v63  }
0x1c9: {  	s12 =	sld [smem:$0x7A8]  }
0x1ca: {  	[tilespmem:s10], [sflag:$0x1] =	stream.linear.gather [spmem:s18], $0x80, $0x38;
	[tilespmem:$0x1CD00] =	vst v63  }
0x1cb: {  	s18 =	sld [smem:$0x7A9]  }
0x1cc: {  	[tilespmem:s21], [sflag:$0x1] =	stream.linear.gather [spmem:s12], $0x80, $0x38;
	[tilespmem:$0x1CD00] =	vst v63  }
0x1cd: {  	s12 =	sld [smem:$0x7AA]  }
0x1ce: {  	[tilespmem:s14], [sflag:$0x1] =	stream.linear.gather [spmem:s18], $0x80, $0x38;
	[tilespmem:$0x1CD00] =	vst v63  }
0x1cf: {  	_ = 	snop  }
0x1d0: {  	[tilespmem:s22], [sflag:$0x1] =	stream.linear.gather [spmem:s12], $0x80, $0x38;
	[tilespmem:$0x1CD00] =	vst v63  }
0x1d1: {  	_ =	swait.ge [sflag:s29], $0x280  }
0x1d2: {  	[sflag:s29] =	ssyncset.done $0x0;
	s18 =	rddreg [dreg:$0x15]  }
0x1d3: {  	s12 =	sld [smem:$0x7AB];
	[sflag:s29] =	ssyncadd.s32 $0xFFFFFD80  }
0x1d4: {  	[tilespmem:s9], [sflag:$0x1] =	stream.linear.gather [spmem:s18], $0x80, $0x38;
	[tilespmem:$0x1CD00] =	vst v63  }
0x1d5: {  	s18 =	sld [smem:$0x7AC]  }
0x1d6: {  	[tilespmem:s23], [sflag:$0x1] =	stream.linear.gather [spmem:s12], $0x80, $0x38;
	[tilespmem:$0x1CD00] =	vst v63  }
0x1d7: {  	s12 =	sld [smem:$0x7AD]  }
0x1d8: {  	[tilespmem:s15], [sflag:$0x1] =	stream.linear.gather [spmem:s18], $0x80, $0x38;
	[tilespmem:$0x1CD00] =	vst v63  }
0x1d9: {  	s18 =	sld [smem:$0x7AE]  }
0x1da: {  	[tilespmem:s24], [sflag:$0x1] =	stream.linear.gather [spmem:s12], $0x80, $0x38;
	[tilespmem:$0x1CD00] =	vst v63  }
0x1db: {  	_ = 	snop  }
0x1dc: {  	[tilespmem:s6], [sflag:$0x1] =	stream.linear.gather [spmem:s18], $0x80, $0x38;
	[tilespmem:$0x1CD00] =	vst v63  }
0x1dd: {  	_ =	swait.ge [sflag:s29], $0x280  }
0x1de: {  	[sflag:s29] =	ssyncset.done $0x0;
	s12 =	rddreg [dreg:$0x16]  }
0x1df: {  	s18 =	sld [smem:$0x7AF];
	[sflag:s29] =	ssyncadd.s32 $0xFFFFFD80  }
0x1e0: {  	[tilespmem:s25], [sflag:$0x1] =	stream.linear.gather [spmem:s12], $0x80, $0x38;
	[tilespmem:$0x1CD00] =	vst v63  }
0x1e1: {  	s12 =	sld [smem:$0x7B0]  }
0x1e2: {  	[tilespmem:s31], [sflag:$0x1] =	stream.linear.gather [spmem:s18], $0x80, $0x38;
	[tilespmem:$0x1CD00] =	vst v63  }
0x1e3: {  	s18 =	sld [smem:$0x7B1]  }
0x1e4: {  	[tilespmem:s11], [sflag:$0x1] =	stream.linear.gather [spmem:s12], $0x80, $0x38;
	[tilespmem:$0x1CD00] =	vst v63  }
0x1e5: {  	s12 =	sld [smem:$0x7B2]  }
0x1e6: {  	[tilespmem:s17], [sflag:$0x1] =	stream.linear.gather [spmem:s18], $0x80, $0x38;
	[tilespmem:$0x1CD00] =	vst v63  }
0x1e7: {  	_ = 	snop  }
0x1e8: {  	[tilespmem:s26], [sflag:$0x1] =	stream.linear.gather [spmem:s12], $0x80, $0x38;
	[tilespmem:$0x1CD00] =	vst v63  }
0x1e9: {  	s18 =	sand.u32 $0x70, s8;
	s8 =	sand.u32 $0x1C00, s8;
	_ =	swait.ge [sflag:s29], $0x280  }
0x1ea: {  	s1 =	sor.u32 s18, s8;
	[sflag:s29] =	ssyncset.done $0x0  }
0x1eb: {  	s8 =	sadd.s32 $0x15000, s1;
	[sflag:s29] =	ssyncadd.s32 $0xFFFFFD80  }
0x1ec: {  	v2 =	vld [tilespmem:s8+$0x80]  }
0x1ed: {  	v3 =	vld [tilespmem:s1+$0x15000];
	_ =	sdelay $0x1  }
0x1ee: {  	v4 =	vld [tilespmem:s8+$0x100];
	_ =	sdelay $0x1  }
0x1ef: {  	v5 =	vld [tilespmem:s8+$0x180]  }
0x1f0: {  	v2 =	vadd.f32 v2, v3  }
0x1f1: {  	v3 =	vld [tilespmem:s8+$0x200]  }
0x1f2: {  	v2 =	vadd.f32 v4, v2  }
0x1f3: {  	v56 =	vld [tilespmem:s8+$0x280]  }
0x1f4: {  	v2 =	vadd.f32 v5, v2  }
0x1f5: {  	v57 =	vld [tilespmem:s8+$0x300]  }
0x1f6: {  	v2 =	vadd.f32 v3, v2  }
0x1f7: {  	v3 =	vld [tilespmem:s8+$0x380]  }
0x1f8: {  	v2 =	vadd.f32 v56, v2  }
0x1f9: {  	v58 =	vld [tilespmem:s1+$0x16400]  }
0x1fa: {  	v2 =	vadd.f32 v57, v2  }
0x1fb: {  	v59 =	vld [tilespmem:s1+$0x16480]  }
0x1fc: {  	v2 =	vadd.f32 v3, v2  }
0x1fd: {  	v3 =	vld [tilespmem:s1+$0x16500]  }
0x1fe: {  	v2 =	vadd.f32 v58, v2  }
0x1ff: {  	v60 =	vld [tilespmem:s1+$0x16580]  }
0x200: {  	v2 =	vadd.f32 v59, v2  }
0x201: {  	v61 =	vld [tilespmem:s1+$0x16600]  }
0x202: {  	v2 =	vadd.f32 v3, v2  }
0x203: {  	v3 =	vld [tilespmem:s1+$0x16680]  }
0x204: {  	v2 =	vadd.f32 v60, v2  }
0x205: {  	v62 =	vld [tilespmem:s1+$0x16700]  }
0x206: {  	v2 =	vadd.f32 v61, v2  }
0x207: {  	v63 =	vld [tilespmem:s1+$0x16780]  }
0x208: {  	v2 =	vadd.f32 v3, v2;
	_ =	sdelay $0x1  }
0x209: {  	v2 =	vadd.f32 v62, v2  }
0x20a: {  	s12 =	simm.s32 $0x10;
	s1 =	simm.s32 $0x80  }
0x20b: {  	s18 =	sand.u32 $0x70, s12;
	s28 =	sand.u32 $0x1C00, s1;
	v2 =	vadd.f32 v63, v2  }
0x20c: {  	s12 =	simm.s32 $0x20;
	s8 =	simm.s32 $0x17800;
	s28 =	sor.u32 s18, s28  }
.LBB2_6:
0x20d: {  	p0 =	sne.s32 s12, $0x270;
	s18 =	sadd.s32 $0x15000, s28;
	[tilespmem:s8+$0x0] =	vst v2  }
0x20e: {  	v2 =	vld [tilespmem:s18+$0x80]  }
0x20f: {  	v3 =	vld [tilespmem:s28+$0x15000];
	_ =	sdelay $0x1  }
0x210: {  	v4 =	vld [tilespmem:s18+$0x100];
	_ =	sdelay $0x1  }
0x211: {  	v5 =	vld [tilespmem:s18+$0x180]  }
0x212: {  	v2 =	vadd.f32 v2, v3  }
0x213: {  	v3 =	vld [tilespmem:s18+$0x200]  }
0x214: {  	v2 =	vadd.f32 v4, v2  }
0x215: {  	v4 =	vld [tilespmem:s18+$0x280]  }
0x216: {  	v2 =	vadd.f32 v5, v2  }
0x217: {  	v5 =	vld [tilespmem:s18+$0x300]  }
0x218: {  	v2 =	vadd.f32 v3, v2  }
0x219: {  	v3 =	vld [tilespmem:s18+$0x380]  }
0x21a: {  	v2 =	vadd.f32 v4, v2  }
0x21b: {  	v4 =	vld [tilespmem:s28+$0x16400]  }
0x21c: {  	v2 =	vadd.f32 v5, v2  }
0x21d: {  	v5 =	vld [tilespmem:s28+$0x16480]  }
0x21e: {  	v2 =	vadd.f32 v3, v2  }
0x21f: {  	v3 =	vld [tilespmem:s28+$0x16500]  }
0x220: {  	v2 =	vadd.f32 v4, v2  }
0x221: {  	v4 =	vld [tilespmem:s28+$0x16580]  }
0x222: {  	v2 =	vadd.f32 v5, v2  }
0x223: {  	v5 =	vld [tilespmem:s28+$0x16600]  }
0x224: {  	v2 =	vadd.f32 v3, v2  }
0x225: {  	v3 =	vld [tilespmem:s28+$0x16680]  }
0x226: {  	v2 =	vadd.f32 v4, v2  }
0x227: {  	v4 =	vld [tilespmem:s28+$0x16700]  }
0x228: {  	v2 =	vadd.f32 v5, v2  }
0x229: {  	v5 =	vld [tilespmem:s28+$0x16780]  }
0x22a: {  	v2 =	vadd.f32 v3, v2  }
.Ltmp2:
0x22b: {  	(pc) =	sbr.rel @p0 .LBB2_6-.Ltmp2, $4  }
0x22c: {  	v2 =	vadd.f32 v4, v2  }
0x22d: {  	s1 =	sadd.s32 $0x80, s1  }
0x22e: {  	s18 =	sand.u32 $0x70, s12;
	s28 =	sand.u32 $0x1C00, s1;
	v2 =	vadd.f32 v5, v2  }
0x22f: {  	s8 =	sadd.s32 $0x10, s8;
	s12 =	sadd.s32 $0x10, s12;
	s28 =	sor.u32 s18, s28  }
0x230: {  	s1 =	sadd.s32 $0x15000, s28;
	[tilespmem:s8+$0x0] =	vst v2  }
0x231: {  	v2 =	vld [tilespmem:s1+$0x80]  }
0x232: {  	v3 =	vld [tilespmem:s28+$0x15000];
	_ =	sdelay $0x1  }
0x233: {  	v4 =	vld [tilespmem:s1+$0x100];
	_ =	sdelay $0x1  }
0x234: {  	v5 =	vld [tilespmem:s1+$0x180]  }
0x235: {  	v2 =	vadd.f32 v2, v3  }
0x236: {  	v3 =	vld [tilespmem:s1+$0x200]  }
0x237: {  	v2 =	vadd.f32 v4, v2  }
0x238: {  	v46 =	vld [tilespmem:s1+$0x280]  }
0x239: {  	v2 =	vadd.f32 v5, v2  }
0x23a: {  	v47 =	vld [tilespmem:s1+$0x300]  }
0x23b: {  	v2 =	vadd.f32 v3, v2  }
0x23c: {  	v3 =	vld [tilespmem:s1+$0x380]  }
0x23d: {  	v2 =	vadd.f32 v46, v2  }
0x23e: {  	v48 =	vld [tilespmem:s28+$0x16400]  }
0x23f: {  	v2 =	vadd.f32 v47, v2  }
0x240: {  	v49 =	vld [tilespmem:s28+$0x16480]  }
0x241: {  	v2 =	vadd.f32 v3, v2  }
0x242: {  	v3 =	vld [tilespmem:s28+$0x16500]  }
0x243: {  	v2 =	vadd.f32 v48, v2  }
0x244: {  	v50 =	vld [tilespmem:s28+$0x16580]  }
0x245: {  	v2 =	vadd.f32 v49, v2  }
0x246: {  	v51 =	vld [tilespmem:s28+$0x16600]  }
0x247: {  	v2 =	vadd.f32 v3, v2  }
0x248: {  	v3 =	vld [tilespmem:s28+$0x16680]  }
0x249: {  	v2 =	vadd.f32 v50, v2  }
0x24a: {  	v52 =	vld [tilespmem:s28+$0x16700]  }
0x24b: {  	v2 =	vadd.f32 v51, v2  }
0x24c: {  	v53 =	vld [tilespmem:s28+$0x16780]  }
0x24d: {  	v2 =	vadd.f32 v3, v2;
	_ =	sdelay $0x1  }
0x24e: {  	v2 =	vadd.f32 v52, v2;
	_ =	sdelay $0x1  }
0x24f: {  	v2 =	vadd.f32 v53, v2  }
0x250: {  	s8 =	sadd.s32 $0x10, s8  }
0x251: {  	s12 =	rddreg [dreg:$0x17];
	s18 =	simm.s32 $0x15000;
	[tilespmem:s8+$0x0] =	vst v2  }
0x252: {  	[tilespmem:s18], [sflag:$0x1] =	stream.linear.gather [spmem:s12], $0x80, $0x38;
	[tilespmem:$0x1CD00] =	vst v63  }
0x253: {  	s12 =	sld [smem:$0x7B3];
	_ =	sdelay $0x1  }
0x254: {  	s18 =	simm.s32 $0x15400  }
0x255: {  	[tilespmem:s18], [sflag:$0x1] =	stream.linear.gather [spmem:s12], $0x80, $0x38;
	[tilespmem:$0x1CD00] =	vst v63  }
0x256: {  	s12 =	sld [smem:$0x7B4];
	_ =	sdelay $0x1  }
0x257: {  	s18 =	simm.s32 $0x15800  }
0x258: {  	[tilespmem:s18], [sflag:$0x1] =	stream.linear.gather [spmem:s12], $0x80, $0x38;
	[tilespmem:$0x1CD00] =	vst v63  }
0x259: {  	s12 =	sld [smem:$0x7B5];
	_ =	sdelay $0x1  }
0x25a: {  	s18 =	simm.s32 $0x15C00  }
0x25b: {  	[tilespmem:s18], [sflag:$0x1] =	stream.linear.gather [spmem:s12], $0x80, $0x38;
	[tilespmem:$0x1CD00] =	vst v63  }
0x25c: {  	s12 =	sld [smem:$0x7B6];
	_ =	sdelay $0x1  }
0x25d: {  	s18 =	simm.s32 $0x16000  }
0x25e: {  	[tilespmem:s18], [sflag:$0x1] =	stream.linear.gather [spmem:s12], $0x80, $0x38;
	[tilespmem:$0x1CD00] =	vst v63  }
0x25f: {  	_ =	swait.ge [sflag:s29], $0x280  }
0x260: {  	[sflag:s29] =	ssyncset.done $0x0  }
0x261: {  	s18 =	simm.s32 $0x15080;
	s12 =	rddreg [dreg:$0x18];
	[sflag:s29] =	ssyncadd.s32 $0xFFFFFD80  }
0x262: {  	[tilespmem:s18], [sflag:$0x1] =	stream.linear.gather [spmem:s12], $0x80, $0x38;
	[tilespmem:$0x1CD00] =	vst v63  }
0x263: {  	s12 =	sld [smem:$0x7B7];
	_ =	sdelay $0x1  }
0x264: {  	s18 =	simm.s32 $0x15480  }
0x265: {  	[tilespmem:s18], [sflag:$0x1] =	stream.linear.gather [spmem:s12], $0x80, $0x38;
	[tilespmem:$0x1CD00] =	vst v63  }
0x266: {  	s12 =	sld [smem:$0x7B8];
	_ =	sdelay $0x1  }
0x267: {  	s18 =	simm.s32 $0x15880  }
0x268: {  	[tilespmem:s18], [sflag:$0x1] =	stream.linear.gather [spmem:s12], $0x80, $0x38;
	[tilespmem:$0x1CD00] =	vst v63  }
0x269: {  	s12 =	sld [smem:$0x7B9];
	_ =	sdelay $0x1  }
0x26a: {  	s18 =	simm.s32 $0x15C80  }
0x26b: {  	[tilespmem:s18], [sflag:$0x1] =	stream.linear.gather [spmem:s12], $0x80, $0x38;
	[tilespmem:$0x1CD00] =	vst v63  }
0x26c: {  	s12 =	sld [smem:$0x7BA];
	_ =	sdelay $0x1  }
0x26d: {  	s18 =	simm.s32 $0x16080  }
0x26e: {  	[tilespmem:s18], [sflag:$0x1] =	stream.linear.gather [spmem:s12], $0x80, $0x38;
	[tilespmem:$0x1CD00] =	vst v63  }
0x26f: {  	_ =	swait.ge [sflag:s29], $0x280  }
0x270: {  	[sflag:s29] =	ssyncset.done $0x0  }
0x271: {  	s18 =	simm.s32 $0x15100;
	s12 =	rddreg [dreg:$0x19];
	[sflag:s29] =	ssyncadd.s32 $0xFFFFFD80  }
0x272: {  	[tilespmem:s18], [sflag:$0x1] =	stream.linear.gather [spmem:s12], $0x80, $0x38;
	[tilespmem:$0x1CD00] =	vst v63  }
0x273: {  	s12 =	sld [smem:$0x7BB];
	_ =	sdelay $0x1  }
0x274: {  	s18 =	simm.s32 $0x15500  }
0x275: {  	[tilespmem:s18], [sflag:$0x1] =	stream.linear.gather [spmem:s12], $0x80, $0x38;
	[tilespmem:$0x1CD00] =	vst v63  }
0x276: {  	s12 =	sld [smem:$0x7BC];
	_ =	sdelay $0x1  }
0x277: {  	s18 =	simm.s32 $0x15900  }
0x278: {  	[tilespmem:s18], [sflag:$0x1] =	stream.linear.gather [spmem:s12], $0x80, $0x38;
	[tilespmem:$0x1CD00] =	vst v63  }
0x279: {  	s12 =	sld [smem:$0x7BD];
	_ =	sdelay $0x1  }
0x27a: {  	s18 =	simm.s32 $0x15D00  }
0x27b: {  	[tilespmem:s18], [sflag:$0x1] =	stream.linear.gather [spmem:s12], $0x80, $0x38;
	[tilespmem:$0x1CD00] =	vst v63  }
0x27c: {  	s12 =	sld [smem:$0x7BE];
	_ =	sdelay $0x1  }
0x27d: {  	s18 =	simm.s32 $0x16100  }
0x27e: {  	[tilespmem:s18], [sflag:$0x1] =	stream.linear.gather [spmem:s12], $0x80, $0x38;
	[tilespmem:$0x1CD00] =	vst v63  }
0x27f: {  	_ =	swait.ge [sflag:s29], $0x280  }
0x280: {  	[sflag:s29] =	ssyncset.done $0x0  }
0x281: {  	s18 =	simm.s32 $0x15180;
	s12 =	rddreg [dreg:$0x1a];
	[sflag:s29] =	ssyncadd.s32 $0xFFFFFD80  }
0x282: {  	[tilespmem:s18], [sflag:$0x1] =	stream.linear.gather [spmem:s12], $0x80, $0x38;
	[tilespmem:$0x1CD00] =	vst v63  }
0x283: {  	s12 =	sld [smem:$0x7BF];
	_ =	sdelay $0x1  }
0x284: {  	s18 =	simm.s32 $0x15580  }
0x285: {  	[tilespmem:s18], [sflag:$0x1] =	stream.linear.gather [spmem:s12], $0x80, $0x38;
	[tilespmem:$0x1CD00] =	vst v63  }
0x286: {  	s12 =	sld [smem:$0x7C0];
	_ =	sdelay $0x1  }
0x287: {  	s18 =	simm.s32 $0x15980  }
0x288: {  	[tilespmem:s18], [sflag:$0x1] =	stream.linear.gather [spmem:s12], $0x80, $0x38;
	[tilespmem:$0x1CD00] =	vst v63  }
0x289: {  	s12 =	sld [smem:$0x7C1];
	_ =	sdelay $0x1  }
0x28a: {  	s18 =	simm.s32 $0x15D80  }
0x28b: {  	[tilespmem:s18], [sflag:$0x1] =	stream.linear.gather [spmem:s12], $0x80, $0x38;
	[tilespmem:$0x1CD00] =	vst v63  }
0x28c: {  	s12 =	sld [smem:$0x7C2];
	_ =	sdelay $0x1  }
0x28d: {  	s18 =	simm.s32 $0x16180  }
0x28e: {  	[tilespmem:s18], [sflag:$0x1] =	stream.linear.gather [spmem:s12], $0x80, $0x38;
	[tilespmem:$0x1CD00] =	vst v63  }
0x28f: {  	_ =	swait.ge [sflag:s29], $0x280  }
0x290: {  	[sflag:s29] =	ssyncset.done $0x0  }
0x291: {  	s18 =	simm.s32 $0x15200;
	s12 =	rddreg [dreg:$0x1b];
	[sflag:s29] =	ssyncadd.s32 $0xFFFFFD80  }
0x292: {  	[tilespmem:s18], [sflag:$0x1] =	stream.linear.gather [spmem:s12], $0x80, $0x38;
	[tilespmem:$0x1CD00] =	vst v63  }
0x293: {  	s12 =	sld [smem:$0x7C3];
	_ =	sdelay $0x1  }
0x294: {  	s18 =	simm.s32 $0x15600  }
0x295: {  	[tilespmem:s18], [sflag:$0x1] =	stream.linear.gather [spmem:s12], $0x80, $0x38;
	[tilespmem:$0x1CD00] =	vst v63  }
0x296: {  	s12 =	sld [smem:$0x7C4];
	_ =	sdelay $0x1  }
0x297: {  	s18 =	simm.s32 $0x15A00  }
0x298: {  	[tilespmem:s18], [sflag:$0x1] =	stream.linear.gather [spmem:s12], $0x80, $0x38;
	[tilespmem:$0x1CD00] =	vst v63  }
0x299: {  	s12 =	sld [smem:$0x7C5];
	_ =	sdelay $0x1  }
0x29a: {  	s18 =	simm.s32 $0x15E00  }
0x29b: {  	[tilespmem:s18], [sflag:$0x1] =	stream.linear.gather [spmem:s12], $0x80, $0x38;
	[tilespmem:$0x1CD00] =	vst v63  }
0x29c: {  	s12 =	sld [smem:$0x7C6];
	_ =	sdelay $0x1  }
0x29d: {  	s18 =	simm.s32 $0x16200  }
0x29e: {  	[tilespmem:s18], [sflag:$0x1] =	stream.linear.gather [spmem:s12], $0x80, $0x38;
	[tilespmem:$0x1CD00] =	vst v63  }
0x29f: {  	_ =	swait.ge [sflag:s29], $0x280  }
0x2a0: {  	[sflag:s29] =	ssyncset.done $0x0  }
0x2a1: {  	s18 =	simm.s32 $0x15280;
	s12 =	rddreg [dreg:$0x1c];
	[sflag:s29] =	ssyncadd.s32 $0xFFFFFD80  }
0x2a2: {  	[tilespmem:s18], [sflag:$0x1] =	stream.linear.gather [spmem:s12], $0x80, $0x38;
	[tilespmem:$0x1CD00] =	vst v63  }
0x2a3: {  	s12 =	sld [smem:$0x7C7];
	_ =	sdelay $0x1  }
0x2a4: {  	s18 =	simm.s32 $0x15680  }
0x2a5: {  	[tilespmem:s18], [sflag:$0x1] =	stream.linear.gather [spmem:s12], $0x80, $0x38;
	[tilespmem:$0x1CD00] =	vst v63  }
0x2a6: {  	s12 =	sld [smem:$0x7C8];
	_ =	sdelay $0x1  }
0x2a7: {  	s18 =	simm.s32 $0x15A80  }
0x2a8: {  	[tilespmem:s18], [sflag:$0x1] =	stream.linear.gather [spmem:s12], $0x80, $0x38;
	[tilespmem:$0x1CD00] =	vst v63  }
0x2a9: {  	s12 =	sld [smem:$0x7C9];
	_ =	sdelay $0x1  }
0x2aa: {  	s18 =	simm.s32 $0x15E80  }
0x2ab: {  	[tilespmem:s18], [sflag:$0x1] =	stream.linear.gather [spmem:s12], $0x80, $0x38;
	[tilespmem:$0x1CD00] =	vst v63  }
0x2ac: {  	s12 =	sld [smem:$0x7CA];
	_ =	sdelay $0x1  }
0x2ad: {  	s18 =	simm.s32 $0x16280  }
0x2ae: {  	[tilespmem:s18], [sflag:$0x1] =	stream.linear.gather [spmem:s12], $0x80, $0x38;
	[tilespmem:$0x1CD00] =	vst v63  }
0x2af: {  	_ =	swait.ge [sflag:s29], $0x280  }
0x2b0: {  	[sflag:s29] =	ssyncset.done $0x0  }
0x2b1: {  	s18 =	simm.s32 $0x15300;
	s12 =	rddreg [dreg:$0x1d];
	[sflag:s29] =	ssyncadd.s32 $0xFFFFFD80  }
0x2b2: {  	[tilespmem:s18], [sflag:$0x1] =	stream.linear.gather [spmem:s12], $0x80, $0x38;
	[tilespmem:$0x1CD00] =	vst v63  }
0x2b3: {  	s12 =	sld [smem:$0x7CB];
	_ =	sdelay $0x1  }
0x2b4: {  	s18 =	simm.s32 $0x15700  }
0x2b5: {  	[tilespmem:s18], [sflag:$0x1] =	stream.linear.gather [spmem:s12], $0x80, $0x38;
	[tilespmem:$0x1CD00] =	vst v63  }
0x2b6: {  	s12 =	sld [smem:$0x7CC];
	_ =	sdelay $0x1  }
0x2b7: {  	s18 =	simm.s32 $0x15B00  }
0x2b8: {  	[tilespmem:s18], [sflag:$0x1] =	stream.linear.gather [spmem:s12], $0x80, $0x38;
	[tilespmem:$0x1CD00] =	vst v63  }
0x2b9: {  	s12 =	sld [smem:$0x7CD];
	_ =	sdelay $0x1  }
0x2ba: {  	s18 =	simm.s32 $0x15F00  }
0x2bb: {  	[tilespmem:s18], [sflag:$0x1] =	stream.linear.gather [spmem:s12], $0x80, $0x38;
	[tilespmem:$0x1CD00] =	vst v63  }
0x2bc: {  	s12 =	sld [smem:$0x7CE];
	_ =	sdelay $0x1  }
0x2bd: {  	s18 =	simm.s32 $0x16300  }
0x2be: {  	[tilespmem:s18], [sflag:$0x1] =	stream.linear.gather [spmem:s12], $0x80, $0x38;
	[tilespmem:$0x1CD00] =	vst v63  }
0x2bf: {  	_ =	swait.ge [sflag:s29], $0x280  }
0x2c0: {  	[sflag:s29] =	ssyncset.done $0x0  }
0x2c1: {  	s18 =	simm.s32 $0x15380;
	s12 =	rddreg [dreg:$0x1e];
	[sflag:s29] =	ssyncadd.s32 $0xFFFFFD80  }
0x2c2: {  	[tilespmem:s18], [sflag:$0x1] =	stream.linear.gather [spmem:s12], $0x80, $0x38;
	[tilespmem:$0x1CD00] =	vst v63  }
0x2c3: {  	s12 =	sld [smem:$0x7CF];
	_ =	sdelay $0x1  }
0x2c4: {  	s18 =	simm.s32 $0x15780  }
0x2c5: {  	[tilespmem:s18], [sflag:$0x1] =	stream.linear.gather [spmem:s12], $0x80, $0x38;
	[tilespmem:$0x1CD00] =	vst v63  }
0x2c6: {  	s12 =	sld [smem:$0x7D0];
	_ =	sdelay $0x1  }
0x2c7: {  	s18 =	simm.s32 $0x15B80  }
0x2c8: {  	[tilespmem:s18], [sflag:$0x1] =	stream.linear.gather [spmem:s12], $0x80, $0x38;
	[tilespmem:$0x1CD00] =	vst v63  }
0x2c9: {  	s12 =	sld [smem:$0x7D1];
	_ =	sdelay $0x1  }
0x2ca: {  	s18 =	simm.s32 $0x15F80  }
0x2cb: {  	[tilespmem:s18], [sflag:$0x1] =	stream.linear.gather [spmem:s12], $0x80, $0x38;
	[tilespmem:$0x1CD00] =	vst v63  }
0x2cc: {  	s12 =	sld [smem:$0x7D2];
	_ =	sdelay $0x1  }
0x2cd: {  	s18 =	simm.s32 $0x16380  }
0x2ce: {  	[tilespmem:s18], [sflag:$0x1] =	stream.linear.gather [spmem:s12], $0x80, $0x38;
	[tilespmem:$0x1CD00] =	vst v63  }
0x2cf: {  	_ =	swait.ge [sflag:s29], $0x280  }
0x2d0: {  	[sflag:s29] =	ssyncset.done $0x0  }
0x2d1: {  	s18 =	simm.s32 $0x16400;
	s12 =	rddreg [dreg:$0x1f];
	[sflag:s29] =	ssyncadd.s32 $0xFFFFFD80  }
0x2d2: {  	[tilespmem:s18], [sflag:$0x1] =	stream.linear.gather [spmem:s12], $0x80, $0x38;
	[tilespmem:$0x1CD00] =	vst v63  }
0x2d3: {  	s12 =	sld [smem:$0x7D3];
	_ =	sdelay $0x1  }
0x2d4: {  	s18 =	simm.s32 $0x16800  }
0x2d5: {  	[tilespmem:s18], [sflag:$0x1] =	stream.linear.gather [spmem:s12], $0x80, $0x38;
	[tilespmem:$0x1CD00] =	vst v63  }
0x2d6: {  	s12 =	sld [smem:$0x7D4];
	_ =	sdelay $0x1  }
0x2d7: {  	s18 =	simm.s32 $0x16C00  }
0x2d8: {  	[tilespmem:s18], [sflag:$0x1] =	stream.linear.gather [spmem:s12], $0x80, $0x38;
	[tilespmem:$0x1CD00] =	vst v63  }
0x2d9: {  	s12 =	sld [smem:$0x7D5];
	_ =	sdelay $0x1  }
0x2da: {  	s18 =	simm.s32 $0x17000  }
0x2db: {  	[tilespmem:s18], [sflag:$0x1] =	stream.linear.gather [spmem:s12], $0x80, $0x38;
	[tilespmem:$0x1CD00] =	vst v63  }
0x2dc: {  	s12 =	sld [smem:$0x7D6];
	_ =	sdelay $0x1  }
0x2dd: {  	s18 =	simm.s32 $0x17400  }
0x2de: {  	[tilespmem:s18], [sflag:$0x1] =	stream.linear.gather [spmem:s12], $0x80, $0x38;
	[tilespmem:$0x1CD00] =	vst v63  }
0x2df: {  	_ =	swait.ge [sflag:s29], $0x280  }
0x2e0: {  	s12 =	sld [smem:$0x7DA]  }
0x2e1: {  	[sflag:s29] =	ssyncset.done $0x0  }
0x2e2: {  	s18 =	simm.s32 $0x16480;
	[sflag:s29] =	ssyncadd.s32 $0xFFFFFD80  }
0x2e3: {  	[tilespmem:s18], [sflag:$0x1] =	stream.linear.gather [spmem:s12], $0x80, $0x38;
	[tilespmem:$0x1CD00] =	vst v63  }
0x2e4: {  	s12 =	sld [smem:$0x7D7];
	_ =	sdelay $0x1  }
0x2e5: {  	s18 =	simm.s32 $0x16880  }
0x2e6: {  	[tilespmem:s18], [sflag:$0x1] =	stream.linear.gather [spmem:s12], $0x80, $0x38;
	[tilespmem:$0x1CD00] =	vst v63  }
0x2e7: {  	s12 =	sld [smem:$0x7D8];
	_ =	sdelay $0x1  }
0x2e8: {  	s18 =	simm.s32 $0x16C80  }
0x2e9: {  	[tilespmem:s18], [sflag:$0x1] =	stream.linear.gather [spmem:s12], $0x80, $0x38;
	[tilespmem:$0x1CD00] =	vst v63  }
0x2ea: {  	s12 =	sld [smem:$0x7D9];
	_ =	sdelay $0x1  }
0x2eb: {  	s18 =	simm.s32 $0x17080  }
0x2ec: {  	[tilespmem:s18], [sflag:$0x1] =	stream.linear.gather [spmem:s12], $0x80, $0x38;
	[tilespmem:$0x1CD00] =	vst v63  }
0x2ed: {  	s12 =	sld [smem:$0x7DB];
	_ =	sdelay $0x1  }
0x2ee: {  	s18 =	simm.s32 $0x17480  }
0x2ef: {  	[tilespmem:s18], [sflag:$0x1] =	stream.linear.gather [spmem:s12], $0x80, $0x38;
	[tilespmem:$0x1CD00] =	vst v63  }
0x2f0: {  	_ =	swait.ge [sflag:s29], $0x280  }
0x2f1: {  	s12 =	sld [smem:$0x7DF]  }
0x2f2: {  	[sflag:s29] =	ssyncset.done $0x0  }
0x2f3: {  	s18 =	simm.s32 $0x16500;
	[sflag:s29] =	ssyncadd.s32 $0xFFFFFD80  }
0x2f4: {  	[tilespmem:s18], [sflag:$0x1] =	stream.linear.gather [spmem:s12], $0x80, $0x38;
	[tilespmem:$0x1CD00] =	vst v63  }
0x2f5: {  	s12 =	sld [smem:$0x7DC];
	_ =	sdelay $0x1  }
0x2f6: {  	s18 =	simm.s32 $0x16900  }
0x2f7: {  	[tilespmem:s18], [sflag:$0x1] =	stream.linear.gather [spmem:s12], $0x80, $0x38;
	[tilespmem:$0x1CD00] =	vst v63  }
0x2f8: {  	s12 =	sld [smem:$0x7DD];
	_ =	sdelay $0x1  }
0x2f9: {  	s18 =	simm.s32 $0x16D00  }
0x2fa: {  	[tilespmem:s18], [sflag:$0x1] =	stream.linear.gather [spmem:s12], $0x80, $0x38;
	[tilespmem:$0x1CD00] =	vst v63  }
0x2fb: {  	s12 =	sld [smem:$0x7DE];
	_ =	sdelay $0x1  }
0x2fc: {  	s18 =	simm.s32 $0x17100  }
0x2fd: {  	[tilespmem:s18], [sflag:$0x1] =	stream.linear.gather [spmem:s12], $0x80, $0x38;
	[tilespmem:$0x1CD00] =	vst v63  }
0x2fe: {  	s12 =	sld [smem:$0x7E0];
	_ =	sdelay $0x1  }
0x2ff: {  	s18 =	simm.s32 $0x17500  }
0x300: {  	[tilespmem:s18], [sflag:$0x1] =	stream.linear.gather [spmem:s12], $0x80, $0x38;
	[tilespmem:$0x1CD00] =	vst v63  }
0x301: {  	_ =	swait.ge [sflag:s29], $0x280  }
0x302: {  	s12 =	sld [smem:$0x7E4]  }
0x303: {  	[sflag:s29] =	ssyncset.done $0x0  }
0x304: {  	s18 =	simm.s32 $0x16580;
	[sflag:s29] =	ssyncadd.s32 $0xFFFFFD80  }
0x305: {  	[tilespmem:s18], [sflag:$0x1] =	stream.linear.gather [spmem:s12], $0x80, $0x38;
	[tilespmem:$0x1CD00] =	vst v63  }
0x306: {  	s12 =	sld [smem:$0x7E1];
	_ =	sdelay $0x1  }
0x307: {  	s18 =	simm.s32 $0x16980  }
0x308: {  	[tilespmem:s18], [sflag:$0x1] =	stream.linear.gather [spmem:s12], $0x80, $0x38;
	[tilespmem:$0x1CD00] =	vst v63  }
0x309: {  	s12 =	sld [smem:$0x7E2];
	_ =	sdelay $0x1  }
0x30a: {  	s18 =	simm.s32 $0x16D80  }
0x30b: {  	[tilespmem:s18], [sflag:$0x1] =	stream.linear.gather [spmem:s12], $0x80, $0x38;
	[tilespmem:$0x1CD00] =	vst v63  }
0x30c: {  	s12 =	sld [smem:$0x7E3];
	_ =	sdelay $0x1  }
0x30d: {  	s18 =	simm.s32 $0x17180  }
0x30e: {  	[tilespmem:s18], [sflag:$0x1] =	stream.linear.gather [spmem:s12], $0x80, $0x38;
	[tilespmem:$0x1CD00] =	vst v63  }
0x30f: {  	s12 =	sld [smem:$0x7E5];
	_ =	sdelay $0x1  }
0x310: {  	s18 =	simm.s32 $0x17580  }
0x311: {  	[tilespmem:s18], [sflag:$0x1] =	stream.linear.gather [spmem:s12], $0x80, $0x38;
	[tilespmem:$0x1CD00] =	vst v63  }
0x312: {  	_ =	swait.ge [sflag:s29], $0x280  }
0x313: {  	s12 =	sld [smem:$0x7E9]  }
0x314: {  	[sflag:s29] =	ssyncset.done $0x0  }
0x315: {  	s18 =	sld [smem:$0x7E6];
	[sflag:s29] =	ssyncadd.s32 $0xFFFFFD80  }
0x316: {  	[tilespmem:s5], [sflag:$0x1] =	stream.linear.gather [spmem:s12], $0x80, $0x38;
	[tilespmem:$0x1CD00] =	vst v63  }
0x317: {  	s8 =	sld [smem:$0x7E7]  }
0x318: {  	[tilespmem:s2], [sflag:$0x1] =	stream.linear.gather [spmem:s18], $0x80, $0x38;
	[tilespmem:$0x1CD00] =	vst v63  }
0x319: {  	s12 =	sld [smem:$0x7E8]  }
0x31a: {  	[tilespmem:s19], [sflag:$0x1] =	stream.linear.gather [spmem:s8], $0x80, $0x38;
	[tilespmem:$0x1CD00] =	vst v63  }
0x31b: {  	s18 =	sld [smem:$0x7EA]  }
0x31c: {  	[tilespmem:s13], [sflag:$0x1] =	stream.linear.gather [spmem:s12], $0x80, $0x38;
	[tilespmem:$0x1CD00] =	vst v63  }
0x31d: {  	_ = 	snop  }
0x31e: {  	[tilespmem:s3], [sflag:$0x1] =	stream.linear.gather [spmem:s18], $0x80, $0x38;
	[tilespmem:$0x1CD00] =	vst v63  }
0x31f: {  	_ =	swait.ge [sflag:s29], $0x280  }
0x320: {  	s8 =	sld [smem:$0x7EE]  }
0x321: {  	[sflag:s29] =	ssyncset.done $0x0  }
0x322: {  	s12 =	sld [smem:$0x7EB];
	[sflag:s29] =	ssyncadd.s32 $0xFFFFFD80  }
0x323: {  	[tilespmem:s20], [sflag:$0x1] =	stream.linear.gather [spmem:s8], $0x80, $0x38;
	[tilespmem:$0x1CD00] =	vst v63  }
0x324: {  	s18 =	sld [smem:$0x7EC]  }
0x325: {  	[tilespmem:s10], [sflag:$0x1] =	stream.linear.gather [spmem:s12], $0x80, $0x38;
	[tilespmem:$0x1CD00] =	vst v63  }
0x326: {  	s8 =	sld [smem:$0x7ED]  }
0x327: {  	[tilespmem:s21], [sflag:$0x1] =	stream.linear.gather [spmem:s18], $0x80, $0x38;
	[tilespmem:$0x1CD00] =	vst v63  }
0x328: {  	s12 =	sld [smem:$0x7EF]  }
0x329: {  	[tilespmem:s14], [sflag:$0x1] =	stream.linear.gather [spmem:s8], $0x80, $0x38;
	[tilespmem:$0x1CD00] =	vst v63  }
0x32a: {  	_ = 	snop  }
0x32b: {  	[tilespmem:s22], [sflag:$0x1] =	stream.linear.gather [spmem:s12], $0x80, $0x38;
	[tilespmem:$0x1CD00] =	vst v63  }
0x32c: {  	_ =	swait.ge [sflag:s29], $0x280  }
0x32d: {  	s18 =	sld [smem:$0x7F3]  }
0x32e: {  	[sflag:s29] =	ssyncset.done $0x0  }
0x32f: {  	s8 =	sld [smem:$0x7F0];
	[sflag:s29] =	ssyncadd.s32 $0xFFFFFD80  }
0x330: {  	[tilespmem:s9], [sflag:$0x1] =	stream.linear.gather [spmem:s18], $0x80, $0x38;
	[tilespmem:$0x1CD00] =	vst v63  }
0x331: {  	s12 =	sld [smem:$0x7F1]  }
0x332: {  	[tilespmem:s23], [sflag:$0x1] =	stream.linear.gather [spmem:s8], $0x80, $0x38;
	[tilespmem:$0x1CD00] =	vst v63  }
0x333: {  	s18 =	sld [smem:$0x7F2]  }
0x334: {  	[tilespmem:s15], [sflag:$0x1] =	stream.linear.gather [spmem:s12], $0x80, $0x38;
	[tilespmem:$0x1CD00] =	vst v63  }
0x335: {  	s8 =	sld [smem:$0x7F4]  }
0x336: {  	[tilespmem:s24], [sflag:$0x1] =	stream.linear.gather [spmem:s18], $0x80, $0x38;
	[tilespmem:$0x1CD00] =	vst v63  }
0x337: {  	_ = 	snop  }
0x338: {  	[tilespmem:s6], [sflag:$0x1] =	stream.linear.gather [spmem:s8], $0x80, $0x38;
	[tilespmem:$0x1CD00] =	vst v63  }
0x339: {  	_ =	swait.ge [sflag:s29], $0x280  }
0x33a: {  	s12 =	sld [smem:$0x7F8]  }
0x33b: {  	[sflag:s29] =	ssyncset.done $0x0  }
0x33c: {  	s18 =	sld [smem:$0x7F5];
	[sflag:s29] =	ssyncadd.s32 $0xFFFFFD80  }
0x33d: {  	[tilespmem:s25], [sflag:$0x1] =	stream.linear.gather [spmem:s12], $0x80, $0x38;
	[tilespmem:$0x1CD00] =	vst v63  }
0x33e: {  	s8 =	sld [smem:$0x7F6]  }
0x33f: {  	[tilespmem:s31], [sflag:$0x1] =	stream.linear.gather [spmem:s18], $0x80, $0x38;
	[tilespmem:$0x1CD00] =	vst v63  }
0x340: {  	s12 =	sld [smem:$0x7F7]  }
0x341: {  	[tilespmem:s11], [sflag:$0x1] =	stream.linear.gather [spmem:s8], $0x80, $0x38;
	[tilespmem:$0x1CD00] =	vst v63  }
0x342: {  	s18 =	sld [smem:$0x7F9]  }
0x343: {  	[tilespmem:s17], [sflag:$0x1] =	stream.linear.gather [spmem:s12], $0x80, $0x38;
	[tilespmem:$0x1CD00] =	vst v63  }
0x344: {  	s8 =	simm.s32 $0x0  }
0x345: {  	[tilespmem:s26], [sflag:$0x1] =	stream.linear.gather [spmem:s18], $0x80, $0x38;
	[tilespmem:$0x1CD00] =	vst v63  }
0x346: {  	s1 =	sand.u32 $0x1C00, s8;
	s12 =	sand.u32 $0x70, s8;
	_ =	swait.ge [sflag:s29], $0x280  }
0x347: {  	s1 =	sor.u32 s12, s1;
	[sflag:s29] =	ssyncset.done $0x0  }
0x348: {  	s8 =	sadd.s32 $0x15000, s1;
	[sflag:s29] =	ssyncadd.s32 $0xFFFFFD80  }
0x349: {  	v2 =	vld [tilespmem:s8+$0x80]  }
0x34a: {  	v3 =	vld [tilespmem:s1+$0x15000];
	_ =	sdelay $0x1  }
0x34b: {  	v54 =	vld [tilespmem:s8+$0x100];
	_ =	sdelay $0x1  }
0x34c: {  	v55 =	vld [tilespmem:s8+$0x180]  }
0x34d: {  	v2 =	vadd.f32 v2, v3  }
0x34e: {  	v3 =	vld [tilespmem:s8+$0x200]  }
0x34f: {  	v2 =	vadd.f32 v54, v2  }
0x350: {  	v56 =	vld [tilespmem:s8+$0x280]  }
0x351: {  	v2 =	vadd.f32 v55, v2  }
0x352: {  	v57 =	vld [tilespmem:s8+$0x300]  }
0x353: {  	v2 =	vadd.f32 v3, v2  }
0x354: {  	v3 =	vld [tilespmem:s8+$0x380]  }
0x355: {  	v2 =	vadd.f32 v56, v2  }
0x356: {  	v58 =	vld [tilespmem:s1+$0x16400]  }
0x357: {  	v2 =	vadd.f32 v57, v2  }
0x358: {  	v59 =	vld [tilespmem:s1+$0x16480]  }
0x359: {  	v2 =	vadd.f32 v3, v2  }
0x35a: {  	v3 =	vld [tilespmem:s1+$0x16500]  }
0x35b: {  	v2 =	vadd.f32 v58, v2  }
0x35c: {  	v60 =	vld [tilespmem:s1+$0x16580]  }
0x35d: {  	v2 =	vadd.f32 v59, v2  }
0x35e: {  	v61 =	vld [tilespmem:s1+$0x16600]  }
0x35f: {  	v2 =	vadd.f32 v3, v2  }
0x360: {  	v3 =	vld [tilespmem:s1+$0x16680]  }
0x361: {  	v2 =	vadd.f32 v60, v2  }
0x362: {  	v62 =	vld [tilespmem:s1+$0x16700]  }
0x363: {  	v2 =	vadd.f32 v61, v2  }
0x364: {  	v63 =	vld [tilespmem:s1+$0x16780]  }
0x365: {  	v2 =	vadd.f32 v3, v2;
	_ =	sdelay $0x1  }
0x366: {  	v2 =	vadd.f32 v62, v2  }
0x367: {  	s18 =	simm.s32 $0x10;
	s1 =	simm.s32 $0x80  }
0x368: {  	s12 =	sand.u32 $0x70, s18;
	s18 =	sand.u32 $0x1C00, s1;
	v2 =	vadd.f32 v63, v2  }
0x369: {  	s8 =	simm.s32 $0x17A80;
	s28 =	sor.u32 s12, s18;
	s12 =	simm.s32 $0x20  }
.LBB2_8:
0x36a: {  	p0 =	sne.s32 s12, $0x270;
	s18 =	sadd.s32 $0x15000, s28;
	[tilespmem:s8+$0x0] =	vst v2  }
0x36b: {  	v2 =	vld [tilespmem:s18+$0x80]  }
0x36c: {  	v3 =	vld [tilespmem:s28+$0x15000];
	_ =	sdelay $0x1  }
0x36d: {  	v4 =	vld [tilespmem:s18+$0x100];
	_ =	sdelay $0x1  }
0x36e: {  	v5 =	vld [tilespmem:s18+$0x180]  }
0x36f: {  	v2 =	vadd.f32 v2, v3  }
0x370: {  	v3 =	vld [tilespmem:s18+$0x200]  }
0x371: {  	v2 =	vadd.f32 v4, v2  }
0x372: {  	v4 =	vld [tilespmem:s18+$0x280]  }
0x373: {  	v2 =	vadd.f32 v5, v2  }
0x374: {  	v5 =	vld [tilespmem:s18+$0x300]  }
0x375: {  	v2 =	vadd.f32 v3, v2  }
0x376: {  	v3 =	vld [tilespmem:s18+$0x380]  }
0x377: {  	v2 =	vadd.f32 v4, v2  }
0x378: {  	v4 =	vld [tilespmem:s28+$0x16400]  }
0x379: {  	v2 =	vadd.f32 v5, v2  }
0x37a: {  	v5 =	vld [tilespmem:s28+$0x16480]  }
0x37b: {  	v2 =	vadd.f32 v3, v2  }
0x37c: {  	v3 =	vld [tilespmem:s28+$0x16500]  }
0x37d: {  	v2 =	vadd.f32 v4, v2  }
0x37e: {  	v4 =	vld [tilespmem:s28+$0x16580]  }
0x37f: {  	v2 =	vadd.f32 v5, v2  }
0x380: {  	v5 =	vld [tilespmem:s28+$0x16600]  }
0x381: {  	v2 =	vadd.f32 v3, v2  }
0x382: {  	v3 =	vld [tilespmem:s28+$0x16680]  }
0x383: {  	v2 =	vadd.f32 v4, v2  }
0x384: {  	v4 =	vld [tilespmem:s28+$0x16700]  }
0x385: {  	v2 =	vadd.f32 v5, v2  }
0x386: {  	v5 =	vld [tilespmem:s28+$0x16780]  }
0x387: {  	v2 =	vadd.f32 v3, v2  }
.Ltmp3:
0x388: {  	(pc) =	sbr.rel @p0 .LBB2_8-.Ltmp3, $4  }
0x389: {  	v2 =	vadd.f32 v4, v2  }
0x38a: {  	s1 =	sadd.s32 $0x80, s1  }
0x38b: {  	s18 =	sand.u32 $0x70, s12;
	s28 =	sand.u32 $0x1C00, s1;
	v2 =	vadd.f32 v5, v2  }
0x38c: {  	s8 =	sadd.s32 $0x10, s8;
	s12 =	sadd.s32 $0x10, s12;
	s28 =	sor.u32 s18, s28  }
0x38d: {  	s1 =	sadd.s32 $0x15000, s28;
	[tilespmem:s8+$0x0] =	vst v2  }
0x38e: {  	v2 =	vld [tilespmem:s1+$0x80]  }
0x38f: {  	v3 =	vld [tilespmem:s28+$0x15000];
	_ =	sdelay $0x1  }
0x390: {  	v4 =	vld [tilespmem:s1+$0x100];
	_ =	sdelay $0x1  }
0x391: {  	v5 =	vld [tilespmem:s1+$0x180]  }
0x392: {  	v2 =	vadd.f32 v2, v3  }
0x393: {  	v3 =	vld [tilespmem:s1+$0x200]  }
0x394: {  	v2 =	vadd.f32 v4, v2  }
0x395: {  	v56 =	vld [tilespmem:s1+$0x280]  }
0x396: {  	v2 =	vadd.f32 v5, v2  }
0x397: {  	v57 =	vld [tilespmem:s1+$0x300]  }
0x398: {  	v2 =	vadd.f32 v3, v2  }
0x399: {  	v3 =	vld [tilespmem:s1+$0x380]  }
0x39a: {  	v2 =	vadd.f32 v56, v2  }
0x39b: {  	v58 =	vld [tilespmem:s28+$0x16400]  }
0x39c: {  	v2 =	vadd.f32 v57, v2  }
0x39d: {  	v59 =	vld [tilespmem:s28+$0x16480]  }
0x39e: {  	v2 =	vadd.f32 v3, v2  }
0x39f: {  	v3 =	vld [tilespmem:s28+$0x16500]  }
0x3a0: {  	v2 =	vadd.f32 v58, v2  }
0x3a1: {  	v60 =	vld [tilespmem:s28+$0x16580]  }
0x3a2: {  	v2 =	vadd.f32 v59, v2  }
0x3a3: {  	v61 =	vld [tilespmem:s28+$0x16600]  }
0x3a4: {  	v2 =	vadd.f32 v3, v2  }
0x3a5: {  	v3 =	vld [tilespmem:s28+$0x16680]  }
0x3a6: {  	v2 =	vadd.f32 v60, v2  }
0x3a7: {  	v62 =	vld [tilespmem:s28+$0x16700]  }
0x3a8: {  	v2 =	vadd.f32 v61, v2  }
0x3a9: {  	v63 =	vld [tilespmem:s28+$0x16780]  }
0x3aa: {  	v2 =	vadd.f32 v3, v2;
	_ =	sdelay $0x1  }
0x3ab: {  	v2 =	vadd.f32 v62, v2;
	_ =	sdelay $0x1  }
0x3ac: {  	s18 =	sld [smem:$0x7FA];
	v2 =	vadd.f32 v63, v2  }
0x3ad: {  	s12 =	sadd.s32 $0x10, s8  }
0x3ae: {  	s28 =	simm.s32 $0x17800;
	[tilespmem:s12+$0x0] =	vst v2  }
0x3af: {  	[hbm4b:s18+s30] =	stream.strided.scatter [tilespmem:s28], [sflag:$0x1], $0x280, s0, s30, $0x38;
	[tilespmem:$0x1CD00] =	vst v63  }
0x3b0: {  	_ =	swait.ge [sflag:s29], $0x280  }
0x3b1: {  	s12 =	sld [smem:$0x7FB]  }
0x3b2: {  	[sflag:s29] =	ssyncset.done $0x0  }
0x3b3: {  	s18 =	simm.s32 $0x17A80;
	[sflag:s29] =	ssyncadd.s32 $0xFFFFFD80  }
0x3b4: {  	[hbm4b:s12+s30] =	stream.strided.scatter [tilespmem:s18], [sflag:$0x1], $0x280, s0, s30, $0x38;
	[tilespmem:$0x1CD00] =	vst v63  }
0x3b5: {  	_ =	swait.ge [sflag:s29], $0x280  }
0x3b6: {  	s28 =	sld [smem:$0x772];
	_ =	sdelay $0x1  }
0x3b7: {  	s7 =	sadd.s32 $0x1, s7  }
0x3b8: {  	p0 =	sne.s32 s7, s28  }
.Ltmp4:
0x3b9: {  	_ = 	snop;
	(pc) =	sbr.rel @p0 .LBB2_1-.Ltmp4, $3  }
0x3ba: {  	_ =	sdelay $0x1  }
0x3bb: {  	[sflag:s29] =	ssyncset.done $0x0  }
0x3bc: {  	[sflag:s29] =	ssyncadd.s32 $0xFFFFFD80  }
0x3bd: {  	_ =	sfence.sel $0x180000  }
0x3be: {  	[bflag:$0x0] =	sbarrier.arrive $0xFFFF  }
0x3bf: {  	_ =	strace $0x90000047  }
0x3c0: {  	s0 =	stileid.u32;
	[bflag:$0x2] =	sbarrier.arrive $0xFFFF  }
0x3c1: {  	p0 =	sne.s32 s0, $0x0;
	s0 =	rddreg [dreg:$0x4]  }
0x3c2: {  	s0 =	sadd.s32 @!p0 $0x100000, s0  }
0x3c3: {  	[sflag:s0] =	ssyncadd.tile.s32 @!p0 $0x1;
	_ =	shalt  }
.Lfunc_end2:
_tile_overlayer_lowered:
.L_overlay_start_2:
0x3c4: {  	(tag) =	ssettag $0x2  }
0x3c5: {  	s0 =	rddreg [dreg:$0x0];
	s2 =	stileid.u32  }
0x3c6: {  	s1 =	rddreg [dreg:$0x1];
	p0 =	sne.s32 s2, $0x0  }
0x3c7: {  	s3 =	rddreg [dreg:$0x2];
	[bflag:$0x3] =	sbarrier.arrive $0xFFFF;
	s2 =	simm.s32 @!p0 $0x1C01  }
0x3c8: {  	[timem:s3], [sflag:s2] =	dma.local @!p0 [hbm:s0], s1  }
0x3c9: {  	s0 =	simm.s32 @!p0 $0x1  }
0x3ca: {  	_ =	swait.ge @!p0 [sflag:s0], s1  }
0x3cb: {  	s1 =	ssub.s32 @!p0 $0x0, s1;
	[sflag:s0] =	ssyncset.done @!p0 $0x0  }
0x3cc: {  	[sflag:s0] =	ssyncadd.s32 @!p0 s1  }
0x3cd: {  	[bflag:$0x3] =	sbarrier.arrive $0xFFFF  }
0x3ce: {  	_ =	shalt  }

</sc_bundles>
